<compile_context>
chip_gen: v7x
topology: tpu7x:2x2x1
jax: 0.10.2.dev20260603
libtpu: 0.0.44.dev20260713+nightly
codegen_flags: <defaults>
</compile_context>

<pallas_src>
import functools

import jax
import jax.numpy as jnp
from jax import lax
from jax.experimental import pallas as pl
from jax.experimental.pallas import tpu as pltpu
from jax.experimental.pallas import tpu_sc as plsc

N = 10000
E = 160000
D = 128
L = 16
NC = 2
NS = 16
C = 128
E_PAD = 163840
PH = 2
NSUB = E_PAD // (NS * C)
NSUB_PH = NSUB // PH
NCR = 5000
DUMMY = NCR
NCP = 5120
RPT = NCP // NS
WB = 80


def _seg_sum_body(table_hbm, src_hbm, dst_hbm, out_hbm, deg_hbm,
                  src_v, dst_v, rows_v, rows_w, ones_v, dstg_v,
                  acc_sh, deg_sh, gsem, dsem):
    cid = lax.axis_index("c")
    sid = lax.axis_index("s")

    def _zrow(i, carry):
        for k in range(D // L):
            rows_v[i, pl.ds(k * L, L)] = jnp.zeros((L,), jnp.float32)
        return carry
    lax.fori_loop(0, C, _zrow, 0)

    def _zsmall(i, carry):
        dstg_v[pl.ds(i * L, L)] = jnp.zeros((L,), jnp.float32)
        ones_v[pl.ds(i * L, L)] = jnp.ones((L,), jnp.float32)
        return carry
    lax.fori_loop(0, RPT // L, _zsmall, 0)

    def _zcopy(t, carry):
        r = sid * RPT + t * WB
        pltpu.sync_copy(rows_v.at[pl.ds(0, WB)], acc_sh.at[pl.ds(r, WB)])
        return carry
    lax.fori_loop(0, RPT // WB, _zcopy, 0)
    pltpu.sync_copy(dstg_v, deg_sh.at[pl.ds(sid * RPT, RPT)])

    plsc.subcore_barrier()

    base = (cid * NCR).astype(jnp.int32)
    for phase in range(PH):
        row0 = sid * NSUB + phase * NSUB_PH
        pltpu.sync_copy(src_hbm.at[pl.ds(row0, NSUB_PH)], src_v)
        pltpu.sync_copy(dst_hbm.at[pl.ds(row0, NSUB_PH)], dst_v)

        lane = lax.iota(jnp.int32, L)

        def _adj(j, carry):
            for k in range(C // L):
                d = dst_v[j, pl.ds(k * L, L)] - base
                ok = (d >= 0) & (d < NCR)
                dummy = DUMMY + ((lane + (sid + k) * L) % (NCP - NCR))
                dst_v[j, pl.ds(k * L, L)] = jnp.where(ok, d, dummy)
            return carry
        lax.fori_loop(0, NSUB_PH, _adj, 0)

        pltpu.async_copy(table_hbm.at[src_v.at[0]], rows_v, gsem)

        def _pair(p, carry):
            j0 = p * 2
            j1 = j0 + 1
            pltpu.async_copy(table_hbm.at[src_v.at[j1]], rows_w, gsem)
            pltpu.make_async_copy(table_hbm.at[src_v.at[j0]],
                                  rows_v, gsem).wait()
            pltpu.sync_copy(rows_v, acc_sh.at[dst_v.at[j0]], add=True)
            pltpu.async_copy(ones_v.at[pl.ds(0, C)],
                             deg_sh.at[dst_v.at[j0]], dsem, add=True)
            j2 = jnp.minimum(j0 + 2, NSUB_PH - 1)
            pltpu.async_copy(table_hbm.at[src_v.at[j2]], rows_v, gsem)
            pltpu.make_async_copy(table_hbm.at[src_v.at[j1]],
                                  rows_w, gsem).wait()
            pltpu.sync_copy(rows_w, acc_sh.at[dst_v.at[j1]], add=True)
            pltpu.async_copy(ones_v.at[pl.ds(0, C)],
                             deg_sh.at[dst_v.at[j1]], dsem, add=True)
            return carry
        lax.fori_loop(0, NSUB_PH // 2, _pair, 0)

        pltpu.make_async_copy(table_hbm.at[src_v.at[0]], rows_v,
                              gsem).wait()

        def _drain(t, carry):
            pltpu.make_async_copy(ones_v.at[pl.ds(0, C)],
                                  deg_sh.at[pl.ds(0, C)], dsem).wait()
            return carry
        lax.fori_loop(0, NSUB_PH, _drain, 0)

    plsc.subcore_barrier()

    r0 = sid * RPT
    pltpu.sync_copy(acc_sh.at[pl.ds(r0, RPT)],
                    out_hbm.at[pl.ds(cid * NCP + r0, RPT)])
    pltpu.sync_copy(deg_sh.at[pl.ds(sid * RPT, RPT)], dstg_v)
    pltpu.sync_copy(dstg_v, deg_hbm.at[pl.ds(cid * NCP + sid * RPT, RPT)])


_seg_sum = functools.partial(
    pl.kernel,
    out_type=(jax.ShapeDtypeStruct((NC * NCP, D), jnp.float32),
              jax.ShapeDtypeStruct((NC * NCP,), jnp.float32)),
    mesh=plsc.VectorSubcoreMesh(core_axis_name="c", subcore_axis_name="s"),
    scratch_types=[
        pltpu.VMEM((NSUB_PH, C), jnp.int32),
        pltpu.VMEM((NSUB_PH, C), jnp.int32),
        pltpu.VMEM((C, D), jnp.float32),
        pltpu.VMEM((C, D), jnp.float32),
        pltpu.VMEM((RPT,), jnp.float32),
        pltpu.VMEM((RPT,), jnp.float32),
        pltpu.VMEM_SHARED((NCP, D), jnp.float32),
        pltpu.VMEM_SHARED((NCP,), jnp.float32),
        pltpu.SemaphoreType.DMA,
        pltpu.SemaphoreType.DMA,
    ],
)(_seg_sum_body)


def _pad_edges(edge):
    src = edge[0].astype(jnp.int32)
    dst = edge[1].astype(jnp.int32)
    pad = E_PAD - E
    src = jnp.concatenate([src, jnp.zeros((pad,), jnp.int32)])
    dst = jnp.concatenate([dst, jnp.full((pad,), N, jnp.int32)])
    return src.reshape(NS * NSUB, C), dst.reshape(NS * NSUB, C)


def _mean_linear_lrelu(acc_ref, deg_ref, w_ref, b_ref, o_ref):
    a = acc_ref[0]
    d = deg_ref[0]
    mean = a / jnp.maximum(d, 1.0)
    z = jnp.dot(mean, w_ref[...], preferred_element_type=jnp.float32)
    z = z + b_ref[...]
    z = jnp.where(z >= 0.0, z, 0.01 * z)
    z = jnp.where(d > 0.0, z, 0.0)
    o_ref[...] = z[:NCR]


def _mean_linear_softmax(acc_ref, deg_ref, w1_ref, b1_ref, wo_ref, bo_ref,
                         o_ref):
    a = acc_ref[0]
    d = deg_ref[0]
    mean = a / jnp.maximum(d, 1.0)
    h = jnp.dot(mean, w1_ref[...], preferred_element_type=jnp.float32)
    h = jnp.where(d > 0.0, h + b1_ref[...], 0.0)
    logits = jnp.dot(h, wo_ref[...], preferred_element_type=jnp.float32)
    logits = logits + bo_ref[...]
    m = jnp.max(logits, axis=-1, keepdims=True)
    e = jnp.exp(logits - m)
    o_ref[...] = (e / jnp.sum(e, axis=-1, keepdims=True))[:NCR]


@jax.jit
def kernel(feat_target, feat_user, edge_interacts, edge_purchases,
           W0_i, b0_i, W0_p, b0_p, W1_i, b1_i, W1_p, b1_p, W_out, b_out):
    src_p, dst_p = _pad_edges(edge_purchases)
    src_i, dst_i = _pad_edges(edge_interacts)

    acc_p, deg_p = _seg_sum(feat_target, src_p, dst_p)
    h_u = pl.pallas_call(
        _mean_linear_lrelu,
        grid=(NC,),
        in_specs=[
            pl.BlockSpec((1, NCP, D), lambda c: (c, 0, 0)),
            pl.BlockSpec((1, NCP, 1), lambda c: (c, 0, 0)),
            pl.BlockSpec((D, D), lambda c: (0, 0)),
            pl.BlockSpec((1, D), lambda c: (0, 0)),
        ],
        out_specs=pl.BlockSpec((NCR, D), lambda c: (c, 0)),
        out_shape=jax.ShapeDtypeStruct((NC * NCR, D), jnp.float32),
    )(acc_p.reshape(NC, NCP, D), deg_p.reshape(NC, NCP, 1),
      W0_p, b0_p.reshape(1, D))

    acc_i, deg_i = _seg_sum(h_u, src_i, dst_i)
    out = pl.pallas_call(
        _mean_linear_softmax,
        grid=(NC,),
        in_specs=[
            pl.BlockSpec((1, NCP, D), lambda c: (c, 0, 0)),
            pl.BlockSpec((1, NCP, 1), lambda c: (c, 0, 0)),
            pl.BlockSpec((D, D), lambda c: (0, 0)),
            pl.BlockSpec((1, D), lambda c: (0, 0)),
            pl.BlockSpec((D, 2), lambda c: (0, 0)),
            pl.BlockSpec((1, 2), lambda c: (0, 0)),
        ],
        out_specs=pl.BlockSpec((NCR, 2), lambda c: (c, 0)),
        out_shape=jax.ShapeDtypeStruct((NC * NCR, 2), jnp.float32),
    )(acc_i.reshape(NC, NCP, D), deg_i.reshape(NC, NCP, 1),
      W1_i, b1_i.reshape(1, D), W_out, b_out.reshape(1, 2))

    return out[:N]

# --- scband reference (transcript-rebuilt; emitter-appended) ---
"""Pipeline reference for scband-hetero-rgcn-28432683499963 (READ-ONLY COPY).

The authoritative reference and input builder live on the scoring server;
editing this copy changes nothing except your own understanding.
"""

import jax, jax.numpy as jnp
import numpy as np

N_T = 10000
N_U = 10000
E = 160000
D_IN = 128
D_H = 128
D_OUT = 2


def _xavier(key, shape):
    fan_in, fan_out = shape[0], shape[1]
    limit = np.sqrt(6.0 / (fan_in + fan_out))
    return jax.random.uniform(key, shape, jnp.float32, -limit, limit)


def setup_inputs(seed: int = 0) -> dict:
    key = jax.random.key(seed)
    ks = jax.random.split(key, 20)
    inp = {}
    inp['feat_target'] = jax.random.normal(ks[0], (N_T, D_IN), jnp.float32)
    inp['feat_user'] = jax.random.normal(ks[1], (N_U, D_IN), jnp.float32)
    # canonical etypes: ('user','interacts','target'), ('target','purchases','user')
    src_i = jax.random.randint(ks[2], (E,), 0, N_U)
    dst_i = jax.random.randint(ks[3], (E,), 0, N_T)
    inp['edge_interacts'] = jnp.stack([src_i, dst_i]).astype(jnp.int64)
    src_p = jax.random.randint(ks[4], (E,), 0, N_T)
    dst_p = jax.random.randint(ks[5], (E,), 0, N_U)
    inp['edge_purchases'] = jnp.stack([src_p, dst_p]).astype(jnp.int64)
    # layer 0 weights (one Linear per etype)
    inp['W0_i'] = _xavier(ks[6], (D_IN, D_H)); inp['b0_i'] = jnp.zeros((D_H,), jnp.float32)
    inp['W0_p'] = _xavier(ks[7], (D_IN, D_H)); inp['b0_p'] = jnp.zeros((D_H,), jnp.float32)
    # layer 1 weights
    inp['W1_i'] = _xavier(ks[8], (D_H, D_H)); inp['b1_i'] = jnp.zeros((D_H,), jnp.float32)
    inp['W1_p'] = _xavier(ks[9], (D_H, D_H)); inp['b1_p'] = jnp.zeros((D_H,), jnp.float32)
    # final classifier
    inp['W_out'] = _xavier(ks[10], (D_H, D_OUT)); inp['b_out'] = jnp.zeros((D_OUT,), jnp.float32)
    return inp


def _mean_agg(Wh, src, dst, n_dst):
    # copy_u then mean over incoming edges per destination node
    m = jnp.take(Wh, src, axis=0)
    s = jax.ops.segment_sum(m, dst, num_segments=n_dst)
    deg = jax.ops.segment_sum(jnp.ones((m.shape[0],), Wh.dtype), dst, num_segments=n_dst)
    return s / jnp.clip(deg, 1.0)[:, None]


def _hetero_layer(feat_t, feat_u, Wi, bi, Wp, bp, edge_i, edge_p):
    # etype 'interacts': user -> target
    Wh_u = feat_u @ Wi + bi
    h_t = _mean_agg(Wh_u, edge_i[0], edge_i[1], N_T)
    # etype 'purchases': target -> user
    Wh_t = feat_t @ Wp + bp
    h_u = _mean_agg(Wh_t, edge_p[0], edge_p[1], N_U)
    # cross-etype reducer 'sum' (single etype per dst ntype here)
    return h_t, h_u


def reference(feat_target, feat_user, edge_interacts, edge_purchases,
              W0_i, b0_i, W0_p, b0_p, W1_i, b1_i, W1_p, b1_p, W_out, b_out):
    h_t, h_u = _hetero_layer(feat_target, feat_user, W0_i, b0_i, W0_p, b0_p,
                             edge_interacts, edge_purchases)
    h_t = jax.nn.leaky_relu(h_t, negative_slope=0.01)
    h_u = jax.nn.leaky_relu(h_u, negative_slope=0.01)
    h_t, h_u = _hetero_layer(h_t, h_u, W1_i, b1_i, W1_p, b1_p,
                             edge_interacts, edge_purchases)
    bin_logits = h_t @ W_out + b_out
    return jax.nn.softmax(bin_logits, axis=-1)

if __name__ == "__main__":
    import jax
    _d = setup_inputs()
    print(jax.jit(kernel)(*tuple(_d.values())))

</pallas_src>

<mosaic_0001>
#map = affine_map<(d0, d1) -> (0, 0)>
#map1 = affine_map<(d0, d1) -> (0)>
module attributes {stable_mosaic.version = 14 : i64} {
  func.func @_seg_sum_body(%arg0: i32, %arg1: i32, %arg2: memref<10000x128xf32, #tpu.memory_space<hbm>>, %arg3: memref<1280x128xi32, #tpu.memory_space<hbm>>, %arg4: memref<1280x128xi32, #tpu.memory_space<hbm>>, %arg5: memref<10240x128xf32, #tpu.memory_space<hbm>>, %arg6: memref<10240xf32, #tpu.memory_space<hbm>>, %arg7: memref<40x128xi32, #tpu.memory_space<vmem>>, %arg8: memref<40x128xi32, #tpu.memory_space<vmem>>, %arg9: memref<128x128xf32, #tpu.memory_space<vmem>>, %arg10: memref<128x128xf32, #tpu.memory_space<vmem>>, %arg11: memref<320xf32, #tpu.memory_space<vmem>>, %arg12: memref<320xf32, #tpu.memory_space<vmem>>, %arg13: memref<5120x128xf32, #tpu.memory_space<vmem_shared>>, %arg14: memref<5120xf32, #tpu.memory_space<vmem_shared>>, %arg15: memref<!tpu.dma_semaphore, #tpu.memory_space<semaphore_mem>>, %arg16: memref<!tpu.dma_semaphore, #tpu.memory_space<semaphore_mem>>) attributes {dimension_semantics = [#tpu.dimension_semantics<core_parallel>, #tpu.dimension_semantics<subcore_parallel>], iteration_bounds = array<i64: 2, 16>, scalar_prefetch = 0 : i64, scratch_operands = 10 : i64, tpu.core_type = #tpu.core_type<sc_vector_subcore>, window_params = [{transform_indices = #map}, {transform_indices = #map}, {transform_indices = #map}, {transform_indices = #map}, {transform_indices = #map1}]} {
    %scan3A = arith.constant 0 : i32
    %scan3A_0 = arith.constant 0 : i32
    %scan3A_1 = arith.constant 128 : i32
    %scan3A_2 = arith.addi %scan3A_0, %scan3A_1 : i32
    %scan3A_3 = arith.constant 1 : i32
    scf.for %scan3A_103 = %scan3A_0 to %scan3A_2 step %scan3A_3  : i32 {
      %broadcast_in_dim3A = arith.constant 0.000000e+00 : f32
      %broadcast_in_dim3A_104 = vector.broadcast %broadcast_in_dim3A : f32 to vector<16xf32>
      %swap3A = arith.index_cast %scan3A_103 : i32 to index
      %swap3A_105 = arith.constant 0 : index
      %swap3A_106 = tpu.vector_load %arg9[%swap3A, %swap3A_105] {strides = array<i32>} : memref<128x128xf32, #tpu.memory_space<vmem>>, vector<1x16xf32>,
      %swap3A_107 = vector.shape_cast %swap3A_106 : vector<1x16xf32> to vector<16xf32>
      %swap3A_108 = vector.shape_cast %broadcast_in_dim3A_104 : vector<16xf32> to vector<1x16xf32>
      tpu.vector_store %arg9[%swap3A, %swap3A_105], %swap3A_108 {strides = array<i32>} : memref<128x128xf32, #tpu.memory_space<vmem>>, vector<1x16xf32>,
      %broadcast_in_dim3A_109 = arith.constant 0.000000e+00 : f32
      %broadcast_in_dim3A_110 = vector.broadcast %broadcast_in_dim3A_109 : f32 to vector<16xf32>
      %swap3A_111 = arith.index_cast %scan3A_103 : i32 to index
      %swap3A_112 = arith.constant 16 : index
      %swap3A_113 = tpu.vector_load %arg9[%swap3A_111, %swap3A_112] {strides = array<i32>} : memref<128x128xf32, #tpu.memory_space<vmem>>, vector<1x16xf32>,
      %swap3A_114 = vector.shape_cast %swap3A_113 : vector<1x16xf32> to vector<16xf32>
      %swap3A_115 = vector.shape_cast %broadcast_in_dim3A_110 : vector<16xf32> to vector<1x16xf32>
      tpu.vector_store %arg9[%swap3A_111, %swap3A_112], %swap3A_115 {strides = array<i32>} : memref<128x128xf32, #tpu.memory_space<vmem>>, vector<1x16xf32>,
      %broadcast_in_dim3A_116 = arith.constant 0.000000e+00 : f32
      %broadcast_in_dim3A_117 = vector.broadcast %broadcast_in_dim3A_116 : f32 to vector<16xf32>
      %swap3A_118 = arith.index_cast %scan3A_103 : i32 to index
      %swap3A_119 = arith.constant 32 : index
      %swap3A_120 = tpu.vector_load %arg9[%swap3A_118, %swap3A_119] {strides = array<i32>} : memref<128x128xf32, #tpu.memory_space<vmem>>, vector<1x16xf32>,
      %swap3A_121 = vector.shape_cast %swap3A_120 : vector<1x16xf32> to vector<16xf32>
      %swap3A_122 = vector.shape_cast %broadcast_in_dim3A_117 : vector<16xf32> to vector<1x16xf32>
      tpu.vector_store %arg9[%swap3A_118, %swap3A_119], %swap3A_122 {strides = array<i32>} : memref<128x128xf32, #tpu.memory_space<vmem>>, vector<1x16xf32>,
      %broadcast_in_dim3A_123 = arith.constant 0.000000e+00 : f32
      %broadcast_in_dim3A_124 = vector.broadcast %broadcast_in_dim3A_123 : f32 to vector<16xf32>
      %swap3A_125 = arith.index_cast %scan3A_103 : i32 to index
      %swap3A_126 = arith.constant 48 : index
      %swap3A_127 = tpu.vector_load %arg9[%swap3A_125, %swap3A_126] {strides = array<i32>} : memref<128x128xf32, #tpu.memory_space<vmem>>, vector<1x16xf32>,
      %swap3A_128 = vector.shape_cast %swap3A_127 : vector<1x16xf32> to vector<16xf32>
      %swap3A_129 = vector.shape_cast %broadcast_in_dim3A_124 : vector<16xf32> to vector<1x16xf32>
      tpu.vector_store %arg9[%swap3A_125, %swap3A_126], %swap3A_129 {strides = array<i32>} : memref<128x128xf32, #tpu.memory_space<vmem>>, vector<1x16xf32>,
      %broadcast_in_dim3A_130 = arith.constant 0.000000e+00 : f32
      %broadcast_in_dim3A_131 = vector.broadcast %broadcast_in_dim3A_130 : f32 to vector<16xf32>
      %swap3A_132 = arith.index_cast %scan3A_103 : i32 to index
      %swap3A_133 = arith.constant 64 : index
      %swap3A_134 = tpu.vector_load %arg9[%swap3A_132, %swap3A_133] {strides = array<i32>} : memref<128x128xf32, #tpu.memory_space<vmem>>, vector<1x16xf32>,
      %swap3A_135 = vector.shape_cast %swap3A_134 : vector<1x16xf32> to vector<16xf32>
      %swap3A_136 = vector.shape_cast %broadcast_in_dim3A_131 : vector<16xf32> to vector<1x16xf32>
      tpu.vector_store %arg9[%swap3A_132, %swap3A_133], %swap3A_136 {strides = array<i32>} : memref<128x128xf32, #tpu.memory_space<vmem>>, vector<1x16xf32>,
      %broadcast_in_dim3A_137 = arith.constant 0.000000e+00 : f32
      %broadcast_in_dim3A_138 = vector.broadcast %broadcast_in_dim3A_137 : f32 to vector<16xf32>
      %swap3A_139 = arith.index_cast %scan3A_103 : i32 to index
      %swap3A_140 = arith.constant 80 : index
      %swap3A_141 = tpu.vector_load %arg9[%swap3A_139, %swap3A_140] {strides = array<i32>} : memref<128x128xf32, #tpu.memory_space<vmem>>, vector<1x16xf32>,
      %swap3A_142 = vector.shape_cast %swap3A_141 : vector<1x16xf32> to vector<16xf32>
      %swap3A_143 = vector.shape_cast %broadcast_in_dim3A_138 : vector<16xf32> to vector<1x16xf32>
      tpu.vector_store %arg9[%swap3A_139, %swap3A_140], %swap3A_143 {strides = array<i32>} : memref<128x128xf32, #tpu.memory_space<vmem>>, vector<1x16xf32>,
      %broadcast_in_dim3A_144 = arith.constant 0.000000e+00 : f32
      %broadcast_in_dim3A_145 = vector.broadcast %broadcast_in_dim3A_144 : f32 to vector<16xf32>
      %swap3A_146 = arith.index_cast %scan3A_103 : i32 to index
      %swap3A_147 = arith.constant 96 : index
      %swap3A_148 = tpu.vector_load %arg9[%swap3A_146, %swap3A_147] {strides = array<i32>} : memref<128x128xf32, #tpu.memory_space<vmem>>, vector<1x16xf32>,
      %swap3A_149 = vector.shape_cast %swap3A_148 : vector<1x16xf32> to vector<16xf32>
      %swap3A_150 = vector.shape_cast %broadcast_in_dim3A_145 : vector<16xf32> to vector<1x16xf32>
      tpu.vector_store %arg9[%swap3A_146, %swap3A_147], %swap3A_150 {strides = array<i32>} : memref<128x128xf32, #tpu.memory_space<vmem>>, vector<1x16xf32>,
      %broadcast_in_dim3A_151 = arith.constant 0.000000e+00 : f32
      %broadcast_in_dim3A_152 = vector.broadcast %broadcast_in_dim3A_151 : f32 to vector<16xf32>
      %swap3A_153 = arith.index_cast %scan3A_103 : i32 to index
      %swap3A_154 = arith.constant 112 : index
      %swap3A_155 = tpu.vector_load %arg9[%swap3A_153, %swap3A_154] {strides = array<i32>} : memref<128x128xf32, #tpu.memory_space<vmem>>, vector<1x16xf32>,
      %swap3A_156 = vector.shape_cast %swap3A_155 : vector<1x16xf32> to vector<16xf32>
      %swap3A_157 = vector.shape_cast %broadcast_in_dim3A_152 : vector<16xf32> to vector<1x16xf32>
      tpu.vector_store %arg9[%swap3A_153, %swap3A_154], %swap3A_157 {strides = array<i32>} : memref<128x128xf32, #tpu.memory_space<vmem>>, vector<1x16xf32>,
    }
    %scan3A_4 = arith.constant 128 : i32
    %scan3A_5 = arith.constant 0 : i32
    %scan3A_6 = arith.constant 0 : i32
    %scan3A_7 = arith.constant 20 : i32
    %scan3A_8 = arith.addi %scan3A_6, %scan3A_7 : i32
    %scan3A_9 = arith.constant 1 : i32
    scf.for %scan3A_103 = %scan3A_6 to %scan3A_8 step %scan3A_9  : i32 {
      %broadcast_in_dim3A = arith.constant 0.000000e+00 : f32
      %broadcast_in_dim3A_104 = vector.broadcast %broadcast_in_dim3A : f32 to vector<16xf32>
      %mul3A_105 = arith.constant 16 : i32
      %mul3A_106 = arith.muli %scan3A_103, %mul3A_105 : i32
      %swap3A = arith.index_cast %mul3A_106 : i32 to index
      %swap3A_107 = tpu.vector_load %arg12[%swap3A] {strides = array<i32>} : memref<320xf32, #tpu.memory_space<vmem>>, vector<16xf32>,
      %swap3A_108 = vector.shape_cast %swap3A_107 : vector<16xf32> to vector<16xf32>
      %swap3A_109 = vector.shape_cast %broadcast_in_dim3A_104 : vector<16xf32> to vector<16xf32>
      tpu.vector_store %arg12[%swap3A], %swap3A_109 {strides = array<i32>} : memref<320xf32, #tpu.memory_space<vmem>>, vector<16xf32>,
      %broadcast_in_dim3A_110 = arith.constant 1.000000e+00 : f32
      %broadcast_in_dim3A_111 = vector.broadcast %broadcast_in_dim3A_110 : f32 to vector<16xf32>
      %mul3A_112 = arith.constant 16 : i32
      %mul3A_113 = arith.muli %scan3A_103, %mul3A_112 : i32
      %swap3A_114 = arith.index_cast %mul3A_113 : i32 to index
      %swap3A_115 = tpu.vector_load %arg11[%swap3A_114] {strides = array<i32>} : memref<320xf32, #tpu.memory_space<vmem>>, vector<16xf32>,
      %swap3A_116 = vector.shape_cast %swap3A_115 : vector<16xf32> to vector<16xf32>
      %swap3A_117 = vector.shape_cast %broadcast_in_dim3A_111 : vector<16xf32> to vector<16xf32>
      tpu.vector_store %arg11[%swap3A_114], %swap3A_117 {strides = array<i32>} : memref<320xf32, #tpu.memory_space<vmem>>, vector<16xf32>,
    }
    %scan3A_10 = arith.constant 20 : i32
    %scan3A_11 = arith.constant 0 : i32
    %scan3A_12 = arith.constant 0 : i32
    %scan3A_13 = arith.constant 4 : i32
    %scan3A_14 = arith.addi %scan3A_12, %scan3A_13 : i32
    %scan3A_15 = arith.constant 1 : i32
    scf.for %scan3A_103 = %scan3A_12 to %scan3A_14 step %scan3A_15  : i32 {
      %mul3A_104 = arith.constant 320 : i32
      %mul3A_105 = arith.muli %arg1, %mul3A_104 : i32
      %mul3A_106 = arith.constant 80 : i32
      %mul3A_107 = arith.muli %scan3A_103, %mul3A_106 : i32
      %add3A_108 = arith.addi %mul3A_105, %mul3A_107 : i32
      "tpu.region"() ({
        %run_scoped3A = tpu.sem_alloc : memref<!tpu.dma_semaphore, #tpu.memory_space<semaphore_mem>>
        %dma_start3A_109 = arith.constant 0 : i32
        %dma_start3A_110 = arith.constant 0 : i32
        %dma_start3A_111 = tpu.memref_slice %arg9[%dma_start3A_109, %dma_start3A_110] : memref<128x128xf32, #tpu.memory_space<vmem>> -> memref<80x128xf32, #tpu.memory_space<vmem>>
        %dma_start3A_112 = arith.constant 0 : i32
        %dma_start3A_113 = tpu.memref_slice %arg13[%add3A_108, %dma_start3A_112] : memref<5120x128xf32, #tpu.memory_space<vmem_shared>> -> memref<80x128xf32, #tpu.memory_space<vmem_shared>>
        %dma_start3A_114 = arith.constant 0 : i32
        %dma_start3A_115 = tpu.memref_slice %arg13[%add3A_108, %dma_start3A_114] : memref<5120x128xf32, #tpu.memory_space<vmem_shared>> -> memref<80x128xf32, #tpu.memory_space<vmem_shared>>
        %dma_start3A_116 = arith.constant 0 : i32
        %dma_start3A_117 = arith.constant 0 : i32
        %dma_start3A_118 = tpu.memref_slice %arg9[%dma_start3A_116, %dma_start3A_117] : memref<128x128xf32, #tpu.memory_space<vmem>> -> memref<80x128xf32, #tpu.memory_space<vmem>>
        tpu.enqueue_dma source(%dma_start3A_118 : memref<80x128xf32, #tpu.memory_space<vmem>>) target(%dma_start3A_115 : memref<80x128xf32, #tpu.memory_space<vmem_shared>>) target_semaphore(%run_scoped3A : memref<!tpu.dma_semaphore, #tpu.memory_space<semaphore_mem>>)
        %dma_wait3A_119 = arith.constant 0 : i32
        %dma_wait3A_120 = arith.constant 0 : i32
        %dma_wait3A_121 = tpu.memref_slice %arg9[%dma_wait3A_119, %dma_wait3A_120] : memref<128x128xf32, #tpu.memory_space<vmem>> -> memref<80x128xf32, #tpu.memory_space<vmem>>
        %dma_wait3A_122 = arith.constant 0 : i32
        %dma_wait3A_123 = tpu.memref_slice %arg13[%add3A_108, %dma_wait3A_122] : memref<5120x128xf32, #tpu.memory_space<vmem_shared>> -> memref<80x128xf32, #tpu.memory_space<vmem_shared>>
        %dma_wait3A_124 = arith.constant 0 : i32
        %dma_wait3A_125 = tpu.memref_slice %arg13[%add3A_108, %dma_wait3A_124] : memref<5120x128xf32, #tpu.memory_space<vmem_shared>> -> memref<80x128xf32, #tpu.memory_space<vmem_shared>>
        %dma_wait3A_126 = arith.constant 0 : i32
        %dma_wait3A_127 = arith.constant 0 : i32
        %dma_wait3A_128 = tpu.memref_slice %arg9[%dma_wait3A_126, %dma_wait3A_127] : memref<128x128xf32, #tpu.memory_space<vmem>> -> memref<80x128xf32, #tpu.memory_space<vmem>>
        tpu.wait_dma2 semaphore(%run_scoped3A : memref<!tpu.dma_semaphore, #tpu.memory_space<semaphore_mem>>) src(%dma_wait3A_128 : memref<80x128xf32, #tpu.memory_space<vmem>>) dst(%dma_wait3A_125 : memref<80x128xf32, #tpu.memory_space<vmem_shared>>)
        tpu.yield
      }) : () -> ()
    }
    %scan3A_16 = arith.constant 4 : i32
    %mul3A = arith.constant 320 : i32
    %mul3A_17 = arith.muli %arg1, %mul3A : i32
    "tpu.region"() ({
      %run_scoped3A = tpu.sem_alloc : memref<!tpu.dma_semaphore, #tpu.memory_space<semaphore_mem>>
      %dma_start3A_103 = tpu.memref_slice %arg14[%mul3A_17] : memref<5120xf32, #tpu.memory_space<vmem_shared>> -> memref<320xf32, #tpu.memory_space<vmem_shared>>
      %dma_start3A_104 = tpu.memref_slice %arg14[%mul3A_17] : memref<5120xf32, #tpu.memory_space<vmem_shared>> -> memref<320xf32, #tpu.memory_space<vmem_shared>>
      tpu.enqueue_dma source(%arg12 : memref<320xf32, #tpu.memory_space<vmem>>) target(%dma_start3A_104 : memref<320xf32, #tpu.memory_space<vmem_shared>>) target_semaphore(%run_scoped3A : memref<!tpu.dma_semaphore, #tpu.memory_space<semaphore_mem>>)
      %dma_wait3A_105 = tpu.memref_slice %arg14[%mul3A_17] : memref<5120xf32, #tpu.memory_space<vmem_shared>> -> memref<320xf32, #tpu.memory_space<vmem_shared>>
      %dma_wait3A_106 = tpu.memref_slice %arg14[%mul3A_17] : memref<5120xf32, #tpu.memory_space<vmem_shared>> -> memref<320xf32, #tpu.memory_space<vmem_shared>>
      tpu.wait_dma2 semaphore(%run_scoped3A : memref<!tpu.dma_semaphore, #tpu.memory_space<semaphore_mem>>) src(%arg12 : memref<320xf32, #tpu.memory_space<vmem>>) dst(%dma_wait3A_106 : memref<320xf32, #tpu.memory_space<vmem_shared>>)
      tpu.yield
    }) : () -> ()
    %barrier3A = arith.constant 0 : index
    tpu.barrier barrier_id(%barrier3A)
    %mul3A_18 = arith.constant 5000 : i32
    %mul3A_19 = arith.muli %arg0, %mul3A_18 : i32
    %mul3A_20 = arith.constant 80 : i32
    %mul3A_21 = arith.muli %arg1, %mul3A_20 : i32
    %add3A = arith.constant 0 : i32
    %add3A_22 = arith.addi %mul3A_21, %add3A : i32
    "tpu.region"() ({
      %run_scoped3A = tpu.sem_alloc : memref<!tpu.dma_semaphore, #tpu.memory_space<semaphore_mem>>
      %dma_start3A_103 = arith.constant 0 : i32
      %dma_start3A_104 = tpu.memref_slice %arg3[%add3A_22, %dma_start3A_103] : memref<1280x128xi32, #tpu.memory_space<hbm>> -> memref<40x128xi32, #tpu.memory_space<hbm>>
      %dma_start3A_105 = arith.constant 0 : i32
      %dma_start3A_106 = tpu.memref_slice %arg3[%add3A_22, %dma_start3A_105] : memref<1280x128xi32, #tpu.memory_space<hbm>> -> memref<40x128xi32, #tpu.memory_space<hbm>>
      tpu.enqueue_dma source(%dma_start3A_106 : memref<40x128xi32, #tpu.memory_space<hbm>>) target(%arg7 : memref<40x128xi32, #tpu.memory_space<vmem>>) target_semaphore(%run_scoped3A : memref<!tpu.dma_semaphore, #tpu.memory_space<semaphore_mem>>)
      %dma_wait3A_107 = arith.constant 0 : i32
      %dma_wait3A_108 = tpu.memref_slice %arg3[%add3A_22, %dma_wait3A_107] : memref<1280x128xi32, #tpu.memory_space<hbm>> -> memref<40x128xi32, #tpu.memory_space<hbm>>
      %dma_wait3A_109 = arith.constant 0 : i32
      %dma_wait3A_110 = tpu.memref_slice %arg3[%add3A_22, %dma_wait3A_109] : memref<1280x128xi32, #tpu.memory_space<hbm>> -> memref<40x128xi32, #tpu.memory_space<hbm>>
      tpu.wait_dma2 semaphore(%run_scoped3A : memref<!tpu.dma_semaphore, #tpu.memory_space<semaphore_mem>>) src(%dma_wait3A_110 : memref<40x128xi32, #tpu.memory_space<hbm>>) dst(%arg7 : memref<40x128xi32, #tpu.memory_space<vmem>>)
      tpu.yield
    }) : () -> ()
    "tpu.region"() ({
      %run_scoped3A = tpu.sem_alloc : memref<!tpu.dma_semaphore, #tpu.memory_space<semaphore_mem>>
      %dma_start3A_103 = arith.constant 0 : i32
      %dma_start3A_104 = tpu.memref_slice %arg4[%add3A_22, %dma_start3A_103] : memref<1280x128xi32, #tpu.memory_space<hbm>> -> memref<40x128xi32, #tpu.memory_space<hbm>>
      %dma_start3A_105 = arith.constant 0 : i32
      %dma_start3A_106 = tpu.memref_slice %arg4[%add3A_22, %dma_start3A_105] : memref<1280x128xi32, #tpu.memory_space<hbm>> -> memref<40x128xi32, #tpu.memory_space<hbm>>
      tpu.enqueue_dma source(%dma_start3A_106 : memref<40x128xi32, #tpu.memory_space<hbm>>) target(%arg8 : memref<40x128xi32, #tpu.memory_space<vmem>>) target_semaphore(%run_scoped3A : memref<!tpu.dma_semaphore, #tpu.memory_space<semaphore_mem>>)
      %dma_wait3A_107 = arith.constant 0 : i32
      %dma_wait3A_108 = tpu.memref_slice %arg4[%add3A_22, %dma_wait3A_107] : memref<1280x128xi32, #tpu.memory_space<hbm>> -> memref<40x128xi32, #tpu.memory_space<hbm>>
      %dma_wait3A_109 = arith.constant 0 : i32
      %dma_wait3A_110 = tpu.memref_slice %arg4[%add3A_22, %dma_wait3A_109] : memref<1280x128xi32, #tpu.memory_space<hbm>> -> memref<40x128xi32, #tpu.memory_space<hbm>>
      tpu.wait_dma2 semaphore(%run_scoped3A : memref<!tpu.dma_semaphore, #tpu.memory_space<semaphore_mem>>) src(%dma_wait3A_110 : memref<40x128xi32, #tpu.memory_space<hbm>>) dst(%arg8 : memref<40x128xi32, #tpu.memory_space<vmem>>)
      tpu.yield
    }) : () -> ()
    %iota3A = tpu.iota {dimensions = array<i32: 0>} : vector<16xi32>
    %scan3A_23 = arith.constant 0 : i32
    %scan3A_24 = arith.constant 0 : i32
    %scan3A_25 = arith.constant 40 : i32
    %scan3A_26 = arith.addi %scan3A_24, %scan3A_25 : i32
    %scan3A_27 = arith.constant 1 : i32
    scf.for %scan3A_103 = %scan3A_24 to %scan3A_26 step %scan3A_27  : i32 {
      %get3A = arith.index_cast %scan3A_103 : i32 to index
      %get3A_104 = arith.constant 0 : index
      %get3A_105 = tpu.vector_load %arg8[%get3A, %get3A_104] {strides = array<i32>} : memref<40x128xi32, #tpu.memory_space<vmem>>, vector<1x16xi32>,
      %get3A_106 = vector.shape_cast %get3A_105 : vector<1x16xi32> to vector<16xi32>
      %sub3A = vector.broadcast %mul3A_19 : i32 to vector<16xi32>
      %sub3A_107 = arith.subi %get3A_106, %sub3A : vector<16xi32>
      %ge3A = arith.constant 0 : i32
      %ge3A_108 = vector.broadcast %ge3A : i32 to vector<16xi32>
      %ge3A_109 = arith.cmpi sge, %sub3A_107, %ge3A_108 : vector<16xi32>
      %lt3A = arith.constant 5000 : i32
      %lt3A_110 = vector.broadcast %lt3A : i32 to vector<16xi32>
      %lt3A_111 = arith.cmpi slt, %sub3A_107, %lt3A_110 : vector<16xi32>
      %and3A = arith.andi %ge3A_109, %lt3A_111 : vector<16xi1>
      %add3A_112 = arith.constant 0 : i32
      %add3A_113 = arith.addi %arg1, %add3A_112 : i32
      %mul3A_114 = arith.constant 16 : i32
      %mul3A_115 = arith.muli %add3A_113, %mul3A_114 : i32
      %add3A_116 = vector.broadcast %mul3A_115 : i32 to vector<16xi32>
      %add3A_117 = arith.addi %iota3A, %add3A_116 : vector<16xi32>
      %jit3A = arith.constant 120 : i32
      %eq3A = arith.constant 0 : i32
      %eq3A_118 = arith.cmpi eq, %jit3A, %eq3A : i32
      %jit3A_119 = arith.constant 1 : i32
      %select_n3A = arith.select %eq3A_118, %jit3A_119, %jit3A : i32
      %rem3A = vector.broadcast %select_n3A : i32 to vector<16xi32>
      %rem3A_120 = arith.remsi %add3A_117, %rem3A : vector<16xi32>
      %ne3A = arith.constant 0 : i32
      %ne3A_121 = vector.broadcast %ne3A : i32 to vector<16xi32>
      %ne3A_122 = arith.cmpi ne, %rem3A_120, %ne3A_121 : vector<16xi32>
      %lt3A_123 = arith.constant 0 : i32
      %lt3A_124 = vector.broadcast %lt3A_123 : i32 to vector<16xi32>
      %lt3A_125 = arith.cmpi slt, %rem3A_120, %lt3A_124 : vector<16xi32>
      %lt3A_126 = arith.constant 0 : i32
      %lt3A_127 = arith.cmpi slt, %select_n3A, %lt3A_126 : i32
      %ne3A_128 = vector.broadcast %lt3A_127 : i1 to vector<16xi1>
      %ne3A_129 = vector.broadcast %ne3A_128 : vector<16xi1> to vector<16xi1>
      %ne3A_130 = arith.xori %lt3A_125, %ne3A_129 : vector<16xi1>
      %and3A_131 = arith.andi %ne3A_130, %ne3A_122 : vector<16xi1>
      %add3A_132 = vector.broadcast %select_n3A : i32 to vector<16xi32>
      %add3A_133 = arith.addi %rem3A_120, %add3A_132 : vector<16xi32>
      %select_n3A_134 = arith.select %and3A_131, %add3A_133, %rem3A_120 : vector<16xi1>, vector<16xi32>
      %add3A_135 = arith.constant 5000 : i32
      %add3A_136 = vector.broadcast %add3A_135 : i32 to vector<16xi32>
      %add3A_137 = arith.addi %add3A_136, %select_n3A_134 : vector<16xi32>
      %select_n3A_138 = arith.select %and3A, %sub3A_107, %add3A_137 : vector<16xi1>, vector<16xi32>
      %swap3A = arith.index_cast %scan3A_103 : i32 to index
      %swap3A_139 = arith.constant 0 : index
      %swap3A_140 = tpu.vector_load %arg8[%swap3A, %swap3A_139] {strides = array<i32>} : memref<40x128xi32, #tpu.memory_space<vmem>>, vector<1x16xi32>,
      %swap3A_141 = vector.shape_cast %swap3A_140 : vector<1x16xi32> to vector<16xi32>
      %swap3A_142 = vector.shape_cast %select_n3A_138 : vector<16xi32> to vector<1x16xi32>
      tpu.vector_store %arg8[%swap3A, %swap3A_139], %swap3A_142 {strides = array<i32>} : memref<40x128xi32, #tpu.memory_space<vmem>>, vector<1x16xi32>,
      %get3A_143 = arith.index_cast %scan3A_103 : i32 to index
      %get3A_144 = arith.constant 16 : index
      %get3A_145 = tpu.vector_load %arg8[%get3A_143, %get3A_144] {strides = array<i32>} : memref<40x128xi32, #tpu.memory_space<vmem>>, vector<1x16xi32>,
      %get3A_146 = vector.shape_cast %get3A_145 : vector<1x16xi32> to vector<16xi32>
      %sub3A_147 = vector.broadcast %mul3A_19 : i32 to vector<16xi32>
      %sub3A_148 = arith.subi %get3A_146, %sub3A_147 : vector<16xi32>
      %ge3A_149 = arith.constant 0 : i32
      %ge3A_150 = vector.broadcast %ge3A_149 : i32 to vector<16xi32>
      %ge3A_151 = arith.cmpi sge, %sub3A_148, %ge3A_150 : vector<16xi32>
      %lt3A_152 = arith.constant 5000 : i32
      %lt3A_153 = vector.broadcast %lt3A_152 : i32 to vector<16xi32>
      %lt3A_154 = arith.cmpi slt, %sub3A_148, %lt3A_153 : vector<16xi32>
      %and3A_155 = arith.andi %ge3A_151, %lt3A_154 : vector<16xi1>
      %add3A_156 = arith.constant 1 : i32
      %add3A_157 = arith.addi %arg1, %add3A_156 : i32
      %mul3A_158 = arith.constant 16 : i32
      %mul3A_159 = arith.muli %add3A_157, %mul3A_158 : i32
      %add3A_160 = vector.broadcast %mul3A_159 : i32 to vector<16xi32>
      %add3A_161 = arith.addi %iota3A, %add3A_160 : vector<16xi32>
      %jit3A_162 = arith.constant 120 : i32
      %eq3A_163 = arith.constant 0 : i32
      %eq3A_164 = arith.cmpi eq, %jit3A_162, %eq3A_163 : i32
      %jit3A_165 = arith.constant 1 : i32
      %select_n3A_166 = arith.select %eq3A_164, %jit3A_165, %jit3A_162 : i32
      %rem3A_167 = vector.broadcast %select_n3A_166 : i32 to vector<16xi32>
      %rem3A_168 = arith.remsi %add3A_161, %rem3A_167 : vector<16xi32>
      %ne3A_169 = arith.constant 0 : i32
      %ne3A_170 = vector.broadcast %ne3A_169 : i32 to vector<16xi32>
      %ne3A_171 = arith.cmpi ne, %rem3A_168, %ne3A_170 : vector<16xi32>
      %lt3A_172 = arith.constant 0 : i32
      %lt3A_173 = vector.broadcast %lt3A_172 : i32 to vector<16xi32>
      %lt3A_174 = arith.cmpi slt, %rem3A_168, %lt3A_173 : vector<16xi32>
      %lt3A_175 = arith.constant 0 : i32
      %lt3A_176 = arith.cmpi slt, %select_n3A_166, %lt3A_175 : i32
      %ne3A_177 = vector.broadcast %lt3A_176 : i1 to vector<16xi1>
      %ne3A_178 = vector.broadcast %ne3A_177 : vector<16xi1> to vector<16xi1>
      %ne3A_179 = arith.xori %lt3A_174, %ne3A_178 : vector<16xi1>
      %and3A_180 = arith.andi %ne3A_179, %ne3A_171 : vector<16xi1>
      %add3A_181 = vector.broadcast %select_n3A_166 : i32 to vector<16xi32>
      %add3A_182 = arith.addi %rem3A_168, %add3A_181 : vector<16xi32>
      %select_n3A_183 = arith.select %and3A_180, %add3A_182, %rem3A_168 : vector<16xi1>, vector<16xi32>
      %add3A_184 = arith.constant 5000 : i32
      %add3A_185 = vector.broadcast %add3A_184 : i32 to vector<16xi32>
      %add3A_186 = arith.addi %add3A_185, %select_n3A_183 : vector<16xi32>
      %select_n3A_187 = arith.select %and3A_155, %sub3A_148, %add3A_186 : vector<16xi1>, vector<16xi32>
      %swap3A_188 = arith.index_cast %scan3A_103 : i32 to index
      %swap3A_189 = arith.constant 16 : index
      %swap3A_190 = tpu.vector_load %arg8[%swap3A_188, %swap3A_189] {strides = array<i32>} : memref<40x128xi32, #tpu.memory_space<vmem>>, vector<1x16xi32>,
      %swap3A_191 = vector.shape_cast %swap3A_190 : vector<1x16xi32> to vector<16xi32>
      %swap3A_192 = vector.shape_cast %select_n3A_187 : vector<16xi32> to vector<1x16xi32>
      tpu.vector_store %arg8[%swap3A_188, %swap3A_189], %swap3A_192 {strides = array<i32>} : memref<40x128xi32, #tpu.memory_space<vmem>>, vector<1x16xi32>,
      %get3A_193 = arith.index_cast %scan3A_103 : i32 to index
      %get3A_194 = arith.constant 32 : index
      %get3A_195 = tpu.vector_load %arg8[%get3A_193, %get3A_194] {strides = array<i32>} : memref<40x128xi32, #tpu.memory_space<vmem>>, vector<1x16xi32>,
      %get3A_196 = vector.shape_cast %get3A_195 : vector<1x16xi32> to vector<16xi32>
      %sub3A_197 = vector.broadcast %mul3A_19 : i32 to vector<16xi32>
      %sub3A_198 = arith.subi %get3A_196, %sub3A_197 : vector<16xi32>
      %ge3A_199 = arith.constant 0 : i32
      %ge3A_200 = vector.broadcast %ge3A_199 : i32 to vector<16xi32>
      %ge3A_201 = arith.cmpi sge, %sub3A_198, %ge3A_200 : vector<16xi32>
      %lt3A_202 = arith.constant 5000 : i32
      %lt3A_203 = vector.broadcast %lt3A_202 : i32 to vector<16xi32>
      %lt3A_204 = arith.cmpi slt, %sub3A_198, %lt3A_203 : vector<16xi32>
      %and3A_205 = arith.andi %ge3A_201, %lt3A_204 : vector<16xi1>
      %add3A_206 = arith.constant 2 : i32
      %add3A_207 = arith.addi %arg1, %add3A_206 : i32
      %mul3A_208 = arith.constant 16 : i32
      %mul3A_209 = arith.muli %add3A_207, %mul3A_208 : i32
      %add3A_210 = vector.broadcast %mul3A_209 : i32 to vector<16xi32>
      %add3A_211 = arith.addi %iota3A, %add3A_210 : vector<16xi32>
      %jit3A_212 = arith.constant 120 : i32
      %eq3A_213 = arith.constant 0 : i32
      %eq3A_214 = arith.cmpi eq, %jit3A_212, %eq3A_213 : i32
      %jit3A_215 = arith.constant 1 : i32
      %select_n3A_216 = arith.select %eq3A_214, %jit3A_215, %jit3A_212 : i32
      %rem3A_217 = vector.broadcast %select_n3A_216 : i32 to vector<16xi32>
      %rem3A_218 = arith.remsi %add3A_211, %rem3A_217 : vector<16xi32>
      %ne3A_219 = arith.constant 0 : i32
      %ne3A_220 = vector.broadcast %ne3A_219 : i32 to vector<16xi32>
      %ne3A_221 = arith.cmpi ne, %rem3A_218, %ne3A_220 : vector<16xi32>
      %lt3A_222 = arith.constant 0 : i32
      %lt3A_223 = vector.broadcast %lt3A_222 : i32 to vector<16xi32>
      %lt3A_224 = arith.cmpi slt, %rem3A_218, %lt3A_223 : vector<16xi32>
      %lt3A_225 = arith.constant 0 : i32
      %lt3A_226 = arith.cmpi slt, %select_n3A_216, %lt3A_225 : i32
      %ne3A_227 = vector.broadcast %lt3A_226 : i1 to vector<16xi1>
      %ne3A_228 = vector.broadcast %ne3A_227 : vector<16xi1> to vector<16xi1>
      %ne3A_229 = arith.xori %lt3A_224, %ne3A_228 : vector<16xi1>
      %and3A_230 = arith.andi %ne3A_229, %ne3A_221 : vector<16xi1>
      %add3A_231 = vector.broadcast %select_n3A_216 : i32 to vector<16xi32>
      %add3A_232 = arith.addi %rem3A_218, %add3A_231 : vector<16xi32>
      %select_n3A_233 = arith.select %and3A_230, %add3A_232, %rem3A_218 : vector<16xi1>, vector<16xi32>
      %add3A_234 = arith.constant 5000 : i32
      %add3A_235 = vector.broadcast %add3A_234 : i32 to vector<16xi32>
      %add3A_236 = arith.addi %add3A_235, %select_n3A_233 : vector<16xi32>
      %select_n3A_237 = arith.select %and3A_205, %sub3A_198, %add3A_236 : vector<16xi1>, vector<16xi32>
      %swap3A_238 = arith.index_cast %scan3A_103 : i32 to index
      %swap3A_239 = arith.constant 32 : index
      %swap3A_240 = tpu.vector_load %arg8[%swap3A_238, %swap3A_239] {strides = array<i32>} : memref<40x128xi32, #tpu.memory_space<vmem>>, vector<1x16xi32>,
      %swap3A_241 = vector.shape_cast %swap3A_240 : vector<1x16xi32> to vector<16xi32>
      %swap3A_242 = vector.shape_cast %select_n3A_237 : vector<16xi32> to vector<1x16xi32>
      tpu.vector_store %arg8[%swap3A_238, %swap3A_239], %swap3A_242 {strides = array<i32>} : memref<40x128xi32, #tpu.memory_space<vmem>>, vector<1x16xi32>,
      %get3A_243 = arith.index_cast %scan3A_103 : i32 to index
      %get3A_244 = arith.constant 48 : index
      %get3A_245 = tpu.vector_load %arg8[%get3A_243, %get3A_244] {strides = array<i32>} : memref<40x128xi32, #tpu.memory_space<vmem>>, vector<1x16xi32>,
      %get3A_246 = vector.shape_cast %get3A_245 : vector<1x16xi32> to vector<16xi32>
      %sub3A_247 = vector.broadcast %mul3A_19 : i32 to vector<16xi32>
      %sub3A_248 = arith.subi %get3A_246, %sub3A_247 : vector<16xi32>
      %ge3A_249 = arith.constant 0 : i32
      %ge3A_250 = vector.broadcast %ge3A_249 : i32 to vector<16xi32>
      %ge3A_251 = arith.cmpi sge, %sub3A_248, %ge3A_250 : vector<16xi32>
      %lt3A_252 = arith.constant 5000 : i32
      %lt3A_253 = vector.broadcast %lt3A_252 : i32 to vector<16xi32>
      %lt3A_254 = arith.cmpi slt, %sub3A_248, %lt3A_253 : vector<16xi32>
      %and3A_255 = arith.andi %ge3A_251, %lt3A_254 : vector<16xi1>
      %add3A_256 = arith.constant 3 : i32
      %add3A_257 = arith.addi %arg1, %add3A_256 : i32
      %mul3A_258 = arith.constant 16 : i32
      %mul3A_259 = arith.muli %add3A_257, %mul3A_258 : i32
      %add3A_260 = vector.broadcast %mul3A_259 : i32 to vector<16xi32>
      %add3A_261 = arith.addi %iota3A, %add3A_260 : vector<16xi32>
      %jit3A_262 = arith.constant 120 : i32
      %eq3A_263 = arith.constant 0 : i32
      %eq3A_264 = arith.cmpi eq, %jit3A_262, %eq3A_263 : i32
      %jit3A_265 = arith.constant 1 : i32
      %select_n3A_266 = arith.select %eq3A_264, %jit3A_265, %jit3A_262 : i32
      %rem3A_267 = vector.broadcast %select_n3A_266 : i32 to vector<16xi32>
      %rem3A_268 = arith.remsi %add3A_261, %rem3A_267 : vector<16xi32>
      %ne3A_269 = arith.constant 0 : i32
      %ne3A_270 = vector.broadcast %ne3A_269 : i32 to vector<16xi32>
      %ne3A_271 = arith.cmpi ne, %rem3A_268, %ne3A_270 : vector<16xi32>
      %lt3A_272 = arith.constant 0 : i32
      %lt3A_273 = vector.broadcast %lt3A_272 : i32 to vector<16xi32>
      %lt3A_274 = arith.cmpi slt, %rem3A_268, %lt3A_273 : vector<16xi32>
      %lt3A_275 = arith.constant 0 : i32
      %lt3A_276 = arith.cmpi slt, %select_n3A_266, %lt3A_275 : i32
      %ne3A_277 = vector.broadcast %lt3A_276 : i1 to vector<16xi1>
      %ne3A_278 = vector.broadcast %ne3A_277 : vector<16xi1> to vector<16xi1>
      %ne3A_279 = arith.xori %lt3A_274, %ne3A_278 : vector<16xi1>
      %and3A_280 = arith.andi %ne3A_279, %ne3A_271 : vector<16xi1>
      %add3A_281 = vector.broadcast %select_n3A_266 : i32 to vector<16xi32>
      %add3A_282 = arith.addi %rem3A_268, %add3A_281 : vector<16xi32>
      %select_n3A_283 = arith.select %and3A_280, %add3A_282, %rem3A_268 : vector<16xi1>, vector<16xi32>
      %add3A_284 = arith.constant 5000 : i32
      %add3A_285 = vector.broadcast %add3A_284 : i32 to vector<16xi32>
      %add3A_286 = arith.addi %add3A_285, %select_n3A_283 : vector<16xi32>
      %select_n3A_287 = arith.select %and3A_255, %sub3A_248, %add3A_286 : vector<16xi1>, vector<16xi32>
      %swap3A_288 = arith.index_cast %scan3A_103 : i32 to index
      %swap3A_289 = arith.constant 48 : index
      %swap3A_290 = tpu.vector_load %arg8[%swap3A_288, %swap3A_289] {strides = array<i32>} : memref<40x128xi32, #tpu.memory_space<vmem>>, vector<1x16xi32>,
      %swap3A_291 = vector.shape_cast %swap3A_290 : vector<1x16xi32> to vector<16xi32>
      %swap3A_292 = vector.shape_cast %select_n3A_287 : vector<16xi32> to vector<1x16xi32>
      tpu.vector_store %arg8[%swap3A_288, %swap3A_289], %swap3A_292 {strides = array<i32>} : memref<40x128xi32, #tpu.memory_space<vmem>>, vector<1x16xi32>,
      %get3A_293 = arith.index_cast %scan3A_103 : i32 to index
      %get3A_294 = arith.constant 64 : index
      %get3A_295 = tpu.vector_load %arg8[%get3A_293, %get3A_294] {strides = array<i32>} : memref<40x128xi32, #tpu.memory_space<vmem>>, vector<1x16xi32>,
      %get3A_296 = vector.shape_cast %get3A_295 : vector<1x16xi32> to vector<16xi32>
      %sub3A_297 = vector.broadcast %mul3A_19 : i32 to vector<16xi32>
      %sub3A_298 = arith.subi %get3A_296, %sub3A_297 : vector<16xi32>
      %ge3A_299 = arith.constant 0 : i32
      %ge3A_300 = vector.broadcast %ge3A_299 : i32 to vector<16xi32>
      %ge3A_301 = arith.cmpi sge, %sub3A_298, %ge3A_300 : vector<16xi32>
      %lt3A_302 = arith.constant 5000 : i32
      %lt3A_303 = vector.broadcast %lt3A_302 : i32 to vector<16xi32>
      %lt3A_304 = arith.cmpi slt, %sub3A_298, %lt3A_303 : vector<16xi32>
      %and3A_305 = arith.andi %ge3A_301, %lt3A_304 : vector<16xi1>
      %add3A_306 = arith.constant 4 : i32
      %add3A_307 = arith.addi %arg1, %add3A_306 : i32
      %mul3A_308 = arith.constant 16 : i32
      %mul3A_309 = arith.muli %add3A_307, %mul3A_308 : i32
      %add3A_310 = vector.broadcast %mul3A_309 : i32 to vector<16xi32>
      %add3A_311 = arith.addi %iota3A, %add3A_310 : vector<16xi32>
      %jit3A_312 = arith.constant 120 : i32
      %eq3A_313 = arith.constant 0 : i32
      %eq3A_314 = arith.cmpi eq, %jit3A_312, %eq3A_313 : i32
      %jit3A_315 = arith.constant 1 : i32
      %select_n3A_316 = arith.select %eq3A_314, %jit3A_315, %jit3A_312 : i32
      %rem3A_317 = vector.broadcast %select_n3A_316 : i32 to vector<16xi32>
      %rem3A_318 = arith.remsi %add3A_311, %rem3A_317 : vector<16xi32>
      %ne3A_319 = arith.constant 0 : i32
      %ne3A_320 = vector.broadcast %ne3A_319 : i32 to vector<16xi32>
      %ne3A_321 = arith.cmpi ne, %rem3A_318, %ne3A_320 : vector<16xi32>
      %lt3A_322 = arith.constant 0 : i32
      %lt3A_323 = vector.broadcast %lt3A_322 : i32 to vector<16xi32>
      %lt3A_324 = arith.cmpi slt, %rem3A_318, %lt3A_323 : vector<16xi32>
      %lt3A_325 = arith.constant 0 : i32
      %lt3A_326 = arith.cmpi slt, %select_n3A_316, %lt3A_325 : i32
      %ne3A_327 = vector.broadcast %lt3A_326 : i1 to vector<16xi1>
      %ne3A_328 = vector.broadcast %ne3A_327 : vector<16xi1> to vector<16xi1>
      %ne3A_329 = arith.xori %lt3A_324, %ne3A_328 : vector<16xi1>
      %and3A_330 = arith.andi %ne3A_329, %ne3A_321 : vector<16xi1>
      %add3A_331 = vector.broadcast %select_n3A_316 : i32 to vector<16xi32>
      %add3A_332 = arith.addi %rem3A_318, %add3A_331 : vector<16xi32>
      %select_n3A_333 = arith.select %and3A_330, %add3A_332, %rem3A_318 : vector<16xi1>, vector<16xi32>
      %add3A_334 = arith.constant 5000 : i32
      %add3A_335 = vector.broadcast %add3A_334 : i32 to vector<16xi32>
      %add3A_336 = arith.addi %add3A_335, %select_n3A_333 : vector<16xi32>
      %select_n3A_337 = arith.select %and3A_305, %sub3A_298, %add3A_336 : vector<16xi1>, vector<16xi32>
      %swap3A_338 = arith.index_cast %scan3A_103 : i32 to index
      %swap3A_339 = arith.constant 64 : index
      %swap3A_340 = tpu.vector_load %arg8[%swap3A_338, %swap3A_339] {strides = array<i32>} : memref<40x128xi32, #tpu.memory_space<vmem>>, vector<1x16xi32>,
      %swap3A_341 = vector.shape_cast %swap3A_340 : vector<1x16xi32> to vector<16xi32>
      %swap3A_342 = vector.shape_cast %select_n3A_337 : vector<16xi32> to vector<1x16xi32>
      tpu.vector_store %arg8[%swap3A_338, %swap3A_339], %swap3A_342 {strides = array<i32>} : memref<40x128xi32, #tpu.memory_space<vmem>>, vector<1x16xi32>,
      %get3A_343 = arith.index_cast %scan3A_103 : i32 to index
      %get3A_344 = arith.constant 80 : index
      %get3A_345 = tpu.vector_load %arg8[%get3A_343, %get3A_344] {strides = array<i32>} : memref<40x128xi32, #tpu.memory_space<vmem>>, vector<1x16xi32>,
      %get3A_346 = vector.shape_cast %get3A_345 : vector<1x16xi32> to vector<16xi32>
      %sub3A_347 = vector.broadcast %mul3A_19 : i32 to vector<16xi32>
      %sub3A_348 = arith.subi %get3A_346, %sub3A_347 : vector<16xi32>
      %ge3A_349 = arith.constant 0 : i32
      %ge3A_350 = vector.broadcast %ge3A_349 : i32 to vector<16xi32>
      %ge3A_351 = arith.cmpi sge, %sub3A_348, %ge3A_350 : vector<16xi32>
      %lt3A_352 = arith.constant 5000 : i32
      %lt3A_353 = vector.broadcast %lt3A_352 : i32 to vector<16xi32>
      %lt3A_354 = arith.cmpi slt, %sub3A_348, %lt3A_353 : vector<16xi32>
      %and3A_355 = arith.andi %ge3A_351, %lt3A_354 : vector<16xi1>
      %add3A_356 = arith.constant 5 : i32
      %add3A_357 = arith.addi %arg1, %add3A_356 : i32
      %mul3A_358 = arith.constant 16 : i32
      %mul3A_359 = arith.muli %add3A_357, %mul3A_358 : i32
      %add3A_360 = vector.broadcast %mul3A_359 : i32 to vector<16xi32>
      %add3A_361 = arith.addi %iota3A, %add3A_360 : vector<16xi32>
      %jit3A_362 = arith.constant 120 : i32
      %eq3A_363 = arith.constant 0 : i32
      %eq3A_364 = arith.cmpi eq, %jit3A_362, %eq3A_363 : i32
      %jit3A_365 = arith.constant 1 : i32
      %select_n3A_366 = arith.select %eq3A_364, %jit3A_365, %jit3A_362 : i32
      %rem3A_367 = vector.broadcast %select_n3A_366 : i32 to vector<16xi32>
      %rem3A_368 = arith.remsi %add3A_361, %rem3A_367 : vector<16xi32>
      %ne3A_369 = arith.constant 0 : i32
      %ne3A_370 = vector.broadcast %ne3A_369 : i32 to vector<16xi32>
      %ne3A_371 = arith.cmpi ne, %rem3A_368, %ne3A_370 : vector<16xi32>
      %lt3A_372 = arith.constant 0 : i32
      %lt3A_373 = vector.broadcast %lt3A_372 : i32 to vector<16xi32>
      %lt3A_374 = arith.cmpi slt, %rem3A_368, %lt3A_373 : vector<16xi32>
      %lt3A_375 = arith.constant 0 : i32
      %lt3A_376 = arith.cmpi slt, %select_n3A_366, %lt3A_375 : i32
      %ne3A_377 = vector.broadcast %lt3A_376 : i1 to vector<16xi1>
      %ne3A_378 = vector.broadcast %ne3A_377 : vector<16xi1> to vector<16xi1>
      %ne3A_379 = arith.xori %lt3A_374, %ne3A_378 : vector<16xi1>
      %and3A_380 = arith.andi %ne3A_379, %ne3A_371 : vector<16xi1>
      %add3A_381 = vector.broadcast %select_n3A_366 : i32 to vector<16xi32>
      %add3A_382 = arith.addi %rem3A_368, %add3A_381 : vector<16xi32>
      %select_n3A_383 = arith.select %and3A_380, %add3A_382, %rem3A_368 : vector<16xi1>, vector<16xi32>
      %add3A_384 = arith.constant 5000 : i32
      %add3A_385 = vector.broadcast %add3A_384 : i32 to vector<16xi32>
      %add3A_386 = arith.addi %add3A_385, %select_n3A_383 : vector<16xi32>
      %select_n3A_387 = arith.select %and3A_355, %sub3A_348, %add3A_386 : vector<16xi1>, vector<16xi32>
      %swap3A_388 = arith.index_cast %scan3A_103 : i32 to index
      %swap3A_389 = arith.constant 80 : index
      %swap3A_390 = tpu.vector_load %arg8[%swap3A_388, %swap3A_389] {strides = array<i32>} : memref<40x128xi32, #tpu.memory_space<vmem>>, vector<1x16xi32>,
      %swap3A_391 = vector.shape_cast %swap3A_390 : vector<1x16xi32> to vector<16xi32>
      %swap3A_392 = vector.shape_cast %select_n3A_387 : vector<16xi32> to vector<1x16xi32>
      tpu.vector_store %arg8[%swap3A_388, %swap3A_389], %swap3A_392 {strides = array<i32>} : memref<40x128xi32, #tpu.memory_space<vmem>>, vector<1x16xi32>,
      %get3A_393 = arith.index_cast %scan3A_103 : i32 to index
      %get3A_394 = arith.constant 96 : index
      %get3A_395 = tpu.vector_load %arg8[%get3A_393, %get3A_394] {strides = array<i32>} : memref<40x128xi32, #tpu.memory_space<vmem>>, vector<1x16xi32>,
      %get3A_396 = vector.shape_cast %get3A_395 : vector<1x16xi32> to vector<16xi32>
      %sub3A_397 = vector.broadcast %mul3A_19 : i32 to vector<16xi32>
      %sub3A_398 = arith.subi %get3A_396, %sub3A_397 : vector<16xi32>
      %ge3A_399 = arith.constant 0 : i32
      %ge3A_400 = vector.broadcast %ge3A_399 : i32 to vector<16xi32>
      %ge3A_401 = arith.cmpi sge, %sub3A_398, %ge3A_400 : vector<16xi32>
      %lt3A_402 = arith.constant 5000 : i32
      %lt3A_403 = vector.broadcast %lt3A_402 : i32 to vector<16xi32>
      %lt3A_404 = arith.cmpi slt, %sub3A_398, %lt3A_403 : vector<16xi32>
      %and3A_405 = arith.andi %ge3A_401, %lt3A_404 : vector<16xi1>
      %add3A_406 = arith.constant 6 : i32
      %add3A_407 = arith.addi %arg1, %add3A_406 : i32
      %mul3A_408 = arith.constant 16 : i32
      %mul3A_409 = arith.muli %add3A_407, %mul3A_408 : i32
      %add3A_410 = vector.broadcast %mul3A_409 : i32 to vector<16xi32>
      %add3A_411 = arith.addi %iota3A, %add3A_410 : vector<16xi32>
      %jit3A_412 = arith.constant 120 : i32
      %eq3A_413 = arith.constant 0 : i32
      %eq3A_414 = arith.cmpi eq, %jit3A_412, %eq3A_413 : i32
      %jit3A_415 = arith.constant 1 : i32
      %select_n3A_416 = arith.select %eq3A_414, %jit3A_415, %jit3A_412 : i32
      %rem3A_417 = vector.broadcast %select_n3A_416 : i32 to vector<16xi32>
      %rem3A_418 = arith.remsi %add3A_411, %rem3A_417 : vector<16xi32>
      %ne3A_419 = arith.constant 0 : i32
      %ne3A_420 = vector.broadcast %ne3A_419 : i32 to vector<16xi32>
      %ne3A_421 = arith.cmpi ne, %rem3A_418, %ne3A_420 : vector<16xi32>
      %lt3A_422 = arith.constant 0 : i32
      %lt3A_423 = vector.broadcast %lt3A_422 : i32 to vector<16xi32>
      %lt3A_424 = arith.cmpi slt, %rem3A_418, %lt3A_423 : vector<16xi32>
      %lt3A_425 = arith.constant 0 : i32
      %lt3A_426 = arith.cmpi slt, %select_n3A_416, %lt3A_425 : i32
      %ne3A_427 = vector.broadcast %lt3A_426 : i1 to vector<16xi1>
      %ne3A_428 = vector.broadcast %ne3A_427 : vector<16xi1> to vector<16xi1>
      %ne3A_429 = arith.xori %lt3A_424, %ne3A_428 : vector<16xi1>
      %and3A_430 = arith.andi %ne3A_429, %ne3A_421 : vector<16xi1>
      %add3A_431 = vector.broadcast %select_n3A_416 : i32 to vector<16xi32>
      %add3A_432 = arith.addi %rem3A_418, %add3A_431 : vector<16xi32>
      %select_n3A_433 = arith.select %and3A_430, %add3A_432, %rem3A_418 : vector<16xi1>, vector<16xi32>
      %add3A_434 = arith.constant 5000 : i32
      %add3A_435 = vector.broadcast %add3A_434 : i32 to vector<16xi32>
      %add3A_436 = arith.addi %add3A_435, %select_n3A_433 : vector<16xi32>
      %select_n3A_437 = arith.select %and3A_405, %sub3A_398, %add3A_436 : vector<16xi1>, vector<16xi32>
      %swap3A_438 = arith.index_cast %scan3A_103 : i32 to index
      %swap3A_439 = arith.constant 96 : index
      %swap3A_440 = tpu.vector_load %arg8[%swap3A_438, %swap3A_439] {strides = array<i32>} : memref<40x128xi32, #tpu.memory_space<vmem>>, vector<1x16xi32>,
      %swap3A_441 = vector.shape_cast %swap3A_440 : vector<1x16xi32> to vector<16xi32>
      %swap3A_442 = vector.shape_cast %select_n3A_437 : vector<16xi32> to vector<1x16xi32>
      tpu.vector_store %arg8[%swap3A_438, %swap3A_439], %swap3A_442 {strides = array<i32>} : memref<40x128xi32, #tpu.memory_space<vmem>>, vector<1x16xi32>,
      %get3A_443 = arith.index_cast %scan3A_103 : i32 to index
      %get3A_444 = arith.constant 112 : index
      %get3A_445 = tpu.vector_load %arg8[%get3A_443, %get3A_444] {strides = array<i32>} : memref<40x128xi32, #tpu.memory_space<vmem>>, vector<1x16xi32>,
      %get3A_446 = vector.shape_cast %get3A_445 : vector<1x16xi32> to vector<16xi32>
      %sub3A_447 = vector.broadcast %mul3A_19 : i32 to vector<16xi32>
      %sub3A_448 = arith.subi %get3A_446, %sub3A_447 : vector<16xi32>
      %ge3A_449 = arith.constant 0 : i32
      %ge3A_450 = vector.broadcast %ge3A_449 : i32 to vector<16xi32>
      %ge3A_451 = arith.cmpi sge, %sub3A_448, %ge3A_450 : vector<16xi32>
      %lt3A_452 = arith.constant 5000 : i32
      %lt3A_453 = vector.broadcast %lt3A_452 : i32 to vector<16xi32>
      %lt3A_454 = arith.cmpi slt, %sub3A_448, %lt3A_453 : vector<16xi32>
      %and3A_455 = arith.andi %ge3A_451, %lt3A_454 : vector<16xi1>
      %add3A_456 = arith.constant 7 : i32
      %add3A_457 = arith.addi %arg1, %add3A_456 : i32
      %mul3A_458 = arith.constant 16 : i32
      %mul3A_459 = arith.muli %add3A_457, %mul3A_458 : i32
      %add3A_460 = vector.broadcast %mul3A_459 : i32 to vector<16xi32>
      %add3A_461 = arith.addi %iota3A, %add3A_460 : vector<16xi32>
      %jit3A_462 = arith.constant 120 : i32
      %eq3A_463 = arith.constant 0 : i32
      %eq3A_464 = arith.cmpi eq, %jit3A_462, %eq3A_463 : i32
      %jit3A_465 = arith.constant 1 : i32
      %select_n3A_466 = arith.select %eq3A_464, %jit3A_465, %jit3A_462 : i32
      %rem3A_467 = vector.broadcast %select_n3A_466 : i32 to vector<16xi32>
      %rem3A_468 = arith.remsi %add3A_461, %rem3A_467 : vector<16xi32>
      %ne3A_469 = arith.constant 0 : i32
      %ne3A_470 = vector.broadcast %ne3A_469 : i32 to vector<16xi32>
      %ne3A_471 = arith.cmpi ne, %rem3A_468, %ne3A_470 : vector<16xi32>
      %lt3A_472 = arith.constant 0 : i32
      %lt3A_473 = vector.broadcast %lt3A_472 : i32 to vector<16xi32>
      %lt3A_474 = arith.cmpi slt, %rem3A_468, %lt3A_473 : vector<16xi32>
      %lt3A_475 = arith.constant 0 : i32
      %lt3A_476 = arith.cmpi slt, %select_n3A_466, %lt3A_475 : i32
      %ne3A_477 = vector.broadcast %lt3A_476 : i1 to vector<16xi1>
      %ne3A_478 = vector.broadcast %ne3A_477 : vector<16xi1> to vector<16xi1>
      %ne3A_479 = arith.xori %lt3A_474, %ne3A_478 : vector<16xi1>
      %and3A_480 = arith.andi %ne3A_479, %ne3A_471 : vector<16xi1>
      %add3A_481 = vector.broadcast %select_n3A_466 : i32 to vector<16xi32>
      %add3A_482 = arith.addi %rem3A_468, %add3A_481 : vector<16xi32>
      %select_n3A_483 = arith.select %and3A_480, %add3A_482, %rem3A_468 : vector<16xi1>, vector<16xi32>
      %add3A_484 = arith.constant 5000 : i32
      %add3A_485 = vector.broadcast %add3A_484 : i32 to vector<16xi32>
      %add3A_486 = arith.addi %add3A_485, %select_n3A_483 : vector<16xi32>
      %select_n3A_487 = arith.select %and3A_455, %sub3A_448, %add3A_486 : vector<16xi1>, vector<16xi32>
      %swap3A_488 = arith.index_cast %scan3A_103 : i32 to index
      %swap3A_489 = arith.constant 112 : index
      %swap3A_490 = tpu.vector_load %arg8[%swap3A_488, %swap3A_489] {strides = array<i32>} : memref<40x128xi32, #tpu.memory_space<vmem>>, vector<1x16xi32>,
      %swap3A_491 = vector.shape_cast %swap3A_490 : vector<1x16xi32> to vector<16xi32>
      %swap3A_492 = vector.shape_cast %select_n3A_487 : vector<16xi32> to vector<1x16xi32>
      tpu.vector_store %arg8[%swap3A_488, %swap3A_489], %swap3A_492 {strides = array<i32>} : memref<40x128xi32, #tpu.memory_space<vmem>>, vector<1x16xi32>,
    }
    %scan3A_28 = arith.constant 40 : i32
    %dma_start3A = arith.constant 0 : i32
    %dma_start3A_29 = arith.constant 0 : i32
    %dma_start3A_30 = tpu.memref_slice %arg7[%dma_start3A, %dma_start3A_29] : memref<40x128xi32, #tpu.memory_space<vmem>> -> memref<1x128xi32, #tpu.memory_space<vmem>>
    %dma_start3A_31 = tpu.memref_squeeze %dma_start3A_30 : memref<1x128xi32, #tpu.memory_space<vmem>> -> memref<128xi32, #tpu.memory_space<vmem>>
    %dma_start3A_32 = arith.constant 0 : i32
    %dma_start3A_33 = arith.constant 0 : i32
    %dma_start3A_34 = tpu.memref_slice %arg2[%dma_start3A_32, %dma_start3A_33] : memref<10000x128xf32, #tpu.memory_space<hbm>> -> memref<10000x128xf32, #tpu.memory_space<hbm>>
    tpu.enqueue_indirect_dma source(%dma_start3A_34 : memref<10000x128xf32, #tpu.memory_space<hbm>>) target(%arg9 : memref<128x128xf32, #tpu.memory_space<vmem>>) offsets(%dma_start3A_31 : memref<128xi32, #tpu.memory_space<vmem>>) semaphore(%arg15 : memref<!tpu.dma_semaphore, #tpu.memory_space<semaphore_mem>>)
    %scan3A_35 = arith.constant 0 : i32
    %scan3A_36 = arith.constant 0 : i32
    %scan3A_37 = arith.constant 20 : i32
    %scan3A_38 = arith.addi %scan3A_36, %scan3A_37 : i32
    %scan3A_39 = arith.constant 1 : i32
    scf.for %scan3A_103 = %scan3A_36 to %scan3A_38 step %scan3A_39  : i32 {
      %mul3A_104 = arith.constant 2 : i32
      %mul3A_105 = arith.muli %scan3A_103, %mul3A_104 : i32
      %add3A_106 = arith.constant 1 : i32
      %add3A_107 = arith.addi %mul3A_105, %add3A_106 : i32
      %dma_start3A_108 = arith.constant 0 : i32
      %dma_start3A_109 = tpu.memref_slice %arg7[%add3A_107, %dma_start3A_108] : memref<40x128xi32, #tpu.memory_space<vmem>> -> memref<1x128xi32, #tpu.memory_space<vmem>>
      %dma_start3A_110 = tpu.memref_squeeze %dma_start3A_109 : memref<1x128xi32, #tpu.memory_space<vmem>> -> memref<128xi32, #tpu.memory_space<vmem>>
      %dma_start3A_111 = arith.constant 0 : i32
      %dma_start3A_112 = arith.constant 0 : i32
      %dma_start3A_113 = tpu.memref_slice %arg2[%dma_start3A_111, %dma_start3A_112] : memref<10000x128xf32, #tpu.memory_space<hbm>> -> memref<10000x128xf32, #tpu.memory_space<hbm>>
      tpu.enqueue_indirect_dma source(%dma_start3A_113 : memref<10000x128xf32, #tpu.memory_space<hbm>>) target(%arg10 : memref<128x128xf32, #tpu.memory_space<vmem>>) offsets(%dma_start3A_110 : memref<128xi32, #tpu.memory_space<vmem>>) semaphore(%arg15 : memref<!tpu.dma_semaphore, #tpu.memory_space<semaphore_mem>>)
      %dma_wait3A_114 = arith.constant 0 : i32
      %dma_wait3A_115 = tpu.memref_slice %arg7[%mul3A_105, %dma_wait3A_114] : memref<40x128xi32, #tpu.memory_space<vmem>> -> memref<1x128xi32, #tpu.memory_space<vmem>>
      %dma_wait3A_116 = tpu.memref_squeeze %dma_wait3A_115 : memref<1x128xi32, #tpu.memory_space<vmem>> -> memref<128xi32, #tpu.memory_space<vmem>>
      %dma_wait3A_117 = arith.constant 0 : i32
      %dma_wait3A_118 = arith.constant 0 : i32
      %dma_wait3A_119 = tpu.memref_slice %arg2[%dma_wait3A_117, %dma_wait3A_118] : memref<10000x128xf32, #tpu.memory_space<hbm>> -> memref<10000x128xf32, #tpu.memory_space<hbm>>
      tpu.wait_indirect_dma semaphore(%arg15 : memref<!tpu.dma_semaphore, #tpu.memory_space<semaphore_mem>>) src(%dma_wait3A_119 : memref<10000x128xf32, #tpu.memory_space<hbm>>) dst(%arg9 : memref<128x128xf32, #tpu.memory_space<vmem>>)
      "tpu.region"() ({
        %run_scoped3A = tpu.sem_alloc : memref<!tpu.dma_semaphore, #tpu.memory_space<semaphore_mem>>
        %dma_start3A_149 = arith.constant 0 : i32
        %dma_start3A_150 = tpu.memref_slice %arg8[%mul3A_105, %dma_start3A_149] : memref<40x128xi32, #tpu.memory_space<vmem>> -> memref<1x128xi32, #tpu.memory_space<vmem>>
        %dma_start3A_151 = tpu.memref_squeeze %dma_start3A_150 : memref<1x128xi32, #tpu.memory_space<vmem>> -> memref<128xi32, #tpu.memory_space<vmem>>
        %dma_start3A_152 = arith.constant 0 : i32
        %dma_start3A_153 = arith.constant 0 : i32
        %dma_start3A_154 = tpu.memref_slice %arg13[%dma_start3A_152, %dma_start3A_153] : memref<5120x128xf32, #tpu.memory_space<vmem_shared>> -> memref<5120x128xf32, #tpu.memory_space<vmem_shared>>
        tpu.enqueue_indirect_dma source(%arg9 : memref<128x128xf32, #tpu.memory_space<vmem>>) target(%dma_start3A_154 : memref<5120x128xf32, #tpu.memory_space<vmem_shared>>) offsets(%dma_start3A_151 : memref<128xi32, #tpu.memory_space<vmem>>) semaphore(%run_scoped3A : memref<!tpu.dma_semaphore, #tpu.memory_space<semaphore_mem>>) {add = true}
        %dma_wait3A_155 = arith.constant 0 : i32
        %dma_wait3A_156 = tpu.memref_slice %arg8[%mul3A_105, %dma_wait3A_155] : memref<40x128xi32, #tpu.memory_space<vmem>> -> memref<1x128xi32, #tpu.memory_space<vmem>>
        %dma_wait3A_157 = tpu.memref_squeeze %dma_wait3A_156 : memref<1x128xi32, #tpu.memory_space<vmem>> -> memref<128xi32, #tpu.memory_space<vmem>>
        %dma_wait3A_158 = arith.constant 0 : i32
        %dma_wait3A_159 = arith.constant 0 : i32
        %dma_wait3A_160 = tpu.memref_slice %arg13[%dma_wait3A_158, %dma_wait3A_159] : memref<5120x128xf32, #tpu.memory_space<vmem_shared>> -> memref<5120x128xf32, #tpu.memory_space<vmem_shared>>
        tpu.wait_indirect_dma semaphore(%run_scoped3A : memref<!tpu.dma_semaphore, #tpu.memory_space<semaphore_mem>>) src(%arg9 : memref<128x128xf32, #tpu.memory_space<vmem>>) dst(%dma_wait3A_160 : memref<5120x128xf32, #tpu.memory_space<vmem_shared>>)
        tpu.yield
      }) : () -> ()
      %dma_start3A_120 = arith.constant 0 : i32
      %dma_start3A_121 = tpu.memref_slice %arg11[%dma_start3A_120] : memref<320xf32, #tpu.memory_space<vmem>> -> memref<128xf32, #tpu.memory_space<vmem>>
      %dma_start3A_122 = arith.constant 0 : i32
      %dma_start3A_123 = tpu.memref_slice %arg8[%mul3A_105, %dma_start3A_122] : memref<40x128xi32, #tpu.memory_space<vmem>> -> memref<1x128xi32, #tpu.memory_space<vmem>>
      %dma_start3A_124 = tpu.memref_squeeze %dma_start3A_123 : memref<1x128xi32, #tpu.memory_space<vmem>> -> memref<128xi32, #tpu.memory_space<vmem>>
      %dma_start3A_125 = arith.constant 0 : i32
      %dma_start3A_126 = tpu.memref_slice %arg14[%dma_start3A_125] : memref<5120xf32, #tpu.memory_space<vmem_shared>> -> memref<5120xf32, #tpu.memory_space<vmem_shared>>
      tpu.enqueue_indirect_dma source(%dma_start3A_121 : memref<128xf32, #tpu.memory_space<vmem>>) target(%dma_start3A_126 : memref<5120xf32, #tpu.memory_space<vmem_shared>>) offsets(%dma_start3A_124 : memref<128xi32, #tpu.memory_space<vmem>>) semaphore(%arg16 : memref<!tpu.dma_semaphore, #tpu.memory_space<semaphore_mem>>) {add = true}
      %add3A_127 = arith.constant 2 : i32
      %add3A_128 = arith.addi %mul3A_105, %add3A_127 : i32
      %min3A = arith.constant 39 : i32
      %min3A_129 = arith.minsi %add3A_128, %min3A : i32
      %dma_start3A_130 = arith.constant 0 : i32
      %dma_start3A_131 = tpu.memref_slice %arg7[%min3A_129, %dma_start3A_130] : memref<40x128xi32, #tpu.memory_space<vmem>> -> memref<1x128xi32, #tpu.memory_space<vmem>>
      %dma_start3A_132 = tpu.memref_squeeze %dma_start3A_131 : memref<1x128xi32, #tpu.memory_space<vmem>> -> memref<128xi32, #tpu.memory_space<vmem>>
      %dma_start3A_133 = arith.constant 0 : i32
      %dma_start3A_134 = arith.constant 0 : i32
      %dma_start3A_135 = tpu.memref_slice %arg2[%dma_start3A_133, %dma_start3A_134] : memref<10000x128xf32, #tpu.memory_space<hbm>> -> memref<10000x128xf32, #tpu.memory_space<hbm>>
      tpu.enqueue_indirect_dma source(%dma_start3A_135 : memref<10000x128xf32, #tpu.memory_space<hbm>>) target(%arg9 : memref<128x128xf32, #tpu.memory_space<vmem>>) offsets(%dma_start3A_132 : memref<128xi32, #tpu.memory_space<vmem>>) semaphore(%arg15 : memref<!tpu.dma_semaphore, #tpu.memory_space<semaphore_mem>>)
      %dma_wait3A_136 = arith.constant 0 : i32
      %dma_wait3A_137 = tpu.memref_slice %arg7[%add3A_107, %dma_wait3A_136] : memref<40x128xi32, #tpu.memory_space<vmem>> -> memref<1x128xi32, #tpu.memory_space<vmem>>
      %dma_wait3A_138 = tpu.memref_squeeze %dma_wait3A_137 : memref<1x128xi32, #tpu.memory_space<vmem>> -> memref<128xi32, #tpu.memory_space<vmem>>
      %dma_wait3A_139 = arith.constant 0 : i32
      %dma_wait3A_140 = arith.constant 0 : i32
      %dma_wait3A_141 = tpu.memref_slice %arg2[%dma_wait3A_139, %dma_wait3A_140] : memref<10000x128xf32, #tpu.memory_space<hbm>> -> memref<10000x128xf32, #tpu.memory_space<hbm>>
      tpu.wait_indirect_dma semaphore(%arg15 : memref<!tpu.dma_semaphore, #tpu.memory_space<semaphore_mem>>) src(%dma_wait3A_141 : memref<10000x128xf32, #tpu.memory_space<hbm>>) dst(%arg10 : memref<128x128xf32, #tpu.memory_space<vmem>>)
      "tpu.region"() ({
        %run_scoped3A = tpu.sem_alloc : memref<!tpu.dma_semaphore, #tpu.memory_space<semaphore_mem>>
        %dma_start3A_149 = arith.constant 0 : i32
        %dma_start3A_150 = tpu.memref_slice %arg8[%add3A_107, %dma_start3A_149] : memref<40x128xi32, #tpu.memory_space<vmem>> -> memref<1x128xi32, #tpu.memory_space<vmem>>
        %dma_start3A_151 = tpu.memref_squeeze %dma_start3A_150 : memref<1x128xi32, #tpu.memory_space<vmem>> -> memref<128xi32, #tpu.memory_space<vmem>>
        %dma_start3A_152 = arith.constant 0 : i32
        %dma_start3A_153 = arith.constant 0 : i32
        %dma_start3A_154 = tpu.memref_slice %arg13[%dma_start3A_152, %dma_start3A_153] : memref<5120x128xf32, #tpu.memory_space<vmem_shared>> -> memref<5120x128xf32, #tpu.memory_space<vmem_shared>>
        tpu.enqueue_indirect_dma source(%arg10 : memref<128x128xf32, #tpu.memory_space<vmem>>) target(%dma_start3A_154 : memref<5120x128xf32, #tpu.memory_space<vmem_shared>>) offsets(%dma_start3A_151 : memref<128xi32, #tpu.memory_space<vmem>>) semaphore(%run_scoped3A : memref<!tpu.dma_semaphore, #tpu.memory_space<semaphore_mem>>) {add = true}
        %dma_wait3A_155 = arith.constant 0 : i32
        %dma_wait3A_156 = tpu.memref_slice %arg8[%add3A_107, %dma_wait3A_155] : memref<40x128xi32, #tpu.memory_space<vmem>> -> memref<1x128xi32, #tpu.memory_space<vmem>>
        %dma_wait3A_157 = tpu.memref_squeeze %dma_wait3A_156 : memref<1x128xi32, #tpu.memory_space<vmem>> -> memref<128xi32, #tpu.memory_space<vmem>>
        %dma_wait3A_158 = arith.constant 0 : i32
        %dma_wait3A_159 = arith.constant 0 : i32
        %dma_wait3A_160 = tpu.memref_slice %arg13[%dma_wait3A_158, %dma_wait3A_159] : memref<5120x128xf32, #tpu.memory_space<vmem_shared>> -> memref<5120x128xf32, #tpu.memory_space<vmem_shared>>
        tpu.wait_indirect_dma semaphore(%run_scoped3A : memref<!tpu.dma_semaphore, #tpu.memory_space<semaphore_mem>>) src(%arg10 : memref<128x128xf32, #tpu.memory_space<vmem>>) dst(%dma_wait3A_160 : memref<5120x128xf32, #tpu.memory_space<vmem_shared>>)
        tpu.yield
      }) : () -> ()
      %dma_start3A_142 = arith.constant 0 : i32
      %dma_start3A_143 = tpu.memref_slice %arg11[%dma_start3A_142] : memref<320xf32, #tpu.memory_space<vmem>> -> memref<128xf32, #tpu.memory_space<vmem>>
      %dma_start3A_144 = arith.constant 0 : i32
      %dma_start3A_145 = tpu.memref_slice %arg8[%add3A_107, %dma_start3A_144] : memref<40x128xi32, #tpu.memory_space<vmem>> -> memref<1x128xi32, #tpu.memory_space<vmem>>
      %dma_start3A_146 = tpu.memref_squeeze %dma_start3A_145 : memref<1x128xi32, #tpu.memory_space<vmem>> -> memref<128xi32, #tpu.memory_space<vmem>>
      %dma_start3A_147 = arith.constant 0 : i32
      %dma_start3A_148 = tpu.memref_slice %arg14[%dma_start3A_147] : memref<5120xf32, #tpu.memory_space<vmem_shared>> -> memref<5120xf32, #tpu.memory_space<vmem_shared>>
      tpu.enqueue_indirect_dma source(%dma_start3A_143 : memref<128xf32, #tpu.memory_space<vmem>>) target(%dma_start3A_148 : memref<5120xf32, #tpu.memory_space<vmem_shared>>) offsets(%dma_start3A_146 : memref<128xi32, #tpu.memory_space<vmem>>) semaphore(%arg16 : memref<!tpu.dma_semaphore, #tpu.memory_space<semaphore_mem>>) {add = true}
    }
    %scan3A_40 = arith.constant 20 : i32
    %dma_wait3A = arith.constant 0 : i32
    %dma_wait3A_41 = arith.constant 0 : i32
    %dma_wait3A_42 = tpu.memref_slice %arg7[%dma_wait3A, %dma_wait3A_41] : memref<40x128xi32, #tpu.memory_space<vmem>> -> memref<1x128xi32, #tpu.memory_space<vmem>>
    %dma_wait3A_43 = tpu.memref_squeeze %dma_wait3A_42 : memref<1x128xi32, #tpu.memory_space<vmem>> -> memref<128xi32, #tpu.memory_space<vmem>>
    %dma_wait3A_44 = arith.constant 0 : i32
    %dma_wait3A_45 = arith.constant 0 : i32
    %dma_wait3A_46 = tpu.memref_slice %arg2[%dma_wait3A_44, %dma_wait3A_45] : memref<10000x128xf32, #tpu.memory_space<hbm>> -> memref<10000x128xf32, #tpu.memory_space<hbm>>
    tpu.wait_indirect_dma semaphore(%arg15 : memref<!tpu.dma_semaphore, #tpu.memory_space<semaphore_mem>>) src(%dma_wait3A_46 : memref<10000x128xf32, #tpu.memory_space<hbm>>) dst(%arg9 : memref<128x128xf32, #tpu.memory_space<vmem>>)
    %scan3A_47 = arith.constant 0 : i32
    %scan3A_48 = arith.constant 0 : i32
    %scan3A_49 = arith.constant 40 : i32
    %scan3A_50 = arith.addi %scan3A_48, %scan3A_49 : i32
    %scan3A_51 = arith.constant 1 : i32
    scf.for %scan3A_103 = %scan3A_48 to %scan3A_50 step %scan3A_51  : i32 {
      %dma_wait3A_104 = arith.constant 0 : i32
      %dma_wait3A_105 = tpu.memref_slice %arg11[%dma_wait3A_104] : memref<320xf32, #tpu.memory_space<vmem>> -> memref<128xf32, #tpu.memory_space<vmem>>
      %dma_wait3A_106 = arith.constant 0 : i32
      %dma_wait3A_107 = tpu.memref_slice %arg14[%dma_wait3A_106] : memref<5120xf32, #tpu.memory_space<vmem_shared>> -> memref<128xf32, #tpu.memory_space<vmem_shared>>
      %dma_wait3A_108 = arith.constant 0 : i32
      %dma_wait3A_109 = tpu.memref_slice %arg14[%dma_wait3A_108] : memref<5120xf32, #tpu.memory_space<vmem_shared>> -> memref<128xf32, #tpu.memory_space<vmem_shared>>
      %dma_wait3A_110 = arith.constant 0 : i32
      %dma_wait3A_111 = tpu.memref_slice %arg11[%dma_wait3A_110] : memref<320xf32, #tpu.memory_space<vmem>> -> memref<128xf32, #tpu.memory_space<vmem>>
      tpu.wait_dma2 semaphore(%arg16 : memref<!tpu.dma_semaphore, #tpu.memory_space<semaphore_mem>>) src(%dma_wait3A_111 : memref<128xf32, #tpu.memory_space<vmem>>) dst(%dma_wait3A_109 : memref<128xf32, #tpu.memory_space<vmem_shared>>)
    }
    %scan3A_52 = arith.constant 40 : i32
    %mul3A_53 = arith.constant 80 : i32
    %mul3A_54 = arith.muli %arg1, %mul3A_53 : i32
    %add3A_55 = arith.constant 40 : i32
    %add3A_56 = arith.addi %mul3A_54, %add3A_55 : i32
    "tpu.region"() ({
      %run_scoped3A = tpu.sem_alloc : memref<!tpu.dma_semaphore, #tpu.memory_space<semaphore_mem>>
      %dma_start3A_103 = arith.constant 0 : i32
      %dma_start3A_104 = tpu.memref_slice %arg3[%add3A_56, %dma_start3A_103] : memref<1280x128xi32, #tpu.memory_space<hbm>> -> memref<40x128xi32, #tpu.memory_space<hbm>>
      %dma_start3A_105 = arith.constant 0 : i32
      %dma_start3A_106 = tpu.memref_slice %arg3[%add3A_56, %dma_start3A_105] : memref<1280x128xi32, #tpu.memory_space<hbm>> -> memref<40x128xi32, #tpu.memory_space<hbm>>
      tpu.enqueue_dma source(%dma_start3A_106 : memref<40x128xi32, #tpu.memory_space<hbm>>) target(%arg7 : memref<40x128xi32, #tpu.memory_space<vmem>>) target_semaphore(%run_scoped3A : memref<!tpu.dma_semaphore, #tpu.memory_space<semaphore_mem>>)
      %dma_wait3A_107 = arith.constant 0 : i32
      %dma_wait3A_108 = tpu.memref_slice %arg3[%add3A_56, %dma_wait3A_107] : memref<1280x128xi32, #tpu.memory_space<hbm>> -> memref<40x128xi32, #tpu.memory_space<hbm>>
      %dma_wait3A_109 = arith.constant 0 : i32
      %dma_wait3A_110 = tpu.memref_slice %arg3[%add3A_56, %dma_wait3A_109] : memref<1280x128xi32, #tpu.memory_space<hbm>> -> memref<40x128xi32, #tpu.memory_space<hbm>>
      tpu.wait_dma2 semaphore(%run_scoped3A : memref<!tpu.dma_semaphore, #tpu.memory_space<semaphore_mem>>) src(%dma_wait3A_110 : memref<40x128xi32, #tpu.memory_space<hbm>>) dst(%arg7 : memref<40x128xi32, #tpu.memory_space<vmem>>)
      tpu.yield
    }) : () -> ()
    "tpu.region"() ({
      %run_scoped3A = tpu.sem_alloc : memref<!tpu.dma_semaphore, #tpu.memory_space<semaphore_mem>>
      %dma_start3A_103 = arith.constant 0 : i32
      %dma_start3A_104 = tpu.memref_slice %arg4[%add3A_56, %dma_start3A_103] : memref<1280x128xi32, #tpu.memory_space<hbm>> -> memref<40x128xi32, #tpu.memory_space<hbm>>
      %dma_start3A_105 = arith.constant 0 : i32
      %dma_start3A_106 = tpu.memref_slice %arg4[%add3A_56, %dma_start3A_105] : memref<1280x128xi32, #tpu.memory_space<hbm>> -> memref<40x128xi32, #tpu.memory_space<hbm>>
      tpu.enqueue_dma source(%dma_start3A_106 : memref<40x128xi32, #tpu.memory_space<hbm>>) target(%arg8 : memref<40x128xi32, #tpu.memory_space<vmem>>) target_semaphore(%run_scoped3A : memref<!tpu.dma_semaphore, #tpu.memory_space<semaphore_mem>>)
      %dma_wait3A_107 = arith.constant 0 : i32
      %dma_wait3A_108 = tpu.memref_slice %arg4[%add3A_56, %dma_wait3A_107] : memref<1280x128xi32, #tpu.memory_space<hbm>> -> memref<40x128xi32, #tpu.memory_space<hbm>>
      %dma_wait3A_109 = arith.constant 0 : i32
      %dma_wait3A_110 = tpu.memref_slice %arg4[%add3A_56, %dma_wait3A_109] : memref<1280x128xi32, #tpu.memory_space<hbm>> -> memref<40x128xi32, #tpu.memory_space<hbm>>
      tpu.wait_dma2 semaphore(%run_scoped3A : memref<!tpu.dma_semaphore, #tpu.memory_space<semaphore_mem>>) src(%dma_wait3A_110 : memref<40x128xi32, #tpu.memory_space<hbm>>) dst(%arg8 : memref<40x128xi32, #tpu.memory_space<vmem>>)
      tpu.yield
    }) : () -> ()
    %iota3A_57 = tpu.iota {dimensions = array<i32: 0>} : vector<16xi32>
    %scan3A_58 = arith.constant 0 : i32
    %scan3A_59 = arith.constant 0 : i32
    %scan3A_60 = arith.constant 40 : i32
    %scan3A_61 = arith.addi %scan3A_59, %scan3A_60 : i32
    %scan3A_62 = arith.constant 1 : i32
    scf.for %scan3A_103 = %scan3A_59 to %scan3A_61 step %scan3A_62  : i32 {
      %get3A = arith.index_cast %scan3A_103 : i32 to index
      %get3A_104 = arith.constant 0 : index
      %get3A_105 = tpu.vector_load %arg8[%get3A, %get3A_104] {strides = array<i32>} : memref<40x128xi32, #tpu.memory_space<vmem>>, vector<1x16xi32>,
      %get3A_106 = vector.shape_cast %get3A_105 : vector<1x16xi32> to vector<16xi32>
      %sub3A = vector.broadcast %mul3A_19 : i32 to vector<16xi32>
      %sub3A_107 = arith.subi %get3A_106, %sub3A : vector<16xi32>
      %ge3A = arith.constant 0 : i32
      %ge3A_108 = vector.broadcast %ge3A : i32 to vector<16xi32>
      %ge3A_109 = arith.cmpi sge, %sub3A_107, %ge3A_108 : vector<16xi32>
      %lt3A = arith.constant 5000 : i32
      %lt3A_110 = vector.broadcast %lt3A : i32 to vector<16xi32>
      %lt3A_111 = arith.cmpi slt, %sub3A_107, %lt3A_110 : vector<16xi32>
      %and3A = arith.andi %ge3A_109, %lt3A_111 : vector<16xi1>
      %add3A_112 = arith.constant 0 : i32
      %add3A_113 = arith.addi %arg1, %add3A_112 : i32
      %mul3A_114 = arith.constant 16 : i32
      %mul3A_115 = arith.muli %add3A_113, %mul3A_114 : i32
      %add3A_116 = vector.broadcast %mul3A_115 : i32 to vector<16xi32>
      %add3A_117 = arith.addi %iota3A_57, %add3A_116 : vector<16xi32>
      %jit3A = arith.constant 120 : i32
      %eq3A = arith.constant 0 : i32
      %eq3A_118 = arith.cmpi eq, %jit3A, %eq3A : i32
      %jit3A_119 = arith.constant 1 : i32
      %select_n3A = arith.select %eq3A_118, %jit3A_119, %jit3A : i32
      %rem3A = vector.broadcast %select_n3A : i32 to vector<16xi32>
      %rem3A_120 = arith.remsi %add3A_117, %rem3A : vector<16xi32>
      %ne3A = arith.constant 0 : i32
      %ne3A_121 = vector.broadcast %ne3A : i32 to vector<16xi32>
      %ne3A_122 = arith.cmpi ne, %rem3A_120, %ne3A_121 : vector<16xi32>
      %lt3A_123 = arith.constant 0 : i32
      %lt3A_124 = vector.broadcast %lt3A_123 : i32 to vector<16xi32>
      %lt3A_125 = arith.cmpi slt, %rem3A_120, %lt3A_124 : vector<16xi32>
      %lt3A_126 = arith.constant 0 : i32
      %lt3A_127 = arith.cmpi slt, %select_n3A, %lt3A_126 : i32
      %ne3A_128 = vector.broadcast %lt3A_127 : i1 to vector<16xi1>
      %ne3A_129 = vector.broadcast %ne3A_128 : vector<16xi1> to vector<16xi1>
      %ne3A_130 = arith.xori %lt3A_125, %ne3A_129 : vector<16xi1>
      %and3A_131 = arith.andi %ne3A_130, %ne3A_122 : vector<16xi1>
      %add3A_132 = vector.broadcast %select_n3A : i32 to vector<16xi32>
      %add3A_133 = arith.addi %rem3A_120, %add3A_132 : vector<16xi32>
      %select_n3A_134 = arith.select %and3A_131, %add3A_133, %rem3A_120 : vector<16xi1>, vector<16xi32>
      %add3A_135 = arith.constant 5000 : i32
      %add3A_136 = vector.broadcast %add3A_135 : i32 to vector<16xi32>
      %add3A_137 = arith.addi %add3A_136, %select_n3A_134 : vector<16xi32>
      %select_n3A_138 = arith.select %and3A, %sub3A_107, %add3A_137 : vector<16xi1>, vector<16xi32>
      %swap3A = arith.index_cast %scan3A_103 : i32 to index
      %swap3A_139 = arith.constant 0 : index
      %swap3A_140 = tpu.vector_load %arg8[%swap3A, %swap3A_139] {strides = array<i32>} : memref<40x128xi32, #tpu.memory_space<vmem>>, vector<1x16xi32>,
      %swap3A_141 = vector.shape_cast %swap3A_140 : vector<1x16xi32> to vector<16xi32>
      %swap3A_142 = vector.shape_cast %select_n3A_138 : vector<16xi32> to vector<1x16xi32>
      tpu.vector_store %arg8[%swap3A, %swap3A_139], %swap3A_142 {strides = array<i32>} : memref<40x128xi32, #tpu.memory_space<vmem>>, vector<1x16xi32>,
      %get3A_143 = arith.index_cast %scan3A_103 : i32 to index
      %get3A_144 = arith.constant 16 : index
      %get3A_145 = tpu.vector_load %arg8[%get3A_143, %get3A_144] {strides = array<i32>} : memref<40x128xi32, #tpu.memory_space<vmem>>, vector<1x16xi32>,
      %get3A_146 = vector.shape_cast %get3A_145 : vector<1x16xi32> to vector<16xi32>
      %sub3A_147 = vector.broadcast %mul3A_19 : i32 to vector<16xi32>
      %sub3A_148 = arith.subi %get3A_146, %sub3A_147 : vector<16xi32>
      %ge3A_149 = arith.constant 0 : i32
      %ge3A_150 = vector.broadcast %ge3A_149 : i32 to vector<16xi32>
      %ge3A_151 = arith.cmpi sge, %sub3A_148, %ge3A_150 : vector<16xi32>
      %lt3A_152 = arith.constant 5000 : i32
      %lt3A_153 = vector.broadcast %lt3A_152 : i32 to vector<16xi32>
      %lt3A_154 = arith.cmpi slt, %sub3A_148, %lt3A_153 : vector<16xi32>
      %and3A_155 = arith.andi %ge3A_151, %lt3A_154 : vector<16xi1>
      %add3A_156 = arith.constant 1 : i32
      %add3A_157 = arith.addi %arg1, %add3A_156 : i32
      %mul3A_158 = arith.constant 16 : i32
      %mul3A_159 = arith.muli %add3A_157, %mul3A_158 : i32
      %add3A_160 = vector.broadcast %mul3A_159 : i32 to vector<16xi32>
      %add3A_161 = arith.addi %iota3A_57, %add3A_160 : vector<16xi32>
      %jit3A_162 = arith.constant 120 : i32
      %eq3A_163 = arith.constant 0 : i32
      %eq3A_164 = arith.cmpi eq, %jit3A_162, %eq3A_163 : i32
      %jit3A_165 = arith.constant 1 : i32
      %select_n3A_166 = arith.select %eq3A_164, %jit3A_165, %jit3A_162 : i32
      %rem3A_167 = vector.broadcast %select_n3A_166 : i32 to vector<16xi32>
      %rem3A_168 = arith.remsi %add3A_161, %rem3A_167 : vector<16xi32>
      %ne3A_169 = arith.constant 0 : i32
      %ne3A_170 = vector.broadcast %ne3A_169 : i32 to vector<16xi32>
      %ne3A_171 = arith.cmpi ne, %rem3A_168, %ne3A_170 : vector<16xi32>
      %lt3A_172 = arith.constant 0 : i32
      %lt3A_173 = vector.broadcast %lt3A_172 : i32 to vector<16xi32>
      %lt3A_174 = arith.cmpi slt, %rem3A_168, %lt3A_173 : vector<16xi32>
      %lt3A_175 = arith.constant 0 : i32
      %lt3A_176 = arith.cmpi slt, %select_n3A_166, %lt3A_175 : i32
      %ne3A_177 = vector.broadcast %lt3A_176 : i1 to vector<16xi1>
      %ne3A_178 = vector.broadcast %ne3A_177 : vector<16xi1> to vector<16xi1>
      %ne3A_179 = arith.xori %lt3A_174, %ne3A_178 : vector<16xi1>
      %and3A_180 = arith.andi %ne3A_179, %ne3A_171 : vector<16xi1>
      %add3A_181 = vector.broadcast %select_n3A_166 : i32 to vector<16xi32>
      %add3A_182 = arith.addi %rem3A_168, %add3A_181 : vector<16xi32>
      %select_n3A_183 = arith.select %and3A_180, %add3A_182, %rem3A_168 : vector<16xi1>, vector<16xi32>
      %add3A_184 = arith.constant 5000 : i32
      %add3A_185 = vector.broadcast %add3A_184 : i32 to vector<16xi32>
      %add3A_186 = arith.addi %add3A_185, %select_n3A_183 : vector<16xi32>
      %select_n3A_187 = arith.select %and3A_155, %sub3A_148, %add3A_186 : vector<16xi1>, vector<16xi32>
      %swap3A_188 = arith.index_cast %scan3A_103 : i32 to index
      %swap3A_189 = arith.constant 16 : index
      %swap3A_190 = tpu.vector_load %arg8[%swap3A_188, %swap3A_189] {strides = array<i32>} : memref<40x128xi32, #tpu.memory_space<vmem>>, vector<1x16xi32>,
      %swap3A_191 = vector.shape_cast %swap3A_190 : vector<1x16xi32> to vector<16xi32>
      %swap3A_192 = vector.shape_cast %select_n3A_187 : vector<16xi32> to vector<1x16xi32>
      tpu.vector_store %arg8[%swap3A_188, %swap3A_189], %swap3A_192 {strides = array<i32>} : memref<40x128xi32, #tpu.memory_space<vmem>>, vector<1x16xi32>,
      %get3A_193 = arith.index_cast %scan3A_103 : i32 to index
      %get3A_194 = arith.constant 32 : index
      %get3A_195 = tpu.vector_load %arg8[%get3A_193, %get3A_194] {strides = array<i32>} : memref<40x128xi32, #tpu.memory_space<vmem>>, vector<1x16xi32>,
      %get3A_196 = vector.shape_cast %get3A_195 : vector<1x16xi32> to vector<16xi32>
      %sub3A_197 = vector.broadcast %mul3A_19 : i32 to vector<16xi32>
      %sub3A_198 = arith.subi %get3A_196, %sub3A_197 : vector<16xi32>
      %ge3A_199 = arith.constant 0 : i32
      %ge3A_200 = vector.broadcast %ge3A_199 : i32 to vector<16xi32>
      %ge3A_201 = arith.cmpi sge, %sub3A_198, %ge3A_200 : vector<16xi32>
      %lt3A_202 = arith.constant 5000 : i32
      %lt3A_203 = vector.broadcast %lt3A_202 : i32 to vector<16xi32>
      %lt3A_204 = arith.cmpi slt, %sub3A_198, %lt3A_203 : vector<16xi32>
      %and3A_205 = arith.andi %ge3A_201, %lt3A_204 : vector<16xi1>
      %add3A_206 = arith.constant 2 : i32
      %add3A_207 = arith.addi %arg1, %add3A_206 : i32
      %mul3A_208 = arith.constant 16 : i32
      %mul3A_209 = arith.muli %add3A_207, %mul3A_208 : i32
      %add3A_210 = vector.broadcast %mul3A_209 : i32 to vector<16xi32>
      %add3A_211 = arith.addi %iota3A_57, %add3A_210 : vector<16xi32>
      %jit3A_212 = arith.constant 120 : i32
      %eq3A_213 = arith.constant 0 : i32
      %eq3A_214 = arith.cmpi eq, %jit3A_212, %eq3A_213 : i32
      %jit3A_215 = arith.constant 1 : i32
      %select_n3A_216 = arith.select %eq3A_214, %jit3A_215, %jit3A_212 : i32
      %rem3A_217 = vector.broadcast %select_n3A_216 : i32 to vector<16xi32>
      %rem3A_218 = arith.remsi %add3A_211, %rem3A_217 : vector<16xi32>
      %ne3A_219 = arith.constant 0 : i32
      %ne3A_220 = vector.broadcast %ne3A_219 : i32 to vector<16xi32>
      %ne3A_221 = arith.cmpi ne, %rem3A_218, %ne3A_220 : vector<16xi32>
      %lt3A_222 = arith.constant 0 : i32
      %lt3A_223 = vector.broadcast %lt3A_222 : i32 to vector<16xi32>
      %lt3A_224 = arith.cmpi slt, %rem3A_218, %lt3A_223 : vector<16xi32>
      %lt3A_225 = arith.constant 0 : i32
      %lt3A_226 = arith.cmpi slt, %select_n3A_216, %lt3A_225 : i32
      %ne3A_227 = vector.broadcast %lt3A_226 : i1 to vector<16xi1>
      %ne3A_228 = vector.broadcast %ne3A_227 : vector<16xi1> to vector<16xi1>
      %ne3A_229 = arith.xori %lt3A_224, %ne3A_228 : vector<16xi1>
      %and3A_230 = arith.andi %ne3A_229, %ne3A_221 : vector<16xi1>
      %add3A_231 = vector.broadcast %select_n3A_216 : i32 to vector<16xi32>
      %add3A_232 = arith.addi %rem3A_218, %add3A_231 : vector<16xi32>
      %select_n3A_233 = arith.select %and3A_230, %add3A_232, %rem3A_218 : vector<16xi1>, vector<16xi32>
      %add3A_234 = arith.constant 5000 : i32
      %add3A_235 = vector.broadcast %add3A_234 : i32 to vector<16xi32>
      %add3A_236 = arith.addi %add3A_235, %select_n3A_233 : vector<16xi32>
      %select_n3A_237 = arith.select %and3A_205, %sub3A_198, %add3A_236 : vector<16xi1>, vector<16xi32>
      %swap3A_238 = arith.index_cast %scan3A_103 : i32 to index
      %swap3A_239 = arith.constant 32 : index
      %swap3A_240 = tpu.vector_load %arg8[%swap3A_238, %swap3A_239] {strides = array<i32>} : memref<40x128xi32, #tpu.memory_space<vmem>>, vector<1x16xi32>,
      %swap3A_241 = vector.shape_cast %swap3A_240 : vector<1x16xi32> to vector<16xi32>
      %swap3A_242 = vector.shape_cast %select_n3A_237 : vector<16xi32> to vector<1x16xi32>
      tpu.vector_store %arg8[%swap3A_238, %swap3A_239], %swap3A_242 {strides = array<i32>} : memref<40x128xi32, #tpu.memory_space<vmem>>, vector<1x16xi32>,
      %get3A_243 = arith.index_cast %scan3A_103 : i32 to index
      %get3A_244 = arith.constant 48 : index
      %get3A_245 = tpu.vector_load %arg8[%get3A_243, %get3A_244] {strides = array<i32>} : memref<40x128xi32, #tpu.memory_space<vmem>>, vector<1x16xi32>,
      %get3A_246 = vector.shape_cast %get3A_245 : vector<1x16xi32> to vector<16xi32>
      %sub3A_247 = vector.broadcast %mul3A_19 : i32 to vector<16xi32>
      %sub3A_248 = arith.subi %get3A_246, %sub3A_247 : vector<16xi32>
      %ge3A_249 = arith.constant 0 : i32
      %ge3A_250 = vector.broadcast %ge3A_249 : i32 to vector<16xi32>
      %ge3A_251 = arith.cmpi sge, %sub3A_248, %ge3A_250 : vector<16xi32>
      %lt3A_252 = arith.constant 5000 : i32
      %lt3A_253 = vector.broadcast %lt3A_252 : i32 to vector<16xi32>
      %lt3A_254 = arith.cmpi slt, %sub3A_248, %lt3A_253 : vector<16xi32>
      %and3A_255 = arith.andi %ge3A_251, %lt3A_254 : vector<16xi1>
      %add3A_256 = arith.constant 3 : i32
      %add3A_257 = arith.addi %arg1, %add3A_256 : i32
      %mul3A_258 = arith.constant 16 : i32
      %mul3A_259 = arith.muli %add3A_257, %mul3A_258 : i32
      %add3A_260 = vector.broadcast %mul3A_259 : i32 to vector<16xi32>
      %add3A_261 = arith.addi %iota3A_57, %add3A_260 : vector<16xi32>
      %jit3A_262 = arith.constant 120 : i32
      %eq3A_263 = arith.constant 0 : i32
      %eq3A_264 = arith.cmpi eq, %jit3A_262, %eq3A_263 : i32
      %jit3A_265 = arith.constant 1 : i32
      %select_n3A_266 = arith.select %eq3A_264, %jit3A_265, %jit3A_262 : i32
      %rem3A_267 = vector.broadcast %select_n3A_266 : i32 to vector<16xi32>
      %rem3A_268 = arith.remsi %add3A_261, %rem3A_267 : vector<16xi32>
      %ne3A_269 = arith.constant 0 : i32
      %ne3A_270 = vector.broadcast %ne3A_269 : i32 to vector<16xi32>
      %ne3A_271 = arith.cmpi ne, %rem3A_268, %ne3A_270 : vector<16xi32>
      %lt3A_272 = arith.constant 0 : i32
      %lt3A_273 = vector.broadcast %lt3A_272 : i32 to vector<16xi32>
      %lt3A_274 = arith.cmpi slt, %rem3A_268, %lt3A_273 : vector<16xi32>
      %lt3A_275 = arith.constant 0 : i32
      %lt3A_276 = arith.cmpi slt, %select_n3A_266, %lt3A_275 : i32
      %ne3A_277 = vector.broadcast %lt3A_276 : i1 to vector<16xi1>
      %ne3A_278 = vector.broadcast %ne3A_277 : vector<16xi1> to vector<16xi1>
      %ne3A_279 = arith.xori %lt3A_274, %ne3A_278 : vector<16xi1>
      %and3A_280 = arith.andi %ne3A_279, %ne3A_271 : vector<16xi1>
      %add3A_281 = vector.broadcast %select_n3A_266 : i32 to vector<16xi32>
      %add3A_282 = arith.addi %rem3A_268, %add3A_281 : vector<16xi32>
      %select_n3A_283 = arith.select %and3A_280, %add3A_282, %rem3A_268 : vector<16xi1>, vector<16xi32>
      %add3A_284 = arith.constant 5000 : i32
      %add3A_285 = vector.broadcast %add3A_284 : i32 to vector<16xi32>
      %add3A_286 = arith.addi %add3A_285, %select_n3A_283 : vector<16xi32>
      %select_n3A_287 = arith.select %and3A_255, %sub3A_248, %add3A_286 : vector<16xi1>, vector<16xi32>
      %swap3A_288 = arith.index_cast %scan3A_103 : i32 to index
      %swap3A_289 = arith.constant 48 : index
      %swap3A_290 = tpu.vector_load %arg8[%swap3A_288, %swap3A_289] {strides = array<i32>} : memref<40x128xi32, #tpu.memory_space<vmem>>, vector<1x16xi32>,
      %swap3A_291 = vector.shape_cast %swap3A_290 : vector<1x16xi32> to vector<16xi32>
      %swap3A_292 = vector.shape_cast %select_n3A_287 : vector<16xi32> to vector<1x16xi32>
      tpu.vector_store %arg8[%swap3A_288, %swap3A_289], %swap3A_292 {strides = array<i32>} : memref<40x128xi32, #tpu.memory_space<vmem>>, vector<1x16xi32>,
      %get3A_293 = arith.index_cast %scan3A_103 : i32 to index
      %get3A_294 = arith.constant 64 : index
      %get3A_295 = tpu.vector_load %arg8[%get3A_293, %get3A_294] {strides = array<i32>} : memref<40x128xi32, #tpu.memory_space<vmem>>, vector<1x16xi32>,
      %get3A_296 = vector.shape_cast %get3A_295 : vector<1x16xi32> to vector<16xi32>
      %sub3A_297 = vector.broadcast %mul3A_19 : i32 to vector<16xi32>
      %sub3A_298 = arith.subi %get3A_296, %sub3A_297 : vector<16xi32>
      %ge3A_299 = arith.constant 0 : i32
      %ge3A_300 = vector.broadcast %ge3A_299 : i32 to vector<16xi32>
      %ge3A_301 = arith.cmpi sge, %sub3A_298, %ge3A_300 : vector<16xi32>
      %lt3A_302 = arith.constant 5000 : i32
      %lt3A_303 = vector.broadcast %lt3A_302 : i32 to vector<16xi32>
      %lt3A_304 = arith.cmpi slt, %sub3A_298, %lt3A_303 : vector<16xi32>
      %and3A_305 = arith.andi %ge3A_301, %lt3A_304 : vector<16xi1>
      %add3A_306 = arith.constant 4 : i32
      %add3A_307 = arith.addi %arg1, %add3A_306 : i32
      %mul3A_308 = arith.constant 16 : i32
      %mul3A_309 = arith.muli %add3A_307, %mul3A_308 : i32
      %add3A_310 = vector.broadcast %mul3A_309 : i32 to vector<16xi32>
      %add3A_311 = arith.addi %iota3A_57, %add3A_310 : vector<16xi32>
      %jit3A_312 = arith.constant 120 : i32
      %eq3A_313 = arith.constant 0 : i32
      %eq3A_314 = arith.cmpi eq, %jit3A_312, %eq3A_313 : i32
      %jit3A_315 = arith.constant 1 : i32
      %select_n3A_316 = arith.select %eq3A_314, %jit3A_315, %jit3A_312 : i32
      %rem3A_317 = vector.broadcast %select_n3A_316 : i32 to vector<16xi32>
      %rem3A_318 = arith.remsi %add3A_311, %rem3A_317 : vector<16xi32>
      %ne3A_319 = arith.constant 0 : i32
      %ne3A_320 = vector.broadcast %ne3A_319 : i32 to vector<16xi32>
      %ne3A_321 = arith.cmpi ne, %rem3A_318, %ne3A_320 : vector<16xi32>
      %lt3A_322 = arith.constant 0 : i32
      %lt3A_323 = vector.broadcast %lt3A_322 : i32 to vector<16xi32>
      %lt3A_324 = arith.cmpi slt, %rem3A_318, %lt3A_323 : vector<16xi32>
      %lt3A_325 = arith.constant 0 : i32
      %lt3A_326 = arith.cmpi slt, %select_n3A_316, %lt3A_325 : i32
      %ne3A_327 = vector.broadcast %lt3A_326 : i1 to vector<16xi1>
      %ne3A_328 = vector.broadcast %ne3A_327 : vector<16xi1> to vector<16xi1>
      %ne3A_329 = arith.xori %lt3A_324, %ne3A_328 : vector<16xi1>
      %and3A_330 = arith.andi %ne3A_329, %ne3A_321 : vector<16xi1>
      %add3A_331 = vector.broadcast %select_n3A_316 : i32 to vector<16xi32>
      %add3A_332 = arith.addi %rem3A_318, %add3A_331 : vector<16xi32>
      %select_n3A_333 = arith.select %and3A_330, %add3A_332, %rem3A_318 : vector<16xi1>, vector<16xi32>
      %add3A_334 = arith.constant 5000 : i32
      %add3A_335 = vector.broadcast %add3A_334 : i32 to vector<16xi32>
      %add3A_336 = arith.addi %add3A_335, %select_n3A_333 : vector<16xi32>
      %select_n3A_337 = arith.select %and3A_305, %sub3A_298, %add3A_336 : vector<16xi1>, vector<16xi32>
      %swap3A_338 = arith.index_cast %scan3A_103 : i32 to index
      %swap3A_339 = arith.constant 64 : index
      %swap3A_340 = tpu.vector_load %arg8[%swap3A_338, %swap3A_339] {strides = array<i32>} : memref<40x128xi32, #tpu.memory_space<vmem>>, vector<1x16xi32>,
      %swap3A_341 = vector.shape_cast %swap3A_340 : vector<1x16xi32> to vector<16xi32>
      %swap3A_342 = vector.shape_cast %select_n3A_337 : vector<16xi32> to vector<1x16xi32>
      tpu.vector_store %arg8[%swap3A_338, %swap3A_339], %swap3A_342 {strides = array<i32>} : memref<40x128xi32, #tpu.memory_space<vmem>>, vector<1x16xi32>,
      %get3A_343 = arith.index_cast %scan3A_103 : i32 to index
      %get3A_344 = arith.constant 80 : index
      %get3A_345 = tpu.vector_load %arg8[%get3A_343, %get3A_344] {strides = array<i32>} : memref<40x128xi32, #tpu.memory_space<vmem>>, vector<1x16xi32>,
      %get3A_346 = vector.shape_cast %get3A_345 : vector<1x16xi32> to vector<16xi32>
      %sub3A_347 = vector.broadcast %mul3A_19 : i32 to vector<16xi32>
      %sub3A_348 = arith.subi %get3A_346, %sub3A_347 : vector<16xi32>
      %ge3A_349 = arith.constant 0 : i32
      %ge3A_350 = vector.broadcast %ge3A_349 : i32 to vector<16xi32>
      %ge3A_351 = arith.cmpi sge, %sub3A_348, %ge3A_350 : vector<16xi32>
      %lt3A_352 = arith.constant 5000 : i32
      %lt3A_353 = vector.broadcast %lt3A_352 : i32 to vector<16xi32>
      %lt3A_354 = arith.cmpi slt, %sub3A_348, %lt3A_353 : vector<16xi32>
      %and3A_355 = arith.andi %ge3A_351, %lt3A_354 : vector<16xi1>
      %add3A_356 = arith.constant 5 : i32
      %add3A_357 = arith.addi %arg1, %add3A_356 : i32
      %mul3A_358 = arith.constant 16 : i32
      %mul3A_359 = arith.muli %add3A_357, %mul3A_358 : i32
      %add3A_360 = vector.broadcast %mul3A_359 : i32 to vector<16xi32>
      %add3A_361 = arith.addi %iota3A_57, %add3A_360 : vector<16xi32>
      %jit3A_362 = arith.constant 120 : i32
      %eq3A_363 = arith.constant 0 : i32
      %eq3A_364 = arith.cmpi eq, %jit3A_362, %eq3A_363 : i32
      %jit3A_365 = arith.constant 1 : i32
      %select_n3A_366 = arith.select %eq3A_364, %jit3A_365, %jit3A_362 : i32
      %rem3A_367 = vector.broadcast %select_n3A_366 : i32 to vector<16xi32>
      %rem3A_368 = arith.remsi %add3A_361, %rem3A_367 : vector<16xi32>
      %ne3A_369 = arith.constant 0 : i32
      %ne3A_370 = vector.broadcast %ne3A_369 : i32 to vector<16xi32>
      %ne3A_371 = arith.cmpi ne, %rem3A_368, %ne3A_370 : vector<16xi32>
      %lt3A_372 = arith.constant 0 : i32
      %lt3A_373 = vector.broadcast %lt3A_372 : i32 to vector<16xi32>
      %lt3A_374 = arith.cmpi slt, %rem3A_368, %lt3A_373 : vector<16xi32>
      %lt3A_375 = arith.constant 0 : i32
      %lt3A_376 = arith.cmpi slt, %select_n3A_366, %lt3A_375 : i32
      %ne3A_377 = vector.broadcast %lt3A_376 : i1 to vector<16xi1>
      %ne3A_378 = vector.broadcast %ne3A_377 : vector<16xi1> to vector<16xi1>
      %ne3A_379 = arith.xori %lt3A_374, %ne3A_378 : vector<16xi1>
      %and3A_380 = arith.andi %ne3A_379, %ne3A_371 : vector<16xi1>
      %add3A_381 = vector.broadcast %select_n3A_366 : i32 to vector<16xi32>
      %add3A_382 = arith.addi %rem3A_368, %add3A_381 : vector<16xi32>
      %select_n3A_383 = arith.select %and3A_380, %add3A_382, %rem3A_368 : vector<16xi1>, vector<16xi32>
      %add3A_384 = arith.constant 5000 : i32
      %add3A_385 = vector.broadcast %add3A_384 : i32 to vector<16xi32>
      %add3A_386 = arith.addi %add3A_385, %select_n3A_383 : vector<16xi32>
      %select_n3A_387 = arith.select %and3A_355, %sub3A_348, %add3A_386 : vector<16xi1>, vector<16xi32>
      %swap3A_388 = arith.index_cast %scan3A_103 : i32 to index
      %swap3A_389 = arith.constant 80 : index
      %swap3A_390 = tpu.vector_load %arg8[%swap3A_388, %swap3A_389] {strides = array<i32>} : memref<40x128xi32, #tpu.memory_space<vmem>>, vector<1x16xi32>,
      %swap3A_391 = vector.shape_cast %swap3A_390 : vector<1x16xi32> to vector<16xi32>
      %swap3A_392 = vector.shape_cast %select_n3A_387 : vector<16xi32> to vector<1x16xi32>
      tpu.vector_store %arg8[%swap3A_388, %swap3A_389], %swap3A_392 {strides = array<i32>} : memref<40x128xi32, #tpu.memory_space<vmem>>, vector<1x16xi32>,
      %get3A_393 = arith.index_cast %scan3A_103 : i32 to index
      %get3A_394 = arith.constant 96 : index
      %get3A_395 = tpu.vector_load %arg8[%get3A_393, %get3A_394] {strides = array<i32>} : memref<40x128xi32, #tpu.memory_space<vmem>>, vector<1x16xi32>,
      %get3A_396 = vector.shape_cast %get3A_395 : vector<1x16xi32> to vector<16xi32>
      %sub3A_397 = vector.broadcast %mul3A_19 : i32 to vector<16xi32>
      %sub3A_398 = arith.subi %get3A_396, %sub3A_397 : vector<16xi32>
      %ge3A_399 = arith.constant 0 : i32
      %ge3A_400 = vector.broadcast %ge3A_399 : i32 to vector<16xi32>
      %ge3A_401 = arith.cmpi sge, %sub3A_398, %ge3A_400 : vector<16xi32>
      %lt3A_402 = arith.constant 5000 : i32
      %lt3A_403 = vector.broadcast %lt3A_402 : i32 to vector<16xi32>
      %lt3A_404 = arith.cmpi slt, %sub3A_398, %lt3A_403 : vector<16xi32>
      %and3A_405 = arith.andi %ge3A_401, %lt3A_404 : vector<16xi1>
      %add3A_406 = arith.constant 6 : i32
      %add3A_407 = arith.addi %arg1, %add3A_406 : i32
      %mul3A_408 = arith.constant 16 : i32
      %mul3A_409 = arith.muli %add3A_407, %mul3A_408 : i32
      %add3A_410 = vector.broadcast %mul3A_409 : i32 to vector<16xi32>
      %add3A_411 = arith.addi %iota3A_57, %add3A_410 : vector<16xi32>
      %jit3A_412 = arith.constant 120 : i32
      %eq3A_413 = arith.constant 0 : i32
      %eq3A_414 = arith.cmpi eq, %jit3A_412, %eq3A_413 : i32
      %jit3A_415 = arith.constant 1 : i32
      %select_n3A_416 = arith.select %eq3A_414, %jit3A_415, %jit3A_412 : i32
      %rem3A_417 = vector.broadcast %select_n3A_416 : i32 to vector<16xi32>
      %rem3A_418 = arith.remsi %add3A_411, %rem3A_417 : vector<16xi32>
      %ne3A_419 = arith.constant 0 : i32
      %ne3A_420 = vector.broadcast %ne3A_419 : i32 to vector<16xi32>
      %ne3A_421 = arith.cmpi ne, %rem3A_418, %ne3A_420 : vector<16xi32>
      %lt3A_422 = arith.constant 0 : i32
      %lt3A_423 = vector.broadcast %lt3A_422 : i32 to vector<16xi32>
      %lt3A_424 = arith.cmpi slt, %rem3A_418, %lt3A_423 : vector<16xi32>
      %lt3A_425 = arith.constant 0 : i32
      %lt3A_426 = arith.cmpi slt, %select_n3A_416, %lt3A_425 : i32
      %ne3A_427 = vector.broadcast %lt3A_426 : i1 to vector<16xi1>
      %ne3A_428 = vector.broadcast %ne3A_427 : vector<16xi1> to vector<16xi1>
      %ne3A_429 = arith.xori %lt3A_424, %ne3A_428 : vector<16xi1>
      %and3A_430 = arith.andi %ne3A_429, %ne3A_421 : vector<16xi1>
      %add3A_431 = vector.broadcast %select_n3A_416 : i32 to vector<16xi32>
      %add3A_432 = arith.addi %rem3A_418, %add3A_431 : vector<16xi32>
      %select_n3A_433 = arith.select %and3A_430, %add3A_432, %rem3A_418 : vector<16xi1>, vector<16xi32>
      %add3A_434 = arith.constant 5000 : i32
      %add3A_435 = vector.broadcast %add3A_434 : i32 to vector<16xi32>
      %add3A_436 = arith.addi %add3A_435, %select_n3A_433 : vector<16xi32>
      %select_n3A_437 = arith.select %and3A_405, %sub3A_398, %add3A_436 : vector<16xi1>, vector<16xi32>
      %swap3A_438 = arith.index_cast %scan3A_103 : i32 to index
      %swap3A_439 = arith.constant 96 : index
      %swap3A_440 = tpu.vector_load %arg8[%swap3A_438, %swap3A_439] {strides = array<i32>} : memref<40x128xi32, #tpu.memory_space<vmem>>, vector<1x16xi32>,
      %swap3A_441 = vector.shape_cast %swap3A_440 : vector<1x16xi32> to vector<16xi32>
      %swap3A_442 = vector.shape_cast %select_n3A_437 : vector<16xi32> to vector<1x16xi32>
      tpu.vector_store %arg8[%swap3A_438, %swap3A_439], %swap3A_442 {strides = array<i32>} : memref<40x128xi32, #tpu.memory_space<vmem>>, vector<1x16xi32>,
      %get3A_443 = arith.index_cast %scan3A_103 : i32 to index
      %get3A_444 = arith.constant 112 : index
      %get3A_445 = tpu.vector_load %arg8[%get3A_443, %get3A_444] {strides = array<i32>} : memref<40x128xi32, #tpu.memory_space<vmem>>, vector<1x16xi32>,
      %get3A_446 = vector.shape_cast %get3A_445 : vector<1x16xi32> to vector<16xi32>
      %sub3A_447 = vector.broadcast %mul3A_19 : i32 to vector<16xi32>
      %sub3A_448 = arith.subi %get3A_446, %sub3A_447 : vector<16xi32>
      %ge3A_449 = arith.constant 0 : i32
      %ge3A_450 = vector.broadcast %ge3A_449 : i32 to vector<16xi32>
      %ge3A_451 = arith.cmpi sge, %sub3A_448, %ge3A_450 : vector<16xi32>
      %lt3A_452 = arith.constant 5000 : i32
      %lt3A_453 = vector.broadcast %lt3A_452 : i32 to vector<16xi32>
      %lt3A_454 = arith.cmpi slt, %sub3A_448, %lt3A_453 : vector<16xi32>
      %and3A_455 = arith.andi %ge3A_451, %lt3A_454 : vector<16xi1>
      %add3A_456 = arith.constant 7 : i32
      %add3A_457 = arith.addi %arg1, %add3A_456 : i32
      %mul3A_458 = arith.constant 16 : i32
      %mul3A_459 = arith.muli %add3A_457, %mul3A_458 : i32
      %add3A_460 = vector.broadcast %mul3A_459 : i32 to vector<16xi32>
      %add3A_461 = arith.addi %iota3A_57, %add3A_460 : vector<16xi32>
      %jit3A_462 = arith.constant 120 : i32
      %eq3A_463 = arith.constant 0 : i32
      %eq3A_464 = arith.cmpi eq, %jit3A_462, %eq3A_463 : i32
      %jit3A_465 = arith.constant 1 : i32
      %select_n3A_466 = arith.select %eq3A_464, %jit3A_465, %jit3A_462 : i32
      %rem3A_467 = vector.broadcast %select_n3A_466 : i32 to vector<16xi32>
      %rem3A_468 = arith.remsi %add3A_461, %rem3A_467 : vector<16xi32>
      %ne3A_469 = arith.constant 0 : i32
      %ne3A_470 = vector.broadcast %ne3A_469 : i32 to vector<16xi32>
      %ne3A_471 = arith.cmpi ne, %rem3A_468, %ne3A_470 : vector<16xi32>
      %lt3A_472 = arith.constant 0 : i32
      %lt3A_473 = vector.broadcast %lt3A_472 : i32 to vector<16xi32>
      %lt3A_474 = arith.cmpi slt, %rem3A_468, %lt3A_473 : vector<16xi32>
      %lt3A_475 = arith.constant 0 : i32
      %lt3A_476 = arith.cmpi slt, %select_n3A_466, %lt3A_475 : i32
      %ne3A_477 = vector.broadcast %lt3A_476 : i1 to vector<16xi1>
      %ne3A_478 = vector.broadcast %ne3A_477 : vector<16xi1> to vector<16xi1>
      %ne3A_479 = arith.xori %lt3A_474, %ne3A_478 : vector<16xi1>
      %and3A_480 = arith.andi %ne3A_479, %ne3A_471 : vector<16xi1>
      %add3A_481 = vector.broadcast %select_n3A_466 : i32 to vector<16xi32>
      %add3A_482 = arith.addi %rem3A_468, %add3A_481 : vector<16xi32>
      %select_n3A_483 = arith.select %and3A_480, %add3A_482, %rem3A_468 : vector<16xi1>, vector<16xi32>
      %add3A_484 = arith.constant 5000 : i32
      %add3A_485 = vector.broadcast %add3A_484 : i32 to vector<16xi32>
      %add3A_486 = arith.addi %add3A_485, %select_n3A_483 : vector<16xi32>
      %select_n3A_487 = arith.select %and3A_455, %sub3A_448, %add3A_486 : vector<16xi1>, vector<16xi32>
      %swap3A_488 = arith.index_cast %scan3A_103 : i32 to index
      %swap3A_489 = arith.constant 112 : index
      %swap3A_490 = tpu.vector_load %arg8[%swap3A_488, %swap3A_489] {strides = array<i32>} : memref<40x128xi32, #tpu.memory_space<vmem>>, vector<1x16xi32>,
      %swap3A_491 = vector.shape_cast %swap3A_490 : vector<1x16xi32> to vector<16xi32>
      %swap3A_492 = vector.shape_cast %select_n3A_487 : vector<16xi32> to vector<1x16xi32>
      tpu.vector_store %arg8[%swap3A_488, %swap3A_489], %swap3A_492 {strides = array<i32>} : memref<40x128xi32, #tpu.memory_space<vmem>>, vector<1x16xi32>,
    }
    %scan3A_63 = arith.constant 40 : i32
    %dma_start3A_64 = arith.constant 0 : i32
    %dma_start3A_65 = arith.constant 0 : i32
    %dma_start3A_66 = tpu.memref_slice %arg7[%dma_start3A_64, %dma_start3A_65] : memref<40x128xi32, #tpu.memory_space<vmem>> -> memref<1x128xi32, #tpu.memory_space<vmem>>
    %dma_start3A_67 = tpu.memref_squeeze %dma_start3A_66 : memref<1x128xi32, #tpu.memory_space<vmem>> -> memref<128xi32, #tpu.memory_space<vmem>>
    %dma_start3A_68 = arith.constant 0 : i32
    %dma_start3A_69 = arith.constant 0 : i32
    %dma_start3A_70 = tpu.memref_slice %arg2[%dma_start3A_68, %dma_start3A_69] : memref<10000x128xf32, #tpu.memory_space<hbm>> -> memref<10000x128xf32, #tpu.memory_space<hbm>>
    tpu.enqueue_indirect_dma source(%dma_start3A_70 : memref<10000x128xf32, #tpu.memory_space<hbm>>) target(%arg9 : memref<128x128xf32, #tpu.memory_space<vmem>>) offsets(%dma_start3A_67 : memref<128xi32, #tpu.memory_space<vmem>>) semaphore(%arg15 : memref<!tpu.dma_semaphore, #tpu.memory_space<semaphore_mem>>)
    %scan3A_71 = arith.constant 0 : i32
    %scan3A_72 = arith.constant 0 : i32
    %scan3A_73 = arith.constant 20 : i32
    %scan3A_74 = arith.addi %scan3A_72, %scan3A_73 : i32
    %scan3A_75 = arith.constant 1 : i32
    scf.for %scan3A_103 = %scan3A_72 to %scan3A_74 step %scan3A_75  : i32 {
      %mul3A_104 = arith.constant 2 : i32
      %mul3A_105 = arith.muli %scan3A_103, %mul3A_104 : i32
      %add3A_106 = arith.constant 1 : i32
      %add3A_107 = arith.addi %mul3A_105, %add3A_106 : i32
      %dma_start3A_108 = arith.constant 0 : i32
      %dma_start3A_109 = tpu.memref_slice %arg7[%add3A_107, %dma_start3A_108] : memref<40x128xi32, #tpu.memory_space<vmem>> -> memref<1x128xi32, #tpu.memory_space<vmem>>
      %dma_start3A_110 = tpu.memref_squeeze %dma_start3A_109 : memref<1x128xi32, #tpu.memory_space<vmem>> -> memref<128xi32, #tpu.memory_space<vmem>>
      %dma_start3A_111 = arith.constant 0 : i32
      %dma_start3A_112 = arith.constant 0 : i32
      %dma_start3A_113 = tpu.memref_slice %arg2[%dma_start3A_111, %dma_start3A_112] : memref<10000x128xf32, #tpu.memory_space<hbm>> -> memref<10000x128xf32, #tpu.memory_space<hbm>>
      tpu.enqueue_indirect_dma source(%dma_start3A_113 : memref<10000x128xf32, #tpu.memory_space<hbm>>) target(%arg10 : memref<128x128xf32, #tpu.memory_space<vmem>>) offsets(%dma_start3A_110 : memref<128xi32, #tpu.memory_space<vmem>>) semaphore(%arg15 : memref<!tpu.dma_semaphore, #tpu.memory_space<semaphore_mem>>)
      %dma_wait3A_114 = arith.constant 0 : i32
      %dma_wait3A_115 = tpu.memref_slice %arg7[%mul3A_105, %dma_wait3A_114] : memref<40x128xi32, #tpu.memory_space<vmem>> -> memref<1x128xi32, #tpu.memory_space<vmem>>
      %dma_wait3A_116 = tpu.memref_squeeze %dma_wait3A_115 : memref<1x128xi32, #tpu.memory_space<vmem>> -> memref<128xi32, #tpu.memory_space<vmem>>
      %dma_wait3A_117 = arith.constant 0 : i32
      %dma_wait3A_118 = arith.constant 0 : i32
      %dma_wait3A_119 = tpu.memref_slice %arg2[%dma_wait3A_117, %dma_wait3A_118] : memref<10000x128xf32, #tpu.memory_space<hbm>> -> memref<10000x128xf32, #tpu.memory_space<hbm>>
      tpu.wait_indirect_dma semaphore(%arg15 : memref<!tpu.dma_semaphore, #tpu.memory_space<semaphore_mem>>) src(%dma_wait3A_119 : memref<10000x128xf32, #tpu.memory_space<hbm>>) dst(%arg9 : memref<128x128xf32, #tpu.memory_space<vmem>>)
      "tpu.region"() ({
        %run_scoped3A = tpu.sem_alloc : memref<!tpu.dma_semaphore, #tpu.memory_space<semaphore_mem>>
        %dma_start3A_149 = arith.constant 0 : i32
        %dma_start3A_150 = tpu.memref_slice %arg8[%mul3A_105, %dma_start3A_149] : memref<40x128xi32, #tpu.memory_space<vmem>> -> memref<1x128xi32, #tpu.memory_space<vmem>>
        %dma_start3A_151 = tpu.memref_squeeze %dma_start3A_150 : memref<1x128xi32, #tpu.memory_space<vmem>> -> memref<128xi32, #tpu.memory_space<vmem>>
        %dma_start3A_152 = arith.constant 0 : i32
        %dma_start3A_153 = arith.constant 0 : i32
        %dma_start3A_154 = tpu.memref_slice %arg13[%dma_start3A_152, %dma_start3A_153] : memref<5120x128xf32, #tpu.memory_space<vmem_shared>> -> memref<5120x128xf32, #tpu.memory_space<vmem_shared>>
        tpu.enqueue_indirect_dma source(%arg9 : memref<128x128xf32, #tpu.memory_space<vmem>>) target(%dma_start3A_154 : memref<5120x128xf32, #tpu.memory_space<vmem_shared>>) offsets(%dma_start3A_151 : memref<128xi32, #tpu.memory_space<vmem>>) semaphore(%run_scoped3A : memref<!tpu.dma_semaphore, #tpu.memory_space<semaphore_mem>>) {add = true}
        %dma_wait3A_155 = arith.constant 0 : i32
        %dma_wait3A_156 = tpu.memref_slice %arg8[%mul3A_105, %dma_wait3A_155] : memref<40x128xi32, #tpu.memory_space<vmem>> -> memref<1x128xi32, #tpu.memory_space<vmem>>
        %dma_wait3A_157 = tpu.memref_squeeze %dma_wait3A_156 : memref<1x128xi32, #tpu.memory_space<vmem>> -> memref<128xi32, #tpu.memory_space<vmem>>
        %dma_wait3A_158 = arith.constant 0 : i32
        %dma_wait3A_159 = arith.constant 0 : i32
        %dma_wait3A_160 = tpu.memref_slice %arg13[%dma_wait3A_158, %dma_wait3A_159] : memref<5120x128xf32, #tpu.memory_space<vmem_shared>> -> memref<5120x128xf32, #tpu.memory_space<vmem_shared>>
        tpu.wait_indirect_dma semaphore(%run_scoped3A : memref<!tpu.dma_semaphore, #tpu.memory_space<semaphore_mem>>) src(%arg9 : memref<128x128xf32, #tpu.memory_space<vmem>>) dst(%dma_wait3A_160 : memref<5120x128xf32, #tpu.memory_space<vmem_shared>>)
        tpu.yield
      }) : () -> ()
      %dma_start3A_120 = arith.constant 0 : i32
      %dma_start3A_121 = tpu.memref_slice %arg11[%dma_start3A_120] : memref<320xf32, #tpu.memory_space<vmem>> -> memref<128xf32, #tpu.memory_space<vmem>>
      %dma_start3A_122 = arith.constant 0 : i32
      %dma_start3A_123 = tpu.memref_slice %arg8[%mul3A_105, %dma_start3A_122] : memref<40x128xi32, #tpu.memory_space<vmem>> -> memref<1x128xi32, #tpu.memory_space<vmem>>
      %dma_start3A_124 = tpu.memref_squeeze %dma_start3A_123 : memref<1x128xi32, #tpu.memory_space<vmem>> -> memref<128xi32, #tpu.memory_space<vmem>>
      %dma_start3A_125 = arith.constant 0 : i32
      %dma_start3A_126 = tpu.memref_slice %arg14[%dma_start3A_125] : memref<5120xf32, #tpu.memory_space<vmem_shared>> -> memref<5120xf32, #tpu.memory_space<vmem_shared>>
      tpu.enqueue_indirect_dma source(%dma_start3A_121 : memref<128xf32, #tpu.memory_space<vmem>>) target(%dma_start3A_126 : memref<5120xf32, #tpu.memory_space<vmem_shared>>) offsets(%dma_start3A_124 : memref<128xi32, #tpu.memory_space<vmem>>) semaphore(%arg16 : memref<!tpu.dma_semaphore, #tpu.memory_space<semaphore_mem>>) {add = true}
      %add3A_127 = arith.constant 2 : i32
      %add3A_128 = arith.addi %mul3A_105, %add3A_127 : i32
      %min3A = arith.constant 39 : i32
      %min3A_129 = arith.minsi %add3A_128, %min3A : i32
      %dma_start3A_130 = arith.constant 0 : i32
      %dma_start3A_131 = tpu.memref_slice %arg7[%min3A_129, %dma_start3A_130] : memref<40x128xi32, #tpu.memory_space<vmem>> -> memref<1x128xi32, #tpu.memory_space<vmem>>
      %dma_start3A_132 = tpu.memref_squeeze %dma_start3A_131 : memref<1x128xi32, #tpu.memory_space<vmem>> -> memref<128xi32, #tpu.memory_space<vmem>>
      %dma_start3A_133 = arith.constant 0 : i32
      %dma_start3A_134 = arith.constant 0 : i32
      %dma_start3A_135 = tpu.memref_slice %arg2[%dma_start3A_133, %dma_start3A_134] : memref<10000x128xf32, #tpu.memory_space<hbm>> -> memref<10000x128xf32, #tpu.memory_space<hbm>>
      tpu.enqueue_indirect_dma source(%dma_start3A_135 : memref<10000x128xf32, #tpu.memory_space<hbm>>) target(%arg9 : memref<128x128xf32, #tpu.memory_space<vmem>>) offsets(%dma_start3A_132 : memref<128xi32, #tpu.memory_space<vmem>>) semaphore(%arg15 : memref<!tpu.dma_semaphore, #tpu.memory_space<semaphore_mem>>)
      %dma_wait3A_136 = arith.constant 0 : i32
      %dma_wait3A_137 = tpu.memref_slice %arg7[%add3A_107, %dma_wait3A_136] : memref<40x128xi32, #tpu.memory_space<vmem>> -> memref<1x128xi32, #tpu.memory_space<vmem>>
      %dma_wait3A_138 = tpu.memref_squeeze %dma_wait3A_137 : memref<1x128xi32, #tpu.memory_space<vmem>> -> memref<128xi32, #tpu.memory_space<vmem>>
      %dma_wait3A_139 = arith.constant 0 : i32
      %dma_wait3A_140 = arith.constant 0 : i32
      %dma_wait3A_141 = tpu.memref_slice %arg2[%dma_wait3A_139, %dma_wait3A_140] : memref<10000x128xf32, #tpu.memory_space<hbm>> -> memref<10000x128xf32, #tpu.memory_space<hbm>>
      tpu.wait_indirect_dma semaphore(%arg15 : memref<!tpu.dma_semaphore, #tpu.memory_space<semaphore_mem>>) src(%dma_wait3A_141 : memref<10000x128xf32, #tpu.memory_space<hbm>>) dst(%arg10 : memref<128x128xf32, #tpu.memory_space<vmem>>)
      "tpu.region"() ({
        %run_scoped3A = tpu.sem_alloc : memref<!tpu.dma_semaphore, #tpu.memory_space<semaphore_mem>>
        %dma_start3A_149 = arith.constant 0 : i32
        %dma_start3A_150 = tpu.memref_slice %arg8[%add3A_107, %dma_start3A_149] : memref<40x128xi32, #tpu.memory_space<vmem>> -> memref<1x128xi32, #tpu.memory_space<vmem>>
        %dma_start3A_151 = tpu.memref_squeeze %dma_start3A_150 : memref<1x128xi32, #tpu.memory_space<vmem>> -> memref<128xi32, #tpu.memory_space<vmem>>
        %dma_start3A_152 = arith.constant 0 : i32
        %dma_start3A_153 = arith.constant 0 : i32
        %dma_start3A_154 = tpu.memref_slice %arg13[%dma_start3A_152, %dma_start3A_153] : memref<5120x128xf32, #tpu.memory_space<vmem_shared>> -> memref<5120x128xf32, #tpu.memory_space<vmem_shared>>
        tpu.enqueue_indirect_dma source(%arg10 : memref<128x128xf32, #tpu.memory_space<vmem>>) target(%dma_start3A_154 : memref<5120x128xf32, #tpu.memory_space<vmem_shared>>) offsets(%dma_start3A_151 : memref<128xi32, #tpu.memory_space<vmem>>) semaphore(%run_scoped3A : memref<!tpu.dma_semaphore, #tpu.memory_space<semaphore_mem>>) {add = true}
        %dma_wait3A_155 = arith.constant 0 : i32
        %dma_wait3A_156 = tpu.memref_slice %arg8[%add3A_107, %dma_wait3A_155] : memref<40x128xi32, #tpu.memory_space<vmem>> -> memref<1x128xi32, #tpu.memory_space<vmem>>
        %dma_wait3A_157 = tpu.memref_squeeze %dma_wait3A_156 : memref<1x128xi32, #tpu.memory_space<vmem>> -> memref<128xi32, #tpu.memory_space<vmem>>
        %dma_wait3A_158 = arith.constant 0 : i32
        %dma_wait3A_159 = arith.constant 0 : i32
        %dma_wait3A_160 = tpu.memref_slice %arg13[%dma_wait3A_158, %dma_wait3A_159] : memref<5120x128xf32, #tpu.memory_space<vmem_shared>> -> memref<5120x128xf32, #tpu.memory_space<vmem_shared>>
        tpu.wait_indirect_dma semaphore(%run_scoped3A : memref<!tpu.dma_semaphore, #tpu.memory_space<semaphore_mem>>) src(%arg10 : memref<128x128xf32, #tpu.memory_space<vmem>>) dst(%dma_wait3A_160 : memref<5120x128xf32, #tpu.memory_space<vmem_shared>>)
        tpu.yield
      }) : () -> ()
      %dma_start3A_142 = arith.constant 0 : i32
      %dma_start3A_143 = tpu.memref_slice %arg11[%dma_start3A_142] : memref<320xf32, #tpu.memory_space<vmem>> -> memref<128xf32, #tpu.memory_space<vmem>>
      %dma_start3A_144 = arith.constant 0 : i32
      %dma_start3A_145 = tpu.memref_slice %arg8[%add3A_107, %dma_start3A_144] : memref<40x128xi32, #tpu.memory_space<vmem>> -> memref<1x128xi32, #tpu.memory_space<vmem>>
      %dma_start3A_146 = tpu.memref_squeeze %dma_start3A_145 : memref<1x128xi32, #tpu.memory_space<vmem>> -> memref<128xi32, #tpu.memory_space<vmem>>
      %dma_start3A_147 = arith.constant 0 : i32
      %dma_start3A_148 = tpu.memref_slice %arg14[%dma_start3A_147] : memref<5120xf32, #tpu.memory_space<vmem_shared>> -> memref<5120xf32, #tpu.memory_space<vmem_shared>>
      tpu.enqueue_indirect_dma source(%dma_start3A_143 : memref<128xf32, #tpu.memory_space<vmem>>) target(%dma_start3A_148 : memref<5120xf32, #tpu.memory_space<vmem_shared>>) offsets(%dma_start3A_146 : memref<128xi32, #tpu.memory_space<vmem>>) semaphore(%arg16 : memref<!tpu.dma_semaphore, #tpu.memory_space<semaphore_mem>>) {add = true}
    }
    %scan3A_76 = arith.constant 20 : i32
    %dma_wait3A_77 = arith.constant 0 : i32
    %dma_wait3A_78 = arith.constant 0 : i32
    %dma_wait3A_79 = tpu.memref_slice %arg7[%dma_wait3A_77, %dma_wait3A_78] : memref<40x128xi32, #tpu.memory_space<vmem>> -> memref<1x128xi32, #tpu.memory_space<vmem>>
    %dma_wait3A_80 = tpu.memref_squeeze %dma_wait3A_79 : memref<1x128xi32, #tpu.memory_space<vmem>> -> memref<128xi32, #tpu.memory_space<vmem>>
    %dma_wait3A_81 = arith.constant 0 : i32
    %dma_wait3A_82 = arith.constant 0 : i32
    %dma_wait3A_83 = tpu.memref_slice %arg2[%dma_wait3A_81, %dma_wait3A_82] : memref<10000x128xf32, #tpu.memory_space<hbm>> -> memref<10000x128xf32, #tpu.memory_space<hbm>>
    tpu.wait_indirect_dma semaphore(%arg15 : memref<!tpu.dma_semaphore, #tpu.memory_space<semaphore_mem>>) src(%dma_wait3A_83 : memref<10000x128xf32, #tpu.memory_space<hbm>>) dst(%arg9 : memref<128x128xf32, #tpu.memory_space<vmem>>)
    %scan3A_84 = arith.constant 0 : i32
    %scan3A_85 = arith.constant 0 : i32
    %scan3A_86 = arith.constant 40 : i32
    %scan3A_87 = arith.addi %scan3A_85, %scan3A_86 : i32
    %scan3A_88 = arith.constant 1 : i32
    scf.for %scan3A_103 = %scan3A_85 to %scan3A_87 step %scan3A_88  : i32 {
      %dma_wait3A_104 = arith.constant 0 : i32
      %dma_wait3A_105 = tpu.memref_slice %arg11[%dma_wait3A_104] : memref<320xf32, #tpu.memory_space<vmem>> -> memref<128xf32, #tpu.memory_space<vmem>>
      %dma_wait3A_106 = arith.constant 0 : i32
      %dma_wait3A_107 = tpu.memref_slice %arg14[%dma_wait3A_106] : memref<5120xf32, #tpu.memory_space<vmem_shared>> -> memref<128xf32, #tpu.memory_space<vmem_shared>>
      %dma_wait3A_108 = arith.constant 0 : i32
      %dma_wait3A_109 = tpu.memref_slice %arg14[%dma_wait3A_108] : memref<5120xf32, #tpu.memory_space<vmem_shared>> -> memref<128xf32, #tpu.memory_space<vmem_shared>>
      %dma_wait3A_110 = arith.constant 0 : i32
      %dma_wait3A_111 = tpu.memref_slice %arg11[%dma_wait3A_110] : memref<320xf32, #tpu.memory_space<vmem>> -> memref<128xf32, #tpu.memory_space<vmem>>
      tpu.wait_dma2 semaphore(%arg16 : memref<!tpu.dma_semaphore, #tpu.memory_space<semaphore_mem>>) src(%dma_wait3A_111 : memref<128xf32, #tpu.memory_space<vmem>>) dst(%dma_wait3A_109 : memref<128xf32, #tpu.memory_space<vmem_shared>>)
    }
    %scan3A_89 = arith.constant 40 : i32
    %barrier3A_90 = arith.constant 0 : index
    tpu.barrier barrier_id(%barrier3A_90)
    %mul3A_91 = arith.constant 320 : i32
    %mul3A_92 = arith.muli %arg1, %mul3A_91 : i32
    %mul3A_93 = arith.constant 5120 : i32
    %mul3A_94 = arith.muli %arg0, %mul3A_93 : i32
    %add3A_95 = arith.addi %mul3A_94, %mul3A_92 : i32
    "tpu.region"() ({
      %run_scoped3A = tpu.sem_alloc : memref<!tpu.dma_semaphore, #tpu.memory_space<semaphore_mem>>
      %dma_start3A_103 = arith.constant 0 : i32
      %dma_start3A_104 = tpu.memref_slice %arg5[%add3A_95, %dma_start3A_103] : memref<10240x128xf32, #tpu.memory_space<hbm>> -> memref<320x128xf32, #tpu.memory_space<hbm>>
      %dma_start3A_105 = arith.constant 0 : i32
      %dma_start3A_106 = tpu.memref_slice %arg13[%mul3A_92, %dma_start3A_105] : memref<5120x128xf32, #tpu.memory_space<vmem_shared>> -> memref<320x128xf32, #tpu.memory_space<vmem_shared>>
      tpu.enqueue_dma source(%dma_start3A_106 : memref<320x128xf32, #tpu.memory_space<vmem_shared>>) target(%dma_start3A_104 : memref<320x128xf32, #tpu.memory_space<hbm>>) target_semaphore(%run_scoped3A : memref<!tpu.dma_semaphore, #tpu.memory_space<semaphore_mem>>)
      %dma_wait3A_107 = arith.constant 0 : i32
      %dma_wait3A_108 = tpu.memref_slice %arg5[%add3A_95, %dma_wait3A_107] : memref<10240x128xf32, #tpu.memory_space<hbm>> -> memref<320x128xf32, #tpu.memory_space<hbm>>
      %dma_wait3A_109 = arith.constant 0 : i32
      %dma_wait3A_110 = tpu.memref_slice %arg13[%mul3A_92, %dma_wait3A_109] : memref<5120x128xf32, #tpu.memory_space<vmem_shared>> -> memref<320x128xf32, #tpu.memory_space<vmem_shared>>
      tpu.wait_dma2 semaphore(%run_scoped3A : memref<!tpu.dma_semaphore, #tpu.memory_space<semaphore_mem>>) src(%dma_wait3A_110 : memref<320x128xf32, #tpu.memory_space<vmem_shared>>) dst(%dma_wait3A_108 : memref<320x128xf32, #tpu.memory_space<hbm>>)
      tpu.yield
    }) : () -> ()
    %mul3A_96 = arith.constant 320 : i32
    %mul3A_97 = arith.muli %arg1, %mul3A_96 : i32
    "tpu.region"() ({
      %run_scoped3A = tpu.sem_alloc : memref<!tpu.dma_semaphore, #tpu.memory_space<semaphore_mem>>
      %dma_start3A_103 = tpu.memref_slice %arg14[%mul3A_97] : memref<5120xf32, #tpu.memory_space<vmem_shared>> -> memref<320xf32, #tpu.memory_space<vmem_shared>>
      %dma_start3A_104 = tpu.memref_slice %arg14[%mul3A_97] : memref<5120xf32, #tpu.memory_space<vmem_shared>> -> memref<320xf32, #tpu.memory_space<vmem_shared>>
      tpu.enqueue_dma source(%dma_start3A_104 : memref<320xf32, #tpu.memory_space<vmem_shared>>) target(%arg12 : memref<320xf32, #tpu.memory_space<vmem>>) target_semaphore(%run_scoped3A : memref<!tpu.dma_semaphore, #tpu.memory_space<semaphore_mem>>)
      %dma_wait3A_105 = tpu.memref_slice %arg14[%mul3A_97] : memref<5120xf32, #tpu.memory_space<vmem_shared>> -> memref<320xf32, #tpu.memory_space<vmem_shared>>
      %dma_wait3A_106 = tpu.memref_slice %arg14[%mul3A_97] : memref<5120xf32, #tpu.memory_space<vmem_shared>> -> memref<320xf32, #tpu.memory_space<vmem_shared>>
      tpu.wait_dma2 semaphore(%run_scoped3A : memref<!tpu.dma_semaphore, #tpu.memory_space<semaphore_mem>>) src(%dma_wait3A_106 : memref<320xf32, #tpu.memory_space<vmem_shared>>) dst(%arg12 : memref<320xf32, #tpu.memory_space<vmem>>)
      tpu.yield
    }) : () -> ()
    %mul3A_98 = arith.constant 5120 : i32
    %mul3A_99 = arith.muli %arg0, %mul3A_98 : i32
    %mul3A_100 = arith.constant 320 : i32
    %mul3A_101 = arith.muli %arg1, %mul3A_100 : i32
    %add3A_102 = arith.addi %mul3A_99, %mul3A_101 : i32
    "tpu.region"() ({
      %run_scoped3A = tpu.sem_alloc : memref<!tpu.dma_semaphore, #tpu.memory_space<semaphore_mem>>
      %dma_start3A_103 = tpu.memref_slice %arg6[%add3A_102] : memref<10240xf32, #tpu.memory_space<hbm>> -> memref<320xf32, #tpu.memory_space<hbm>>
      %dma_start3A_104 = tpu.memref_slice %arg6[%add3A_102] : memref<10240xf32, #tpu.memory_space<hbm>> -> memref<320xf32, #tpu.memory_space<hbm>>
      tpu.enqueue_dma source(%arg12 : memref<320xf32, #tpu.memory_space<vmem>>) target(%dma_start3A_104 : memref<320xf32, #tpu.memory_space<hbm>>) target_semaphore(%run_scoped3A : memref<!tpu.dma_semaphore, #tpu.memory_space<semaphore_mem>>)
      %dma_wait3A_105 = tpu.memref_slice %arg6[%add3A_102] : memref<10240xf32, #tpu.memory_space<hbm>> -> memref<320xf32, #tpu.memory_space<hbm>>
      %dma_wait3A_106 = tpu.memref_slice %arg6[%add3A_102] : memref<10240xf32, #tpu.memory_space<hbm>> -> memref<320xf32, #tpu.memory_space<hbm>>
      tpu.wait_dma2 semaphore(%run_scoped3A : memref<!tpu.dma_semaphore, #tpu.memory_space<semaphore_mem>>) src(%arg12 : memref<320xf32, #tpu.memory_space<vmem>>) dst(%dma_wait3A_106 : memref<320xf32, #tpu.memory_space<hbm>>)
      tpu.yield
    }) : () -> ()
    return
  }
}

#map = affine_map<(d0, d1) -> (0, 0)>
#map1 = affine_map<(d0, d1) -> (0)>
module attributes {stable_mosaic.version = 14 : i64} {
  func.func @_seg_sum_body(%arg0: i32, %arg1: i32, %arg2: memref<10000x128xf32, #tpu.memory_space<hbm>>, %arg3: memref<1280x128xi32, #tpu.memory_space<hbm>>, %arg4: memref<1280x128xi32, #tpu.memory_space<hbm>>, %arg5: memref<10240x128xf32, #tpu.memory_space<hbm>>, %arg6: memref<10240xf32, #tpu.memory_space<hbm>>, %arg7: memref<40x128xi32, #tpu.memory_space<vmem>>, %arg8: memref<40x128xi32, #tpu.memory_space<vmem>>, %arg9: memref<128x128xf32, #tpu.memory_space<vmem>>, %arg10: memref<128x128xf32, #tpu.memory_space<vmem>>, %arg11: memref<320xf32, #tpu.memory_space<vmem>>, %arg12: memref<320xf32, #tpu.memory_space<vmem>>, %arg13: memref<5120x128xf32, #tpu.memory_space<vmem_shared>>, %arg14: memref<5120xf32, #tpu.memory_space<vmem_shared>>, %arg15: memref<!tpu.dma_semaphore, #tpu.memory_space<semaphore_mem>>, %arg16: memref<!tpu.dma_semaphore, #tpu.memory_space<semaphore_mem>>) attributes {dimension_semantics = [#tpu.dimension_semantics<core_parallel>, #tpu.dimension_semantics<subcore_parallel>], iteration_bounds = array<i64: 2, 16>, scalar_prefetch = 0 : i64, scratch_operands = 10 : i64, tpu.core_type = #tpu.core_type<sc_vector_subcore>, window_params = [{transform_indices = #map}, {transform_indices = #map}, {transform_indices = #map}, {transform_indices = #map}, {transform_indices = #map1}]} {
    %scan3A = arith.constant 0 : i32
    %scan3A_0 = arith.constant 0 : i32
    %scan3A_1 = arith.constant 128 : i32
    %scan3A_2 = arith.addi %scan3A_0, %scan3A_1 : i32
    %scan3A_3 = arith.constant 1 : i32
    scf.for %scan3A_103 = %scan3A_0 to %scan3A_2 step %scan3A_3  : i32 {
      %broadcast_in_dim3A = arith.constant 0.000000e+00 : f32
      %broadcast_in_dim3A_104 = vector.broadcast %broadcast_in_dim3A : f32 to vector<16xf32>
      %swap3A = arith.index_cast %scan3A_103 : i32 to index
      %swap3A_105 = arith.constant 0 : index
      %swap3A_106 = tpu.vector_load %arg9[%swap3A, %swap3A_105] {strides = array<i32>} : memref<128x128xf32, #tpu.memory_space<vmem>>, vector<1x16xf32>,
      %swap3A_107 = vector.shape_cast %swap3A_106 : vector<1x16xf32> to vector<16xf32>
      %swap3A_108 = vector.shape_cast %broadcast_in_dim3A_104 : vector<16xf32> to vector<1x16xf32>
      tpu.vector_store %arg9[%swap3A, %swap3A_105], %swap3A_108 {strides = array<i32>} : memref<128x128xf32, #tpu.memory_space<vmem>>, vector<1x16xf32>,
      %broadcast_in_dim3A_109 = arith.constant 0.000000e+00 : f32
      %broadcast_in_dim3A_110 = vector.broadcast %broadcast_in_dim3A_109 : f32 to vector<16xf32>
      %swap3A_111 = arith.index_cast %scan3A_103 : i32 to index
      %swap3A_112 = arith.constant 16 : index
      %swap3A_113 = tpu.vector_load %arg9[%swap3A_111, %swap3A_112] {strides = array<i32>} : memref<128x128xf32, #tpu.memory_space<vmem>>, vector<1x16xf32>,
      %swap3A_114 = vector.shape_cast %swap3A_113 : vector<1x16xf32> to vector<16xf32>
      %swap3A_115 = vector.shape_cast %broadcast_in_dim3A_110 : vector<16xf32> to vector<1x16xf32>
      tpu.vector_store %arg9[%swap3A_111, %swap3A_112], %swap3A_115 {strides = array<i32>} : memref<128x128xf32, #tpu.memory_space<vmem>>, vector<1x16xf32>,
      %broadcast_in_dim3A_116 = arith.constant 0.000000e+00 : f32
      %broadcast_in_dim3A_117 = vector.broadcast %broadcast_in_dim3A_116 : f32 to vector<16xf32>
      %swap3A_118 = arith.index_cast %scan3A_103 : i32 to index
      %swap3A_119 = arith.constant 32 : index
      %swap3A_120 = tpu.vector_load %arg9[%swap3A_118, %swap3A_119] {strides = array<i32>} : memref<128x128xf32, #tpu.memory_space<vmem>>, vector<1x16xf32>,
      %swap3A_121 = vector.shape_cast %swap3A_120 : vector<1x16xf32> to vector<16xf32>
      %swap3A_122 = vector.shape_cast %broadcast_in_dim3A_117 : vector<16xf32> to vector<1x16xf32>
      tpu.vector_store %arg9[%swap3A_118, %swap3A_119], %swap3A_122 {strides = array<i32>} : memref<128x128xf32, #tpu.memory_space<vmem>>, vector<1x16xf32>,
      %broadcast_in_dim3A_123 = arith.constant 0.000000e+00 : f32
      %broadcast_in_dim3A_124 = vector.broadcast %broadcast_in_dim3A_123 : f32 to vector<16xf32>
      %swap3A_125 = arith.index_cast %scan3A_103 : i32 to index
      %swap3A_126 = arith.constant 48 : index
      %swap3A_127 = tpu.vector_load %arg9[%swap3A_125, %swap3A_126] {strides = array<i32>} : memref<128x128xf32, #tpu.memory_space<vmem>>, vector<1x16xf32>,
      %swap3A_128 = vector.shape_cast %swap3A_127 : vector<1x16xf32> to vector<16xf32>
      %swap3A_129 = vector.shape_cast %broadcast_in_dim3A_124 : vector<16xf32> to vector<1x16xf32>
      tpu.vector_store %arg9[%swap3A_125, %swap3A_126], %swap3A_129 {strides = array<i32>} : memref<128x128xf32, #tpu.memory_space<vmem>>, vector<1x16xf32>,
      %broadcast_in_dim3A_130 = arith.constant 0.000000e+00 : f32
      %broadcast_in_dim3A_131 = vector.broadcast %broadcast_in_dim3A_130 : f32 to vector<16xf32>
      %swap3A_132 = arith.index_cast %scan3A_103 : i32 to index
      %swap3A_133 = arith.constant 64 : index
      %swap3A_134 = tpu.vector_load %arg9[%swap3A_132, %swap3A_133] {strides = array<i32>} : memref<128x128xf32, #tpu.memory_space<vmem>>, vector<1x16xf32>,
      %swap3A_135 = vector.shape_cast %swap3A_134 : vector<1x16xf32> to vector<16xf32>
      %swap3A_136 = vector.shape_cast %broadcast_in_dim3A_131 : vector<16xf32> to vector<1x16xf32>
      tpu.vector_store %arg9[%swap3A_132, %swap3A_133], %swap3A_136 {strides = array<i32>} : memref<128x128xf32, #tpu.memory_space<vmem>>, vector<1x16xf32>,
      %broadcast_in_dim3A_137 = arith.constant 0.000000e+00 : f32
      %broadcast_in_dim3A_138 = vector.broadcast %broadcast_in_dim3A_137 : f32 to vector<16xf32>
      %swap3A_139 = arith.index_cast %scan3A_103 : i32 to index
      %swap3A_140 = arith.constant 80 : index
      %swap3A_141 = tpu.vector_load %arg9[%swap3A_139, %swap3A_140] {strides = array<i32>} : memref<128x128xf32, #tpu.memory_space<vmem>>, vector<1x16xf32>,
      %swap3A_142 = vector.shape_cast %swap3A_141 : vector<1x16xf32> to vector<16xf32>
      %swap3A_143 = vector.shape_cast %broadcast_in_dim3A_138 : vector<16xf32> to vector<1x16xf32>
      tpu.vector_store %arg9[%swap3A_139, %swap3A_140], %swap3A_143 {strides = array<i32>} : memref<128x128xf32, #tpu.memory_space<vmem>>, vector<1x16xf32>,
      %broadcast_in_dim3A_144 = arith.constant 0.000000e+00 : f32
      %broadcast_in_dim3A_145 = vector.broadcast %broadcast_in_dim3A_144 : f32 to vector<16xf32>
      %swap3A_146 = arith.index_cast %scan3A_103 : i32 to index
      %swap3A_147 = arith.constant 96 : index
      %swap3A_148 = tpu.vector_load %arg9[%swap3A_146, %swap3A_147] {strides = array<i32>} : memref<128x128xf32, #tpu.memory_space<vmem>>, vector<1x16xf32>,
      %swap3A_149 = vector.shape_cast %swap3A_148 : vector<1x16xf32> to vector<16xf32>
      %swap3A_150 = vector.shape_cast %broadcast_in_dim3A_145 : vector<16xf32> to vector<1x16xf32>
      tpu.vector_store %arg9[%swap3A_146, %swap3A_147], %swap3A_150 {strides = array<i32>} : memref<128x128xf32, #tpu.memory_space<vmem>>, vector<1x16xf32>,
      %broadcast_in_dim3A_151 = arith.constant 0.000000e+00 : f32
      %broadcast_in_dim3A_152 = vector.broadcast %broadcast_in_dim3A_151 : f32 to vector<16xf32>
      %swap3A_153 = arith.index_cast %scan3A_103 : i32 to index
      %swap3A_154 = arith.constant 112 : index
      %swap3A_155 = tpu.vector_load %arg9[%swap3A_153, %swap3A_154] {strides = array<i32>} : memref<128x128xf32, #tpu.memory_space<vmem>>, vector<1x16xf32>,
      %swap3A_156 = vector.shape_cast %swap3A_155 : vector<1x16xf32> to vector<16xf32>
      %swap3A_157 = vector.shape_cast %broadcast_in_dim3A_152 : vector<16xf32> to vector<1x16xf32>
      tpu.vector_store %arg9[%swap3A_153, %swap3A_154], %swap3A_157 {strides = array<i32>} : memref<128x128xf32, #tpu.memory_space<vmem>>, vector<1x16xf32>,
    }
    %scan3A_4 = arith.constant 128 : i32
    %scan3A_5 = arith.constant 0 : i32
    %scan3A_6 = arith.constant 0 : i32
    %scan3A_7 = arith.constant 20 : i32
    %scan3A_8 = arith.addi %scan3A_6, %scan3A_7 : i32
    %scan3A_9 = arith.constant 1 : i32
    scf.for %scan3A_103 = %scan3A_6 to %scan3A_8 step %scan3A_9  : i32 {
      %broadcast_in_dim3A = arith.constant 0.000000e+00 : f32
      %broadcast_in_dim3A_104 = vector.broadcast %broadcast_in_dim3A : f32 to vector<16xf32>
      %mul3A_105 = arith.constant 16 : i32
      %mul3A_106 = arith.muli %scan3A_103, %mul3A_105 : i32
      %swap3A = arith.index_cast %mul3A_106 : i32 to index
      %swap3A_107 = tpu.vector_load %arg12[%swap3A] {strides = array<i32>} : memref<320xf32, #tpu.memory_space<vmem>>, vector<16xf32>,
      %swap3A_108 = vector.shape_cast %swap3A_107 : vector<16xf32> to vector<16xf32>
      %swap3A_109 = vector.shape_cast %broadcast_in_dim3A_104 : vector<16xf32> to vector<16xf32>
      tpu.vector_store %arg12[%swap3A], %swap3A_109 {strides = array<i32>} : memref<320xf32, #tpu.memory_space<vmem>>, vector<16xf32>,
      %broadcast_in_dim3A_110 = arith.constant 1.000000e+00 : f32
      %broadcast_in_dim3A_111 = vector.broadcast %broadcast_in_dim3A_110 : f32 to vector<16xf32>
      %mul3A_112 = arith.constant 16 : i32
      %mul3A_113 = arith.muli %scan3A_103, %mul3A_112 : i32
      %swap3A_114 = arith.index_cast %mul3A_113 : i32 to index
      %swap3A_115 = tpu.vector_load %arg11[%swap3A_114] {strides = array<i32>} : memref<320xf32, #tpu.memory_space<vmem>>, vector<16xf32>,
      %swap3A_116 = vector.shape_cast %swap3A_115 : vector<16xf32> to vector<16xf32>
      %swap3A_117 = vector.shape_cast %broadcast_in_dim3A_111 : vector<16xf32> to vector<16xf32>
      tpu.vector_store %arg11[%swap3A_114], %swap3A_117 {strides = array<i32>} : memref<320xf32, #tpu.memory_space<vmem>>, vector<16xf32>,
    }
    %scan3A_10 = arith.constant 20 : i32
    %scan3A_11 = arith.constant 0 : i32
    %scan3A_12 = arith.constant 0 : i32
    %scan3A_13 = arith.constant 4 : i32
    %scan3A_14 = arith.addi %scan3A_12, %scan3A_13 : i32
    %scan3A_15 = arith.constant 1 : i32
    scf.for %scan3A_103 = %scan3A_12 to %scan3A_14 step %scan3A_15  : i32 {
      %mul3A_104 = arith.constant 320 : i32
      %mul3A_105 = arith.muli %arg1, %mul3A_104 : i32
      %mul3A_106 = arith.constant 80 : i32
      %mul3A_107 = arith.muli %scan3A_103, %mul3A_106 : i32
      %add3A_108 = arith.addi %mul3A_105, %mul3A_107 : i32
      "tpu.region"() ({
        %run_scoped3A = tpu.sem_alloc : memref<!tpu.dma_semaphore, #tpu.memory_space<semaphore_mem>>
        %dma_start3A_109 = arith.constant 0 : i32
        %dma_start3A_110 = arith.constant 0 : i32
        %dma_start3A_111 = tpu.memref_slice %arg9[%dma_start3A_109, %dma_start3A_110] : memref<128x128xf32, #tpu.memory_space<vmem>> -> memref<80x128xf32, #tpu.memory_space<vmem>>
        %dma_start3A_112 = arith.constant 0 : i32
        %dma_start3A_113 = tpu.memref_slice %arg13[%add3A_108, %dma_start3A_112] : memref<5120x128xf32, #tpu.memory_space<vmem_shared>> -> memref<80x128xf32, #tpu.memory_space<vmem_shared>>
        %dma_start3A_114 = arith.constant 0 : i32
        %dma_start3A_115 = tpu.memref_slice %arg13[%add3A_108, %dma_start3A_114] : memref<5120x128xf32, #tpu.memory_space<vmem_shared>> -> memref<80x128xf32, #tpu.memory_space<vmem_shared>>
        %dma_start3A_116 = arith.constant 0 : i32
        %dma_start3A_117 = arith.constant 0 : i32
        %dma_start3A_118 = tpu.memref_slice %arg9[%dma_start3A_116, %dma_start3A_117] : memref<128x128xf32, #tpu.memory_space<vmem>> -> memref<80x128xf32, #tpu.memory_space<vmem>>
        tpu.enqueue_dma source(%dma_start3A_118 : memref<80x128xf32, #tpu.memory_space<vmem>>) target(%dma_start3A_115 : memref<80x128xf32, #tpu.memory_space<vmem_shared>>) target_semaphore(%run_scoped3A : memref<!tpu.dma_semaphore, #tpu.memory_space<semaphore_mem>>)
        %dma_wait3A_119 = arith.constant 0 : i32
        %dma_wait3A_120 = arith.constant 0 : i32
        %dma_wait3A_121 = tpu.memref_slice %arg9[%dma_wait3A_119, %dma_wait3A_120] : memref<128x128xf32, #tpu.memory_space<vmem>> -> memref<80x128xf32, #tpu.memory_space<vmem>>
        %dma_wait3A_122 = arith.constant 0 : i32
        %dma_wait3A_123 = tpu.memref_slice %arg13[%add3A_108, %dma_wait3A_122] : memref<5120x128xf32, #tpu.memory_space<vmem_shared>> -> memref<80x128xf32, #tpu.memory_space<vmem_shared>>
        %dma_wait3A_124 = arith.constant 0 : i32
        %dma_wait3A_125 = tpu.memref_slice %arg13[%add3A_108, %dma_wait3A_124] : memref<5120x128xf32, #tpu.memory_space<vmem_shared>> -> memref<80x128xf32, #tpu.memory_space<vmem_shared>>
        %dma_wait3A_126 = arith.constant 0 : i32
        %dma_wait3A_127 = arith.constant 0 : i32
        %dma_wait3A_128 = tpu.memref_slice %arg9[%dma_wait3A_126, %dma_wait3A_127] : memref<128x128xf32, #tpu.memory_space<vmem>> -> memref<80x128xf32, #tpu.memory_space<vmem>>
        tpu.wait_dma2 semaphore(%run_scoped3A : memref<!tpu.dma_semaphore, #tpu.memory_space<semaphore_mem>>) src(%dma_wait3A_128 : memref<80x128xf32, #tpu.memory_space<vmem>>) dst(%dma_wait3A_125 : memref<80x128xf32, #tpu.memory_space<vmem_shared>>)
        tpu.yield
      }) : () -> ()
    }
    %scan3A_16 = arith.constant 4 : i32
    %mul3A = arith.constant 320 : i32
    %mul3A_17 = arith.muli %arg1, %mul3A : i32
    "tpu.region"() ({
      %run_scoped3A = tpu.sem_alloc : memref<!tpu.dma_semaphore, #tpu.memory_space<semaphore_mem>>
      %dma_start3A_103 = tpu.memref_slice %arg14[%mul3A_17] : memref<5120xf32, #tpu.memory_space<vmem_shared>> -> memref<320xf32, #tpu.memory_space<vmem_shared>>
      %dma_start3A_104 = tpu.memref_slice %arg14[%mul3A_17] : memref<5120xf32, #tpu.memory_space<vmem_shared>> -> memref<320xf32, #tpu.memory_space<vmem_shared>>
      tpu.enqueue_dma source(%arg12 : memref<320xf32, #tpu.memory_space<vmem>>) target(%dma_start3A_104 : memref<320xf32, #tpu.memory_space<vmem_shared>>) target_semaphore(%run_scoped3A : memref<!tpu.dma_semaphore, #tpu.memory_space<semaphore_mem>>)
      %dma_wait3A_105 = tpu.memref_slice %arg14[%mul3A_17] : memref<5120xf32, #tpu.memory_space<vmem_shared>> -> memref<320xf32, #tpu.memory_space<vmem_shared>>
      %dma_wait3A_106 = tpu.memref_slice %arg14[%mul3A_17] : memref<5120xf32, #tpu.memory_space<vmem_shared>> -> memref<320xf32, #tpu.memory_space<vmem_shared>>
      tpu.wait_dma2 semaphore(%run_scoped3A : memref<!tpu.dma_semaphore, #tpu.memory_space<semaphore_mem>>) src(%arg12 : memref<320xf32, #tpu.memory_space<vmem>>) dst(%dma_wait3A_106 : memref<320xf32, #tpu.memory_space<vmem_shared>>)
      tpu.yield
    }) : () -> ()
    %barrier3A = arith.constant 0 : index
    tpu.barrier barrier_id(%barrier3A)
    %mul3A_18 = arith.constant 5000 : i32
    %mul3A_19 = arith.muli %arg0, %mul3A_18 : i32
    %mul3A_20 = arith.constant 80 : i32
    %mul3A_21 = arith.muli %arg1, %mul3A_20 : i32
    %add3A = arith.constant 0 : i32
    %add3A_22 = arith.addi %mul3A_21, %add3A : i32
    "tpu.region"() ({
      %run_scoped3A = tpu.sem_alloc : memref<!tpu.dma_semaphore, #tpu.memory_space<semaphore_mem>>
      %dma_start3A_103 = arith.constant 0 : i32
      %dma_start3A_104 = tpu.memref_slice %arg3[%add3A_22, %dma_start3A_103] : memref<1280x128xi32, #tpu.memory_space<hbm>> -> memref<40x128xi32, #tpu.memory_space<hbm>>
      %dma_start3A_105 = arith.constant 0 : i32
      %dma_start3A_106 = tpu.memref_slice %arg3[%add3A_22, %dma_start3A_105] : memref<1280x128xi32, #tpu.memory_space<hbm>> -> memref<40x128xi32, #tpu.memory_space<hbm>>
      tpu.enqueue_dma source(%dma_start3A_106 : memref<40x128xi32, #tpu.memory_space<hbm>>) target(%arg7 : memref<40x128xi32, #tpu.memory_space<vmem>>) target_semaphore(%run_scoped3A : memref<!tpu.dma_semaphore, #tpu.memory_space<semaphore_mem>>)
      %dma_wait3A_107 = arith.constant 0 : i32
      %dma_wait3A_108 = tpu.memref_slice %arg3[%add3A_22, %dma_wait3A_107] : memref<1280x128xi32, #tpu.memory_space<hbm>> -> memref<40x128xi32, #tpu.memory_space<hbm>>
      %dma_wait3A_109 = arith.constant 0 : i32
      %dma_wait3A_110 = tpu.memref_slice %arg3[%add3A_22, %dma_wait3A_109] : memref<1280x128xi32, #tpu.memory_space<hbm>> -> memref<40x128xi32, #tpu.memory_space<hbm>>
      tpu.wait_dma2 semaphore(%run_scoped3A : memref<!tpu.dma_semaphore, #tpu.memory_space<semaphore_mem>>) src(%dma_wait3A_110 : memref<40x128xi32, #tpu.memory_space<hbm>>) dst(%arg7 : memref<40x128xi32, #tpu.memory_space<vmem>>)
      tpu.yield
    }) : () -> ()
    "tpu.region"() ({
      %run_scoped3A = tpu.sem_alloc : memref<!tpu.dma_semaphore, #tpu.memory_space<semaphore_mem>>
      %dma_start3A_103 = arith.constant 0 : i32
      %dma_start3A_104 = tpu.memref_slice %arg4[%add3A_22, %dma_start3A_103] : memref<1280x128xi32, #tpu.memory_space<hbm>> -> memref<40x128xi32, #tpu.memory_space<hbm>>
      %dma_start3A_105 = arith.constant 0 : i32
      %dma_start3A_106 = tpu.memref_slice %arg4[%add3A_22, %dma_start3A_105] : memref<1280x128xi32, #tpu.memory_space<hbm>> -> memref<40x128xi32, #tpu.memory_space<hbm>>
      tpu.enqueue_dma source(%dma_start3A_106 : memref<40x128xi32, #tpu.memory_space<hbm>>) target(%arg8 : memref<40x128xi32, #tpu.memory_space<vmem>>) target_semaphore(%run_scoped3A : memref<!tpu.dma_semaphore, #tpu.memory_space<semaphore_mem>>)
      %dma_wait3A_107 = arith.constant 0 : i32
      %dma_wait3A_108 = tpu.memref_slice %arg4[%add3A_22, %dma_wait3A_107] : memref<1280x128xi32, #tpu.memory_space<hbm>> -> memref<40x128xi32, #tpu.memory_space<hbm>>
      %dma_wait3A_109 = arith.constant 0 : i32
      %dma_wait3A_110 = tpu.memref_slice %arg4[%add3A_22, %dma_wait3A_109] : memref<1280x128xi32, #tpu.memory_space<hbm>> -> memref<40x128xi32, #tpu.memory_space<hbm>>
      tpu.wait_dma2 semaphore(%run_scoped3A : memref<!tpu.dma_semaphore, #tpu.memory_space<semaphore_mem>>) src(%dma_wait3A_110 : memref<40x128xi32, #tpu.memory_space<hbm>>) dst(%arg8 : memref<40x128xi32, #tpu.memory_space<vmem>>)
      tpu.yield
    }) : () -> ()
    %iota3A = tpu.iota {dimensions = array<i32: 0>} : vector<16xi32>
    %scan3A_23 = arith.constant 0 : i32
    %scan3A_24 = arith.constant 0 : i32
    %scan3A_25 = arith.constant 40 : i32
    %scan3A_26 = arith.addi %scan3A_24, %scan3A_25 : i32
    %scan3A_27 = arith.constant 1 : i32
    scf.for %scan3A_103 = %scan3A_24 to %scan3A_26 step %scan3A_27  : i32 {
      %get3A = arith.index_cast %scan3A_103 : i32 to index
      %get3A_104 = arith.constant 0 : index
      %get3A_105 = tpu.vector_load %arg8[%get3A, %get3A_104] {strides = array<i32>} : memref<40x128xi32, #tpu.memory_space<vmem>>, vector<1x16xi32>,
      %get3A_106 = vector.shape_cast %get3A_105 : vector<1x16xi32> to vector<16xi32>
      %sub3A = vector.broadcast %mul3A_19 : i32 to vector<16xi32>
      %sub3A_107 = arith.subi %get3A_106, %sub3A : vector<16xi32>
      %ge3A = arith.constant 0 : i32
      %ge3A_108 = vector.broadcast %ge3A : i32 to vector<16xi32>
      %ge3A_109 = arith.cmpi sge, %sub3A_107, %ge3A_108 : vector<16xi32>
      %lt3A = arith.constant 5000 : i32
      %lt3A_110 = vector.broadcast %lt3A : i32 to vector<16xi32>
      %lt3A_111 = arith.cmpi slt, %sub3A_107, %lt3A_110 : vector<16xi32>
      %and3A = arith.andi %ge3A_109, %lt3A_111 : vector<16xi1>
      %add3A_112 = arith.constant 0 : i32
      %add3A_113 = arith.addi %arg1, %add3A_112 : i32
      %mul3A_114 = arith.constant 16 : i32
      %mul3A_115 = arith.muli %add3A_113, %mul3A_114 : i32
      %add3A_116 = vector.broadcast %mul3A_115 : i32 to vector<16xi32>
      %add3A_117 = arith.addi %iota3A, %add3A_116 : vector<16xi32>
      %jit3A = arith.constant 120 : i32
      %eq3A = arith.constant 0 : i32
      %eq3A_118 = arith.cmpi eq, %jit3A, %eq3A : i32
      %jit3A_119 = arith.constant 1 : i32
      %select_n3A = arith.select %eq3A_118, %jit3A_119, %jit3A : i32
      %rem3A = vector.broadcast %select_n3A : i32 to vector<16xi32>
      %rem3A_120 = arith.remsi %add3A_117, %rem3A : vector<16xi32>
      %ne3A = arith.constant 0 : i32
      %ne3A_121 = vector.broadcast %ne3A : i32 to vector<16xi32>
      %ne3A_122 = arith.cmpi ne, %rem3A_120, %ne3A_121 : vector<16xi32>
      %lt3A_123 = arith.constant 0 : i32
      %lt3A_124 = vector.broadcast %lt3A_123 : i32 to vector<16xi32>
      %lt3A_125 = arith.cmpi slt, %rem3A_120, %lt3A_124 : vector<16xi32>
      %lt3A_126 = arith.constant 0 : i32
      %lt3A_127 = arith.cmpi slt, %select_n3A, %lt3A_126 : i32
      %ne3A_128 = vector.broadcast %lt3A_127 : i1 to vector<16xi1>
      %ne3A_129 = vector.broadcast %ne3A_128 : vector<16xi1> to vector<16xi1>
      %ne3A_130 = arith.xori %lt3A_125, %ne3A_129 : vector<16xi1>
      %and3A_131 = arith.andi %ne3A_130, %ne3A_122 : vector<16xi1>
      %add3A_132 = vector.broadcast %select_n3A : i32 to vector<16xi32>
      %add3A_133 = arith.addi %rem3A_120, %add3A_132 : vector<16xi32>
      %select_n3A_134 = arith.select %and3A_131, %add3A_133, %rem3A_120 : vector<16xi1>, vector<16xi32>
      %add3A_135 = arith.constant 5000 : i32
      %add3A_136 = vector.broadcast %add3A_135 : i32 to vector<16xi32>
      %add3A_137 = arith.addi %add3A_136, %select_n3A_134 : vector<16xi32>
      %select_n3A_138 = arith.select %and3A, %sub3A_107, %add3A_137 : vector<16xi1>, vector<16xi32>
      %swap3A = arith.index_cast %scan3A_103 : i32 to index
      %swap3A_139 = arith.constant 0 : index
      %swap3A_140 = tpu.vector_load %arg8[%swap3A, %swap3A_139] {strides = array<i32>} : memref<40x128xi32, #tpu.memory_space<vmem>>, vector<1x16xi32>,
      %swap3A_141 = vector.shape_cast %swap3A_140 : vector<1x16xi32> to vector<16xi32>
      %swap3A_142 = vector.shape_cast %select_n3A_138 : vector<16xi32> to vector<1x16xi32>
      tpu.vector_store %arg8[%swap3A, %swap3A_139], %swap3A_142 {strides = array<i32>} : memref<40x128xi32, #tpu.memory_space<vmem>>, vector<1x16xi32>,
      %get3A_143 = arith.index_cast %scan3A_103 : i32 to index
      %get3A_144 = arith.constant 16 : index
      %get3A_145 = tpu.vector_load %arg8[%get3A_143, %get3A_144] {strides = array<i32>} : memref<40x128xi32, #tpu.memory_space<vmem>>, vector<1x16xi32>,
      %get3A_146 = vector.shape_cast %get3A_145 : vector<1x16xi32> to vector<16xi32>
      %sub3A_147 = vector.broadcast %mul3A_19 : i32 to vector<16xi32>
      %sub3A_148 = arith.subi %get3A_146, %sub3A_147 : vector<16xi32>
      %ge3A_149 = arith.constant 0 : i32
      %ge3A_150 = vector.broadcast %ge3A_149 : i32 to vector<16xi32>
      %ge3A_151 = arith.cmpi sge, %sub3A_148, %ge3A_150 : vector<16xi32>
      %lt3A_152 = arith.constant 5000 : i32
      %lt3A_153 = vector.broadcast %lt3A_152 : i32 to vector<16xi32>
      %lt3A_154 = arith.cmpi slt, %sub3A_148, %lt3A_153 : vector<16xi32>
      %and3A_155 = arith.andi %ge3A_151, %lt3A_154 : vector<16xi1>
      %add3A_156 = arith.constant 1 : i32
      %add3A_157 = arith.addi %arg1, %add3A_156 : i32
      %mul3A_158 = arith.constant 16 : i32
      %mul3A_159 = arith.muli %add3A_157, %mul3A_158 : i32
      %add3A_160 = vector.broadcast %mul3A_159 : i32 to vector<16xi32>
      %add3A_161 = arith.addi %iota3A, %add3A_160 : vector<16xi32>
      %jit3A_162 = arith.constant 120 : i32
      %eq3A_163 = arith.constant 0 : i32
      %eq3A_164 = arith.cmpi eq, %jit3A_162, %eq3A_163 : i32
      %jit3A_165 = arith.constant 1 : i32
      %select_n3A_166 = arith.select %eq3A_164, %jit3A_165, %jit3A_162 : i32
      %rem3A_167 = vector.broadcast %select_n3A_166 : i32 to vector<16xi32>
      %rem3A_168 = arith.remsi %add3A_161, %rem3A_167 : vector<16xi32>
      %ne3A_169 = arith.constant 0 : i32
      %ne3A_170 = vector.broadcast %ne3A_169 : i32 to vector<16xi32>
      %ne3A_171 = arith.cmpi ne, %rem3A_168, %ne3A_170 : vector<16xi32>
      %lt3A_172 = arith.constant 0 : i32
      %lt3A_173 = vector.broadcast %lt3A_172 : i32 to vector<16xi32>
      %lt3A_174 = arith.cmpi slt, %rem3A_168, %lt3A_173 : vector<16xi32>
      %lt3A_175 = arith.constant 0 : i32
      %lt3A_176 = arith.cmpi slt, %select_n3A_166, %lt3A_175 : i32
      %ne3A_177 = vector.broadcast %lt3A_176 : i1 to vector<16xi1>
      %ne3A_178 = vector.broadcast %ne3A_177 : vector<16xi1> to vector<16xi1>
      %ne3A_179 = arith.xori %lt3A_174, %ne3A_178 : vector<16xi1>
      %and3A_180 = arith.andi %ne3A_179, %ne3A_171 : vector<16xi1>
      %add3A_181 = vector.broadcast %select_n3A_166 : i32 to vector<16xi32>
      %add3A_182 = arith.addi %rem3A_168, %add3A_181 : vector<16xi32>
      %select_n3A_183 = arith.select %and3A_180, %add3A_182, %rem3A_168 : vector<16xi1>, vector<16xi32>
      %add3A_184 = arith.constant 5000 : i32
      %add3A_185 = vector.broadcast %add3A_184 : i32 to vector<16xi32>
      %add3A_186 = arith.addi %add3A_185, %select_n3A_183 : vector<16xi32>
      %select_n3A_187 = arith.select %and3A_155, %sub3A_148, %add3A_186 : vector<16xi1>, vector<16xi32>
      %swap3A_188 = arith.index_cast %scan3A_103 : i32 to index
      %swap3A_189 = arith.constant 16 : index
      %swap3A_190 = tpu.vector_load %arg8[%swap3A_188, %swap3A_189] {strides = array<i32>} : memref<40x128xi32, #tpu.memory_space<vmem>>, vector<1x16xi32>,
      %swap3A_191 = vector.shape_cast %swap3A_190 : vector<1x16xi32> to vector<16xi32>
      %swap3A_192 = vector.shape_cast %select_n3A_187 : vector<16xi32> to vector<1x16xi32>
      tpu.vector_store %arg8[%swap3A_188, %swap3A_189], %swap3A_192 {strides = array<i32>} : memref<40x128xi32, #tpu.memory_space<vmem>>, vector<1x16xi32>,
      %get3A_193 = arith.index_cast %scan3A_103 : i32 to index
      %get3A_194 = arith.constant 32 : index
      %get3A_195 = tpu.vector_load %arg8[%get3A_193, %get3A_194] {strides = array<i32>} : memref<40x128xi32, #tpu.memory_space<vmem>>, vector<1x16xi32>,
      %get3A_196 = vector.shape_cast %get3A_195 : vector<1x16xi32> to vector<16xi32>
      %sub3A_197 = vector.broadcast %mul3A_19 : i32 to vector<16xi32>
      %sub3A_198 = arith.subi %get3A_196, %sub3A_197 : vector<16xi32>
      %ge3A_199 = arith.constant 0 : i32
      %ge3A_200 = vector.broadcast %ge3A_199 : i32 to vector<16xi32>
      %ge3A_201 = arith.cmpi sge, %sub3A_198, %ge3A_200 : vector<16xi32>
      %lt3A_202 = arith.constant 5000 : i32
      %lt3A_203 = vector.broadcast %lt3A_202 : i32 to vector<16xi32>
      %lt3A_204 = arith.cmpi slt, %sub3A_198, %lt3A_203 : vector<16xi32>
      %and3A_205 = arith.andi %ge3A_201, %lt3A_204 : vector<16xi1>
      %add3A_206 = arith.constant 2 : i32
      %add3A_207 = arith.addi %arg1, %add3A_206 : i32
      %mul3A_208 = arith.constant 16 : i32
      %mul3A_209 = arith.muli %add3A_207, %mul3A_208 : i32
      %add3A_210 = vector.broadcast %mul3A_209 : i32 to vector<16xi32>
      %add3A_211 = arith.addi %iota3A, %add3A_210 : vector<16xi32>
      %jit3A_212 = arith.constant 120 : i32
      %eq3A_213 = arith.constant 0 : i32
      %eq3A_214 = arith.cmpi eq, %jit3A_212, %eq3A_213 : i32
      %jit3A_215 = arith.constant 1 : i32
      %select_n3A_216 = arith.select %eq3A_214, %jit3A_215, %jit3A_212 : i32
      %rem3A_217 = vector.broadcast %select_n3A_216 : i32 to vector<16xi32>
      %rem3A_218 = arith.remsi %add3A_211, %rem3A_217 : vector<16xi32>
      %ne3A_219 = arith.constant 0 : i32
      %ne3A_220 = vector.broadcast %ne3A_219 : i32 to vector<16xi32>
      %ne3A_221 = arith.cmpi ne, %rem3A_218, %ne3A_220 : vector<16xi32>
      %lt3A_222 = arith.constant 0 : i32
      %lt3A_223 = vector.broadcast %lt3A_222 : i32 to vector<16xi32>
      %lt3A_224 = arith.cmpi slt, %rem3A_218, %lt3A_223 : vector<16xi32>
      %lt3A_225 = arith.constant 0 : i32
      %lt3A_226 = arith.cmpi slt, %select_n3A_216, %lt3A_225 : i32
      %ne3A_227 = vector.broadcast %lt3A_226 : i1 to vector<16xi1>
      %ne3A_228 = vector.broadcast %ne3A_227 : vector<16xi1> to vector<16xi1>
      %ne3A_229 = arith.xori %lt3A_224, %ne3A_228 : vector<16xi1>
      %and3A_230 = arith.andi %ne3A_229, %ne3A_221 : vector<16xi1>
      %add3A_231 = vector.broadcast %select_n3A_216 : i32 to vector<16xi32>
      %add3A_232 = arith.addi %rem3A_218, %add3A_231 : vector<16xi32>
      %select_n3A_233 = arith.select %and3A_230, %add3A_232, %rem3A_218 : vector<16xi1>, vector<16xi32>
      %add3A_234 = arith.constant 5000 : i32
      %add3A_235 = vector.broadcast %add3A_234 : i32 to vector<16xi32>
      %add3A_236 = arith.addi %add3A_235, %select_n3A_233 : vector<16xi32>
      %select_n3A_237 = arith.select %and3A_205, %sub3A_198, %add3A_236 : vector<16xi1>, vector<16xi32>
      %swap3A_238 = arith.index_cast %scan3A_103 : i32 to index
      %swap3A_239 = arith.constant 32 : index
      %swap3A_240 = tpu.vector_load %arg8[%swap3A_238, %swap3A_239] {strides = array<i32>} : memref<40x128xi32, #tpu.memory_space<vmem>>, vector<1x16xi32>,
      %swap3A_241 = vector.shape_cast %swap3A_240 : vector<1x16xi32> to vector<16xi32>
      %swap3A_242 = vector.shape_cast %select_n3A_237 : vector<16xi32> to vector<1x16xi32>
      tpu.vector_store %arg8[%swap3A_238, %swap3A_239], %swap3A_242 {strides = array<i32>} : memref<40x128xi32, #tpu.memory_space<vmem>>, vector<1x16xi32>,
      %get3A_243 = arith.index_cast %scan3A_103 : i32 to index
      %get3A_244 = arith.constant 48 : index
      %get3A_245 = tpu.vector_load %arg8[%get3A_243, %get3A_244] {strides = array<i32>} : memref<40x128xi32, #tpu.memory_space<vmem>>, vector<1x16xi32>,
      %get3A_246 = vector.shape_cast %get3A_245 : vector<1x16xi32> to vector<16xi32>
      %sub3A_247 = vector.broadcast %mul3A_19 : i32 to vector<16xi32>
      %sub3A_248 = arith.subi %get3A_246, %sub3A_247 : vector<16xi32>
      %ge3A_249 = arith.constant 0 : i32
      %ge3A_250 = vector.broadcast %ge3A_249 : i32 to vector<16xi32>
      %ge3A_251 = arith.cmpi sge, %sub3A_248, %ge3A_250 : vector<16xi32>
      %lt3A_252 = arith.constant 5000 : i32
      %lt3A_253 = vector.broadcast %lt3A_252 : i32 to vector<16xi32>
      %lt3A_254 = arith.cmpi slt, %sub3A_248, %lt3A_253 : vector<16xi32>
      %and3A_255 = arith.andi %ge3A_251, %lt3A_254 : vector<16xi1>
      %add3A_256 = arith.constant 3 : i32
      %add3A_257 = arith.addi %arg1, %add3A_256 : i32
      %mul3A_258 = arith.constant 16 : i32
      %mul3A_259 = arith.muli %add3A_257, %mul3A_258 : i32
      %add3A_260 = vector.broadcast %mul3A_259 : i32 to vector<16xi32>
      %add3A_261 = arith.addi %iota3A, %add3A_260 : vector<16xi32>
      %jit3A_262 = arith.constant 120 : i32
      %eq3A_263 = arith.constant 0 : i32
      %eq3A_264 = arith.cmpi eq, %jit3A_262, %eq3A_263 : i32
      %jit3A_265 = arith.constant 1 : i32
      %select_n3A_266 = arith.select %eq3A_264, %jit3A_265, %jit3A_262 : i32
      %rem3A_267 = vector.broadcast %select_n3A_266 : i32 to vector<16xi32>
      %rem3A_268 = arith.remsi %add3A_261, %rem3A_267 : vector<16xi32>
      %ne3A_269 = arith.constant 0 : i32
      %ne3A_270 = vector.broadcast %ne3A_269 : i32 to vector<16xi32>
      %ne3A_271 = arith.cmpi ne, %rem3A_268, %ne3A_270 : vector<16xi32>
      %lt3A_272 = arith.constant 0 : i32
      %lt3A_273 = vector.broadcast %lt3A_272 : i32 to vector<16xi32>
      %lt3A_274 = arith.cmpi slt, %rem3A_268, %lt3A_273 : vector<16xi32>
      %lt3A_275 = arith.constant 0 : i32
      %lt3A_276 = arith.cmpi slt, %select_n3A_266, %lt3A_275 : i32
      %ne3A_277 = vector.broadcast %lt3A_276 : i1 to vector<16xi1>
      %ne3A_278 = vector.broadcast %ne3A_277 : vector<16xi1> to vector<16xi1>
      %ne3A_279 = arith.xori %lt3A_274, %ne3A_278 : vector<16xi1>
      %and3A_280 = arith.andi %ne3A_279, %ne3A_271 : vector<16xi1>
      %add3A_281 = vector.broadcast %select_n3A_266 : i32 to vector<16xi32>
      %add3A_282 = arith.addi %rem3A_268, %add3A_281 : vector<16xi32>
      %select_n3A_283 = arith.select %and3A_280, %add3A_282, %rem3A_268 : vector<16xi1>, vector<16xi32>
      %add3A_284 = arith.constant 5000 : i32
      %add3A_285 = vector.broadcast %add3A_284 : i32 to vector<16xi32>
      %add3A_286 = arith.addi %add3A_285, %select_n3A_283 : vector<16xi32>
      %select_n3A_287 = arith.select %and3A_255, %sub3A_248, %add3A_286 : vector<16xi1>, vector<16xi32>
      %swap3A_288 = arith.index_cast %scan3A_103 : i32 to index
      %swap3A_289 = arith.constant 48 : index
      %swap3A_290 = tpu.vector_load %arg8[%swap3A_288, %swap3A_289] {strides = array<i32>} : memref<40x128xi32, #tpu.memory_space<vmem>>, vector<1x16xi32>,
      %swap3A_291 = vector.shape_cast %swap3A_290 : vector<1x16xi32> to vector<16xi32>
      %swap3A_292 = vector.shape_cast %select_n3A_287 : vector<16xi32> to vector<1x16xi32>
      tpu.vector_store %arg8[%swap3A_288, %swap3A_289], %swap3A_292 {strides = array<i32>} : memref<40x128xi32, #tpu.memory_space<vmem>>, vector<1x16xi32>,
      %get3A_293 = arith.index_cast %scan3A_103 : i32 to index
      %get3A_294 = arith.constant 64 : index
      %get3A_295 = tpu.vector_load %arg8[%get3A_293, %get3A_294] {strides = array<i32>} : memref<40x128xi32, #tpu.memory_space<vmem>>, vector<1x16xi32>,
      %get3A_296 = vector.shape_cast %get3A_295 : vector<1x16xi32> to vector<16xi32>
      %sub3A_297 = vector.broadcast %mul3A_19 : i32 to vector<16xi32>
      %sub3A_298 = arith.subi %get3A_296, %sub3A_297 : vector<16xi32>
      %ge3A_299 = arith.constant 0 : i32
      %ge3A_300 = vector.broadcast %ge3A_299 : i32 to vector<16xi32>
      %ge3A_301 = arith.cmpi sge, %sub3A_298, %ge3A_300 : vector<16xi32>
      %lt3A_302 = arith.constant 5000 : i32
      %lt3A_303 = vector.broadcast %lt3A_302 : i32 to vector<16xi32>
      %lt3A_304 = arith.cmpi slt, %sub3A_298, %lt3A_303 : vector<16xi32>
      %and3A_305 = arith.andi %ge3A_301, %lt3A_304 : vector<16xi1>
      %add3A_306 = arith.constant 4 : i32
      %add3A_307 = arith.addi %arg1, %add3A_306 : i32
      %mul3A_308 = arith.constant 16 : i32
      %mul3A_309 = arith.muli %add3A_307, %mul3A_308 : i32
      %add3A_310 = vector.broadcast %mul3A_309 : i32 to vector<16xi32>
      %add3A_311 = arith.addi %iota3A, %add3A_310 : vector<16xi32>
      %jit3A_312 = arith.constant 120 : i32
      %eq3A_313 = arith.constant 0 : i32
      %eq3A_314 = arith.cmpi eq, %jit3A_312, %eq3A_313 : i32
      %jit3A_315 = arith.constant 1 : i32
      %select_n3A_316 = arith.select %eq3A_314, %jit3A_315, %jit3A_312 : i32
      %rem3A_317 = vector.broadcast %select_n3A_316 : i32 to vector<16xi32>
      %rem3A_318 = arith.remsi %add3A_311, %rem3A_317 : vector<16xi32>
      %ne3A_319 = arith.constant 0 : i32
      %ne3A_320 = vector.broadcast %ne3A_319 : i32 to vector<16xi32>
      %ne3A_321 = arith.cmpi ne, %rem3A_318, %ne3A_320 : vector<16xi32>
      %lt3A_322 = arith.constant 0 : i32
      %lt3A_323 = vector.broadcast %lt3A_322 : i32 to vector<16xi32>
      %lt3A_324 = arith.cmpi slt, %rem3A_318, %lt3A_323 : vector<16xi32>
      %lt3A_325 = arith.constant 0 : i32
      %lt3A_326 = arith.cmpi slt, %select_n3A_316, %lt3A_325 : i32
      %ne3A_327 = vector.broadcast %lt3A_326 : i1 to vector<16xi1>
      %ne3A_328 = vector.broadcast %ne3A_327 : vector<16xi1> to vector<16xi1>
      %ne3A_329 = arith.xori %lt3A_324, %ne3A_328 : vector<16xi1>
      %and3A_330 = arith.andi %ne3A_329, %ne3A_321 : vector<16xi1>
      %add3A_331 = vector.broadcast %select_n3A_316 : i32 to vector<16xi32>
      %add3A_332 = arith.addi %rem3A_318, %add3A_331 : vector<16xi32>
      %select_n3A_333 = arith.select %and3A_330, %add3A_332, %rem3A_318 : vector<16xi1>, vector<16xi32>
      %add3A_334 = arith.constant 5000 : i32
      %add3A_335 = vector.broadcast %add3A_334 : i32 to vector<16xi32>
      %add3A_336 = arith.addi %add3A_335, %select_n3A_333 : vector<16xi32>
      %select_n3A_337 = arith.select %and3A_305, %sub3A_298, %add3A_336 : vector<16xi1>, vector<16xi32>
      %swap3A_338 = arith.index_cast %scan3A_103 : i32 to index
      %swap3A_339 = arith.constant 64 : index
      %swap3A_340 = tpu.vector_load %arg8[%swap3A_338, %swap3A_339] {strides = array<i32>} : memref<40x128xi32, #tpu.memory_space<vmem>>, vector<1x16xi32>,
      %swap3A_341 = vector.shape_cast %swap3A_340 : vector<1x16xi32> to vector<16xi32>
      %swap3A_342 = vector.shape_cast %select_n3A_337 : vector<16xi32> to vector<1x16xi32>
      tpu.vector_store %arg8[%swap3A_338, %swap3A_339], %swap3A_342 {strides = array<i32>} : memref<40x128xi32, #tpu.memory_space<vmem>>, vector<1x16xi32>,
      %get3A_343 = arith.index_cast %scan3A_103 : i32 to index
      %get3A_344 = arith.constant 80 : index
      %get3A_345 = tpu.vector_load %arg8[%get3A_343, %get3A_344] {strides = array<i32>} : memref<40x128xi32, #tpu.memory_space<vmem>>, vector<1x16xi32>,
      %get3A_346 = vector.shape_cast %get3A_345 : vector<1x16xi32> to vector<16xi32>
      %sub3A_347 = vector.broadcast %mul3A_19 : i32 to vector<16xi32>
      %sub3A_348 = arith.subi %get3A_346, %sub3A_347 : vector<16xi32>
      %ge3A_349 = arith.constant 0 : i32
      %ge3A_350 = vector.broadcast %ge3A_349 : i32 to vector<16xi32>
      %ge3A_351 = arith.cmpi sge, %sub3A_348, %ge3A_350 : vector<16xi32>
      %lt3A_352 = arith.constant 5000 : i32
      %lt3A_353 = vector.broadcast %lt3A_352 : i32 to vector<16xi32>
      %lt3A_354 = arith.cmpi slt, %sub3A_348, %lt3A_353 : vector<16xi32>
      %and3A_355 = arith.andi %ge3A_351, %lt3A_354 : vector<16xi1>
      %add3A_356 = arith.constant 5 : i32
      %add3A_357 = arith.addi %arg1, %add3A_356 : i32
      %mul3A_358 = arith.constant 16 : i32
      %mul3A_359 = arith.muli %add3A_357, %mul3A_358 : i32
      %add3A_360 = vector.broadcast %mul3A_359 : i32 to vector<16xi32>
      %add3A_361 = arith.addi %iota3A, %add3A_360 : vector<16xi32>
      %jit3A_362 = arith.constant 120 : i32
      %eq3A_363 = arith.constant 0 : i32
      %eq3A_364 = arith.cmpi eq, %jit3A_362, %eq3A_363 : i32
      %jit3A_365 = arith.constant 1 : i32
      %select_n3A_366 = arith.select %eq3A_364, %jit3A_365, %jit3A_362 : i32
      %rem3A_367 = vector.broadcast %select_n3A_366 : i32 to vector<16xi32>
      %rem3A_368 = arith.remsi %add3A_361, %rem3A_367 : vector<16xi32>
      %ne3A_369 = arith.constant 0 : i32
      %ne3A_370 = vector.broadcast %ne3A_369 : i32 to vector<16xi32>
      %ne3A_371 = arith.cmpi ne, %rem3A_368, %ne3A_370 : vector<16xi32>
      %lt3A_372 = arith.constant 0 : i32
      %lt3A_373 = vector.broadcast %lt3A_372 : i32 to vector<16xi32>
      %lt3A_374 = arith.cmpi slt, %rem3A_368, %lt3A_373 : vector<16xi32>
      %lt3A_375 = arith.constant 0 : i32
      %lt3A_376 = arith.cmpi slt, %select_n3A_366, %lt3A_375 : i32
      %ne3A_377 = vector.broadcast %lt3A_376 : i1 to vector<16xi1>
      %ne3A_378 = vector.broadcast %ne3A_377 : vector<16xi1> to vector<16xi1>
      %ne3A_379 = arith.xori %lt3A_374, %ne3A_378 : vector<16xi1>
      %and3A_380 = arith.andi %ne3A_379, %ne3A_371 : vector<16xi1>
      %add3A_381 = vector.broadcast %select_n3A_366 : i32 to vector<16xi32>
      %add3A_382 = arith.addi %rem3A_368, %add3A_381 : vector<16xi32>
      %select_n3A_383 = arith.select %and3A_380, %add3A_382, %rem3A_368 : vector<16xi1>, vector<16xi32>
      %add3A_384 = arith.constant 5000 : i32
      %add3A_385 = vector.broadcast %add3A_384 : i32 to vector<16xi32>
      %add3A_386 = arith.addi %add3A_385, %select_n3A_383 : vector<16xi32>
      %select_n3A_387 = arith.select %and3A_355, %sub3A_348, %add3A_386 : vector<16xi1>, vector<16xi32>
      %swap3A_388 = arith.index_cast %scan3A_103 : i32 to index
      %swap3A_389 = arith.constant 80 : index
      %swap3A_390 = tpu.vector_load %arg8[%swap3A_388, %swap3A_389] {strides = array<i32>} : memref<40x128xi32, #tpu.memory_space<vmem>>, vector<1x16xi32>,
      %swap3A_391 = vector.shape_cast %swap3A_390 : vector<1x16xi32> to vector<16xi32>
      %swap3A_392 = vector.shape_cast %select_n3A_387 : vector<16xi32> to vector<1x16xi32>
      tpu.vector_store %arg8[%swap3A_388, %swap3A_389], %swap3A_392 {strides = array<i32>} : memref<40x128xi32, #tpu.memory_space<vmem>>, vector<1x16xi32>,
      %get3A_393 = arith.index_cast %scan3A_103 : i32 to index
      %get3A_394 = arith.constant 96 : index
      %get3A_395 = tpu.vector_load %arg8[%get3A_393, %get3A_394] {strides = array<i32>} : memref<40x128xi32, #tpu.memory_space<vmem>>, vector<1x16xi32>,
      %get3A_396 = vector.shape_cast %get3A_395 : vector<1x16xi32> to vector<16xi32>
      %sub3A_397 = vector.broadcast %mul3A_19 : i32 to vector<16xi32>
      %sub3A_398 = arith.subi %get3A_396, %sub3A_397 : vector<16xi32>
      %ge3A_399 = arith.constant 0 : i32
      %ge3A_400 = vector.broadcast %ge3A_399 : i32 to vector<16xi32>
      %ge3A_401 = arith.cmpi sge, %sub3A_398, %ge3A_400 : vector<16xi32>
      %lt3A_402 = arith.constant 5000 : i32
      %lt3A_403 = vector.broadcast %lt3A_402 : i32 to vector<16xi32>
      %lt3A_404 = arith.cmpi slt, %sub3A_398, %lt3A_403 : vector<16xi32>
      %and3A_405 = arith.andi %ge3A_401, %lt3A_404 : vector<16xi1>
      %add3A_406 = arith.constant 6 : i32
      %add3A_407 = arith.addi %arg1, %add3A_406 : i32
      %mul3A_408 = arith.constant 16 : i32
      %mul3A_409 = arith.muli %add3A_407, %mul3A_408 : i32
      %add3A_410 = vector.broadcast %mul3A_409 : i32 to vector<16xi32>
      %add3A_411 = arith.addi %iota3A, %add3A_410 : vector<16xi32>
      %jit3A_412 = arith.constant 120 : i32
      %eq3A_413 = arith.constant 0 : i32
      %eq3A_414 = arith.cmpi eq, %jit3A_412, %eq3A_413 : i32
      %jit3A_415 = arith.constant 1 : i32
      %select_n3A_416 = arith.select %eq3A_414, %jit3A_415, %jit3A_412 : i32
      %rem3A_417 = vector.broadcast %select_n3A_416 : i32 to vector<16xi32>
      %rem3A_418 = arith.remsi %add3A_411, %rem3A_417 : vector<16xi32>
      %ne3A_419 = arith.constant 0 : i32
      %ne3A_420 = vector.broadcast %ne3A_419 : i32 to vector<16xi32>
      %ne3A_421 = arith.cmpi ne, %rem3A_418, %ne3A_420 : vector<16xi32>
      %lt3A_422 = arith.constant 0 : i32
      %lt3A_423 = vector.broadcast %lt3A_422 : i32 to vector<16xi32>
      %lt3A_424 = arith.cmpi slt, %rem3A_418, %lt3A_423 : vector<16xi32>
      %lt3A_425 = arith.constant 0 : i32
      %lt3A_426 = arith.cmpi slt, %select_n3A_416, %lt3A_425 : i32
      %ne3A_427 = vector.broadcast %lt3A_426 : i1 to vector<16xi1>
      %ne3A_428 = vector.broadcast %ne3A_427 : vector<16xi1> to vector<16xi1>
      %ne3A_429 = arith.xori %lt3A_424, %ne3A_428 : vector<16xi1>
      %and3A_430 = arith.andi %ne3A_429, %ne3A_421 : vector<16xi1>
      %add3A_431 = vector.broadcast %select_n3A_416 : i32 to vector<16xi32>
      %add3A_432 = arith.addi %rem3A_418, %add3A_431 : vector<16xi32>
      %select_n3A_433 = arith.select %and3A_430, %add3A_432, %rem3A_418 : vector<16xi1>, vector<16xi32>
      %add3A_434 = arith.constant 5000 : i32
      %add3A_435 = vector.broadcast %add3A_434 : i32 to vector<16xi32>
      %add3A_436 = arith.addi %add3A_435, %select_n3A_433 : vector<16xi32>
      %select_n3A_437 = arith.select %and3A_405, %sub3A_398, %add3A_436 : vector<16xi1>, vector<16xi32>
      %swap3A_438 = arith.index_cast %scan3A_103 : i32 to index
      %swap3A_439 = arith.constant 96 : index
      %swap3A_440 = tpu.vector_load %arg8[%swap3A_438, %swap3A_439] {strides = array<i32>} : memref<40x128xi32, #tpu.memory_space<vmem>>, vector<1x16xi32>,
      %swap3A_441 = vector.shape_cast %swap3A_440 : vector<1x16xi32> to vector<16xi32>
      %swap3A_442 = vector.shape_cast %select_n3A_437 : vector<16xi32> to vector<1x16xi32>
      tpu.vector_store %arg8[%swap3A_438, %swap3A_439], %swap3A_442 {strides = array<i32>} : memref<40x128xi32, #tpu.memory_space<vmem>>, vector<1x16xi32>,
      %get3A_443 = arith.index_cast %scan3A_103 : i32 to index
      %get3A_444 = arith.constant 112 : index
      %get3A_445 = tpu.vector_load %arg8[%get3A_443, %get3A_444] {strides = array<i32>} : memref<40x128xi32, #tpu.memory_space<vmem>>, vector<1x16xi32>,
      %get3A_446 = vector.shape_cast %get3A_445 : vector<1x16xi32> to vector<16xi32>
      %sub3A_447 = vector.broadcast %mul3A_19 : i32 to vector<16xi32>
      %sub3A_448 = arith.subi %get3A_446, %sub3A_447 : vector<16xi32>
      %ge3A_449 = arith.constant 0 : i32
      %ge3A_450 = vector.broadcast %ge3A_449 : i32 to vector<16xi32>
      %ge3A_451 = arith.cmpi sge, %sub3A_448, %ge3A_450 : vector<16xi32>
      %lt3A_452 = arith.constant 5000 : i32
      %lt3A_453 = vector.broadcast %lt3A_452 : i32 to vector<16xi32>
      %lt3A_454 = arith.cmpi slt, %sub3A_448, %lt3A_453 : vector<16xi32>
      %and3A_455 = arith.andi %ge3A_451, %lt3A_454 : vector<16xi1>
      %add3A_456 = arith.constant 7 : i32
      %add3A_457 = arith.addi %arg1, %add3A_456 : i32
      %mul3A_458 = arith.constant 16 : i32
      %mul3A_459 = arith.muli %add3A_457, %mul3A_458 : i32
      %add3A_460 = vector.broadcast %mul3A_459 : i32 to vector<16xi32>
      %add3A_461 = arith.addi %iota3A, %add3A_460 : vector<16xi32>
      %jit3A_462 = arith.constant 120 : i32
      %eq3A_463 = arith.constant 0 : i32
      %eq3A_464 = arith.cmpi eq, %jit3A_462, %eq3A_463 : i32
      %jit3A_465 = arith.constant 1 : i32
      %select_n3A_466 = arith.select %eq3A_464, %jit3A_465, %jit3A_462 : i32
      %rem3A_467 = vector.broadcast %select_n3A_466 : i32 to vector<16xi32>
      %rem3A_468 = arith.remsi %add3A_461, %rem3A_467 : vector<16xi32>
      %ne3A_469 = arith.constant 0 : i32
      %ne3A_470 = vector.broadcast %ne3A_469 : i32 to vector<16xi32>
      %ne3A_471 = arith.cmpi ne, %rem3A_468, %ne3A_470 : vector<16xi32>
      %lt3A_472 = arith.constant 0 : i32
      %lt3A_473 = vector.broadcast %lt3A_472 : i32 to vector<16xi32>
      %lt3A_474 = arith.cmpi slt, %rem3A_468, %lt3A_473 : vector<16xi32>
      %lt3A_475 = arith.constant 0 : i32
      %lt3A_476 = arith.cmpi slt, %select_n3A_466, %lt3A_475 : i32
      %ne3A_477 = vector.broadcast %lt3A_476 : i1 to vector<16xi1>
      %ne3A_478 = vector.broadcast %ne3A_477 : vector<16xi1> to vector<16xi1>
      %ne3A_479 = arith.xori %lt3A_474, %ne3A_478 : vector<16xi1>
      %and3A_480 = arith.andi %ne3A_479, %ne3A_471 : vector<16xi1>
      %add3A_481 = vector.broadcast %select_n3A_466 : i32 to vector<16xi32>
      %add3A_482 = arith.addi %rem3A_468, %add3A_481 : vector<16xi32>
      %select_n3A_483 = arith.select %and3A_480, %add3A_482, %rem3A_468 : vector<16xi1>, vector<16xi32>
      %add3A_484 = arith.constant 5000 : i32
      %add3A_485 = vector.broadcast %add3A_484 : i32 to vector<16xi32>
      %add3A_486 = arith.addi %add3A_485, %select_n3A_483 : vector<16xi32>
      %select_n3A_487 = arith.select %and3A_455, %sub3A_448, %add3A_486 : vector<16xi1>, vector<16xi32>
      %swap3A_488 = arith.index_cast %scan3A_103 : i32 to index
      %swap3A_489 = arith.constant 112 : index
      %swap3A_490 = tpu.vector_load %arg8[%swap3A_488, %swap3A_489] {strides = array<i32>} : memref<40x128xi32, #tpu.memory_space<vmem>>, vector<1x16xi32>,
      %swap3A_491 = vector.shape_cast %swap3A_490 : vector<1x16xi32> to vector<16xi32>
      %swap3A_492 = vector.shape_cast %select_n3A_487 : vector<16xi32> to vector<1x16xi32>
      tpu.vector_store %arg8[%swap3A_488, %swap3A_489], %swap3A_492 {strides = array<i32>} : memref<40x128xi32, #tpu.memory_space<vmem>>, vector<1x16xi32>,
    }
    %scan3A_28 = arith.constant 40 : i32
    %dma_start3A = arith.constant 0 : i32
    %dma_start3A_29 = arith.constant 0 : i32
    %dma_start3A_30 = tpu.memref_slice %arg7[%dma_start3A, %dma_start3A_29] : memref<40x128xi32, #tpu.memory_space<vmem>> -> memref<1x128xi32, #tpu.memory_space<vmem>>
    %dma_start3A_31 = tpu.memref_squeeze %dma_start3A_30 : memref<1x128xi32, #tpu.memory_space<vmem>> -> memref<128xi32, #tpu.memory_space<vmem>>
    %dma_start3A_32 = arith.constant 0 : i32
    %dma_start3A_33 = arith.constant 0 : i32
    %dma_start3A_34 = tpu.memref_slice %arg2[%dma_start3A_32, %dma_start3A_33] : memref<10000x128xf32, #tpu.memory_space<hbm>> -> memref<10000x128xf32, #tpu.memory_space<hbm>>
    tpu.enqueue_indirect_dma source(%dma_start3A_34 : memref<10000x128xf32, #tpu.memory_space<hbm>>) target(%arg9 : memref<128x128xf32, #tpu.memory_space<vmem>>) offsets(%dma_start3A_31 : memref<128xi32, #tpu.memory_space<vmem>>) semaphore(%arg15 : memref<!tpu.dma_semaphore, #tpu.memory_space<semaphore_mem>>)
    %scan3A_35 = arith.constant 0 : i32
    %scan3A_36 = arith.constant 0 : i32
    %scan3A_37 = arith.constant 20 : i32
    %scan3A_38 = arith.addi %scan3A_36, %scan3A_37 : i32
    %scan3A_39 = arith.constant 1 : i32
    scf.for %scan3A_103 = %scan3A_36 to %scan3A_38 step %scan3A_39  : i32 {
      %mul3A_104 = arith.constant 2 : i32
      %mul3A_105 = arith.muli %scan3A_103, %mul3A_104 : i32
      %add3A_106 = arith.constant 1 : i32
      %add3A_107 = arith.addi %mul3A_105, %add3A_106 : i32
      %dma_start3A_108 = arith.constant 0 : i32
      %dma_start3A_109 = tpu.memref_slice %arg7[%add3A_107, %dma_start3A_108] : memref<40x128xi32, #tpu.memory_space<vmem>> -> memref<1x128xi32, #tpu.memory_space<vmem>>
      %dma_start3A_110 = tpu.memref_squeeze %dma_start3A_109 : memref<1x128xi32, #tpu.memory_space<vmem>> -> memref<128xi32, #tpu.memory_space<vmem>>
      %dma_start3A_111 = arith.constant 0 : i32
      %dma_start3A_112 = arith.constant 0 : i32
      %dma_start3A_113 = tpu.memref_slice %arg2[%dma_start3A_111, %dma_start3A_112] : memref<10000x128xf32, #tpu.memory_space<hbm>> -> memref<10000x128xf32, #tpu.memory_space<hbm>>
      tpu.enqueue_indirect_dma source(%dma_start3A_113 : memref<10000x128xf32, #tpu.memory_space<hbm>>) target(%arg10 : memref<128x128xf32, #tpu.memory_space<vmem>>) offsets(%dma_start3A_110 : memref<128xi32, #tpu.memory_space<vmem>>) semaphore(%arg15 : memref<!tpu.dma_semaphore, #tpu.memory_space<semaphore_mem>>)
      %dma_wait3A_114 = arith.constant 0 : i32
      %dma_wait3A_115 = tpu.memref_slice %arg7[%mul3A_105, %dma_wait3A_114] : memref<40x128xi32, #tpu.memory_space<vmem>> -> memref<1x128xi32, #tpu.memory_space<vmem>>
      %dma_wait3A_116 = tpu.memref_squeeze %dma_wait3A_115 : memref<1x128xi32, #tpu.memory_space<vmem>> -> memref<128xi32, #tpu.memory_space<vmem>>
      %dma_wait3A_117 = arith.constant 0 : i32
      %dma_wait3A_118 = arith.constant 0 : i32
      %dma_wait3A_119 = tpu.memref_slice %arg2[%dma_wait3A_117, %dma_wait3A_118] : memref<10000x128xf32, #tpu.memory_space<hbm>> -> memref<10000x128xf32, #tpu.memory_space<hbm>>
      tpu.wait_indirect_dma semaphore(%arg15 : memref<!tpu.dma_semaphore, #tpu.memory_space<semaphore_mem>>) src(%dma_wait3A_119 : memref<10000x128xf32, #tpu.memory_space<hbm>>) dst(%arg9 : memref<128x128xf32, #tpu.memory_space<vmem>>)
      "tpu.region"() ({
        %run_scoped3A = tpu.sem_alloc : memref<!tpu.dma_semaphore, #tpu.memory_space<semaphore_mem>>
        %dma_start3A_149 = arith.constant 0 : i32
        %dma_start3A_150 = tpu.memref_slice %arg8[%mul3A_105, %dma_start3A_149] : memref<40x128xi32, #tpu.memory_space<vmem>> -> memref<1x128xi32, #tpu.memory_space<vmem>>
        %dma_start3A_151 = tpu.memref_squeeze %dma_start3A_150 : memref<1x128xi32, #tpu.memory_space<vmem>> -> memref<128xi32, #tpu.memory_space<vmem>>
        %dma_start3A_152 = arith.constant 0 : i32
        %dma_start3A_153 = arith.constant 0 : i32
        %dma_start3A_154 = tpu.memref_slice %arg13[%dma_start3A_152, %dma_start3A_153] : memref<5120x128xf32, #tpu.memory_space<vmem_shared>> -> memref<5120x128xf32, #tpu.memory_space<vmem_shared>>
        tpu.enqueue_indirect_dma source(%arg9 : memref<128x128xf32, #tpu.memory_space<vmem>>) target(%dma_start3A_154 : memref<5120x128xf32, #tpu.memory_space<vmem_shared>>) offsets(%dma_start3A_151 : memref<128xi32, #tpu.memory_space<vmem>>) semaphore(%run_scoped3A : memref<!tpu.dma_semaphore, #tpu.memory_space<semaphore_mem>>) {add = true}
        %dma_wait3A_155 = arith.constant 0 : i32
        %dma_wait3A_156 = tpu.memref_slice %arg8[%mul3A_105, %dma_wait3A_155] : memref<40x128xi32, #tpu.memory_space<vmem>> -> memref<1x128xi32, #tpu.memory_space<vmem>>
        %dma_wait3A_157 = tpu.memref_squeeze %dma_wait3A_156 : memref<1x128xi32, #tpu.memory_space<vmem>> -> memref<128xi32, #tpu.memory_space<vmem>>
        %dma_wait3A_158 = arith.constant 0 : i32
        %dma_wait3A_159 = arith.constant 0 : i32
        %dma_wait3A_160 = tpu.memref_slice %arg13[%dma_wait3A_158, %dma_wait3A_159] : memref<5120x128xf32, #tpu.memory_space<vmem_shared>> -> memref<5120x128xf32, #tpu.memory_space<vmem_shared>>
        tpu.wait_indirect_dma semaphore(%run_scoped3A : memref<!tpu.dma_semaphore, #tpu.memory_space<semaphore_mem>>) src(%arg9 : memref<128x128xf32, #tpu.memory_space<vmem>>) dst(%dma_wait3A_160 : memref<5120x128xf32, #tpu.memory_space<vmem_shared>>)
        tpu.yield
      }) : () -> ()
      %dma_start3A_120 = arith.constant 0 : i32
      %dma_start3A_121 = tpu.memref_slice %arg11[%dma_start3A_120] : memref<320xf32, #tpu.memory_space<vmem>> -> memref<128xf32, #tpu.memory_space<vmem>>
      %dma_start3A_122 = arith.constant 0 : i32
      %dma_start3A_123 = tpu.memref_slice %arg8[%mul3A_105, %dma_start3A_122] : memref<40x128xi32, #tpu.memory_space<vmem>> -> memref<1x128xi32, #tpu.memory_space<vmem>>
      %dma_start3A_124 = tpu.memref_squeeze %dma_start3A_123 : memref<1x128xi32, #tpu.memory_space<vmem>> -> memref<128xi32, #tpu.memory_space<vmem>>
      %dma_start3A_125 = arith.constant 0 : i32
      %dma_start3A_126 = tpu.memref_slice %arg14[%dma_start3A_125] : memref<5120xf32, #tpu.memory_space<vmem_shared>> -> memref<5120xf32, #tpu.memory_space<vmem_shared>>
      tpu.enqueue_indirect_dma source(%dma_start3A_121 : memref<128xf32, #tpu.memory_space<vmem>>) target(%dma_start3A_126 : memref<5120xf32, #tpu.memory_space<vmem_shared>>) offsets(%dma_start3A_124 : memref<128xi32, #tpu.memory_space<vmem>>) semaphore(%arg16 : memref<!tpu.dma_semaphore, #tpu.memory_space<semaphore_mem>>) {add = true}
      %add3A_127 = arith.constant 2 : i32
      %add3A_128 = arith.addi %mul3A_105, %add3A_127 : i32
      %min3A = arith.constant 39 : i32
      %min3A_129 = arith.minsi %add3A_128, %min3A : i32
      %dma_start3A_130 = arith.constant 0 : i32
      %dma_start3A_131 = tpu.memref_slice %arg7[%min3A_129, %dma_start3A_130] : memref<40x128xi32, #tpu.memory_space<vmem>> -> memref<1x128xi32, #tpu.memory_space<vmem>>
      %dma_start3A_132 = tpu.memref_squeeze %dma_start3A_131 : memref<1x128xi32, #tpu.memory_space<vmem>> -> memref<128xi32, #tpu.memory_space<vmem>>
      %dma_start3A_133 = arith.constant 0 : i32
      %dma_start3A_134 = arith.constant 0 : i32
      %dma_start3A_135 = tpu.memref_slice %arg2[%dma_start3A_133, %dma_start3A_134] : memref<10000x128xf32, #tpu.memory_space<hbm>> -> memref<10000x128xf32, #tpu.memory_space<hbm>>
      tpu.enqueue_indirect_dma source(%dma_start3A_135 : memref<10000x128xf32, #tpu.memory_space<hbm>>) target(%arg9 : memref<128x128xf32, #tpu.memory_space<vmem>>) offsets(%dma_start3A_132 : memref<128xi32, #tpu.memory_space<vmem>>) semaphore(%arg15 : memref<!tpu.dma_semaphore, #tpu.memory_space<semaphore_mem>>)
      %dma_wait3A_136 = arith.constant 0 : i32
      %dma_wait3A_137 = tpu.memref_slice %arg7[%add3A_107, %dma_wait3A_136] : memref<40x128xi32, #tpu.memory_space<vmem>> -> memref<1x128xi32, #tpu.memory_space<vmem>>
      %dma_wait3A_138 = tpu.memref_squeeze %dma_wait3A_137 : memref<1x128xi32, #tpu.memory_space<vmem>> -> memref<128xi32, #tpu.memory_space<vmem>>
      %dma_wait3A_139 = arith.constant 0 : i32
      %dma_wait3A_140 = arith.constant 0 : i32
      %dma_wait3A_141 = tpu.memref_slice %arg2[%dma_wait3A_139, %dma_wait3A_140] : memref<10000x128xf32, #tpu.memory_space<hbm>> -> memref<10000x128xf32, #tpu.memory_space<hbm>>
      tpu.wait_indirect_dma semaphore(%arg15 : memref<!tpu.dma_semaphore, #tpu.memory_space<semaphore_mem>>) src(%dma_wait3A_141 : memref<10000x128xf32, #tpu.memory_space<hbm>>) dst(%arg10 : memref<128x128xf32, #tpu.memory_space<vmem>>)
      "tpu.region"() ({
        %run_scoped3A = tpu.sem_alloc : memref<!tpu.dma_semaphore, #tpu.memory_space<semaphore_mem>>
        %dma_start3A_149 = arith.constant 0 : i32
        %dma_start3A_150 = tpu.memref_slice %arg8[%add3A_107, %dma_start3A_149] : memref<40x128xi32, #tpu.memory_space<vmem>> -> memref<1x128xi32, #tpu.memory_space<vmem>>
        %dma_start3A_151 = tpu.memref_squeeze %dma_start3A_150 : memref<1x128xi32, #tpu.memory_space<vmem>> -> memref<128xi32, #tpu.memory_space<vmem>>
        %dma_start3A_152 = arith.constant 0 : i32
        %dma_start3A_153 = arith.constant 0 : i32
        %dma_start3A_154 = tpu.memref_slice %arg13[%dma_start3A_152, %dma_start3A_153] : memref<5120x128xf32, #tpu.memory_space<vmem_shared>> -> memref<5120x128xf32, #tpu.memory_space<vmem_shared>>
        tpu.enqueue_indirect_dma source(%arg10 : memref<128x128xf32, #tpu.memory_space<vmem>>) target(%dma_start3A_154 : memref<5120x128xf32, #tpu.memory_space<vmem_shared>>) offsets(%dma_start3A_151 : memref<128xi32, #tpu.memory_space<vmem>>) semaphore(%run_scoped3A : memref<!tpu.dma_semaphore, #tpu.memory_space<semaphore_mem>>) {add = true}
        %dma_wait3A_155 = arith.constant 0 : i32
        %dma_wait3A_156 = tpu.memref_slice %arg8[%add3A_107, %dma_wait3A_155] : memref<40x128xi32, #tpu.memory_space<vmem>> -> memref<1x128xi32, #tpu.memory_space<vmem>>
        %dma_wait3A_157 = tpu.memref_squeeze %dma_wait3A_156 : memref<1x128xi32, #tpu.memory_space<vmem>> -> memref<128xi32, #tpu.memory_space<vmem>>
        %dma_wait3A_158 = arith.constant 0 : i32
        %dma_wait3A_159 = arith.constant 0 : i32
        %dma_wait3A_160 = tpu.memref_slice %arg13[%dma_wait3A_158, %dma_wait3A_159] : memref<5120x128xf32, #tpu.memory_space<vmem_shared>> -> memref<5120x128xf32, #tpu.memory_space<vmem_shared>>
        tpu.wait_indirect_dma semaphore(%run_scoped3A : memref<!tpu.dma_semaphore, #tpu.memory_space<semaphore_mem>>) src(%arg10 : memref<128x128xf32, #tpu.memory_space<vmem>>) dst(%dma_wait3A_160 : memref<5120x128xf32, #tpu.memory_space<vmem_shared>>)
        tpu.yield
      }) : () -> ()
      %dma_start3A_142 = arith.constant 0 : i32
      %dma_start3A_143 = tpu.memref_slice %arg11[%dma_start3A_142] : memref<320xf32, #tpu.memory_space<vmem>> -> memref<128xf32, #tpu.memory_space<vmem>>
      %dma_start3A_144 = arith.constant 0 : i32
      %dma_start3A_145 = tpu.memref_slice %arg8[%add3A_107, %dma_start3A_144] : memref<40x128xi32, #tpu.memory_space<vmem>> -> memref<1x128xi32, #tpu.memory_space<vmem>>
      %dma_start3A_146 = tpu.memref_squeeze %dma_start3A_145 : memref<1x128xi32, #tpu.memory_space<vmem>> -> memref<128xi32, #tpu.memory_space<vmem>>
      %dma_start3A_147 = arith.constant 0 : i32
      %dma_start3A_148 = tpu.memref_slice %arg14[%dma_start3A_147] : memref<5120xf32, #tpu.memory_space<vmem_shared>> -> memref<5120xf32, #tpu.memory_space<vmem_shared>>
      tpu.enqueue_indirect_dma source(%dma_start3A_143 : memref<128xf32, #tpu.memory_space<vmem>>) target(%dma_start3A_148 : memref<5120xf32, #tpu.memory_space<vmem_shared>>) offsets(%dma_start3A_146 : memref<128xi32, #tpu.memory_space<vmem>>) semaphore(%arg16 : memref<!tpu.dma_semaphore, #tpu.memory_space<semaphore_mem>>) {add = true}
    }
    %scan3A_40 = arith.constant 20 : i32
    %dma_wait3A = arith.constant 0 : i32
    %dma_wait3A_41 = arith.constant 0 : i32
    %dma_wait3A_42 = tpu.memref_slice %arg7[%dma_wait3A, %dma_wait3A_41] : memref<40x128xi32, #tpu.memory_space<vmem>> -> memref<1x128xi32, #tpu.memory_space<vmem>>
    %dma_wait3A_43 = tpu.memref_squeeze %dma_wait3A_42 : memref<1x128xi32, #tpu.memory_space<vmem>> -> memref<128xi32, #tpu.memory_space<vmem>>
    %dma_wait3A_44 = arith.constant 0 : i32
    %dma_wait3A_45 = arith.constant 0 : i32
    %dma_wait3A_46 = tpu.memref_slice %arg2[%dma_wait3A_44, %dma_wait3A_45] : memref<10000x128xf32, #tpu.memory_space<hbm>> -> memref<10000x128xf32, #tpu.memory_space<hbm>>
    tpu.wait_indirect_dma semaphore(%arg15 : memref<!tpu.dma_semaphore, #tpu.memory_space<semaphore_mem>>) src(%dma_wait3A_46 : memref<10000x128xf32, #tpu.memory_space<hbm>>) dst(%arg9 : memref<128x128xf32, #tpu.memory_space<vmem>>)
    %scan3A_47 = arith.constant 0 : i32
    %scan3A_48 = arith.constant 0 : i32
    %scan3A_49 = arith.constant 40 : i32
    %scan3A_50 = arith.addi %scan3A_48, %scan3A_49 : i32
    %scan3A_51 = arith.constant 1 : i32
    scf.for %scan3A_103 = %scan3A_48 to %scan3A_50 step %scan3A_51  : i32 {
      %dma_wait3A_104 = arith.constant 0 : i32
      %dma_wait3A_105 = tpu.memref_slice %arg11[%dma_wait3A_104] : memref<320xf32, #tpu.memory_space<vmem>> -> memref<128xf32, #tpu.memory_space<vmem>>
      %dma_wait3A_106 = arith.constant 0 : i32
      %dma_wait3A_107 = tpu.memref_slice %arg14[%dma_wait3A_106] : memref<5120xf32, #tpu.memory_space<vmem_shared>> -> memref<128xf32, #tpu.memory_space<vmem_shared>>
      %dma_wait3A_108 = arith.constant 0 : i32
      %dma_wait3A_109 = tpu.memref_slice %arg14[%dma_wait3A_108] : memref<5120xf32, #tpu.memory_space<vmem_shared>> -> memref<128xf32, #tpu.memory_space<vmem_shared>>
      %dma_wait3A_110 = arith.constant 0 : i32
      %dma_wait3A_111 = tpu.memref_slice %arg11[%dma_wait3A_110] : memref<320xf32, #tpu.memory_space<vmem>> -> memref<128xf32, #tpu.memory_space<vmem>>
      tpu.wait_dma2 semaphore(%arg16 : memref<!tpu.dma_semaphore, #tpu.memory_space<semaphore_mem>>) src(%dma_wait3A_111 : memref<128xf32, #tpu.memory_space<vmem>>) dst(%dma_wait3A_109 : memref<128xf32, #tpu.memory_space<vmem_shared>>)
    }
    %scan3A_52 = arith.constant 40 : i32
    %mul3A_53 = arith.constant 80 : i32
    %mul3A_54 = arith.muli %arg1, %mul3A_53 : i32
    %add3A_55 = arith.constant 40 : i32
    %add3A_56 = arith.addi %mul3A_54, %add3A_55 : i32
    "tpu.region"() ({
      %run_scoped3A = tpu.sem_alloc : memref<!tpu.dma_semaphore, #tpu.memory_space<semaphore_mem>>
      %dma_start3A_103 = arith.constant 0 : i32
      %dma_start3A_104 = tpu.memref_slice %arg3[%add3A_56, %dma_start3A_103] : memref<1280x128xi32, #tpu.memory_space<hbm>> -> memref<40x128xi32, #tpu.memory_space<hbm>>
      %dma_start3A_105 = arith.constant 0 : i32
      %dma_start3A_106 = tpu.memref_slice %arg3[%add3A_56, %dma_start3A_105] : memref<1280x128xi32, #tpu.memory_space<hbm>> -> memref<40x128xi32, #tpu.memory_space<hbm>>
      tpu.enqueue_dma source(%dma_start3A_106 : memref<40x128xi32, #tpu.memory_space<hbm>>) target(%arg7 : memref<40x128xi32, #tpu.memory_space<vmem>>) target_semaphore(%run_scoped3A : memref<!tpu.dma_semaphore, #tpu.memory_space<semaphore_mem>>)
      %dma_wait3A_107 = arith.constant 0 : i32
      %dma_wait3A_108 = tpu.memref_slice %arg3[%add3A_56, %dma_wait3A_107] : memref<1280x128xi32, #tpu.memory_space<hbm>> -> memref<40x128xi32, #tpu.memory_space<hbm>>
      %dma_wait3A_109 = arith.constant 0 : i32
      %dma_wait3A_110 = tpu.memref_slice %arg3[%add3A_56, %dma_wait3A_109] : memref<1280x128xi32, #tpu.memory_space<hbm>> -> memref<40x128xi32, #tpu.memory_space<hbm>>
      tpu.wait_dma2 semaphore(%run_scoped3A : memref<!tpu.dma_semaphore, #tpu.memory_space<semaphore_mem>>) src(%dma_wait3A_110 : memref<40x128xi32, #tpu.memory_space<hbm>>) dst(%arg7 : memref<40x128xi32, #tpu.memory_space<vmem>>)
      tpu.yield
    }) : () -> ()
    "tpu.region"() ({
      %run_scoped3A = tpu.sem_alloc : memref<!tpu.dma_semaphore, #tpu.memory_space<semaphore_mem>>
      %dma_start3A_103 = arith.constant 0 : i32
      %dma_start3A_104 = tpu.memref_slice %arg4[%add3A_56, %dma_start3A_103] : memref<1280x128xi32, #tpu.memory_space<hbm>> -> memref<40x128xi32, #tpu.memory_space<hbm>>
      %dma_start3A_105 = arith.constant 0 : i32
      %dma_start3A_106 = tpu.memref_slice %arg4[%add3A_56, %dma_start3A_105] : memref<1280x128xi32, #tpu.memory_space<hbm>> -> memref<40x128xi32, #tpu.memory_space<hbm>>
      tpu.enqueue_dma source(%dma_start3A_106 : memref<40x128xi32, #tpu.memory_space<hbm>>) target(%arg8 : memref<40x128xi32, #tpu.memory_space<vmem>>) target_semaphore(%run_scoped3A : memref<!tpu.dma_semaphore, #tpu.memory_space<semaphore_mem>>)
      %dma_wait3A_107 = arith.constant 0 : i32
      %dma_wait3A_108 = tpu.memref_slice %arg4[%add3A_56, %dma_wait3A_107] : memref<1280x128xi32, #tpu.memory_space<hbm>> -> memref<40x128xi32, #tpu.memory_space<hbm>>
      %dma_wait3A_109 = arith.constant 0 : i32
      %dma_wait3A_110 = tpu.memref_slice %arg4[%add3A_56, %dma_wait3A_109] : memref<1280x128xi32, #tpu.memory_space<hbm>> -> memref<40x128xi32, #tpu.memory_space<hbm>>
      tpu.wait_dma2 semaphore(%run_scoped3A : memref<!tpu.dma_semaphore, #tpu.memory_space<semaphore_mem>>) src(%dma_wait3A_110 : memref<40x128xi32, #tpu.memory_space<hbm>>) dst(%arg8 : memref<40x128xi32, #tpu.memory_space<vmem>>)
      tpu.yield
    }) : () -> ()
    %iota3A_57 = tpu.iota {dimensions = array<i32: 0>} : vector<16xi32>
    %scan3A_58 = arith.constant 0 : i32
    %scan3A_59 = arith.constant 0 : i32
    %scan3A_60 = arith.constant 40 : i32
    %scan3A_61 = arith.addi %scan3A_59, %scan3A_60 : i32
    %scan3A_62 = arith.constant 1 : i32
    scf.for %scan3A_103 = %scan3A_59 to %scan3A_61 step %scan3A_62  : i32 {
      %get3A = arith.index_cast %scan3A_103 : i32 to index
      %get3A_104 = arith.constant 0 : index
      %get3A_105 = tpu.vector_load %arg8[%get3A, %get3A_104] {strides = array<i32>} : memref<40x128xi32, #tpu.memory_space<vmem>>, vector<1x16xi32>,
      %get3A_106 = vector.shape_cast %get3A_105 : vector<1x16xi32> to vector<16xi32>
      %sub3A = vector.broadcast %mul3A_19 : i32 to vector<16xi32>
      %sub3A_107 = arith.subi %get3A_106, %sub3A : vector<16xi32>
      %ge3A = arith.constant 0 : i32
      %ge3A_108 = vector.broadcast %ge3A : i32 to vector<16xi32>
      %ge3A_109 = arith.cmpi sge, %sub3A_107, %ge3A_108 : vector<16xi32>
      %lt3A = arith.constant 5000 : i32
      %lt3A_110 = vector.broadcast %lt3A : i32 to vector<16xi32>
      %lt3A_111 = arith.cmpi slt, %sub3A_107, %lt3A_110 : vector<16xi32>
      %and3A = arith.andi %ge3A_109, %lt3A_111 : vector<16xi1>
      %add3A_112 = arith.constant 0 : i32
      %add3A_113 = arith.addi %arg1, %add3A_112 : i32
      %mul3A_114 = arith.constant 16 : i32
      %mul3A_115 = arith.muli %add3A_113, %mul3A_114 : i32
      %add3A_116 = vector.broadcast %mul3A_115 : i32 to vector<16xi32>
      %add3A_117 = arith.addi %iota3A_57, %add3A_116 : vector<16xi32>
      %jit3A = arith.constant 120 : i32
      %eq3A = arith.constant 0 : i32
      %eq3A_118 = arith.cmpi eq, %jit3A, %eq3A : i32
      %jit3A_119 = arith.constant 1 : i32
      %select_n3A = arith.select %eq3A_118, %jit3A_119, %jit3A : i32
      %rem3A = vector.broadcast %select_n3A : i32 to vector<16xi32>
      %rem3A_120 = arith.remsi %add3A_117, %rem3A : vector<16xi32>
      %ne3A = arith.constant 0 : i32
      %ne3A_121 = vector.broadcast %ne3A : i32 to vector<16xi32>
      %ne3A_122 = arith.cmpi ne, %rem3A_120, %ne3A_121 : vector<16xi32>
      %lt3A_123 = arith.constant 0 : i32
      %lt3A_124 = vector.broadcast %lt3A_123 : i32 to vector<16xi32>
      %lt3A_125 = arith.cmpi slt, %rem3A_120, %lt3A_124 : vector<16xi32>
      %lt3A_126 = arith.constant 0 : i32
      %lt3A_127 = arith.cmpi slt, %select_n3A, %lt3A_126 : i32
      %ne3A_128 = vector.broadcast %lt3A_127 : i1 to vector<16xi1>
      %ne3A_129 = vector.broadcast %ne3A_128 : vector<16xi1> to vector<16xi1>
      %ne3A_130 = arith.xori %lt3A_125, %ne3A_129 : vector<16xi1>
      %and3A_131 = arith.andi %ne3A_130, %ne3A_122 : vector<16xi1>
      %add3A_132 = vector.broadcast %select_n3A : i32 to vector<16xi32>
      %add3A_133 = arith.addi %rem3A_120, %add3A_132 : vector<16xi32>
      %select_n3A_134 = arith.select %and3A_131, %add3A_133, %rem3A_120 : vector<16xi1>, vector<16xi32>
      %add3A_135 = arith.constant 5000 : i32
      %add3A_136 = vector.broadcast %add3A_135 : i32 to vector<16xi32>
      %add3A_137 = arith.addi %add3A_136, %select_n3A_134 : vector<16xi32>
      %select_n3A_138 = arith.select %and3A, %sub3A_107, %add3A_137 : vector<16xi1>, vector<16xi32>
      %swap3A = arith.index_cast %scan3A_103 : i32 to index
      %swap3A_139 = arith.constant 0 : index
      %swap3A_140 = tpu.vector_load %arg8[%swap3A, %swap3A_139] {strides = array<i32>} : memref<40x128xi32, #tpu.memory_space<vmem>>, vector<1x16xi32>,
      %swap3A_141 = vector.shape_cast %swap3A_140 : vector<1x16xi32> to vector<16xi32>
      %swap3A_142 = vector.shape_cast %select_n3A_138 : vector<16xi32> to vector<1x16xi32>
      tpu.vector_store %arg8[%swap3A, %swap3A_139], %swap3A_142 {strides = array<i32>} : memref<40x128xi32, #tpu.memory_space<vmem>>, vector<1x16xi32>,
      %get3A_143 = arith.index_cast %scan3A_103 : i32 to index
      %get3A_144 = arith.constant 16 : index
      %get3A_145 = tpu.vector_load %arg8[%get3A_143, %get3A_144] {strides = array<i32>} : memref<40x128xi32, #tpu.memory_space<vmem>>, vector<1x16xi32>,
      %get3A_146 = vector.shape_cast %get3A_145 : vector<1x16xi32> to vector<16xi32>
      %sub3A_147 = vector.broadcast %mul3A_19 : i32 to vector<16xi32>
      %sub3A_148 = arith.subi %get3A_146, %sub3A_147 : vector<16xi32>
      %ge3A_149 = arith.constant 0 : i32
      %ge3A_150 = vector.broadcast %ge3A_149 : i32 to vector<16xi32>
      %ge3A_151 = arith.cmpi sge, %sub3A_148, %ge3A_150 : vector<16xi32>
      %lt3A_152 = arith.constant 5000 : i32
      %lt3A_153 = vector.broadcast %lt3A_152 : i32 to vector<16xi32>
      %lt3A_154 = arith.cmpi slt, %sub3A_148, %lt3A_153 : vector<16xi32>
      %and3A_155 = arith.andi %ge3A_151, %lt3A_154 : vector<16xi1>
      %add3A_156 = arith.constant 1 : i32
      %add3A_157 = arith.addi %arg1, %add3A_156 : i32
      %mul3A_158 = arith.constant 16 : i32
      %mul3A_159 = arith.muli %add3A_157, %mul3A_158 : i32
      %add3A_160 = vector.broadcast %mul3A_159 : i32 to vector<16xi32>
      %add3A_161 = arith.addi %iota3A_57, %add3A_160 : vector<16xi32>
      %jit3A_162 = arith.constant 120 : i32
      %eq3A_163 = arith.constant 0 : i32
      %eq3A_164 = arith.cmpi eq, %jit3A_162, %eq3A_163 : i32
      %jit3A_165 = arith.constant 1 : i32
      %select_n3A_166 = arith.select %eq3A_164, %jit3A_165, %jit3A_162 : i32
      %rem3A_167 = vector.broadcast %select_n3A_166 : i32 to vector<16xi32>
      %rem3A_168 = arith.remsi %add3A_161, %rem3A_167 : vector<16xi32>
      %ne3A_169 = arith.constant 0 : i32
      %ne3A_170 = vector.broadcast %ne3A_169 : i32 to vector<16xi32>
      %ne3A_171 = arith.cmpi ne, %rem3A_168, %ne3A_170 : vector<16xi32>
      %lt3A_172 = arith.constant 0 : i32
      %lt3A_173 = vector.broadcast %lt3A_172 : i32 to vector<16xi32>
      %lt3A_174 = arith.cmpi slt, %rem3A_168, %lt3A_173 : vector<16xi32>
      %lt3A_175 = arith.constant 0 : i32
      %lt3A_176 = arith.cmpi slt, %select_n3A_166, %lt3A_175 : i32
      %ne3A_177 = vector.broadcast %lt3A_176 : i1 to vector<16xi1>
      %ne3A_178 = vector.broadcast %ne3A_177 : vector<16xi1> to vector<16xi1>
      %ne3A_179 = arith.xori %lt3A_174, %ne3A_178 : vector<16xi1>
      %and3A_180 = arith.andi %ne3A_179, %ne3A_171 : vector<16xi1>
      %add3A_181 = vector.broadcast %select_n3A_166 : i32 to vector<16xi32>
      %add3A_182 = arith.addi %rem3A_168, %add3A_181 : vector<16xi32>
      %select_n3A_183 = arith.select %and3A_180, %add3A_182, %rem3A_168 : vector<16xi1>, vector<16xi32>
      %add3A_184 = arith.constant 5000 : i32
      %add3A_185 = vector.broadcast %add3A_184 : i32 to vector<16xi32>
      %add3A_186 = arith.addi %add3A_185, %select_n3A_183 : vector<16xi32>
      %select_n3A_187 = arith.select %and3A_155, %sub3A_148, %add3A_186 : vector<16xi1>, vector<16xi32>
      %swap3A_188 = arith.index_cast %scan3A_103 : i32 to index
      %swap3A_189 = arith.constant 16 : index
      %swap3A_190 = tpu.vector_load %arg8[%swap3A_188, %swap3A_189] {strides = array<i32>} : memref<40x128xi32, #tpu.memory_space<vmem>>, vector<1x16xi32>,
      %swap3A_191 = vector.shape_cast %swap3A_190 : vector<1x16xi32> to vector<16xi32>
      %swap3A_192 = vector.shape_cast %select_n3A_187 : vector<16xi32> to vector<1x16xi32>
      tpu.vector_store %arg8[%swap3A_188, %swap3A_189], %swap3A_192 {strides = array<i32>} : memref<40x128xi32, #tpu.memory_space<vmem>>, vector<1x16xi32>,
      %get3A_193 = arith.index_cast %scan3A_103 : i32 to index
      %get3A_194 = arith.constant 32 : index
      %get3A_195 = tpu.vector_load %arg8[%get3A_193, %get3A_194] {strides = array<i32>} : memref<40x128xi32, #tpu.memory_space<vmem>>, vector<1x16xi32>,
      %get3A_196 = vector.shape_cast %get3A_195 : vector<1x16xi32> to vector<16xi32>
      %sub3A_197 = vector.broadcast %mul3A_19 : i32 to vector<16xi32>
      %sub3A_198 = arith.subi %get3A_196, %sub3A_197 : vector<16xi32>
      %ge3A_199 = arith.constant 0 : i32
      %ge3A_200 = vector.broadcast %ge3A_199 : i32 to vector<16xi32>
      %ge3A_201 = arith.cmpi sge, %sub3A_198, %ge3A_200 : vector<16xi32>
      %lt3A_202 = arith.constant 5000 : i32
      %lt3A_203 = vector.broadcast %lt3A_202 : i32 to vector<16xi32>
      %lt3A_204 = arith.cmpi slt, %sub3A_198, %lt3A_203 : vector<16xi32>
      %and3A_205 = arith.andi %ge3A_201, %lt3A_204 : vector<16xi1>
      %add3A_206 = arith.constant 2 : i32
      %add3A_207 = arith.addi %arg1, %add3A_206 : i32
      %mul3A_208 = arith.constant 16 : i32
      %mul3A_209 = arith.muli %add3A_207, %mul3A_208 : i32
      %add3A_210 = vector.broadcast %mul3A_209 : i32 to vector<16xi32>
      %add3A_211 = arith.addi %iota3A_57, %add3A_210 : vector<16xi32>
      %jit3A_212 = arith.constant 120 : i32
      %eq3A_213 = arith.constant 0 : i32
      %eq3A_214 = arith.cmpi eq, %jit3A_212, %eq3A_213 : i32
      %jit3A_215 = arith.constant 1 : i32
      %select_n3A_216 = arith.select %eq3A_214, %jit3A_215, %jit3A_212 : i32
      %rem3A_217 = vector.broadcast %select_n3A_216 : i32 to vector<16xi32>
      %rem3A_218 = arith.remsi %add3A_211, %rem3A_217 : vector<16xi32>
      %ne3A_219 = arith.constant 0 : i32
      %ne3A_220 = vector.broadcast %ne3A_219 : i32 to vector<16xi32>
      %ne3A_221 = arith.cmpi ne, %rem3A_218, %ne3A_220 : vector<16xi32>
      %lt3A_222 = arith.constant 0 : i32
      %lt3A_223 = vector.broadcast %lt3A_222 : i32 to vector<16xi32>
      %lt3A_224 = arith.cmpi slt, %rem3A_218, %lt3A_223 : vector<16xi32>
      %lt3A_225 = arith.constant 0 : i32
      %lt3A_226 = arith.cmpi slt, %select_n3A_216, %lt3A_225 : i32
      %ne3A_227 = vector.broadcast %lt3A_226 : i1 to vector<16xi1>
      %ne3A_228 = vector.broadcast %ne3A_227 : vector<16xi1> to vector<16xi1>
      %ne3A_229 = arith.xori %lt3A_224, %ne3A_228 : vector<16xi1>
      %and3A_230 = arith.andi %ne3A_229, %ne3A_221 : vector<16xi1>
      %add3A_231 = vector.broadcast %select_n3A_216 : i32 to vector<16xi32>
      %add3A_232 = arith.addi %rem3A_218, %add3A_231 : vector<16xi32>
      %select_n3A_233 = arith.select %and3A_230, %add3A_232, %rem3A_218 : vector<16xi1>, vector<16xi32>
      %add3A_234 = arith.constant 5000 : i32
      %add3A_235 = vector.broadcast %add3A_234 : i32 to vector<16xi32>
      %add3A_236 = arith.addi %add3A_235, %select_n3A_233 : vector<16xi32>
      %select_n3A_237 = arith.select %and3A_205, %sub3A_198, %add3A_236 : vector<16xi1>, vector<16xi32>
      %swap3A_238 = arith.index_cast %scan3A_103 : i32 to index
      %swap3A_239 = arith.constant 32 : index
      %swap3A_240 = tpu.vector_load %arg8[%swap3A_238, %swap3A_239] {strides = array<i32>} : memref<40x128xi32, #tpu.memory_space<vmem>>, vector<1x16xi32>,
      %swap3A_241 = vector.shape_cast %swap3A_240 : vector<1x16xi32> to vector<16xi32>
      %swap3A_242 = vector.shape_cast %select_n3A_237 : vector<16xi32> to vector<1x16xi32>
      tpu.vector_store %arg8[%swap3A_238, %swap3A_239], %swap3A_242 {strides = array<i32>} : memref<40x128xi32, #tpu.memory_space<vmem>>, vector<1x16xi32>,
      %get3A_243 = arith.index_cast %scan3A_103 : i32 to index
      %get3A_244 = arith.constant 48 : index
      %get3A_245 = tpu.vector_load %arg8[%get3A_243, %get3A_244] {strides = array<i32>} : memref<40x128xi32, #tpu.memory_space<vmem>>, vector<1x16xi32>,
      %get3A_246 = vector.shape_cast %get3A_245 : vector<1x16xi32> to vector<16xi32>
      %sub3A_247 = vector.broadcast %mul3A_19 : i32 to vector<16xi32>
      %sub3A_248 = arith.subi %get3A_246, %sub3A_247 : vector<16xi32>
      %ge3A_249 = arith.constant 0 : i32
      %ge3A_250 = vector.broadcast %ge3A_249 : i32 to vector<16xi32>
      %ge3A_251 = arith.cmpi sge, %sub3A_248, %ge3A_250 : vector<16xi32>
      %lt3A_252 = arith.constant 5000 : i32
      %lt3A_253 = vector.broadcast %lt3A_252 : i32 to vector<16xi32>
      %lt3A_254 = arith.cmpi slt, %sub3A_248, %lt3A_253 : vector<16xi32>
      %and3A_255 = arith.andi %ge3A_251, %lt3A_254 : vector<16xi1>
      %add3A_256 = arith.constant 3 : i32
      %add3A_257 = arith.addi %arg1, %add3A_256 : i32
      %mul3A_258 = arith.constant 16 : i32
      %mul3A_259 = arith.muli %add3A_257, %mul3A_258 : i32
      %add3A_260 = vector.broadcast %mul3A_259 : i32 to vector<16xi32>
      %add3A_261 = arith.addi %iota3A_57, %add3A_260 : vector<16xi32>
      %jit3A_262 = arith.constant 120 : i32
      %eq3A_263 = arith.constant 0 : i32
      %eq3A_264 = arith.cmpi eq, %jit3A_262, %eq3A_263 : i32
      %jit3A_265 = arith.constant 1 : i32
      %select_n3A_266 = arith.select %eq3A_264, %jit3A_265, %jit3A_262 : i32
      %rem3A_267 = vector.broadcast %select_n3A_266 : i32 to vector<16xi32>
      %rem3A_268 = arith.remsi %add3A_261, %rem3A_267 : vector<16xi32>
      %ne3A_269 = arith.constant 0 : i32
      %ne3A_270 = vector.broadcast %ne3A_269 : i32 to vector<16xi32>
      %ne3A_271 = arith.cmpi ne, %rem3A_268, %ne3A_270 : vector<16xi32>
      %lt3A_272 = arith.constant 0 : i32
      %lt3A_273 = vector.broadcast %lt3A_272 : i32 to vector<16xi32>
      %lt3A_274 = arith.cmpi slt, %rem3A_268, %lt3A_273 : vector<16xi32>
      %lt3A_275 = arith.constant 0 : i32
      %lt3A_276 = arith.cmpi slt, %select_n3A_266, %lt3A_275 : i32
      %ne3A_277 = vector.broadcast %lt3A_276 : i1 to vector<16xi1>
      %ne3A_278 = vector.broadcast %ne3A_277 : vector<16xi1> to vector<16xi1>
      %ne3A_279 = arith.xori %lt3A_274, %ne3A_278 : vector<16xi1>
      %and3A_280 = arith.andi %ne3A_279, %ne3A_271 : vector<16xi1>
      %add3A_281 = vector.broadcast %select_n3A_266 : i32 to vector<16xi32>
      %add3A_282 = arith.addi %rem3A_268, %add3A_281 : vector<16xi32>
      %select_n3A_283 = arith.select %and3A_280, %add3A_282, %rem3A_268 : vector<16xi1>, vector<16xi32>
      %add3A_284 = arith.constant 5000 : i32
      %add3A_285 = vector.broadcast %add3A_284 : i32 to vector<16xi32>
      %add3A_286 = arith.addi %add3A_285, %select_n3A_283 : vector<16xi32>
      %select_n3A_287 = arith.select %and3A_255, %sub3A_248, %add3A_286 : vector<16xi1>, vector<16xi32>
      %swap3A_288 = arith.index_cast %scan3A_103 : i32 to index
      %swap3A_289 = arith.constant 48 : index
      %swap3A_290 = tpu.vector_load %arg8[%swap3A_288, %swap3A_289] {strides = array<i32>} : memref<40x128xi32, #tpu.memory_space<vmem>>, vector<1x16xi32>,
      %swap3A_291 = vector.shape_cast %swap3A_290 : vector<1x16xi32> to vector<16xi32>
      %swap3A_292 = vector.shape_cast %select_n3A_287 : vector<16xi32> to vector<1x16xi32>
      tpu.vector_store %arg8[%swap3A_288, %swap3A_289], %swap3A_292 {strides = array<i32>} : memref<40x128xi32, #tpu.memory_space<vmem>>, vector<1x16xi32>,
      %get3A_293 = arith.index_cast %scan3A_103 : i32 to index
      %get3A_294 = arith.constant 64 : index
      %get3A_295 = tpu.vector_load %arg8[%get3A_293, %get3A_294] {strides = array<i32>} : memref<40x128xi32, #tpu.memory_space<vmem>>, vector<1x16xi32>,
      %get3A_296 = vector.shape_cast %get3A_295 : vector<1x16xi32> to vector<16xi32>
      %sub3A_297 = vector.broadcast %mul3A_19 : i32 to vector<16xi32>
      %sub3A_298 = arith.subi %get3A_296, %sub3A_297 : vector<16xi32>
      %ge3A_299 = arith.constant 0 : i32
      %ge3A_300 = vector.broadcast %ge3A_299 : i32 to vector<16xi32>
      %ge3A_301 = arith.cmpi sge, %sub3A_298, %ge3A_300 : vector<16xi32>
      %lt3A_302 = arith.constant 5000 : i32
      %lt3A_303 = vector.broadcast %lt3A_302 : i32 to vector<16xi32>
      %lt3A_304 = arith.cmpi slt, %sub3A_298, %lt3A_303 : vector<16xi32>
      %and3A_305 = arith.andi %ge3A_301, %lt3A_304 : vector<16xi1>
      %add3A_306 = arith.constant 4 : i32
      %add3A_307 = arith.addi %arg1, %add3A_306 : i32
      %mul3A_308 = arith.constant 16 : i32
      %mul3A_309 = arith.muli %add3A_307, %mul3A_308 : i32
      %add3A_310 = vector.broadcast %mul3A_309 : i32 to vector<16xi32>
      %add3A_311 = arith.addi %iota3A_57, %add3A_310 : vector<16xi32>
      %jit3A_312 = arith.constant 120 : i32
      %eq3A_313 = arith.constant 0 : i32
      %eq3A_314 = arith.cmpi eq, %jit3A_312, %eq3A_313 : i32
      %jit3A_315 = arith.constant 1 : i32
      %select_n3A_316 = arith.select %eq3A_314, %jit3A_315, %jit3A_312 : i32
      %rem3A_317 = vector.broadcast %select_n3A_316 : i32 to vector<16xi32>
      %rem3A_318 = arith.remsi %add3A_311, %rem3A_317 : vector<16xi32>
      %ne3A_319 = arith.constant 0 : i32
      %ne3A_320 = vector.broadcast %ne3A_319 : i32 to vector<16xi32>
      %ne3A_321 = arith.cmpi ne, %rem3A_318, %ne3A_320 : vector<16xi32>
      %lt3A_322 = arith.constant 0 : i32
      %lt3A_323 = vector.broadcast %lt3A_322 : i32 to vector<16xi32>
      %lt3A_324 = arith.cmpi slt, %rem3A_318, %lt3A_323 : vector<16xi32>
      %lt3A_325 = arith.constant 0 : i32
      %lt3A_326 = arith.cmpi slt, %select_n3A_316, %lt3A_325 : i32
      %ne3A_327 = vector.broadcast %lt3A_326 : i1 to vector<16xi1>
      %ne3A_328 = vector.broadcast %ne3A_327 : vector<16xi1> to vector<16xi1>
      %ne3A_329 = arith.xori %lt3A_324, %ne3A_328 : vector<16xi1>
      %and3A_330 = arith.andi %ne3A_329, %ne3A_321 : vector<16xi1>
      %add3A_331 = vector.broadcast %select_n3A_316 : i32 to vector<16xi32>
      %add3A_332 = arith.addi %rem3A_318, %add3A_331 : vector<16xi32>
      %select_n3A_333 = arith.select %and3A_330, %add3A_332, %rem3A_318 : vector<16xi1>, vector<16xi32>
      %add3A_334 = arith.constant 5000 : i32
      %add3A_335 = vector.broadcast %add3A_334 : i32 to vector<16xi32>
      %add3A_336 = arith.addi %add3A_335, %select_n3A_333 : vector<16xi32>
      %select_n3A_337 = arith.select %and3A_305, %sub3A_298, %add3A_336 : vector<16xi1>, vector<16xi32>
      %swap3A_338 = arith.index_cast %scan3A_103 : i32 to index
      %swap3A_339 = arith.constant 64 : index
      %swap3A_340 = tpu.vector_load %arg8[%swap3A_338, %swap3A_339] {strides = array<i32>} : memref<40x128xi32, #tpu.memory_space<vmem>>, vector<1x16xi32>,
      %swap3A_341 = vector.shape_cast %swap3A_340 : vector<1x16xi32> to vector<16xi32>
      %swap3A_342 = vector.shape_cast %select_n3A_337 : vector<16xi32> to vector<1x16xi32>
      tpu.vector_store %arg8[%swap3A_338, %swap3A_339], %swap3A_342 {strides = array<i32>} : memref<40x128xi32, #tpu.memory_space<vmem>>, vector<1x16xi32>,
      %get3A_343 = arith.index_cast %scan3A_103 : i32 to index
      %get3A_344 = arith.constant 80 : index
      %get3A_345 = tpu.vector_load %arg8[%get3A_343, %get3A_344] {strides = array<i32>} : memref<40x128xi32, #tpu.memory_space<vmem>>, vector<1x16xi32>,
      %get3A_346 = vector.shape_cast %get3A_345 : vector<1x16xi32> to vector<16xi32>
      %sub3A_347 = vector.broadcast %mul3A_19 : i32 to vector<16xi32>
      %sub3A_348 = arith.subi %get3A_346, %sub3A_347 : vector<16xi32>
      %ge3A_349 = arith.constant 0 : i32
      %ge3A_350 = vector.broadcast %ge3A_349 : i32 to vector<16xi32>
      %ge3A_351 = arith.cmpi sge, %sub3A_348, %ge3A_350 : vector<16xi32>
      %lt3A_352 = arith.constant 5000 : i32
      %lt3A_353 = vector.broadcast %lt3A_352 : i32 to vector<16xi32>
      %lt3A_354 = arith.cmpi slt, %sub3A_348, %lt3A_353 : vector<16xi32>
      %and3A_355 = arith.andi %ge3A_351, %lt3A_354 : vector<16xi1>
      %add3A_356 = arith.constant 5 : i32
      %add3A_357 = arith.addi %arg1, %add3A_356 : i32
      %mul3A_358 = arith.constant 16 : i32
      %mul3A_359 = arith.muli %add3A_357, %mul3A_358 : i32
      %add3A_360 = vector.broadcast %mul3A_359 : i32 to vector<16xi32>
      %add3A_361 = arith.addi %iota3A_57, %add3A_360 : vector<16xi32>
      %jit3A_362 = arith.constant 120 : i32
      %eq3A_363 = arith.constant 0 : i32
      %eq3A_364 = arith.cmpi eq, %jit3A_362, %eq3A_363 : i32
      %jit3A_365 = arith.constant 1 : i32
      %select_n3A_366 = arith.select %eq3A_364, %jit3A_365, %jit3A_362 : i32
      %rem3A_367 = vector.broadcast %select_n3A_366 : i32 to vector<16xi32>
      %rem3A_368 = arith.remsi %add3A_361, %rem3A_367 : vector<16xi32>
      %ne3A_369 = arith.constant 0 : i32
      %ne3A_370 = vector.broadcast %ne3A_369 : i32 to vector<16xi32>
      %ne3A_371 = arith.cmpi ne, %rem3A_368, %ne3A_370 : vector<16xi32>
      %lt3A_372 = arith.constant 0 : i32
      %lt3A_373 = vector.broadcast %lt3A_372 : i32 to vector<16xi32>
      %lt3A_374 = arith.cmpi slt, %rem3A_368, %lt3A_373 : vector<16xi32>
      %lt3A_375 = arith.constant 0 : i32
      %lt3A_376 = arith.cmpi slt, %select_n3A_366, %lt3A_375 : i32
      %ne3A_377 = vector.broadcast %lt3A_376 : i1 to vector<16xi1>
      %ne3A_378 = vector.broadcast %ne3A_377 : vector<16xi1> to vector<16xi1>
      %ne3A_379 = arith.xori %lt3A_374, %ne3A_378 : vector<16xi1>
      %and3A_380 = arith.andi %ne3A_379, %ne3A_371 : vector<16xi1>
      %add3A_381 = vector.broadcast %select_n3A_366 : i32 to vector<16xi32>
      %add3A_382 = arith.addi %rem3A_368, %add3A_381 : vector<16xi32>
      %select_n3A_383 = arith.select %and3A_380, %add3A_382, %rem3A_368 : vector<16xi1>, vector<16xi32>
      %add3A_384 = arith.constant 5000 : i32
      %add3A_385 = vector.broadcast %add3A_384 : i32 to vector<16xi32>
      %add3A_386 = arith.addi %add3A_385, %select_n3A_383 : vector<16xi32>
      %select_n3A_387 = arith.select %and3A_355, %sub3A_348, %add3A_386 : vector<16xi1>, vector<16xi32>
      %swap3A_388 = arith.index_cast %scan3A_103 : i32 to index
      %swap3A_389 = arith.constant 80 : index
      %swap3A_390 = tpu.vector_load %arg8[%swap3A_388, %swap3A_389] {strides = array<i32>} : memref<40x128xi32, #tpu.memory_space<vmem>>, vector<1x16xi32>,
      %swap3A_391 = vector.shape_cast %swap3A_390 : vector<1x16xi32> to vector<16xi32>
      %swap3A_392 = vector.shape_cast %select_n3A_387 : vector<16xi32> to vector<1x16xi32>
      tpu.vector_store %arg8[%swap3A_388, %swap3A_389], %swap3A_392 {strides = array<i32>} : memref<40x128xi32, #tpu.memory_space<vmem>>, vector<1x16xi32>,
      %get3A_393 = arith.index_cast %scan3A_103 : i32 to index
      %get3A_394 = arith.constant 96 : index
      %get3A_395 = tpu.vector_load %arg8[%get3A_393, %get3A_394] {strides = array<i32>} : memref<40x128xi32, #tpu.memory_space<vmem>>, vector<1x16xi32>,
      %get3A_396 = vector.shape_cast %get3A_395 : vector<1x16xi32> to vector<16xi32>
      %sub3A_397 = vector.broadcast %mul3A_19 : i32 to vector<16xi32>
      %sub3A_398 = arith.subi %get3A_396, %sub3A_397 : vector<16xi32>
      %ge3A_399 = arith.constant 0 : i32
      %ge3A_400 = vector.broadcast %ge3A_399 : i32 to vector<16xi32>
      %ge3A_401 = arith.cmpi sge, %sub3A_398, %ge3A_400 : vector<16xi32>
      %lt3A_402 = arith.constant 5000 : i32
      %lt3A_403 = vector.broadcast %lt3A_402 : i32 to vector<16xi32>
      %lt3A_404 = arith.cmpi slt, %sub3A_398, %lt3A_403 : vector<16xi32>
      %and3A_405 = arith.andi %ge3A_401, %lt3A_404 : vector<16xi1>
      %add3A_406 = arith.constant 6 : i32
      %add3A_407 = arith.addi %arg1, %add3A_406 : i32
      %mul3A_408 = arith.constant 16 : i32
      %mul3A_409 = arith.muli %add3A_407, %mul3A_408 : i32
      %add3A_410 = vector.broadcast %mul3A_409 : i32 to vector<16xi32>
      %add3A_411 = arith.addi %iota3A_57, %add3A_410 : vector<16xi32>
      %jit3A_412 = arith.constant 120 : i32
      %eq3A_413 = arith.constant 0 : i32
      %eq3A_414 = arith.cmpi eq, %jit3A_412, %eq3A_413 : i32
      %jit3A_415 = arith.constant 1 : i32
      %select_n3A_416 = arith.select %eq3A_414, %jit3A_415, %jit3A_412 : i32
      %rem3A_417 = vector.broadcast %select_n3A_416 : i32 to vector<16xi32>
      %rem3A_418 = arith.remsi %add3A_411, %rem3A_417 : vector<16xi32>
      %ne3A_419 = arith.constant 0 : i32
      %ne3A_420 = vector.broadcast %ne3A_419 : i32 to vector<16xi32>
      %ne3A_421 = arith.cmpi ne, %rem3A_418, %ne3A_420 : vector<16xi32>
      %lt3A_422 = arith.constant 0 : i32
      %lt3A_423 = vector.broadcast %lt3A_422 : i32 to vector<16xi32>
      %lt3A_424 = arith.cmpi slt, %rem3A_418, %lt3A_423 : vector<16xi32>
      %lt3A_425 = arith.constant 0 : i32
      %lt3A_426 = arith.cmpi slt, %select_n3A_416, %lt3A_425 : i32
      %ne3A_427 = vector.broadcast %lt3A_426 : i1 to vector<16xi1>
      %ne3A_428 = vector.broadcast %ne3A_427 : vector<16xi1> to vector<16xi1>
      %ne3A_429 = arith.xori %lt3A_424, %ne3A_428 : vector<16xi1>
      %and3A_430 = arith.andi %ne3A_429, %ne3A_421 : vector<16xi1>
      %add3A_431 = vector.broadcast %select_n3A_416 : i32 to vector<16xi32>
      %add3A_432 = arith.addi %rem3A_418, %add3A_431 : vector<16xi32>
      %select_n3A_433 = arith.select %and3A_430, %add3A_432, %rem3A_418 : vector<16xi1>, vector<16xi32>
      %add3A_434 = arith.constant 5000 : i32
      %add3A_435 = vector.broadcast %add3A_434 : i32 to vector<16xi32>
      %add3A_436 = arith.addi %add3A_435, %select_n3A_433 : vector<16xi32>
      %select_n3A_437 = arith.select %and3A_405, %sub3A_398, %add3A_436 : vector<16xi1>, vector<16xi32>
      %swap3A_438 = arith.index_cast %scan3A_103 : i32 to index
      %swap3A_439 = arith.constant 96 : index
      %swap3A_440 = tpu.vector_load %arg8[%swap3A_438, %swap3A_439] {strides = array<i32>} : memref<40x128xi32, #tpu.memory_space<vmem>>, vector<1x16xi32>,
      %swap3A_441 = vector.shape_cast %swap3A_440 : vector<1x16xi32> to vector<16xi32>
      %swap3A_442 = vector.shape_cast %select_n3A_437 : vector<16xi32> to vector<1x16xi32>
      tpu.vector_store %arg8[%swap3A_438, %swap3A_439], %swap3A_442 {strides = array<i32>} : memref<40x128xi32, #tpu.memory_space<vmem>>, vector<1x16xi32>,
      %get3A_443 = arith.index_cast %scan3A_103 : i32 to index
      %get3A_444 = arith.constant 112 : index
      %get3A_445 = tpu.vector_load %arg8[%get3A_443, %get3A_444] {strides = array<i32>} : memref<40x128xi32, #tpu.memory_space<vmem>>, vector<1x16xi32>,
      %get3A_446 = vector.shape_cast %get3A_445 : vector<1x16xi32> to vector<16xi32>
      %sub3A_447 = vector.broadcast %mul3A_19 : i32 to vector<16xi32>
      %sub3A_448 = arith.subi %get3A_446, %sub3A_447 : vector<16xi32>
      %ge3A_449 = arith.constant 0 : i32
      %ge3A_450 = vector.broadcast %ge3A_449 : i32 to vector<16xi32>
      %ge3A_451 = arith.cmpi sge, %sub3A_448, %ge3A_450 : vector<16xi32>
      %lt3A_452 = arith.constant 5000 : i32
      %lt3A_453 = vector.broadcast %lt3A_452 : i32 to vector<16xi32>
      %lt3A_454 = arith.cmpi slt, %sub3A_448, %lt3A_453 : vector<16xi32>
      %and3A_455 = arith.andi %ge3A_451, %lt3A_454 : vector<16xi1>
      %add3A_456 = arith.constant 7 : i32
      %add3A_457 = arith.addi %arg1, %add3A_456 : i32
      %mul3A_458 = arith.constant 16 : i32
      %mul3A_459 = arith.muli %add3A_457, %mul3A_458 : i32
      %add3A_460 = vector.broadcast %mul3A_459 : i32 to vector<16xi32>
      %add3A_461 = arith.addi %iota3A_57, %add3A_460 : vector<16xi32>
      %jit3A_462 = arith.constant 120 : i32
      %eq3A_463 = arith.constant 0 : i32
      %eq3A_464 = arith.cmpi eq, %jit3A_462, %eq3A_463 : i32
      %jit3A_465 = arith.constant 1 : i32
      %select_n3A_466 = arith.select %eq3A_464, %jit3A_465, %jit3A_462 : i32
      %rem3A_467 = vector.broadcast %select_n3A_466 : i32 to vector<16xi32>
      %rem3A_468 = arith.remsi %add3A_461, %rem3A_467 : vector<16xi32>
      %ne3A_469 = arith.constant 0 : i32
      %ne3A_470 = vector.broadcast %ne3A_469 : i32 to vector<16xi32>
      %ne3A_471 = arith.cmpi ne, %rem3A_468, %ne3A_470 : vector<16xi32>
      %lt3A_472 = arith.constant 0 : i32
      %lt3A_473 = vector.broadcast %lt3A_472 : i32 to vector<16xi32>
      %lt3A_474 = arith.cmpi slt, %rem3A_468, %lt3A_473 : vector<16xi32>
      %lt3A_475 = arith.constant 0 : i32
      %lt3A_476 = arith.cmpi slt, %select_n3A_466, %lt3A_475 : i32
      %ne3A_477 = vector.broadcast %lt3A_476 : i1 to vector<16xi1>
      %ne3A_478 = vector.broadcast %ne3A_477 : vector<16xi1> to vector<16xi1>
      %ne3A_479 = arith.xori %lt3A_474, %ne3A_478 : vector<16xi1>
      %and3A_480 = arith.andi %ne3A_479, %ne3A_471 : vector<16xi1>
      %add3A_481 = vector.broadcast %select_n3A_466 : i32 to vector<16xi32>
      %add3A_482 = arith.addi %rem3A_468, %add3A_481 : vector<16xi32>
      %select_n3A_483 = arith.select %and3A_480, %add3A_482, %rem3A_468 : vector<16xi1>, vector<16xi32>
      %add3A_484 = arith.constant 5000 : i32
      %add3A_485 = vector.broadcast %add3A_484 : i32 to vector<16xi32>
      %add3A_486 = arith.addi %add3A_485, %select_n3A_483 : vector<16xi32>
      %select_n3A_487 = arith.select %and3A_455, %sub3A_448, %add3A_486 : vector<16xi1>, vector<16xi32>
      %swap3A_488 = arith.index_cast %scan3A_103 : i32 to index
      %swap3A_489 = arith.constant 112 : index
      %swap3A_490 = tpu.vector_load %arg8[%swap3A_488, %swap3A_489] {strides = array<i32>} : memref<40x128xi32, #tpu.memory_space<vmem>>, vector<1x16xi32>,
      %swap3A_491 = vector.shape_cast %swap3A_490 : vector<1x16xi32> to vector<16xi32>
      %swap3A_492 = vector.shape_cast %select_n3A_487 : vector<16xi32> to vector<1x16xi32>
      tpu.vector_store %arg8[%swap3A_488, %swap3A_489], %swap3A_492 {strides = array<i32>} : memref<40x128xi32, #tpu.memory_space<vmem>>, vector<1x16xi32>,
    }
    %scan3A_63 = arith.constant 40 : i32
    %dma_start3A_64 = arith.constant 0 : i32
    %dma_start3A_65 = arith.constant 0 : i32
    %dma_start3A_66 = tpu.memref_slice %arg7[%dma_start3A_64, %dma_start3A_65] : memref<40x128xi32, #tpu.memory_space<vmem>> -> memref<1x128xi32, #tpu.memory_space<vmem>>
    %dma_start3A_67 = tpu.memref_squeeze %dma_start3A_66 : memref<1x128xi32, #tpu.memory_space<vmem>> -> memref<128xi32, #tpu.memory_space<vmem>>
    %dma_start3A_68 = arith.constant 0 : i32
    %dma_start3A_69 = arith.constant 0 : i32
    %dma_start3A_70 = tpu.memref_slice %arg2[%dma_start3A_68, %dma_start3A_69] : memref<10000x128xf32, #tpu.memory_space<hbm>> -> memref<10000x128xf32, #tpu.memory_space<hbm>>
    tpu.enqueue_indirect_dma source(%dma_start3A_70 : memref<10000x128xf32, #tpu.memory_space<hbm>>) target(%arg9 : memref<128x128xf32, #tpu.memory_space<vmem>>) offsets(%dma_start3A_67 : memref<128xi32, #tpu.memory_space<vmem>>) semaphore(%arg15 : memref<!tpu.dma_semaphore, #tpu.memory_space<semaphore_mem>>)
    %scan3A_71 = arith.constant 0 : i32
    %scan3A_72 = arith.constant 0 : i32
    %scan3A_73 = arith.constant 20 : i32
    %scan3A_74 = arith.addi %scan3A_72, %scan3A_73 : i32
    %scan3A_75 = arith.constant 1 : i32
    scf.for %scan3A_103 = %scan3A_72 to %scan3A_74 step %scan3A_75  : i32 {
      %mul3A_104 = arith.constant 2 : i32
      %mul3A_105 = arith.muli %scan3A_103, %mul3A_104 : i32
      %add3A_106 = arith.constant 1 : i32
      %add3A_107 = arith.addi %mul3A_105, %add3A_106 : i32
      %dma_start3A_108 = arith.constant 0 : i32
      %dma_start3A_109 = tpu.memref_slice %arg7[%add3A_107, %dma_start3A_108] : memref<40x128xi32, #tpu.memory_space<vmem>> -> memref<1x128xi32, #tpu.memory_space<vmem>>
      %dma_start3A_110 = tpu.memref_squeeze %dma_start3A_109 : memref<1x128xi32, #tpu.memory_space<vmem>> -> memref<128xi32, #tpu.memory_space<vmem>>
      %dma_start3A_111 = arith.constant 0 : i32
      %dma_start3A_112 = arith.constant 0 : i32
      %dma_start3A_113 = tpu.memref_slice %arg2[%dma_start3A_111, %dma_start3A_112] : memref<10000x128xf32, #tpu.memory_space<hbm>> -> memref<10000x128xf32, #tpu.memory_space<hbm>>
      tpu.enqueue_indirect_dma source(%dma_start3A_113 : memref<10000x128xf32, #tpu.memory_space<hbm>>) target(%arg10 : memref<128x128xf32, #tpu.memory_space<vmem>>) offsets(%dma_start3A_110 : memref<128xi32, #tpu.memory_space<vmem>>) semaphore(%arg15 : memref<!tpu.dma_semaphore, #tpu.memory_space<semaphore_mem>>)
      %dma_wait3A_114 = arith.constant 0 : i32
      %dma_wait3A_115 = tpu.memref_slice %arg7[%mul3A_105, %dma_wait3A_114] : memref<40x128xi32, #tpu.memory_space<vmem>> -> memref<1x128xi32, #tpu.memory_space<vmem>>
      %dma_wait3A_116 = tpu.memref_squeeze %dma_wait3A_115 : memref<1x128xi32, #tpu.memory_space<vmem>> -> memref<128xi32, #tpu.memory_space<vmem>>
      %dma_wait3A_117 = arith.constant 0 : i32
      %dma_wait3A_118 = arith.constant 0 : i32
      %dma_wait3A_119 = tpu.memref_slice %arg2[%dma_wait3A_117, %dma_wait3A_118] : memref<10000x128xf32, #tpu.memory_space<hbm>> -> memref<10000x128xf32, #tpu.memory_space<hbm>>
      tpu.wait_indirect_dma semaphore(%arg15 : memref<!tpu.dma_semaphore, #tpu.memory_space<semaphore_mem>>) src(%dma_wait3A_119 : memref<10000x128xf32, #tpu.memory_space<hbm>>) dst(%arg9 : memref<128x128xf32, #tpu.memory_space<vmem>>)
      "tpu.region"() ({
        %run_scoped3A = tpu.sem_alloc : memref<!tpu.dma_semaphore, #tpu.memory_space<semaphore_mem>>
        %dma_start3A_149 = arith.constant 0 : i32
        %dma_start3A_150 = tpu.memref_slice %arg8[%mul3A_105, %dma_start3A_149] : memref<40x128xi32, #tpu.memory_space<vmem>> -> memref<1x128xi32, #tpu.memory_space<vmem>>
        %dma_start3A_151 = tpu.memref_squeeze %dma_start3A_150 : memref<1x128xi32, #tpu.memory_space<vmem>> -> memref<128xi32, #tpu.memory_space<vmem>>
        %dma_start3A_152 = arith.constant 0 : i32
        %dma_start3A_153 = arith.constant 0 : i32
        %dma_start3A_154 = tpu.memref_slice %arg13[%dma_start3A_152, %dma_start3A_153] : memref<5120x128xf32, #tpu.memory_space<vmem_shared>> -> memref<5120x128xf32, #tpu.memory_space<vmem_shared>>
        tpu.enqueue_indirect_dma source(%arg9 : memref<128x128xf32, #tpu.memory_space<vmem>>) target(%dma_start3A_154 : memref<5120x128xf32, #tpu.memory_space<vmem_shared>>) offsets(%dma_start3A_151 : memref<128xi32, #tpu.memory_space<vmem>>) semaphore(%run_scoped3A : memref<!tpu.dma_semaphore, #tpu.memory_space<semaphore_mem>>) {add = true}
        %dma_wait3A_155 = arith.constant 0 : i32
        %dma_wait3A_156 = tpu.memref_slice %arg8[%mul3A_105, %dma_wait3A_155] : memref<40x128xi32, #tpu.memory_space<vmem>> -> memref<1x128xi32, #tpu.memory_space<vmem>>
        %dma_wait3A_157 = tpu.memref_squeeze %dma_wait3A_156 : memref<1x128xi32, #tpu.memory_space<vmem>> -> memref<128xi32, #tpu.memory_space<vmem>>
        %dma_wait3A_158 = arith.constant 0 : i32
        %dma_wait3A_159 = arith.constant 0 : i32
        %dma_wait3A_160 = tpu.memref_slice %arg13[%dma_wait3A_158, %dma_wait3A_159] : memref<5120x128xf32, #tpu.memory_space<vmem_shared>> -> memref<5120x128xf32, #tpu.memory_space<vmem_shared>>
        tpu.wait_indirect_dma semaphore(%run_scoped3A : memref<!tpu.dma_semaphore, #tpu.memory_space<semaphore_mem>>) src(%arg9 : memref<128x128xf32, #tpu.memory_space<vmem>>) dst(%dma_wait3A_160 : memref<5120x128xf32, #tpu.memory_space<vmem_shared>>)
        tpu.yield
      }) : () -> ()
      %dma_start3A_120 = arith.constant 0 : i32
      %dma_start3A_121 = tpu.memref_slice %arg11[%dma_start3A_120] : memref<320xf32, #tpu.memory_space<vmem>> -> memref<128xf32, #tpu.memory_space<vmem>>
      %dma_start3A_122 = arith.constant 0 : i32
      %dma_start3A_123 = tpu.memref_slice %arg8[%mul3A_105, %dma_start3A_122] : memref<40x128xi32, #tpu.memory_space<vmem>> -> memref<1x128xi32, #tpu.memory_space<vmem>>
      %dma_start3A_124 = tpu.memref_squeeze %dma_start3A_123 : memref<1x128xi32, #tpu.memory_space<vmem>> -> memref<128xi32, #tpu.memory_space<vmem>>
      %dma_start3A_125 = arith.constant 0 : i32
      %dma_start3A_126 = tpu.memref_slice %arg14[%dma_start3A_125] : memref<5120xf32, #tpu.memory_space<vmem_shared>> -> memref<5120xf32, #tpu.memory_space<vmem_shared>>
      tpu.enqueue_indirect_dma source(%dma_start3A_121 : memref<128xf32, #tpu.memory_space<vmem>>) target(%dma_start3A_126 : memref<5120xf32, #tpu.memory_space<vmem_shared>>) offsets(%dma_start3A_124 : memref<128xi32, #tpu.memory_space<vmem>>) semaphore(%arg16 : memref<!tpu.dma_semaphore, #tpu.memory_space<semaphore_mem>>) {add = true}
      %add3A_127 = arith.constant 2 : i32
      %add3A_128 = arith.addi %mul3A_105, %add3A_127 : i32
      %min3A = arith.constant 39 : i32
      %min3A_129 = arith.minsi %add3A_128, %min3A : i32
      %dma_start3A_130 = arith.constant 0 : i32
      %dma_start3A_131 = tpu.memref_slice %arg7[%min3A_129, %dma_start3A_130] : memref<40x128xi32, #tpu.memory_space<vmem>> -> memref<1x128xi32, #tpu.memory_space<vmem>>
      %dma_start3A_132 = tpu.memref_squeeze %dma_start3A_131 : memref<1x128xi32, #tpu.memory_space<vmem>> -> memref<128xi32, #tpu.memory_space<vmem>>
      %dma_start3A_133 = arith.constant 0 : i32
      %dma_start3A_134 = arith.constant 0 : i32
      %dma_start3A_135 = tpu.memref_slice %arg2[%dma_start3A_133, %dma_start3A_134] : memref<10000x128xf32, #tpu.memory_space<hbm>> -> memref<10000x128xf32, #tpu.memory_space<hbm>>
      tpu.enqueue_indirect_dma source(%dma_start3A_135 : memref<10000x128xf32, #tpu.memory_space<hbm>>) target(%arg9 : memref<128x128xf32, #tpu.memory_space<vmem>>) offsets(%dma_start3A_132 : memref<128xi32, #tpu.memory_space<vmem>>) semaphore(%arg15 : memref<!tpu.dma_semaphore, #tpu.memory_space<semaphore_mem>>)
      %dma_wait3A_136 = arith.constant 0 : i32
      %dma_wait3A_137 = tpu.memref_slice %arg7[%add3A_107, %dma_wait3A_136] : memref<40x128xi32, #tpu.memory_space<vmem>> -> memref<1x128xi32, #tpu.memory_space<vmem>>
      %dma_wait3A_138 = tpu.memref_squeeze %dma_wait3A_137 : memref<1x128xi32, #tpu.memory_space<vmem>> -> memref<128xi32, #tpu.memory_space<vmem>>
      %dma_wait3A_139 = arith.constant 0 : i32
      %dma_wait3A_140 = arith.constant 0 : i32
      %dma_wait3A_141 = tpu.memref_slice %arg2[%dma_wait3A_139, %dma_wait3A_140] : memref<10000x128xf32, #tpu.memory_space<hbm>> -> memref<10000x128xf32, #tpu.memory_space<hbm>>
      tpu.wait_indirect_dma semaphore(%arg15 : memref<!tpu.dma_semaphore, #tpu.memory_space<semaphore_mem>>) src(%dma_wait3A_141 : memref<10000x128xf32, #tpu.memory_space<hbm>>) dst(%arg10 : memref<128x128xf32, #tpu.memory_space<vmem>>)
      "tpu.region"() ({
        %run_scoped3A = tpu.sem_alloc : memref<!tpu.dma_semaphore, #tpu.memory_space<semaphore_mem>>
        %dma_start3A_149 = arith.constant 0 : i32
        %dma_start3A_150 = tpu.memref_slice %arg8[%add3A_107, %dma_start3A_149] : memref<40x128xi32, #tpu.memory_space<vmem>> -> memref<1x128xi32, #tpu.memory_space<vmem>>
        %dma_start3A_151 = tpu.memref_squeeze %dma_start3A_150 : memref<1x128xi32, #tpu.memory_space<vmem>> -> memref<128xi32, #tpu.memory_space<vmem>>
        %dma_start3A_152 = arith.constant 0 : i32
        %dma_start3A_153 = arith.constant 0 : i32
        %dma_start3A_154 = tpu.memref_slice %arg13[%dma_start3A_152, %dma_start3A_153] : memref<5120x128xf32, #tpu.memory_space<vmem_shared>> -> memref<5120x128xf32, #tpu.memory_space<vmem_shared>>
        tpu.enqueue_indirect_dma source(%arg10 : memref<128x128xf32, #tpu.memory_space<vmem>>) target(%dma_start3A_154 : memref<5120x128xf32, #tpu.memory_space<vmem_shared>>) offsets(%dma_start3A_151 : memref<128xi32, #tpu.memory_space<vmem>>) semaphore(%run_scoped3A : memref<!tpu.dma_semaphore, #tpu.memory_space<semaphore_mem>>) {add = true}
        %dma_wait3A_155 = arith.constant 0 : i32
        %dma_wait3A_156 = tpu.memref_slice %arg8[%add3A_107, %dma_wait3A_155] : memref<40x128xi32, #tpu.memory_space<vmem>> -> memref<1x128xi32, #tpu.memory_space<vmem>>
        %dma_wait3A_157 = tpu.memref_squeeze %dma_wait3A_156 : memref<1x128xi32, #tpu.memory_space<vmem>> -> memref<128xi32, #tpu.memory_space<vmem>>
        %dma_wait3A_158 = arith.constant 0 : i32
        %dma_wait3A_159 = arith.constant 0 : i32
        %dma_wait3A_160 = tpu.memref_slice %arg13[%dma_wait3A_158, %dma_wait3A_159] : memref<5120x128xf32, #tpu.memory_space<vmem_shared>> -> memref<5120x128xf32, #tpu.memory_space<vmem_shared>>
        tpu.wait_indirect_dma semaphore(%run_scoped3A : memref<!tpu.dma_semaphore, #tpu.memory_space<semaphore_mem>>) src(%arg10 : memref<128x128xf32, #tpu.memory_space<vmem>>) dst(%dma_wait3A_160 : memref<5120x128xf32, #tpu.memory_space<vmem_shared>>)
        tpu.yield
      }) : () -> ()
      %dma_start3A_142 = arith.constant 0 : i32
      %dma_start3A_143 = tpu.memref_slice %arg11[%dma_start3A_142] : memref<320xf32, #tpu.memory_space<vmem>> -> memref<128xf32, #tpu.memory_space<vmem>>
      %dma_start3A_144 = arith.constant 0 : i32
      %dma_start3A_145 = tpu.memref_slice %arg8[%add3A_107, %dma_start3A_144] : memref<40x128xi32, #tpu.memory_space<vmem>> -> memref<1x128xi32, #tpu.memory_space<vmem>>
      %dma_start3A_146 = tpu.memref_squeeze %dma_start3A_145 : memref<1x128xi32, #tpu.memory_space<vmem>> -> memref<128xi32, #tpu.memory_space<vmem>>
      %dma_start3A_147 = arith.constant 0 : i32
      %dma_start3A_148 = tpu.memref_slice %arg14[%dma_start3A_147] : memref<5120xf32, #tpu.memory_space<vmem_shared>> -> memref<5120xf32, #tpu.memory_space<vmem_shared>>
      tpu.enqueue_indirect_dma source(%dma_start3A_143 : memref<128xf32, #tpu.memory_space<vmem>>) target(%dma_start3A_148 : memref<5120xf32, #tpu.memory_space<vmem_shared>>) offsets(%dma_start3A_146 : memref<128xi32, #tpu.memory_space<vmem>>) semaphore(%arg16 : memref<!tpu.dma_semaphore, #tpu.memory_space<semaphore_mem>>) {add = true}
    }
    %scan3A_76 = arith.constant 20 : i32
    %dma_wait3A_77 = arith.constant 0 : i32
    %dma_wait3A_78 = arith.constant 0 : i32
    %dma_wait3A_79 = tpu.memref_slice %arg7[%dma_wait3A_77, %dma_wait3A_78] : memref<40x128xi32, #tpu.memory_space<vmem>> -> memref<1x128xi32, #tpu.memory_space<vmem>>
    %dma_wait3A_80 = tpu.memref_squeeze %dma_wait3A_79 : memref<1x128xi32, #tpu.memory_space<vmem>> -> memref<128xi32, #tpu.memory_space<vmem>>
    %dma_wait3A_81 = arith.constant 0 : i32
    %dma_wait3A_82 = arith.constant 0 : i32
    %dma_wait3A_83 = tpu.memref_slice %arg2[%dma_wait3A_81, %dma_wait3A_82] : memref<10000x128xf32, #tpu.memory_space<hbm>> -> memref<10000x128xf32, #tpu.memory_space<hbm>>
    tpu.wait_indirect_dma semaphore(%arg15 : memref<!tpu.dma_semaphore, #tpu.memory_space<semaphore_mem>>) src(%dma_wait3A_83 : memref<10000x128xf32, #tpu.memory_space<hbm>>) dst(%arg9 : memref<128x128xf32, #tpu.memory_space<vmem>>)
    %scan3A_84 = arith.constant 0 : i32
    %scan3A_85 = arith.constant 0 : i32
    %scan3A_86 = arith.constant 40 : i32
    %scan3A_87 = arith.addi %scan3A_85, %scan3A_86 : i32
    %scan3A_88 = arith.constant 1 : i32
    scf.for %scan3A_103 = %scan3A_85 to %scan3A_87 step %scan3A_88  : i32 {
      %dma_wait3A_104 = arith.constant 0 : i32
      %dma_wait3A_105 = tpu.memref_slice %arg11[%dma_wait3A_104] : memref<320xf32, #tpu.memory_space<vmem>> -> memref<128xf32, #tpu.memory_space<vmem>>
      %dma_wait3A_106 = arith.constant 0 : i32
      %dma_wait3A_107 = tpu.memref_slice %arg14[%dma_wait3A_106] : memref<5120xf32, #tpu.memory_space<vmem_shared>> -> memref<128xf32, #tpu.memory_space<vmem_shared>>
      %dma_wait3A_108 = arith.constant 0 : i32
      %dma_wait3A_109 = tpu.memref_slice %arg14[%dma_wait3A_108] : memref<5120xf32, #tpu.memory_space<vmem_shared>> -> memref<128xf32, #tpu.memory_space<vmem_shared>>
      %dma_wait3A_110 = arith.constant 0 : i32
      %dma_wait3A_111 = tpu.memref_slice %arg11[%dma_wait3A_110] : memref<320xf32, #tpu.memory_space<vmem>> -> memref<128xf32, #tpu.memory_space<vmem>>
      tpu.wait_dma2 semaphore(%arg16 : memref<!tpu.dma_semaphore, #tpu.memory_space<semaphore_mem>>) src(%dma_wait3A_111 : memref<128xf32, #tpu.memory_space<vmem>>) dst(%dma_wait3A_109 : memref<128xf32, #tpu.memory_space<vmem_shared>>)
    }
    %scan3A_89 = arith.constant 40 : i32
    %barrier3A_90 = arith.constant 0 : index
    tpu.barrier barrier_id(%barrier3A_90)
    %mul3A_91 = arith.constant 320 : i32
    %mul3A_92 = arith.muli %arg1, %mul3A_91 : i32
    %mul3A_93 = arith.constant 5120 : i32
    %mul3A_94 = arith.muli %arg0, %mul3A_93 : i32
    %add3A_95 = arith.addi %mul3A_94, %mul3A_92 : i32
    "tpu.region"() ({
      %run_scoped3A = tpu.sem_alloc : memref<!tpu.dma_semaphore, #tpu.memory_space<semaphore_mem>>
      %dma_start3A_103 = arith.constant 0 : i32
      %dma_start3A_104 = tpu.memref_slice %arg5[%add3A_95, %dma_start3A_103] : memref<10240x128xf32, #tpu.memory_space<hbm>> -> memref<320x128xf32, #tpu.memory_space<hbm>>
      %dma_start3A_105 = arith.constant 0 : i32
      %dma_start3A_106 = tpu.memref_slice %arg13[%mul3A_92, %dma_start3A_105] : memref<5120x128xf32, #tpu.memory_space<vmem_shared>> -> memref<320x128xf32, #tpu.memory_space<vmem_shared>>
      tpu.enqueue_dma source(%dma_start3A_106 : memref<320x128xf32, #tpu.memory_space<vmem_shared>>) target(%dma_start3A_104 : memref<320x128xf32, #tpu.memory_space<hbm>>) target_semaphore(%run_scoped3A : memref<!tpu.dma_semaphore, #tpu.memory_space<semaphore_mem>>)
      %dma_wait3A_107 = arith.constant 0 : i32
      %dma_wait3A_108 = tpu.memref_slice %arg5[%add3A_95, %dma_wait3A_107] : memref<10240x128xf32, #tpu.memory_space<hbm>> -> memref<320x128xf32, #tpu.memory_space<hbm>>
      %dma_wait3A_109 = arith.constant 0 : i32
      %dma_wait3A_110 = tpu.memref_slice %arg13[%mul3A_92, %dma_wait3A_109] : memref<5120x128xf32, #tpu.memory_space<vmem_shared>> -> memref<320x128xf32, #tpu.memory_space<vmem_shared>>
      tpu.wait_dma2 semaphore(%run_scoped3A : memref<!tpu.dma_semaphore, #tpu.memory_space<semaphore_mem>>) src(%dma_wait3A_110 : memref<320x128xf32, #tpu.memory_space<vmem_shared>>) dst(%dma_wait3A_108 : memref<320x128xf32, #tpu.memory_space<hbm>>)
      tpu.yield
    }) : () -> ()
    %mul3A_96 = arith.constant 320 : i32
    %mul3A_97 = arith.muli %arg1, %mul3A_96 : i32
    "tpu.region"() ({
      %run_scoped3A = tpu.sem_alloc : memref<!tpu.dma_semaphore, #tpu.memory_space<semaphore_mem>>
      %dma_start3A_103 = tpu.memref_slice %arg14[%mul3A_97] : memref<5120xf32, #tpu.memory_space<vmem_shared>> -> memref<320xf32, #tpu.memory_space<vmem_shared>>
      %dma_start3A_104 = tpu.memref_slice %arg14[%mul3A_97] : memref<5120xf32, #tpu.memory_space<vmem_shared>> -> memref<320xf32, #tpu.memory_space<vmem_shared>>
      tpu.enqueue_dma source(%dma_start3A_104 : memref<320xf32, #tpu.memory_space<vmem_shared>>) target(%arg12 : memref<320xf32, #tpu.memory_space<vmem>>) target_semaphore(%run_scoped3A : memref<!tpu.dma_semaphore, #tpu.memory_space<semaphore_mem>>)
      %dma_wait3A_105 = tpu.memref_slice %arg14[%mul3A_97] : memref<5120xf32, #tpu.memory_space<vmem_shared>> -> memref<320xf32, #tpu.memory_space<vmem_shared>>
      %dma_wait3A_106 = tpu.memref_slice %arg14[%mul3A_97] : memref<5120xf32, #tpu.memory_space<vmem_shared>> -> memref<320xf32, #tpu.memory_space<vmem_shared>>
      tpu.wait_dma2 semaphore(%run_scoped3A : memref<!tpu.dma_semaphore, #tpu.memory_space<semaphore_mem>>) src(%dma_wait3A_106 : memref<320xf32, #tpu.memory_space<vmem_shared>>) dst(%arg12 : memref<320xf32, #tpu.memory_space<vmem>>)
      tpu.yield
    }) : () -> ()
    %mul3A_98 = arith.constant 5120 : i32
    %mul3A_99 = arith.muli %arg0, %mul3A_98 : i32
    %mul3A_100 = arith.constant 320 : i32
    %mul3A_101 = arith.muli %arg1, %mul3A_100 : i32
    %add3A_102 = arith.addi %mul3A_99, %mul3A_101 : i32
    "tpu.region"() ({
      %run_scoped3A = tpu.sem_alloc : memref<!tpu.dma_semaphore, #tpu.memory_space<semaphore_mem>>
      %dma_start3A_103 = tpu.memref_slice %arg6[%add3A_102] : memref<10240xf32, #tpu.memory_space<hbm>> -> memref<320xf32, #tpu.memory_space<hbm>>
      %dma_start3A_104 = tpu.memref_slice %arg6[%add3A_102] : memref<10240xf32, #tpu.memory_space<hbm>> -> memref<320xf32, #tpu.memory_space<hbm>>
      tpu.enqueue_dma source(%arg12 : memref<320xf32, #tpu.memory_space<vmem>>) target(%dma_start3A_104 : memref<320xf32, #tpu.memory_space<hbm>>) target_semaphore(%run_scoped3A : memref<!tpu.dma_semaphore, #tpu.memory_space<semaphore_mem>>)
      %dma_wait3A_105 = tpu.memref_slice %arg6[%add3A_102] : memref<10240xf32, #tpu.memory_space<hbm>> -> memref<320xf32, #tpu.memory_space<hbm>>
      %dma_wait3A_106 = tpu.memref_slice %arg6[%add3A_102] : memref<10240xf32, #tpu.memory_space<hbm>> -> memref<320xf32, #tpu.memory_space<hbm>>
      tpu.wait_dma2 semaphore(%run_scoped3A : memref<!tpu.dma_semaphore, #tpu.memory_space<semaphore_mem>>) src(%arg12 : memref<320xf32, #tpu.memory_space<vmem>>) dst(%dma_wait3A_106 : memref<320xf32, #tpu.memory_space<hbm>>)
      tpu.yield
    }) : () -> ()
    return
  }
}

module attributes {stable_mosaic.version = 14 : i64} {
  func.func @_mean_linear_lrelu(%arg0: i32, %arg1: memref<1x5120x128xf32, #tpu.memory_space<vmem>>, %arg2: memref<1x5120x1xf32, #tpu.memory_space<vmem>>, %arg3: memref<128x128xf32, #tpu.memory_space<vmem>>, %arg4: memref<1x128xf32, #tpu.memory_space<vmem>>, %arg5: memref<5000x128xf32, #tpu.memory_space<vmem>>) attributes {dimension_semantics = [#tpu.dimension_semantics<arbitrary>], iteration_bounds = array<i64: 2>, scalar_prefetch = 0 : i64, scratch_operands = 0 : i64, tpu.core_type = #tpu.core_type<tc>, window_params = [{transform_indices = @transform_0, window_bounds = array<i64: 1, 5120, 128>}, {transform_indices = @transform_1, window_bounds = array<i64: 1, 5120, 1>}, {pipeline_mode = #tpu.pipeline_mode<synchronous>, transform_indices = @transform_2, window_bounds = array<i64: 128, 128>}, {pipeline_mode = #tpu.pipeline_mode<synchronous>, transform_indices = @transform_3, window_bounds = array<i64: 1, 128>}, {transform_indices = @transform_4, window_bounds = array<i64: 5000, 128>}]} {
    %get3A = arith.constant 0 : index
    %get3A_0 = arith.constant 0 : index
    %get3A_1 = arith.constant 0 : index
    %get3A_2 = vector.load %arg1[%get3A, %get3A_0, %get3A_1] : memref<1x5120x128xf32, #tpu.memory_space<vmem>>, vector<1x5120x128xf32>
    %get3A_3 = vector.shape_cast %get3A_2 : vector<1x5120x128xf32> to vector<5120x128xf32>
    %get3A_4 = arith.constant 0 : index
    %get3A_5 = arith.constant 0 : index
    %get3A_6 = arith.constant 0 : index
    %get3A_7 = vector.load %arg2[%get3A_4, %get3A_5, %get3A_6] : memref<1x5120x1xf32, #tpu.memory_space<vmem>>, vector<1x5120x1xf32>
    %get3A_8 = vector.shape_cast %get3A_7 : vector<1x5120x1xf32> to vector<5120x1xf32>
    %max3A = arith.constant 1.000000e+00 : f32
    %max3A_9 = vector.broadcast %max3A : f32 to vector<5120x1xf32>
    %max3A_10 = arith.maximumf %get3A_8, %max3A_9 : vector<5120x1xf32>
    %div3A = vector.broadcast %max3A_10 : vector<5120x1xf32> to vector<5120x128xf32>
    %div3A_11 = arith.divf %get3A_3, %div3A : vector<5120x128xf32>
    %get3A_12 = arith.constant 0 : index
    %get3A_13 = arith.constant 0 : index
    %get3A_14 = vector.load %arg3[%get3A_12, %get3A_13] : memref<128x128xf32, #tpu.memory_space<vmem>>, vector<128x128xf32>
    %dot_general3A = arith.constant dense<0.000000e+00> : vector<5120x128xf32>
    %dot_general3A_15 = tpu.matmul %div3A_11, %get3A_14, %dot_general3A {dimension_numbers = #tpu.dot_dimension_numbers<[1], [0], [0], [1], [0, 0, 1, 1], [], []>, transpose_lhs_hint = false} : vector<5120x128xf32>, vector<128x128xf32>, vector<5120x128xf32> -> vector<5120x128xf32>
    %get3A_16 = arith.constant 0 : index
    %get3A_17 = arith.constant 0 : index
    %get3A_18 = vector.load %arg4[%get3A_16, %get3A_17] : memref<1x128xf32, #tpu.memory_space<vmem>>, vector<1x128xf32>
    %add3A = vector.broadcast %get3A_18 : vector<1x128xf32> to vector<5120x128xf32>
    %add3A_19 = arith.addf %dot_general3A_15, %add3A : vector<5120x128xf32>
    %ge3A = arith.constant 0.000000e+00 : f32
    %ge3A_20 = vector.broadcast %ge3A : f32 to vector<5120x128xf32>
    %ge3A_21 = arith.cmpf oge, %add3A_19, %ge3A_20 : vector<5120x128xf32>
    %mul3A = arith.constant 0.00999999977 : f32
    %mul3A_22 = vector.broadcast %mul3A : f32 to vector<5120x128xf32>
    %mul3A_23 = arith.mulf %mul3A_22, %add3A_19 : vector<5120x128xf32>
    %select_n3A = arith.select %ge3A_21, %add3A_19, %mul3A_23 : vector<5120x128xi1>, vector<5120x128xf32>
    %gt3A = arith.constant 0.000000e+00 : f32
    %gt3A_24 = vector.broadcast %gt3A : f32 to vector<5120x1xf32>
    %gt3A_25 = arith.cmpf ogt, %get3A_8, %gt3A_24 : vector<5120x1xf32>
    %jit3A = arith.constant 0.000000e+00 : f32
    %broadcast_in_dim3A = vector.shape_cast %gt3A_25 : vector<5120x1xi1> to vector<5120x1xi1>
    %broadcast_in_dim3A_26 = vector.broadcast %broadcast_in_dim3A : vector<5120x1xi1> to vector<5120x128xi1>
    %broadcast_in_dim3A_27 = vector.broadcast %jit3A : f32 to vector<5120x128xf32>
    %select_n3A_28 = arith.select %broadcast_in_dim3A_26, %select_n3A, %broadcast_in_dim3A_27 : vector<5120x128xi1>, vector<5120x128xf32>
    %slice3A = vector.extract_strided_slice %select_n3A_28 {offsets = [0, 0], sizes = [5000, 128], strides = [1, 1]} : vector<5120x128xf32> to vector<5000x128xf32>
    %swap3A = arith.constant 0 : index
    %swap3A_29 = arith.constant 0 : index
    %swap3A_30 = vector.load %arg5[%swap3A, %swap3A_29] : memref<5000x128xf32, #tpu.memory_space<vmem>>, vector<5000x128xf32>
    tpu.vector_store %arg5[%swap3A, %swap3A_29], %slice3A {strides = array<i32>} : memref<5000x128xf32, #tpu.memory_space<vmem>>, vector<5000x128xf32>,
    return
  }
  func.func @transform_0(%arg0: i32) -> (i32, i32, i32) {
    %c0_i32 = arith.constant 0 : i32
    %c0_i32_0 = arith.constant 0 : i32
    %c0_i32_1 = arith.constant 0 : i32
    return %arg0, %c0_i32, %c0_i32_0 : i32, i32, i32
  }
  func.func @transform_1(%arg0: i32) -> (i32, i32, i32) {
    %c0_i32 = arith.constant 0 : i32
    %c0_i32_0 = arith.constant 0 : i32
    %c0_i32_1 = arith.constant 0 : i32
    return %arg0, %c0_i32, %c0_i32_0 : i32, i32, i32
  }
  func.func @transform_2(%arg0: i32) -> (i32, i32) {
    %c0_i32 = arith.constant 0 : i32
    %c0_i32_0 = arith.constant 0 : i32
    %c0_i32_1 = arith.constant 0 : i32
    return %c0_i32, %c0_i32_0 : i32, i32
  }
  func.func @transform_3(%arg0: i32) -> (i32, i32) {
    %c0_i32 = arith.constant 0 : i32
    %c0_i32_0 = arith.constant 0 : i32
    %c0_i32_1 = arith.constant 0 : i32
    return %c0_i32, %c0_i32_0 : i32, i32
  }
  func.func @transform_4(%arg0: i32) -> (i32, i32) {
    %c0_i32 = arith.constant 0 : i32
    %c0_i32_0 = arith.constant 0 : i32
    return %arg0, %c0_i32 : i32, i32
  }
}

module attributes {stable_mosaic.version = 14 : i64} {
  func.func @_mean_linear_softmax(%arg0: i32, %arg1: memref<1x5120x128xf32, #tpu.memory_space<vmem>>, %arg2: memref<1x5120x1xf32, #tpu.memory_space<vmem>>, %arg3: memref<128x128xf32, #tpu.memory_space<vmem>>, %arg4: memref<1x128xf32, #tpu.memory_space<vmem>>, %arg5: memref<128x2xf32, #tpu.memory_space<vmem>>, %arg6: memref<1x2xf32, #tpu.memory_space<vmem>>, %arg7: memref<5000x2xf32, #tpu.memory_space<vmem>>) attributes {dimension_semantics = [#tpu.dimension_semantics<arbitrary>], iteration_bounds = array<i64: 2>, scalar_prefetch = 0 : i64, scratch_operands = 0 : i64, tpu.core_type = #tpu.core_type<tc>, window_params = [{transform_indices = @transform_0, window_bounds = array<i64: 1, 5120, 128>}, {transform_indices = @transform_1, window_bounds = array<i64: 1, 5120, 1>}, {pipeline_mode = #tpu.pipeline_mode<synchronous>, transform_indices = @transform_2, window_bounds = array<i64: 128, 128>}, {pipeline_mode = #tpu.pipeline_mode<synchronous>, transform_indices = @transform_3, window_bounds = array<i64: 1, 128>}, {pipeline_mode = #tpu.pipeline_mode<synchronous>, transform_indices = @transform_4, window_bounds = array<i64: 128, 2>}, {pipeline_mode = #tpu.pipeline_mode<synchronous>, transform_indices = @transform_5, window_bounds = array<i64: 1, 2>}, {transform_indices = @transform_6, window_bounds = array<i64: 5000, 2>}]} {
    %get3A = arith.constant 0 : index
    %get3A_0 = arith.constant 0 : index
    %get3A_1 = arith.constant 0 : index
    %get3A_2 = vector.load %arg1[%get3A, %get3A_0, %get3A_1] : memref<1x5120x128xf32, #tpu.memory_space<vmem>>, vector<1x5120x128xf32>
    %get3A_3 = vector.shape_cast %get3A_2 : vector<1x5120x128xf32> to vector<5120x128xf32>
    %get3A_4 = arith.constant 0 : index
    %get3A_5 = arith.constant 0 : index
    %get3A_6 = arith.constant 0 : index
    %get3A_7 = vector.load %arg2[%get3A_4, %get3A_5, %get3A_6] : memref<1x5120x1xf32, #tpu.memory_space<vmem>>, vector<1x5120x1xf32>
    %get3A_8 = vector.shape_cast %get3A_7 : vector<1x5120x1xf32> to vector<5120x1xf32>
    %max3A = arith.constant 1.000000e+00 : f32
    %max3A_9 = vector.broadcast %max3A : f32 to vector<5120x1xf32>
    %max3A_10 = arith.maximumf %get3A_8, %max3A_9 : vector<5120x1xf32>
    %div3A = vector.broadcast %max3A_10 : vector<5120x1xf32> to vector<5120x128xf32>
    %div3A_11 = arith.divf %get3A_3, %div3A : vector<5120x128xf32>
    %get3A_12 = arith.constant 0 : index
    %get3A_13 = arith.constant 0 : index
    %get3A_14 = vector.load %arg3[%get3A_12, %get3A_13] : memref<128x128xf32, #tpu.memory_space<vmem>>, vector<128x128xf32>
    %dot_general3A = arith.constant dense<0.000000e+00> : vector<5120x128xf32>
    %dot_general3A_15 = tpu.matmul %div3A_11, %get3A_14, %dot_general3A {dimension_numbers = #tpu.dot_dimension_numbers<[1], [0], [0], [1], [0, 0, 1, 1], [], []>, transpose_lhs_hint = false} : vector<5120x128xf32>, vector<128x128xf32>, vector<5120x128xf32> -> vector<5120x128xf32>
    %gt3A = arith.constant 0.000000e+00 : f32
    %gt3A_16 = vector.broadcast %gt3A : f32 to vector<5120x1xf32>
    %gt3A_17 = arith.cmpf ogt, %get3A_8, %gt3A_16 : vector<5120x1xf32>
    %get3A_18 = arith.constant 0 : index
    %get3A_19 = arith.constant 0 : index
    %get3A_20 = vector.load %arg4[%get3A_18, %get3A_19] : memref<1x128xf32, #tpu.memory_space<vmem>>, vector<1x128xf32>
    %add3A = vector.broadcast %get3A_20 : vector<1x128xf32> to vector<5120x128xf32>
    %add3A_21 = arith.addf %dot_general3A_15, %add3A : vector<5120x128xf32>
    %jit3A = arith.constant 0.000000e+00 : f32
    %broadcast_in_dim3A = vector.shape_cast %gt3A_17 : vector<5120x1xi1> to vector<5120x1xi1>
    %broadcast_in_dim3A_22 = vector.broadcast %broadcast_in_dim3A : vector<5120x1xi1> to vector<5120x128xi1>
    %broadcast_in_dim3A_23 = vector.broadcast %jit3A : f32 to vector<5120x128xf32>
    %select_n3A = arith.select %broadcast_in_dim3A_22, %add3A_21, %broadcast_in_dim3A_23 : vector<5120x128xi1>, vector<5120x128xf32>
    %get3A_24 = arith.constant 0 : index
    %get3A_25 = arith.constant 0 : index
    %get3A_26 = vector.load %arg5[%get3A_24, %get3A_25] : memref<128x2xf32, #tpu.memory_space<vmem>>, vector<128x2xf32>
    %dot_general3A_27 = arith.constant dense<0.000000e+00> : vector<5120x2xf32>
    %dot_general3A_28 = tpu.matmul %select_n3A, %get3A_26, %dot_general3A_27 {dimension_numbers = #tpu.dot_dimension_numbers<[1], [0], [0], [1], [0, 0, 1, 1], [], []>, transpose_lhs_hint = false} : vector<5120x128xf32>, vector<128x2xf32>, vector<5120x2xf32> -> vector<5120x2xf32>
    %get3A_29 = arith.constant 0 : index
    %get3A_30 = arith.constant 0 : index
    %get3A_31 = vector.load %arg6[%get3A_29, %get3A_30] : memref<1x2xf32, #tpu.memory_space<vmem>>, vector<1x2xf32>
    %add3A_32 = vector.broadcast %get3A_31 : vector<1x2xf32> to vector<5120x2xf32>
    %add3A_33 = arith.addf %dot_general3A_28, %add3A_32 : vector<5120x2xf32>
    %reduce_max3A = arith.constant dense<0xFF800000> : vector<5120xf32>
    %reduce_max3A_34 = vector.multi_reduction <maximumf>, %add3A_33, %reduce_max3A [1] : vector<5120x2xf32> to vector<5120xf32>
    %broadcast_in_dim3A_35 = vector.shape_cast %reduce_max3A_34 : vector<5120xf32> to vector<5120x1xf32>
    %sub3A = vector.broadcast %broadcast_in_dim3A_35 : vector<5120x1xf32> to vector<5120x2xf32>
    %sub3A_36 = arith.subf %add3A_33, %sub3A : vector<5120x2xf32>
    %exp3A = math.exp %sub3A_36 : vector<5120x2xf32>
    %reduce_sum3A = arith.constant dense<0.000000e+00> : vector<5120xf32>
    %reduce_sum3A_37 = vector.multi_reduction <add>, %exp3A, %reduce_sum3A [1] : vector<5120x2xf32> to vector<5120xf32>
    %broadcast_in_dim3A_38 = vector.shape_cast %reduce_sum3A_37 : vector<5120xf32> to vector<5120x1xf32>
    %div3A_39 = vector.broadcast %broadcast_in_dim3A_38 : vector<5120x1xf32> to vector<5120x2xf32>
    %div3A_40 = arith.divf %exp3A, %div3A_39 : vector<5120x2xf32>
    %slice3A = vector.extract_strided_slice %div3A_40 {offsets = [0, 0], sizes = [5000, 2], strides = [1, 1]} : vector<5120x2xf32> to vector<5000x2xf32>
    %swap3A = arith.constant 0 : index
    %swap3A_41 = arith.constant 0 : index
    %swap3A_42 = vector.load %arg7[%swap3A, %swap3A_41] : memref<5000x2xf32, #tpu.memory_space<vmem>>, vector<5000x2xf32>
    tpu.vector_store %arg7[%swap3A, %swap3A_41], %slice3A {strides = array<i32>} : memref<5000x2xf32, #tpu.memory_space<vmem>>, vector<5000x2xf32>,
    return
  }
  func.func @transform_0(%arg0: i32) -> (i32, i32, i32) {
    %c0_i32 = arith.constant 0 : i32
    %c0_i32_0 = arith.constant 0 : i32
    %c0_i32_1 = arith.constant 0 : i32
    return %arg0, %c0_i32, %c0_i32_0 : i32, i32, i32
  }
  func.func @transform_1(%arg0: i32) -> (i32, i32, i32) {
    %c0_i32 = arith.constant 0 : i32
    %c0_i32_0 = arith.constant 0 : i32
    %c0_i32_1 = arith.constant 0 : i32
    return %arg0, %c0_i32, %c0_i32_0 : i32, i32, i32
  }
  func.func @transform_2(%arg0: i32) -> (i32, i32) {
    %c0_i32 = arith.constant 0 : i32
    %c0_i32_0 = arith.constant 0 : i32
    %c0_i32_1 = arith.constant 0 : i32
    return %c0_i32, %c0_i32_0 : i32, i32
  }
  func.func @transform_3(%arg0: i32) -> (i32, i32) {
    %c0_i32 = arith.constant 0 : i32
    %c0_i32_0 = arith.constant 0 : i32
    %c0_i32_1 = arith.constant 0 : i32
    return %c0_i32, %c0_i32_0 : i32, i32
  }
  func.func @transform_4(%arg0: i32) -> (i32, i32) {
    %c0_i32 = arith.constant 0 : i32
    %c0_i32_0 = arith.constant 0 : i32
    %c0_i32_1 = arith.constant 0 : i32
    return %c0_i32, %c0_i32_0 : i32, i32
  }
  func.func @transform_5(%arg0: i32) -> (i32, i32) {
    %c0_i32 = arith.constant 0 : i32
    %c0_i32_0 = arith.constant 0 : i32
    %c0_i32_1 = arith.constant 0 : i32
    return %c0_i32, %c0_i32_0 : i32, i32
  }
  func.func @transform_6(%arg0: i32) -> (i32, i32) {
    %c0_i32 = arith.constant 0 : i32
    %c0_i32_0 = arith.constant 0 : i32
    return %arg0, %c0_i32 : i32, i32
  }
}

</mosaic_0001>

<sc_bundles>
// kernel: kernel.6.cloned.1.call-start
scs
__scs_entry_jumppad:
0x0: {  	(pc) =	sbr.rel $0x88, $3  }
0x1: {  	(tag) =	ssettag $0x0;
	lr =	simm.s32 $0x1  }
0x2: {  	[smem:$0x3F98] =	sst lr;
	_ =	strace $0xD0000000  }
0x3: {  	_ = 	snop  }
0x4: {  	_ = 	snop  }
0x5: {  	_ = 	snop  }
0x6: {  	_ = 	snop  }
0x7: {  	_ = 	snop  }
__scs_overlays_trampoline_lowered:
0x8: {  	[smem:$0x3FA7] =	sst s0  }
0x9: {  	[smem:$0x3FA8] =	sst s1  }
0xa: {  	[smem:$0x3FA9] =	sst s2  }
0xb: {  	[smem:$0x3FAA] =	sst s3  }
0xc: {  	[smem:$0x3FAB] =	sst s4  }
0xd: {  	[smem:$0x3FAC] =	sst s5  }
0xe: {  	[smem:$0x3FAD] =	sst s6  }
0xf: {  	[smem:$0x3FAE] =	sst s7  }
0x10: {  	[smem:$0x3FAF] =	sst s8  }
0x11: {  	[smem:$0x3FB0] =	sst s9;
	s0 =	simm.s32 @!p0 $0x0  }
0x12: {  	s1 =	sld [smem:$0x3F96];
	s0 =	simm.s32 @p0 $0x1  }
0x13: {  	[smem:$0x3FB1] =	sst s0;
	s0 =	simm.s32 @!p1 $0x0  }
0x14: {  	s2 =	sld [smem:$0x3F95];
	s0 =	simm.s32 @p1 $0x1  }
0x15: {  	[smem:$0x3FB2] =	sst s0;
	s0 =	simm.s32 @!p2 $0x0  }
0x16: {  	s3 =	sld [smem:$0x3FDB];
	s0 =	simm.s32 @p2 $0x1  }
0x17: {  	s4 =	simm.s32 $0x1BF5;
	[smem:$0x3FB4] =	sst s0  }
0x18: {  	s0 =	sld [smem:$0x3F97];
	_ =	swait.ge [sflag:s4], $0x0  }
0x19: {  	s7 =	sld [smem:$0x3F98]  }
0x1a: {  	s8 =	sadd.s32 $0xFFFFE003, lr  }
0x1b: {  	s9 =	sadd.s32 $0xFFFFFEF7, lr;
	s5 =	simm.s32 $0xFFFFFFFF;
	p2 =	slt.u32 s8, $0xFFFFF086  }
0x1c: {  	p1 =	slt.u32 s9, $0xF7A;
	s5 =	simm.s32 @!p2 $0x0  }
0x1d: {  	s5 =	simm.s32 @p1 $0x1;
	p0 =	seq.s32 s7, s2  }
0x1e: {  	s7 =	smul.u32 @!p0 $0xF7A, s2;
	p2 =	seq.s32 @!p0 s5, $0x0  }
0x1f: {  	s9 =	smul.u32 $0xF7A, s1;
	s8 =	simm.s32 @!p0 $0x1BF5;
	p2 =	por !p2, p0  }
0x20: {  	[sflag:s8] =	ssyncset.s32 @!p0 $0xFFFFF086;
	s6 =	sadd.s32 @!p0 s3, s7;
	s7 =	simm.s32 @!p0 $0x108  }
0x21: {  	s3 =	sadd.s32 s3, s9;
	s6 =	sadd.s32 @!p0 $0x88, s6;
	s7 =	simm.s32 @p2 $0x1082  }
0x22: {  	[simem:s7], [sflag:s8] =	dma.local @!p0 [hbm:s6], $0xF7A  }
0x23: {  	s9 =	sor.u32 $0xD0000000, s2;
	s6 =	simm.s32 $0x108;
	_ =	swait.ge @!p0 [sflag:s8], $0x0  }
0x24: {  	s3 =	sadd.s32 $0x88, s3;
	s6 =	simm.s32 @!p1 $0x1082;
	[sflag:s4] =	ssyncset.s32 $0xFFFFF086  }
0x25: {  	[simem:s6], [sflag:s4] =	dma.local [hbm:s3], $0xF7A  }
0x26: {  	[smem:$0x3F98] =	sst s1;
	(tag) =	ssettag s2;
	_ =	strace s9  }
0x27: {  	s1 =	sld [smem:$0x3FA8]  }
0x28: {  	s2 =	sld [smem:$0x3FA9]  }
0x29: {  	s4 =	sld [smem:$0x3FAB]  }
0x2a: {  	p0 =	seq.s32 s5, $0x0;
	s5 =	sld [smem:$0x3FAC]  }
0x2b: {  	s6 =	sld [smem:$0x3FAD]  }
0x2c: {  	s7 =	sld [smem:$0x3FAE]  }
0x2d: {  	s3 =	simm.s32 $0x108;
	s8 =	sld [smem:$0x3FAF]  }
0x2e: {  	s3 =	simm.s32 @!p0 $0x1082;
	s9 =	sld [smem:$0x3FB0]  }
0x2f: {  	lr =	sadd.s32 s0, s3;
	s0 =	sld [smem:$0x3FA7]  }
0x30: {  	s3 =	sld [smem:$0x3FAA]  }
0x31: {  	[smem:$0x3FB3] =	sst s10  }
0x32: {  	s10 =	sld [smem:$0x3FB1];
	_ =	sdelay $0x3  }
0x33: {  	p0 =	seq.s32 s10, $0x1;
	s10 =	sld [smem:$0x3FB3];
	_ =	sdelay $0x3  }
0x34: {  	[smem:$0x3FB3] =	sst s10  }
0x35: {  	s10 =	sld [smem:$0x3FB2];
	_ =	sdelay $0x3  }
0x36: {  	p1 =	seq.s32 s10, $0x1;
	s10 =	sld [smem:$0x3FB3];
	_ =	sdelay $0x3  }
0x37: {  	[smem:$0x3FB3] =	sst s10  }
0x38: {  	s10 =	sld [smem:$0x3FB4]  }
0x39: {  	_ = 	snop;
	(pc) =	sbr.ind lr, $3  }
0x3a: {  	_ = 	snop  }
0x3b: {  	_ = 	snop  }
0x3c: {  	p2 =	seq.s32 s10, $0x1;
	s10 =	sld [smem:$0x3FB3]  }
0x3d: {  	_ =	shalt  }
0x3e: {  	_ =	shalt  }
0x3f: {  	_ =	shalt  }
0x40: {  	_ =	shalt  }
0x41: {  	_ =	shalt  }
0x42: {  	_ =	shalt  }
0x43: {  	_ =	shalt  }
0x44: {  	_ =	shalt  }
0x45: {  	_ =	shalt  }
0x46: {  	_ =	shalt  }
0x47: {  	_ =	shalt  }
0x48: {  	_ =	shalt  }
0x49: {  	_ =	shalt  }
0x4a: {  	_ =	shalt  }
0x4b: {  	_ =	shalt  }
0x4c: {  	_ =	shalt  }
0x4d: {  	_ =	shalt  }
0x4e: {  	_ =	shalt  }
0x4f: {  	_ =	shalt  }
0x50: {  	_ =	shalt  }
0x51: {  	_ =	shalt  }
0x52: {  	_ =	shalt  }
0x53: {  	_ =	shalt  }
0x54: {  	_ =	shalt  }
0x55: {  	_ =	shalt  }
0x56: {  	_ =	shalt  }
0x57: {  	_ =	shalt  }
0x58: {  	_ =	shalt  }
0x59: {  	_ =	shalt  }
0x5a: {  	_ =	shalt  }
0x5b: {  	_ =	shalt  }
0x5c: {  	_ =	shalt  }
0x5d: {  	_ =	shalt  }
0x5e: {  	_ =	shalt  }
0x5f: {  	_ =	shalt  }
0x60: {  	_ =	shalt  }
0x61: {  	_ =	shalt  }
0x62: {  	_ =	shalt  }
0x63: {  	_ =	shalt  }
0x64: {  	_ =	shalt  }
0x65: {  	_ =	shalt  }
0x66: {  	_ =	shalt  }
0x67: {  	_ =	shalt  }
0x68: {  	_ =	shalt  }
0x69: {  	_ =	shalt  }
0x6a: {  	_ =	shalt  }
0x6b: {  	_ =	shalt  }
0x6c: {  	_ =	shalt  }
0x6d: {  	_ =	shalt  }
0x6e: {  	_ =	shalt  }
0x6f: {  	_ =	shalt  }
0x70: {  	_ =	shalt  }
0x71: {  	_ =	shalt  }
0x72: {  	_ =	shalt  }
0x73: {  	_ =	shalt  }
0x74: {  	_ =	shalt  }
0x75: {  	_ =	shalt  }
0x76: {  	_ =	shalt  }
0x77: {  	_ =	shalt  }
0x78: {  	_ =	shalt  }
0x79: {  	_ =	shalt  }
0x7a: {  	_ =	shalt  }
0x7b: {  	_ =	shalt  }
0x7c: {  	_ =	shalt  }
0x7d: {  	_ =	shalt  }
0x7e: {  	_ =	shalt  }
0x7f: {  	_ =	shalt  }
0x80: {  	_ =	shalt  }
0x81: {  	_ =	shalt  }
0x82: {  	_ =	shalt  }
0x83: {  	_ =	shalt  }
0x84: {  	_ =	shalt  }
0x85: {  	_ =	shalt  }
0x86: {  	_ =	shalt  }
0x87: {  	_ =	shalt  }
.Lfunc_end0:
.L_simem_size_0:
called_computation_lowered:
.L_overlay_start_0:
0x88: {  	s2 =	sld [smem:$0x3FD9]  }
0x89: {  	s3 =	sld [smem:$0x3FFE];
	_ =	sdelay $0x1  }
0x8a: {  	s1 =	srdreg.scid  }
0x8b: {  	s0 =	sand.u32 $0x1, s1  }
0x8c: {  	s17 =	sshll.u32 s0, $0xA;
	s2 =	sadd.s32 s3, s2  }
0x8d: {  	s2 =	sadd.s32 s2, s17  }
0x8e: {  	[smem:$0x3FBF] =	sst s2  }
0x8f: {  	_ = 	snop  }
0x90: {  	s2 =	sld [smem:$0x3FC9]  }
0x91: {  	s18 =	sld [smem:$0x3FD0];
	(tm) =	ssettm $0x1  }
0x92: {  	s4 =	sld [smem:$0x3FFB];
	_ =	sdelay $0x3  }
0x93: {  	_ =	strace s4  }
0x94: {  	s4 =	sld [smem:$0x3FFC];
	_ =	sdelay $0x3  }
0x95: {  	_ =	strace s4  }
0x96: {  	s4 =	sld [smem:$0x3FFD];
	_ =	sdelay $0x3  }
0x97: {  	_ =	strace s4  }
0x98: {  	_ =	strace $0x8FFFFFFF  }
0x99: {  	s19 =	sld [smem:$0x3FDB];
	_ =	sdelay $0x1  }
0x9a: {  	s5 =	simm.s32 $_scs_section_size  }
0x9b: {  	s6 =	simm.s32 $_size__tile_overlayer_lowered;
	s7 =	simm.s32 $_tile_overlayer_lowered  }
0x9c: {  	s22 =	simm.s32 $0x1BFF;
	s21 =	sshll.u32 s7, $0x1;
	s4 =	sadd.s32 s5, s19  }
0x9d: {  	s8 =	simm.s32 $0x0;
	s20 =	sshll.u32 s6, $0x1;
	s6 =	sadd.s32 s21, s4  }
0x9e: {  	[timem:s8], [sflag:s22] =	dma.local [hbm:s6], s20  }
0x9f: {  	_ =	swait.ge [sflag:s22], s20  }
0xa0: {  	s5 =	ssub.s32 $0x0, s20;
	[sflag:s22] =	ssyncset.done $0x0  }
0xa1: {  	[sflag:s22] =	ssyncadd.s32 s5;
	_ =	sdelay $0x1  }
0xa2: {  	s23 =	simm.s32 $0x1B8B  }
0xa3: {  	_ =	swait.ge [sflag:s23], $0x1  }
0xa4: {  	[sflag:s23] =	ssyncset.done $0x0  }
0xa5: {  	s25 =	simm.s32 $0x1B8E;
	s24 =	sld [smem:$0x3FFE];
	[sflag:s23] =	ssyncadd.s32 $0xFFFFFFFF  }
0xa6: {  	s26 =	simm.s32 $execute0_lowered;
	[smem:$0x3FD2] =	sst s25  }
0xa7: {  	s6 =	sshll.u32 s26, $0x1;
	_ =	strace $0x80000046;
	[dreg:$0x1] =	wrdreg $0xFFFFFFFF  }
0xa8: {  	s28 =	simm.s32 $_size_execute0_lowered;
	s4 =	sadd.s32 s4, s6;
	[dreg:$0x0] =	wrdreg $0x0  }
0xa9: {  	s6 =	sshll.u32 s28, $0x1;
	[dreg:$0x2] =	wrdreg s4  }
0xaa: {  	[dreg:$0x3] =	wrdreg s6  }
0xab: {  	[dreg:$0x4] =	wrdreg $0xC0  }
0xac: {  	_ =	task [dreg:s8], $0x5FFFF  }
0xad: {  	[dreg:$0x1] =	wrdreg $0xFFFFFFFF  }
0xae: {  	[dreg:$0x0] =	wrdreg $0x60  }
0xaf: {  	[dreg:$0x2] =	wrdreg s2  }
0xb0: {  	[dreg:$0x3] =	wrdreg s24  }
0xb1: {  	[dreg:$0x4] =	wrdreg s18  }
0xb2: {  	[dreg:$0x5] =	wrdreg $0xAB000  }
0xb3: {  	[dreg:$0x6] =	wrdreg $0x14B000  }
0xb4: {  	[dreg:$0x7] =	wrdreg $0x9  }
0xb5: {  	_ =	task.clear_ibuf [dreg:s8], $0x8FFFF;
	_ =	strace $0x90000046  }
0xb6: {  	s29 =	simm.s32 $0x9;
	_ =	strace $0x80000048  }
0xb7: {  	_ =	swait.ge [sflag:s29], $0x1  }
0xb8: {  	[sflag:s29] =	ssyncadd.s32 $0xFFFFFFFF  }
0xb9: {  	_ =	strace $0x90000048  }
0xba: {  	_ =	sfence  }
0xbb: {  	s30 =	sld [smem:$0x0];
	_ =	sdelay $0x2  }
0xbc: {  	s31 =	sshll.u32 s1, $0xD;
	s1 =	sshrl.u32 s1, $0x2  }
0xbd: {  	s3 =	sand.u32 $0x4000, s31;
	s1 =	sadd.s32 s1, s30  }
0xbe: {  	s0 =	sor.u32 s3, s0;
	s1 =	sshll.u32 s1, $0x11  }
0xbf: {  	s0 =	sor.u32 s1, s0  }
0xc0: {  	s0 =	sadd.s32 $0x8F2B, s0  }
0xc1: {  	[sflag:s0] =	ssyncadd.remote.s32 $0x1  }
0xc2: {  	_ =	sfence.sel $0xFFFF  }
0xc3: {  	[dreg:$0x0] =	wrdreg $0xFFFFFFFF;
	(pc) =	sbr.abs _section_cstart, $3  }
0xc4: {  	[dreg:$0x1] =	wrdreg $0xFFFFFFFF  }
0xc5: {  	_ =	task.clear_ibuf [dreg:s8], $0x2FFFF;
	_ =	strace $0x9FFFFFFF  }
0xc6: {  	(tm) =	ssettm $0x7FFFFFFF  }
0xc7: {  	_ =	shalt  }
tec
execute0_lowered:
.L_overlay_start_1:
0x0: {  	(tag) =	ssettag $0x1  }
0x1: {  	s1 =	rddreg [dreg:$0x0]  }
0x2: {  	s2 =	rddreg [dreg:$0x1]  }
0x3: {  	s0 =	rddreg [dreg:$0x2]  }
0x4: {  	s3 =	rddreg [dreg:$0x3]  }
0x5: {  	s4 =	rddreg [dreg:$0x4]  }
0x6: {  	s5 =	srdreg.scid;
	s16 =	stileid.u32  }
0x7: {  	s7 =	simm.s32 $0x0;
	s28 =	simm.s32 $0x2700;
	s29 =	simm.s32 $0x2780  }
0x8: {  	s30 =	simm.s32 $0x2;
	s31 =	simm.s32 $0x0;
	s6 =	smul.u32 $0x140, s16  }
0x9: {  	v0 =	vlaneseq.u32;
	s5 =	sand.u32 $0x1, s5;
	s9 =	sshll.u32 s16, $0x4;
	s20 =	smul.u32 $0x2800, s16  }
0xa: {  	[smem:$0x7FF] =	sst s7;
	s23 =	smul.u32 $0x28000, s16;
	v1 =	vor.u32 s9, v0;
	s12 =	sadd.s32 $0x10, s9  }
0xb: {  	s10 =	sadd.s32 $0x6600, s2;
	s11 =	smul.u32 $0x1400, s5;
	s14 =	sadd.s32 $0x20, s9;
	v2 =	vmulhi.u32 $0x2222223, v1;
	v3 =	vor.u32 s12, v0  }
0xc: {  	_ =	strace $0x80000047;
	s17 =	sadd.s32 $0x30, s9;
	s18 =	sadd.s32 $0x40, s9;
	v5 =	vor.u32 s14, v0;
	v4 =	vmulhi.u32 $0x2222223, v3  }
0xd: {  	s15 =	ssub.s32 $0x2, s5;
	s19 =	sadd.s32 $0x50, s9;
	s5 =	smul.u32 $0x1388, s5;
	v7 =	vor.u32 s17, v0;
	v9 =	vor.u32 s18, v0;
	v6 =	vmulhi.u32 $0x2222223, v5  }
0xe: {  	s24 =	sadd.s32 $0x60, s9;
	s12 =	sshrl.u32 s15, $0x1;
	s14 =	smul.u32 $0x500, s16;
	v11 =	vor.u32 s19, v0;
	v8 =	vmulhi.u32 $0x2222223, v7;
	v2 =	vmul.u32 $0x78, v2  }
0xf: {  	s17 =	sadd.s32 $0x70, s9;
	s25 =	sshrl.u32 s23, $0x2;
	s18 =	simm.s32 $0x2800;
	v10 =	vmulhi.u32 $0x2222223, v9;
	v4 =	vmul.u32 $0x78, v4;
	v6 =	vmul.u32 $0x78, v6  }
0x10: {  	s19 =	simm.s32 $0x3;
	s23 =	simm.s32 $0x6800;
	s13 =	sadd.s32 s6, s11;
	v1 =	vsub.s32 v1, v2;
	v2 =	vmulhi.u32 $0x2222223, v11  }
0x11: {  	s11 =	sadd.s32 $0x1600, s2;
	s15 =	ssub.s32 s15, s12;
	s6 =	sadd.s32 s6, s4;
	v3 =	vsub.s32 v3, v4;
	v4 =	vsub.s32 v5, v6;
	v5 =	vmul.u32 $0x78, v8  }
0x12: {  	s12 =	sshrl.u32 s20, $0x3;
	s20 =	simm.s32 $0xA980;
	s8 =	sshll.u32 s13, $0x4;
	v6 =	vmul.u32 $0x78, v10;
	v8 =	vor.u32 s24, v0;
	v2 =	vmul.u32 $0x78, v2  }
0x13: {  	s21 =	sadd.s32 s10, s14;
	s22 =	sadd.s32 s11, s14;
	s12 =	sadd.s32 $0x280, s12;
	v10 =	vor.u32 s17, v0;
	v5 =	vsub.s32 v7, v5;
	v7 =	vmulhi.u32 $0x2222223, v8  }
0x14: {  	s26 =	sshrl.u32 s13, $0x3;
	s14 =	smax.u32 s15, $0x1;
	[dreg:$0x6] =	wrdreg s21;
	v6 =	vsub.s32 v9, v6;
	v9 =	vsub.s32 v11, v2;
	v11 =	vmulhi.u32 $0x2222223, v10  }
0x15: {  	s2 =	sadd.s32 s8, s2;
	[dreg:$0x7] =	wrdreg s22;
	s9 =	sadd.s32 s10, s12;
	v0 =	vmov s5;
	v1 =	vadd.s32 $0x1388, v1;
	v2 =	vadd.s32 $0x1388, v3  }
0x16: {  	s10 =	sadd.s32 s11, s12;
	s11 =	sadd.s32 s25, s3;
	s13 =	sadd.s32 s0, s26;
	v3 =	vadd.s32 $0x1388, v4;
	v7 =	vmul.u32 $0x78, v7;
	v11 =	vmul.u32 $0x78, v11  }
0x17: {  	s21 =	simm.s32 $0x1400;
	s22 =	simm.s32 $0x80;
	s25 =	simm.s32 $0xA800;
	v4 =	vadd.s32 $0x1388, v5;
	v5 =	vadd.s32 $0x1388, v6;
	v6 =	vadd.s32 $0x1388, v9  }
0x18: {  	s26 =	simm.s32 $0x1380;
	s12 =	sadd.s32 $0xB600, s2;
	s15 =	sadd.s32 $0x2800, s11;
	v9 =	vimm.f32 $0.0e+00;
	v7 =	vsub.s32 v8, v7;
	v8 =	vsub.s32 v10, v11  }
0x19: {  	s16 =	sadd.s32 $0x5000, s11;
	s17 =	sadd.s32 $0x7800, s11;
	s24 =	simm.s32 $0x1;
	v7 =	vadd.s32 $0x1388, v7;
	v10 =	vimm.f32 $1.000000000e+00;
	v8 =	vadd.s32 $0x1388, v8  }
.LBB2_1:
0x1a: {  	s0 =	simm.s32 $0x0;
	s5 =	simm.s32 $0x200  }
.LBB2_2:
0x1b: {  	p0 =	sne.s32 s5, $0xFE00;
	[tilespmem:s0+$0x2870] =	vst v9  }
0x1c: {  	[tilespmem:s0+$0x2800] =	vst v9  }
0x1d: {  	[tilespmem:s0+$0x2810] =	vst v9  }
.Ltmp0:
0x1e: {  	[tilespmem:s0+$0x2820] =	vst v9;
	(pc) =	sbr.rel @p0 .LBB2_2-.Ltmp0, $4  }
0x1f: {  	[tilespmem:s0+$0x2830] =	vst v9  }
0x20: {  	[tilespmem:s0+$0x2840] =	vst v9  }
0x21: {  	[tilespmem:s0+$0x2850] =	vst v9  }
0x22: {  	[tilespmem:s0+$0x2860] =	vst v9;
	s0 =	sshra.s32 s5, $0x2;
	s5 =	sadd.s32 $0x200, s5  }
0x23: {  	[tilespmem:s0+$0x2870] =	vst v9  }
0x24: {  	[tilespmem:s0+$0x2800] =	vst v9  }
0x25: {  	[tilespmem:s0+$0x2810] =	vst v9  }
0x26: {  	[tilespmem:s0+$0x2820] =	vst v9  }
0x27: {  	[tilespmem:s0+$0x2830] =	vst v9  }
0x28: {  	[tilespmem:s0+$0x2840] =	vst v9  }
0x29: {  	[tilespmem:s0+$0x2850] =	vst v9  }
0x2a: {  	[tilespmem:s0+$0x2860] =	vst v9  }
0x2b: {  	[tilespmem:$0xA980] =	vst v9  }
0x2c: {  	[tilespmem:$0xA800] =	vst v10  }
0x2d: {  	[tilespmem:$0xA990] =	vst v9  }
0x2e: {  	[tilespmem:$0xA810] =	vst v10  }
0x2f: {  	[tilespmem:$0xA9A0] =	vst v9  }
0x30: {  	[tilespmem:$0xA820] =	vst v10  }
0x31: {  	[tilespmem:$0xA9B0] =	vst v9  }
0x32: {  	[tilespmem:$0xA830] =	vst v10  }
0x33: {  	[tilespmem:$0xA9C0] =	vst v9  }
0x34: {  	[tilespmem:$0xA840] =	vst v10  }
0x35: {  	[tilespmem:$0xA9D0] =	vst v9  }
0x36: {  	[tilespmem:$0xA850] =	vst v10  }
0x37: {  	[tilespmem:$0xA9E0] =	vst v9  }
0x38: {  	[tilespmem:$0xA860] =	vst v10  }
0x39: {  	[tilespmem:$0xA9F0] =	vst v9  }
0x3a: {  	[tilespmem:$0xA870] =	vst v10  }
0x3b: {  	[tilespmem:$0xAA00] =	vst v9  }
0x3c: {  	[tilespmem:$0xA880] =	vst v10  }
0x3d: {  	[tilespmem:$0xAA10] =	vst v9  }
0x3e: {  	[tilespmem:$0xA890] =	vst v10  }
0x3f: {  	[tilespmem:$0xAA20] =	vst v9  }
0x40: {  	[tilespmem:$0xA8A0] =	vst v10  }
0x41: {  	[tilespmem:$0xAA30] =	vst v9  }
0x42: {  	[tilespmem:$0xA8B0] =	vst v10  }
0x43: {  	[tilespmem:$0xAA40] =	vst v9  }
0x44: {  	[tilespmem:$0xA8C0] =	vst v10  }
0x45: {  	[tilespmem:$0xAA50] =	vst v9  }
0x46: {  	[tilespmem:$0xA8D0] =	vst v10  }
0x47: {  	[tilespmem:$0xAA60] =	vst v9  }
0x48: {  	[tilespmem:$0xA8E0] =	vst v10  }
0x49: {  	[tilespmem:$0xAA70] =	vst v9  }
0x4a: {  	[tilespmem:$0xA8F0] =	vst v10  }
0x4b: {  	[tilespmem:$0xAA80] =	vst v9  }
0x4c: {  	[tilespmem:$0xA900] =	vst v10  }
0x4d: {  	[tilespmem:$0xAA90] =	vst v9  }
0x4e: {  	[tilespmem:$0xA910] =	vst v10  }
0x4f: {  	[tilespmem:$0xAAA0] =	vst v9  }
0x50: {  	[tilespmem:$0xA920] =	vst v10  }
0x51: {  	[tilespmem:$0xAAB0] =	vst v9  }
0x52: {  	[tilespmem:$0xA930] =	vst v10  }
0x53: {  	[spmem:s11] =	stream.linear.scatter [tilespmem:s18], [sflag:$0x3], $0x2800, $0x38;
	[tilespmem:$0x14C40] =	vst v63  }
0x54: {  	_ =	swait.ge [sflag:s19], $0x2800  }
0x55: {  	[sflag:s19] =	ssyncset.done $0x0  }
0x56: {  	[sflag:s19] =	ssyncadd.s32 $0xFFFFD800  }
0x57: {  	[spmem:s15] =	stream.linear.scatter [tilespmem:s18], [sflag:$0x3], $0x2800, $0x38;
	[tilespmem:$0x14C40] =	vst v63  }
0x58: {  	_ =	swait.ge [sflag:s19], $0x2800  }
0x59: {  	[sflag:s19] =	ssyncset.done $0x0  }
0x5a: {  	[sflag:s19] =	ssyncadd.s32 $0xFFFFD800  }
0x5b: {  	[spmem:s16] =	stream.linear.scatter [tilespmem:s18], [sflag:$0x3], $0x2800, $0x38;
	[tilespmem:$0x14C40] =	vst v63  }
0x5c: {  	_ =	swait.ge [sflag:s19], $0x2800  }
0x5d: {  	[sflag:s19] =	ssyncset.done $0x0  }
0x5e: {  	[sflag:s19] =	ssyncadd.s32 $0xFFFFD800  }
0x5f: {  	[spmem:s17] =	stream.linear.scatter [tilespmem:s18], [sflag:$0x3], $0x2800, $0x38;
	[tilespmem:$0x14C40] =	vst v63  }
0x60: {  	_ =	swait.ge [sflag:s19], $0x2800  }
0x61: {  	[sflag:s19] =	ssyncset.done $0x0  }
0x62: {  	[sflag:s19] =	ssyncadd.s32 $0xFFFFD800  }
0x63: {  	[spmem:s6] =	stream.linear.scatter [tilespmem:s20], [sflag:$0x3], $0x140, $0x38;
	[tilespmem:$0x14C40] =	vst v63  }
0x64: {  	_ =	swait.ge [sflag:s19], $0x140  }
0x65: {  	[sflag:s19] =	ssyncset.done $0x0  }
0x66: {  	[sflag:s19] =	ssyncadd.s32 $0xFFFFFEC0  }
0x67: {  	[bflag:$0x0] =	sbarrier.arrive $0xFFFF  }
0x68: {  	s7 =	simm.s32 $0x0;
	s2 =	rddreg [dreg:$0x6]  }
0x69: {  	[tilespmem:s7], [sflag:$0x3] =	stream.linear.gather [hbm4b:s2+s7], $0x1400, $0x38;
	[tilespmem:$0x14C40] =	vst v63  }
0x6a: {  	_ =	swait.ge [sflag:s19], $0x1400  }
0x6b: {  	[sflag:s19] =	ssyncset.done $0x0  }
0x6c: {  	s8 =	rddreg [dreg:$0x7];
	[sflag:s19] =	ssyncadd.s32 $0xFFFFEC00  }
0x6d: {  	[tilespmem:s21], [sflag:$0x3] =	stream.linear.gather [hbm4b:s8+s7], $0x1400, $0x38;
	[tilespmem:$0x14C40] =	vst v63  }
0x6e: {  	_ =	swait.ge [sflag:s19], $0x1400  }
0x6f: {  	[sflag:s19] =	ssyncset.done $0x0  }
0x70: {  	s0 =	simm.s32 $0x0;
	[sflag:s19] =	ssyncadd.s32 $0xFFFFEC00  }
0x71: {  	v11 =	vld [tilespmem:s0+$0x1400]  }
0x72: {  	v16 =	vld [tilespmem:s0+$0x1410]  }
0x73: {  	v15 =	vld [tilespmem:s0+$0x1420]  }
0x74: {  	v14 =	vld [tilespmem:s0+$0x1430]  }
0x75: {  	v13 =	vld [tilespmem:s0+$0x1440]  }
0x76: {  	v12 =	vld [tilespmem:s0+$0x1450];
	v17 =	vsub.s32 v11, v0  }
0x77: {  	s5 =	simm.s32 $0x200;
	v16 =	vsub.s32 v16, v0;
	v11 =	vld [tilespmem:s0+$0x1460];
	vm0 =	vlt.u32 v17, $0x1388  }
.LBB2_4:
0x78: {  	p0 =	sne.s32 s5, $0x4E00;
	v17 =	vsel vm0, v17, v1;
	vm0 =	vlt.u32 v16, $0x1388;
	v15 =	vsub.s32 v15, v0;
	v18 =	vld [tilespmem:s0+$0x1470]  }
0x79: {  	s2 =	sshra.s32 s5, $0x2;
	[tilespmem:s0+$0x1400] =	vst v17;
	v16 =	vsel vm0, v16, v2;
	vm0 =	vlt.u32 v15, $0x1388;
	v14 =	vsub.s32 v14, v0  }
0x7a: {  	v17 =	vld [tilespmem:s2+$0x1400];
	[tilespmem:s0+$0x1410] =	vst v16;
	v15 =	vsel vm0, v15, v3;
	vm0 =	vlt.u32 v14, $0x1388;
	v13 =	vsub.s32 v13, v0  }
0x7b: {  	v16 =	vld [tilespmem:s2+$0x1410];
	[tilespmem:s0+$0x1420] =	vst v15;
	v14 =	vsel vm0, v14, v4;
	vm0 =	vlt.u32 v13, $0x1388;
	v12 =	vsub.s32 v12, v0  }
.Ltmp1:
0x7c: {  	v15 =	vld [tilespmem:s2+$0x1420];
	[tilespmem:s0+$0x1430] =	vst v14;
	v13 =	vsel vm0, v13, v5;
	vm0 =	vlt.u32 v12, $0x1388;
	v11 =	vsub.s32 v11, v0;
	(pc) =	sbr.rel @p0 .LBB2_4-.Ltmp1, $4  }
0x7d: {  	v14 =	vld [tilespmem:s2+$0x1430];
	[tilespmem:s0+$0x1440] =	vst v13;
	v12 =	vsel vm0, v12, v6;
	vm0 =	vlt.u32 v11, $0x1388;
	v18 =	vsub.s32 v18, v0  }
0x7e: {  	v13 =	vld [tilespmem:s2+$0x1440];
	[tilespmem:s0+$0x1450] =	vst v12;
	v11 =	vsel vm0, v11, v7;
	vm0 =	vlt.u32 v18, $0x1388  }
0x7f: {  	v17 =	vsub.s32 v17, v0;
	v12 =	vld [tilespmem:s2+$0x1450];
	[tilespmem:s0+$0x1460] =	vst v11;
	v18 =	vsel vm0, v18, v8  }
0x80: {  	s5 =	sadd.s32 $0x200, s5;
	vm0 =	vlt.u32 v17, $0x1388;
	v16 =	vsub.s32 v16, v0;
	v11 =	vld [tilespmem:s2+$0x1460];
	[tilespmem:s0+$0x1470] =	vst v18;
	s0 =	smov.u32 s2  }
0x81: {  	v17 =	vsel vm0, v17, v1;
	vm9 =	vlt.u32 v16, $0x1388;
	v15 =	vsub.s32 v15, v0;
	v18 =	vld [tilespmem:s0+$0x1470]  }
0x82: {  	[tilespmem:s0+$0x1400] =	vst v17;
	v16 =	vsel vm9, v16, v2;
	vm10 =	vlt.u32 v15, $0x1388;
	v14 =	vsub.s32 v14, v0  }
0x83: {  	[tilespmem:s0+$0x1410] =	vst v16;
	v15 =	vsel vm10, v15, v3;
	vm11 =	vlt.u32 v14, $0x1388;
	v13 =	vsub.s32 v13, v0  }
0x84: {  	[tilespmem:s0+$0x1420] =	vst v15;
	v14 =	vsel vm11, v14, v4;
	vm12 =	vlt.u32 v13, $0x1388;
	v12 =	vsub.s32 v12, v0  }
0x85: {  	[tilespmem:s0+$0x1430] =	vst v14;
	v13 =	vsel vm12, v13, v5;
	vm13 =	vlt.u32 v12, $0x1388;
	v11 =	vsub.s32 v11, v0  }
0x86: {  	[tilespmem:s0+$0x1440] =	vst v13;
	v12 =	vsel vm13, v12, v6;
	vm14 =	vlt.u32 v11, $0x1388;
	v63 =	vsub.s32 v18, v0  }
0x87: {  	[tilespmem:s0+$0x1450] =	vst v12;
	v11 =	vsel vm14, v11, v7;
	vm15 =	vlt.u32 v63, $0x1388  }
0x88: {  	[tilespmem:s0+$0x1460] =	vst v11;
	v11 =	vsel vm15, v63, v8  }
0x89: {  	s2 =	simm.s32 $0x0;
	[tilespmem:s0+$0x1470] =	vst v11  }
0x8a: {  	[tilespmem:s18], [sflag:$0x1] =	stream.indirect.gather [hbm4b:s1+s22], $0x80, s2, s22, $0xb8;
	[tilespmem:$0x14C40] =	vst v63  }
0x8b: {  	s5 =	simm.s32 $0x80  }
0x8c: {  	[tilespmem:s23], [sflag:$0x1] =	stream.indirect.gather [hbm4b:s1+s22], $0x80, s5, s22, $0xb8;
	[tilespmem:$0x14C40] =	vst v63  }
0x8d: {  	_ =	swait.ge [sflag:s24], $0x4000  }
0x8e: {  	[sflag:s24] =	ssyncset.done $0x0  }
0x8f: {  	s7 =	simm.s32 $0x1400;
	[sflag:s24] =	ssyncadd.s32 $0xFFFFC000  }
0x90: {  	[spmem:s3] =	stream.indirect.scatter.add.f32 [tilespmem:s18], [sflag:$0x3], $0x80, s7, s22, $0xb8;
	[tilespmem:$0x14C40] =	vst v63  }
0x91: {  	_ =	swait.ge [sflag:s19], $0x4000  }
0x92: {  	[sflag:s19] =	ssyncset.done $0x0  }
0x93: {  	[sflag:s19] =	ssyncadd.s32 $0xFFFFC000  }
0x94: {  	[spmem:s4] =	stream.indirect.scatter.add.f32 [tilespmem:s25], [sflag:$0x2], $0x1, s7, s22, $0xb8;
	[tilespmem:$0x14C40] =	vst v63  }
0x95: {  	s8 =	simm.s32 $0x100  }
0x96: {  	[tilespmem:s18], [sflag:$0x1] =	stream.indirect.gather [hbm4b:s1+s22], $0x80, s8, s22, $0xb8;
	[tilespmem:$0x14C40] =	vst v63  }
0x97: {  	_ =	swait.ge [sflag:s24], $0x4000  }
0x98: {  	[sflag:s24] =	ssyncset.done $0x0  }
0x99: {  	s5 =	simm.s32 $0x1480;
	[sflag:s24] =	ssyncadd.s32 $0xFFFFC000  }
0x9a: {  	[spmem:s3] =	stream.indirect.scatter.add.f32 [tilespmem:s23], [sflag:$0x3], $0x80, s5, s22, $0xb8;
	[tilespmem:$0x14C40] =	vst v63  }
0x9b: {  	_ =	swait.ge [sflag:s19], $0x4000  }
0x9c: {  	[sflag:s19] =	ssyncset.done $0x0  }
0x9d: {  	s0 =	simm.s32 $0x100;
	s2 =	simm.s32 $0x800;
	[sflag:s19] =	ssyncadd.s32 $0xFFFFC000  }
.LBB2_6:
0x9e: {  	[spmem:s4] =	stream.indirect.scatter.add.f32 [tilespmem:s25], [sflag:$0x2], $0x1, s5, s22, $0xb8;
	[tilespmem:$0x14C40] =	vst v63  }
0x9f: {  	s5 =	smov.u32 s2  }
0xa0: {  	s8 =	sadd.s32 $0x400, s2;
	s7 =	sshra.s32 s5, $0x2;
	s5 =	sadd.s32 $0x80, s0  }
0xa1: {  	[tilespmem:s23], [sflag:$0x1] =	stream.indirect.gather [hbm4b:s1+s22], $0x80, s5, s22, $0xb8;
	[tilespmem:$0x14C40] =	vst v63  }
0xa2: {  	p0 =	sne.s32 s2, $0x4800;
	_ =	swait.ge [sflag:s24], $0x4000  }
0xa3: {  	[sflag:s24] =	ssyncset.done $0x0  }
0xa4: {  	s2 =	sadd.s32 $0x1400, s0;
	[sflag:s24] =	ssyncadd.s32 $0xFFFFC000  }
0xa5: {  	[spmem:s3] =	stream.indirect.scatter.add.f32 [tilespmem:s18], [sflag:$0x3], $0x80, s2, s22, $0xb8;
	[tilespmem:$0x14C40] =	vst v63  }
0xa6: {  	_ =	swait.ge [sflag:s19], $0x4000  }
0xa7: {  	[sflag:s19] =	ssyncset.done $0x0  }
0xa8: {  	[sflag:s19] =	ssyncadd.s32 $0xFFFFC000  }
0xa9: {  	[spmem:s4] =	stream.indirect.scatter.add.f32 [tilespmem:s25], [sflag:$0x2], $0x1, s2, s22, $0xb8;
	[tilespmem:$0x14C40] =	vst v63  }
0xaa: {  	s2 =	sadd.s32 $0x100, s0  }
0xab: {  	[tilespmem:s18], [sflag:$0x1] =	stream.indirect.gather [hbm4b:s1+s22], $0x80, s2, s22, $0xb8;
	[tilespmem:$0x14C40] =	vst v63  }
0xac: {  	_ =	swait.ge [sflag:s24], $0x4000  }
0xad: {  	[sflag:s24] =	ssyncset.done $0x0  }
.Ltmp2:
0xae: {  	s5 =	sadd.s32 $0x1480, s0;
	[sflag:s24] =	ssyncadd.s32 $0xFFFFC000;
	(pc) =	sbr.rel @p0 .LBB2_6-.Ltmp2, $4  }
0xaf: {  	[spmem:s3] =	stream.indirect.scatter.add.f32 [tilespmem:s23], [sflag:$0x3], $0x80, s5, s22, $0xb8;
	[tilespmem:$0x14C40] =	vst v63  }
0xb0: {  	s0 =	smov.u32 s7;
	_ =	swait.ge [sflag:s19], $0x4000  }
0xb1: {  	[sflag:s19] =	ssyncset.done $0x0  }
0xb2: {  	s2 =	smov.u32 s8;
	[sflag:s19] =	ssyncadd.s32 $0xFFFFC000  }
0xb3: {  	[spmem:s4] =	stream.indirect.scatter.add.f32 [tilespmem:s25], [sflag:$0x2], $0x1, s5, s22, $0xb8;
	[tilespmem:$0x14C40] =	vst v63  }
0xb4: {  	s2 =	sadd.s32 $0x80, s0  }
0xb5: {  	[tilespmem:s23], [sflag:$0x1] =	stream.indirect.gather [hbm4b:s1+s22], $0x80, s2, s22, $0xb8;
	[tilespmem:$0x14C40] =	vst v63  }
0xb6: {  	_ =	swait.ge [sflag:s24], $0x4000  }
0xb7: {  	[sflag:s24] =	ssyncset.done $0x0  }
0xb8: {  	s5 =	sadd.s32 $0x1400, s0;
	[sflag:s24] =	ssyncadd.s32 $0xFFFFC000  }
0xb9: {  	[spmem:s3] =	stream.indirect.scatter.add.f32 [tilespmem:s18], [sflag:$0x3], $0x80, s5, s22, $0xb8;
	[tilespmem:$0x14C40] =	vst v63  }
0xba: {  	_ =	swait.ge [sflag:s19], $0x4000  }
0xbb: {  	[sflag:s19] =	ssyncset.done $0x0  }
0xbc: {  	[sflag:s19] =	ssyncadd.s32 $0xFFFFC000  }
0xbd: {  	[spmem:s4] =	stream.indirect.scatter.add.f32 [tilespmem:s25], [sflag:$0x2], $0x1, s5, s22, $0xb8;
	[tilespmem:$0x14C40] =	vst v63  }
0xbe: {  	s7 =	sadd.s32 $0x100, s0  }
0xbf: {  	[tilespmem:s18], [sflag:$0x1] =	stream.indirect.gather [hbm4b:s1+s22], $0x80, s7, s22, $0xb8;
	[tilespmem:$0x14C40] =	vst v63  }
0xc0: {  	_ =	swait.ge [sflag:s24], $0x4000  }
0xc1: {  	[sflag:s24] =	ssyncset.done $0x0  }
0xc2: {  	s8 =	sadd.s32 $0x1480, s0;
	[sflag:s24] =	ssyncadd.s32 $0xFFFFC000  }
0xc3: {  	[spmem:s3] =	stream.indirect.scatter.add.f32 [tilespmem:s23], [sflag:$0x3], $0x80, s8, s22, $0xb8;
	[tilespmem:$0x14C40] =	vst v63  }
0xc4: {  	_ =	swait.ge [sflag:s19], $0x4000  }
0xc5: {  	[sflag:s19] =	ssyncset.done $0x0  }
0xc6: {  	[sflag:s19] =	ssyncadd.s32 $0xFFFFC000  }
0xc7: {  	[spmem:s4] =	stream.indirect.scatter.add.f32 [tilespmem:s25], [sflag:$0x2], $0x1, s8, s22, $0xb8;
	[tilespmem:$0x14C40] =	vst v63  }
0xc8: {  	_ = 	snop  }
0xc9: {  	[tilespmem:s23], [sflag:$0x1] =	stream.indirect.gather [hbm4b:s1+s22], $0x80, s26, s22, $0xb8;
	[tilespmem:$0x14C40] =	vst v63  }
0xca: {  	_ =	swait.ge [sflag:s24], $0x4000  }
0xcb: {  	[sflag:s24] =	ssyncset.done $0x0  }
0xcc: {  	[sflag:s24] =	ssyncadd.s32 $0xFFFFC000  }
0xcd: {  	[spmem:s3] =	stream.indirect.scatter.add.f32 [tilespmem:s18], [sflag:$0x3], $0x80, s28, s22, $0xb8;
	[tilespmem:$0x14C40] =	vst v63  }
0xce: {  	_ =	swait.ge [sflag:s19], $0x4000  }
0xcf: {  	[sflag:s19] =	ssyncset.done $0x0  }
0xd0: {  	[sflag:s19] =	ssyncadd.s32 $0xFFFFC000  }
0xd1: {  	[spmem:s4] =	stream.indirect.scatter.add.f32 [tilespmem:s25], [sflag:$0x2], $0x1, s28, s22, $0xb8;
	[tilespmem:$0x14C40] =	vst v63  }
0xd2: {  	_ = 	snop  }
0xd3: {  	[tilespmem:s18], [sflag:$0x1] =	stream.indirect.gather [hbm4b:s1+s22], $0x80, s26, s22, $0xb8;
	[tilespmem:$0x14C40] =	vst v63  }
0xd4: {  	_ =	swait.ge [sflag:s24], $0x4000  }
0xd5: {  	[sflag:s24] =	ssyncset.done $0x0  }
0xd6: {  	[sflag:s24] =	ssyncadd.s32 $0xFFFFC000  }
0xd7: {  	[spmem:s3] =	stream.indirect.scatter.add.f32 [tilespmem:s23], [sflag:$0x3], $0x80, s29, s22, $0xb8;
	[tilespmem:$0x14C40] =	vst v63  }
0xd8: {  	_ =	swait.ge [sflag:s19], $0x4000  }
0xd9: {  	[sflag:s19] =	ssyncset.done $0x0  }
0xda: {  	[sflag:s19] =	ssyncadd.s32 $0xFFFFC000  }
0xdb: {  	[spmem:s4] =	stream.indirect.scatter.add.f32 [tilespmem:s25], [sflag:$0x2], $0x1, s29, s22, $0xb8;
	[tilespmem:$0x14C40] =	vst v63  }
0xdc: {  	_ =	swait.ge [sflag:s24], $0x4000  }
0xdd: {  	[sflag:s24] =	ssyncset.done $0x0  }
0xde: {  	[sflag:s24] =	ssyncadd.s32 $0xFFFFC000  }
0xdf: {  	_ =	swait.ge [sflag:s30], $0x80  }
0xe0: {  	s0 =	simm.s32 $0x27;
	[sflag:s30] =	ssyncset.done $0x0  }
.LBB2_8:
0xe1: {  	p0 =	sne.s32 s0, $0x1;
	s0 =	sadd.s32 $0xFFFFFFFF, s0;
	[sflag:s30] =	ssyncadd.s32 $0xFFFFFF80  }
.Ltmp3:
0xe2: {  	(pc) =	sbr.rel @p0 .LBB2_8-.Ltmp3, $3  }
0xe3: {  	_ =	sdelay $0x1  }
0xe4: {  	_ =	swait.ge [sflag:s30], $0x80  }
0xe5: {  	[sflag:s30] =	ssyncset.done $0x0  }
0xe6: {  	[sflag:s30] =	ssyncadd.s32 $0xFFFFFF80;
	s0 =	simm.s32 $0x0  }
0xe7: {  	[tilespmem:s0], [sflag:$0x3] =	stream.linear.gather [hbm4b:s9+s0], $0x1400, $0x38;
	[tilespmem:$0x14C40] =	vst v63  }
0xe8: {  	_ =	swait.ge [sflag:s19], $0x1400  }
0xe9: {  	[sflag:s19] =	ssyncset.done $0x0  }
0xea: {  	[sflag:s19] =	ssyncadd.s32 $0xFFFFEC00  }
0xeb: {  	[tilespmem:s21], [sflag:$0x3] =	stream.linear.gather [hbm4b:s10+s0], $0x1400, $0x38;
	[tilespmem:$0x14C40] =	vst v63  }
0xec: {  	_ =	swait.ge [sflag:s19], $0x1400  }
0xed: {  	[sflag:s19] =	ssyncset.done $0x0  }
0xee: {  	s0 =	simm.s32 $0x0;
	[sflag:s19] =	ssyncadd.s32 $0xFFFFEC00  }
0xef: {  	v11 =	vld [tilespmem:s0+$0x1400]  }
0xf0: {  	v16 =	vld [tilespmem:s0+$0x1410]  }
0xf1: {  	v15 =	vld [tilespmem:s0+$0x1420]  }
0xf2: {  	v14 =	vld [tilespmem:s0+$0x1430]  }
0xf3: {  	v13 =	vld [tilespmem:s0+$0x1440]  }
0xf4: {  	v12 =	vld [tilespmem:s0+$0x1450];
	v17 =	vsub.s32 v11, v0  }
0xf5: {  	s5 =	simm.s32 $0x200;
	v16 =	vsub.s32 v16, v0;
	v11 =	vld [tilespmem:s0+$0x1460];
	vm0 =	vlt.u32 v17, $0x1388  }
.LBB2_10:
0xf6: {  	p0 =	sne.s32 s5, $0x4E00;
	v17 =	vsel vm0, v17, v1;
	vm0 =	vlt.u32 v16, $0x1388;
	v15 =	vsub.s32 v15, v0;
	v18 =	vld [tilespmem:s0+$0x1470]  }
0xf7: {  	s2 =	sshra.s32 s5, $0x2;
	[tilespmem:s0+$0x1400] =	vst v17;
	v16 =	vsel vm0, v16, v2;
	vm0 =	vlt.u32 v15, $0x1388;
	v14 =	vsub.s32 v14, v0  }
0xf8: {  	v17 =	vld [tilespmem:s2+$0x1400];
	[tilespmem:s0+$0x1410] =	vst v16;
	v15 =	vsel vm0, v15, v3;
	vm0 =	vlt.u32 v14, $0x1388;
	v13 =	vsub.s32 v13, v0  }
0xf9: {  	v16 =	vld [tilespmem:s2+$0x1410];
	[tilespmem:s0+$0x1420] =	vst v15;
	v14 =	vsel vm0, v14, v4;
	vm0 =	vlt.u32 v13, $0x1388;
	v12 =	vsub.s32 v12, v0  }
.Ltmp4:
0xfa: {  	v15 =	vld [tilespmem:s2+$0x1420];
	[tilespmem:s0+$0x1430] =	vst v14;
	v13 =	vsel vm0, v13, v5;
	vm0 =	vlt.u32 v12, $0x1388;
	v11 =	vsub.s32 v11, v0;
	(pc) =	sbr.rel @p0 .LBB2_10-.Ltmp4, $4  }
0xfb: {  	v14 =	vld [tilespmem:s2+$0x1430];
	[tilespmem:s0+$0x1440] =	vst v13;
	v12 =	vsel vm0, v12, v6;
	vm0 =	vlt.u32 v11, $0x1388;
	v18 =	vsub.s32 v18, v0  }
0xfc: {  	v13 =	vld [tilespmem:s2+$0x1440];
	[tilespmem:s0+$0x1450] =	vst v12;
	v11 =	vsel vm0, v11, v7;
	vm0 =	vlt.u32 v18, $0x1388  }
0xfd: {  	v17 =	vsub.s32 v17, v0;
	v12 =	vld [tilespmem:s2+$0x1450];
	[tilespmem:s0+$0x1460] =	vst v11;
	v18 =	vsel vm0, v18, v8  }
0xfe: {  	s5 =	sadd.s32 $0x200, s5;
	vm0 =	vlt.u32 v17, $0x1388;
	v16 =	vsub.s32 v16, v0;
	v11 =	vld [tilespmem:s2+$0x1460];
	[tilespmem:s0+$0x1470] =	vst v18;
	s0 =	smov.u32 s2  }
0xff: {  	v17 =	vsel vm0, v17, v1;
	vm9 =	vlt.u32 v16, $0x1388;
	v15 =	vsub.s32 v15, v0;
	v18 =	vld [tilespmem:s0+$0x1470]  }
0x100: {  	[tilespmem:s0+$0x1400] =	vst v17;
	v16 =	vsel vm9, v16, v2;
	vm10 =	vlt.u32 v15, $0x1388;
	v14 =	vsub.s32 v14, v0  }
0x101: {  	[tilespmem:s0+$0x1410] =	vst v16;
	v15 =	vsel vm10, v15, v3;
	vm11 =	vlt.u32 v14, $0x1388;
	v13 =	vsub.s32 v13, v0  }
0x102: {  	[tilespmem:s0+$0x1420] =	vst v15;
	v14 =	vsel vm11, v14, v4;
	vm12 =	vlt.u32 v13, $0x1388;
	v12 =	vsub.s32 v12, v0  }
0x103: {  	[tilespmem:s0+$0x1430] =	vst v14;
	v13 =	vsel vm12, v13, v5;
	vm13 =	vlt.u32 v12, $0x1388;
	v11 =	vsub.s32 v11, v0  }
0x104: {  	[tilespmem:s0+$0x1440] =	vst v13;
	v12 =	vsel vm13, v12, v6;
	vm14 =	vlt.u32 v11, $0x1388;
	v63 =	vsub.s32 v18, v0  }
0x105: {  	[tilespmem:s0+$0x1450] =	vst v12;
	v11 =	vsel vm14, v11, v7;
	vm15 =	vlt.u32 v63, $0x1388  }
0x106: {  	[tilespmem:s0+$0x1460] =	vst v11;
	v11 =	vsel vm15, v63, v8  }
0x107: {  	s2 =	simm.s32 $0x0;
	[tilespmem:s0+$0x1470] =	vst v11  }
0x108: {  	[tilespmem:s18], [sflag:$0x1] =	stream.indirect.gather [hbm4b:s1+s22], $0x80, s2, s22, $0xb8;
	[tilespmem:$0x14C40] =	vst v63  }
0x109: {  	s5 =	simm.s32 $0x80  }
0x10a: {  	[tilespmem:s23], [sflag:$0x1] =	stream.indirect.gather [hbm4b:s1+s22], $0x80, s5, s22, $0xb8;
	[tilespmem:$0x14C40] =	vst v63  }
0x10b: {  	_ =	swait.ge [sflag:s24], $0x4000  }
0x10c: {  	[sflag:s24] =	ssyncset.done $0x0  }
0x10d: {  	s7 =	simm.s32 $0x1400;
	[sflag:s24] =	ssyncadd.s32 $0xFFFFC000  }
0x10e: {  	[spmem:s3] =	stream.indirect.scatter.add.f32 [tilespmem:s18], [sflag:$0x3], $0x80, s7, s22, $0xb8;
	[tilespmem:$0x14C40] =	vst v63  }
0x10f: {  	_ =	swait.ge [sflag:s19], $0x4000  }
0x110: {  	[sflag:s19] =	ssyncset.done $0x0  }
0x111: {  	[sflag:s19] =	ssyncadd.s32 $0xFFFFC000  }
0x112: {  	[spmem:s4] =	stream.indirect.scatter.add.f32 [tilespmem:s25], [sflag:$0x2], $0x1, s7, s22, $0xb8;
	[tilespmem:$0x14C40] =	vst v63  }
0x113: {  	s8 =	simm.s32 $0x100  }
0x114: {  	[tilespmem:s18], [sflag:$0x1] =	stream.indirect.gather [hbm4b:s1+s22], $0x80, s8, s22, $0xb8;
	[tilespmem:$0x14C40] =	vst v63  }
0x115: {  	_ =	swait.ge [sflag:s24], $0x4000  }
0x116: {  	[sflag:s24] =	ssyncset.done $0x0  }
0x117: {  	s5 =	simm.s32 $0x1480;
	[sflag:s24] =	ssyncadd.s32 $0xFFFFC000  }
0x118: {  	[spmem:s3] =	stream.indirect.scatter.add.f32 [tilespmem:s23], [sflag:$0x3], $0x80, s5, s22, $0xb8;
	[tilespmem:$0x14C40] =	vst v63  }
0x119: {  	_ =	swait.ge [sflag:s19], $0x4000  }
0x11a: {  	[sflag:s19] =	ssyncset.done $0x0  }
0x11b: {  	s0 =	simm.s32 $0x100;
	s2 =	simm.s32 $0x800;
	[sflag:s19] =	ssyncadd.s32 $0xFFFFC000  }
.LBB2_12:
0x11c: {  	[spmem:s4] =	stream.indirect.scatter.add.f32 [tilespmem:s25], [sflag:$0x2], $0x1, s5, s22, $0xb8;
	[tilespmem:$0x14C40] =	vst v63  }
0x11d: {  	s5 =	smov.u32 s2  }
0x11e: {  	s8 =	sadd.s32 $0x400, s2;
	s7 =	sshra.s32 s5, $0x2;
	s5 =	sadd.s32 $0x80, s0  }
0x11f: {  	[tilespmem:s23], [sflag:$0x1] =	stream.indirect.gather [hbm4b:s1+s22], $0x80, s5, s22, $0xb8;
	[tilespmem:$0x14C40] =	vst v63  }
0x120: {  	p0 =	sne.s32 s2, $0x4800;
	_ =	swait.ge [sflag:s24], $0x4000  }
0x121: {  	[sflag:s24] =	ssyncset.done $0x0  }
0x122: {  	s2 =	sadd.s32 $0x1400, s0;
	[sflag:s24] =	ssyncadd.s32 $0xFFFFC000  }
0x123: {  	[spmem:s3] =	stream.indirect.scatter.add.f32 [tilespmem:s18], [sflag:$0x3], $0x80, s2, s22, $0xb8;
	[tilespmem:$0x14C40] =	vst v63  }
0x124: {  	_ =	swait.ge [sflag:s19], $0x4000  }
0x125: {  	[sflag:s19] =	ssyncset.done $0x0  }
0x126: {  	[sflag:s19] =	ssyncadd.s32 $0xFFFFC000  }
0x127: {  	[spmem:s4] =	stream.indirect.scatter.add.f32 [tilespmem:s25], [sflag:$0x2], $0x1, s2, s22, $0xb8;
	[tilespmem:$0x14C40] =	vst v63  }
0x128: {  	s2 =	sadd.s32 $0x100, s0  }
0x129: {  	[tilespmem:s18], [sflag:$0x1] =	stream.indirect.gather [hbm4b:s1+s22], $0x80, s2, s22, $0xb8;
	[tilespmem:$0x14C40] =	vst v63  }
0x12a: {  	_ =	swait.ge [sflag:s24], $0x4000  }
0x12b: {  	[sflag:s24] =	ssyncset.done $0x0  }
.Ltmp5:
0x12c: {  	s5 =	sadd.s32 $0x1480, s0;
	[sflag:s24] =	ssyncadd.s32 $0xFFFFC000;
	(pc) =	sbr.rel @p0 .LBB2_12-.Ltmp5, $4  }
0x12d: {  	[spmem:s3] =	stream.indirect.scatter.add.f32 [tilespmem:s23], [sflag:$0x3], $0x80, s5, s22, $0xb8;
	[tilespmem:$0x14C40] =	vst v63  }
0x12e: {  	s0 =	smov.u32 s7;
	_ =	swait.ge [sflag:s19], $0x4000  }
0x12f: {  	[sflag:s19] =	ssyncset.done $0x0  }
0x130: {  	s2 =	smov.u32 s8;
	[sflag:s19] =	ssyncadd.s32 $0xFFFFC000  }
0x131: {  	[spmem:s4] =	stream.indirect.scatter.add.f32 [tilespmem:s25], [sflag:$0x2], $0x1, s5, s22, $0xb8;
	[tilespmem:$0x14C40] =	vst v63  }
0x132: {  	s2 =	sadd.s32 $0x80, s0  }
0x133: {  	[tilespmem:s23], [sflag:$0x1] =	stream.indirect.gather [hbm4b:s1+s22], $0x80, s2, s22, $0xb8;
	[tilespmem:$0x14C40] =	vst v63  }
0x134: {  	_ =	swait.ge [sflag:s24], $0x4000  }
0x135: {  	[sflag:s24] =	ssyncset.done $0x0  }
0x136: {  	s5 =	sadd.s32 $0x1400, s0;
	[sflag:s24] =	ssyncadd.s32 $0xFFFFC000  }
0x137: {  	[spmem:s3] =	stream.indirect.scatter.add.f32 [tilespmem:s18], [sflag:$0x3], $0x80, s5, s22, $0xb8;
	[tilespmem:$0x14C40] =	vst v63  }
0x138: {  	_ =	swait.ge [sflag:s19], $0x4000  }
0x139: {  	[sflag:s19] =	ssyncset.done $0x0  }
0x13a: {  	[sflag:s19] =	ssyncadd.s32 $0xFFFFC000  }
0x13b: {  	[spmem:s4] =	stream.indirect.scatter.add.f32 [tilespmem:s25], [sflag:$0x2], $0x1, s5, s22, $0xb8;
	[tilespmem:$0x14C40] =	vst v63  }
0x13c: {  	s7 =	sadd.s32 $0x100, s0  }
0x13d: {  	[tilespmem:s18], [sflag:$0x1] =	stream.indirect.gather [hbm4b:s1+s22], $0x80, s7, s22, $0xb8;
	[tilespmem:$0x14C40] =	vst v63  }
0x13e: {  	_ =	swait.ge [sflag:s24], $0x4000  }
0x13f: {  	[sflag:s24] =	ssyncset.done $0x0  }
0x140: {  	s8 =	sadd.s32 $0x1480, s0;
	[sflag:s24] =	ssyncadd.s32 $0xFFFFC000  }
0x141: {  	[spmem:s3] =	stream.indirect.scatter.add.f32 [tilespmem:s23], [sflag:$0x3], $0x80, s8, s22, $0xb8;
	[tilespmem:$0x14C40] =	vst v63  }
0x142: {  	_ =	swait.ge [sflag:s19], $0x4000  }
0x143: {  	[sflag:s19] =	ssyncset.done $0x0  }
0x144: {  	[sflag:s19] =	ssyncadd.s32 $0xFFFFC000  }
0x145: {  	[spmem:s4] =	stream.indirect.scatter.add.f32 [tilespmem:s25], [sflag:$0x2], $0x1, s8, s22, $0xb8;
	[tilespmem:$0x14C40] =	vst v63  }
0x146: {  	_ = 	snop  }
0x147: {  	[tilespmem:s23], [sflag:$0x1] =	stream.indirect.gather [hbm4b:s1+s22], $0x80, s26, s22, $0xb8;
	[tilespmem:$0x14C40] =	vst v63  }
0x148: {  	_ =	swait.ge [sflag:s24], $0x4000  }
0x149: {  	[sflag:s24] =	ssyncset.done $0x0  }
0x14a: {  	[sflag:s24] =	ssyncadd.s32 $0xFFFFC000  }
0x14b: {  	[spmem:s3] =	stream.indirect.scatter.add.f32 [tilespmem:s18], [sflag:$0x3], $0x80, s28, s22, $0xb8;
	[tilespmem:$0x14C40] =	vst v63  }
0x14c: {  	_ =	swait.ge [sflag:s19], $0x4000  }
0x14d: {  	[sflag:s19] =	ssyncset.done $0x0  }
0x14e: {  	[sflag:s19] =	ssyncadd.s32 $0xFFFFC000  }
0x14f: {  	[spmem:s4] =	stream.indirect.scatter.add.f32 [tilespmem:s25], [sflag:$0x2], $0x1, s28, s22, $0xb8;
	[tilespmem:$0x14C40] =	vst v63  }
0x150: {  	_ = 	snop  }
0x151: {  	[tilespmem:s18], [sflag:$0x1] =	stream.indirect.gather [hbm4b:s1+s22], $0x80, s26, s22, $0xb8;
	[tilespmem:$0x14C40] =	vst v63  }
0x152: {  	_ =	swait.ge [sflag:s24], $0x4000  }
0x153: {  	[sflag:s24] =	ssyncset.done $0x0  }
0x154: {  	[sflag:s24] =	ssyncadd.s32 $0xFFFFC000  }
0x155: {  	[spmem:s3] =	stream.indirect.scatter.add.f32 [tilespmem:s23], [sflag:$0x3], $0x80, s29, s22, $0xb8;
	[tilespmem:$0x14C40] =	vst v63  }
0x156: {  	_ =	swait.ge [sflag:s19], $0x4000  }
0x157: {  	[sflag:s19] =	ssyncset.done $0x0  }
0x158: {  	[sflag:s19] =	ssyncadd.s32 $0xFFFFC000  }
0x159: {  	[spmem:s4] =	stream.indirect.scatter.add.f32 [tilespmem:s25], [sflag:$0x2], $0x1, s29, s22, $0xb8;
	[tilespmem:$0x14C40] =	vst v63  }
0x15a: {  	_ =	swait.ge [sflag:s24], $0x4000  }
0x15b: {  	[sflag:s24] =	ssyncset.done $0x0  }
0x15c: {  	[sflag:s24] =	ssyncadd.s32 $0xFFFFC000  }
0x15d: {  	_ =	swait.ge [sflag:s30], $0x80  }
0x15e: {  	s0 =	simm.s32 $0x27;
	[sflag:s30] =	ssyncset.done $0x0  }
.LBB2_14:
0x15f: {  	p0 =	sne.s32 s0, $0x1;
	s0 =	sadd.s32 $0xFFFFFFFF, s0;
	[sflag:s30] =	ssyncadd.s32 $0xFFFFFF80  }
.Ltmp6:
0x160: {  	(pc) =	sbr.rel @p0 .LBB2_14-.Ltmp6, $3  }
0x161: {  	_ =	sdelay $0x1  }
0x162: {  	_ =	swait.ge [sflag:s30], $0x80  }
0x163: {  	[sflag:s30] =	ssyncset.done $0x0  }
0x164: {  	s0 =	stileid.u32  }
0x165: {  	[sflag:s30] =	ssyncadd.s32 $0xFFFFFF80;
	s0 =	sshll.u32 s0, $0x6  }
0x166: {  	s2 =	sshrl.u32 s11, $0x3;
	[bflag:$0x0] =	sbarrier.arrive $0xFFFF;
	s0 =	sor.u32 $0x1C03, s0  }
0x167: {  	[hbm:s12], [sflag:s0] =	dma.local [spmem:s2], $0x1400  }
0x168: {  	_ =	swait.ge [sflag:s19], $0x1400  }
0x169: {  	[sflag:s19] =	ssyncset.done $0x0  }
0x16a: {  	[sflag:s19] =	ssyncadd.s32 $0xFFFFEC00  }
0x16b: {  	[tilespmem:s20], [sflag:$0x3] =	stream.linear.gather [spmem:s6], $0x140, $0x38;
	[tilespmem:$0x14C40] =	vst v63  }
0x16c: {  	s31 =	sadd.s32 $0x1, s31;
	_ =	swait.ge [sflag:s19], $0x140  }
0x16d: {  	p0 =	sne.s32 s31, s14;
	[sflag:s19] =	ssyncset.done $0x0  }
.Ltmp7:
0x16e: {  	s8 =	simm.s32 $0x0;
	[sflag:s19] =	ssyncadd.s32 $0xFFFFFEC0;
	(pc) =	sbr.rel @p0 .LBB2_1-.Ltmp7, $4  }
0x16f: {  	[hbm4b:s13+s8] =	stream.linear.scatter [tilespmem:s20], [sflag:$0x3], $0x140, $0x38;
	[tilespmem:$0x14C40] =	vst v63  }
0x170: {  	_ =	swait.ge [sflag:s19], $0x140  }
0x171: {  	[sflag:s19] =	ssyncset.done $0x0  }
0x172: {  	[sflag:s19] =	ssyncadd.s32 $0xFFFFFEC0  }
0x173: {  	_ =	sfence.sel $0x180000  }
0x174: {  	[bflag:$0x0] =	sbarrier.arrive $0xFFFF  }
0x175: {  	_ =	strace $0x90000047  }
0x176: {  	s0 =	stileid.u32;
	[bflag:$0x2] =	sbarrier.arrive $0xFFFF  }
0x177: {  	p0 =	sne.s32 s0, $0x0;
	s0 =	rddreg [dreg:$0x5]  }
0x178: {  	s0 =	sadd.s32 @!p0 $0x100000, s0  }
0x179: {  	[sflag:s0] =	ssyncadd.tile.s32 @!p0 $0x1;
	_ =	shalt  }
.Lfunc_end2:
_tile_overlayer_lowered:
.L_overlay_start_2:
0x17a: {  	(tag) =	ssettag $0x2  }
0x17b: {  	s0 =	rddreg [dreg:$0x0];
	s2 =	stileid.u32  }
0x17c: {  	s1 =	rddreg [dreg:$0x1];
	p0 =	sne.s32 s2, $0x0  }
0x17d: {  	s3 =	rddreg [dreg:$0x2];
	[bflag:$0x3] =	sbarrier.arrive $0xFFFF;
	s2 =	simm.s32 @!p0 $0x1C03  }
0x17e: {  	[timem:s3], [sflag:s2] =	dma.local @!p0 [hbm:s0], s1  }
0x17f: {  	s0 =	simm.s32 @!p0 $0x3  }
0x180: {  	_ =	swait.ge @!p0 [sflag:s0], s1  }
0x181: {  	s1 =	ssub.s32 @!p0 $0x0, s1;
	[sflag:s0] =	ssyncset.done @!p0 $0x0  }
0x182: {  	[sflag:s0] =	ssyncadd.s32 @!p0 s1  }
0x183: {  	[bflag:$0x3] =	sbarrier.arrive $0xFFFF  }
0x184: {  	_ =	shalt  }

// kernel: kernel.9.cloned.1.call-start
scs
__scs_entry_jumppad:
0x0: {  	(pc) =	sbr.rel $0x88, $3  }
0x1: {  	(tag) =	ssettag $0x0;
	lr =	simm.s32 $0x1  }
0x2: {  	[smem:$0x3F98] =	sst lr;
	_ =	strace $0xD0000000  }
0x3: {  	_ = 	snop  }
0x4: {  	_ = 	snop  }
0x5: {  	_ = 	snop  }
0x6: {  	_ = 	snop  }
0x7: {  	_ = 	snop  }
__scs_overlays_trampoline_lowered:
0x8: {  	[smem:$0x3FA7] =	sst s0  }
0x9: {  	[smem:$0x3FA8] =	sst s1  }
0xa: {  	[smem:$0x3FA9] =	sst s2  }
0xb: {  	[smem:$0x3FAA] =	sst s3  }
0xc: {  	[smem:$0x3FAB] =	sst s4  }
0xd: {  	[smem:$0x3FAC] =	sst s5  }
0xe: {  	[smem:$0x3FAD] =	sst s6  }
0xf: {  	[smem:$0x3FAE] =	sst s7  }
0x10: {  	[smem:$0x3FAF] =	sst s8  }
0x11: {  	[smem:$0x3FB0] =	sst s9;
	s0 =	simm.s32 @!p0 $0x0  }
0x12: {  	s1 =	sld [smem:$0x3F96];
	s0 =	simm.s32 @p0 $0x1  }
0x13: {  	[smem:$0x3FB1] =	sst s0;
	s0 =	simm.s32 @!p1 $0x0  }
0x14: {  	s2 =	sld [smem:$0x3F95];
	s0 =	simm.s32 @p1 $0x1  }
0x15: {  	[smem:$0x3FB2] =	sst s0;
	s0 =	simm.s32 @!p2 $0x0  }
0x16: {  	s3 =	sld [smem:$0x3FDB];
	s0 =	simm.s32 @p2 $0x1  }
0x17: {  	s4 =	simm.s32 $0x1BF5;
	[smem:$0x3FB4] =	sst s0  }
0x18: {  	s0 =	sld [smem:$0x3F97];
	_ =	swait.ge [sflag:s4], $0x0  }
0x19: {  	s7 =	sld [smem:$0x3F98]  }
0x1a: {  	s8 =	sadd.s32 $0xFFFFE003, lr  }
0x1b: {  	s9 =	sadd.s32 $0xFFFFFEF7, lr;
	s5 =	simm.s32 $0xFFFFFFFF;
	p2 =	slt.u32 s8, $0xFFFFF086  }
0x1c: {  	p1 =	slt.u32 s9, $0xF7A;
	s5 =	simm.s32 @!p2 $0x0  }
0x1d: {  	s5 =	simm.s32 @p1 $0x1;
	p0 =	seq.s32 s7, s2  }
0x1e: {  	s7 =	smul.u32 @!p0 $0xF7A, s2;
	p2 =	seq.s32 @!p0 s5, $0x0  }
0x1f: {  	s9 =	smul.u32 $0xF7A, s1;
	s8 =	simm.s32 @!p0 $0x1BF5;
	p2 =	por !p2, p0  }
0x20: {  	[sflag:s8] =	ssyncset.s32 @!p0 $0xFFFFF086;
	s6 =	sadd.s32 @!p0 s3, s7;
	s7 =	simm.s32 @!p0 $0x108  }
0x21: {  	s3 =	sadd.s32 s3, s9;
	s6 =	sadd.s32 @!p0 $0x88, s6;
	s7 =	simm.s32 @p2 $0x1082  }
0x22: {  	[simem:s7], [sflag:s8] =	dma.local @!p0 [hbm:s6], $0xF7A  }
0x23: {  	s9 =	sor.u32 $0xD0000000, s2;
	s6 =	simm.s32 $0x108;
	_ =	swait.ge @!p0 [sflag:s8], $0x0  }
0x24: {  	s3 =	sadd.s32 $0x88, s3;
	s6 =	simm.s32 @!p1 $0x1082;
	[sflag:s4] =	ssyncset.s32 $0xFFFFF086  }
0x25: {  	[simem:s6], [sflag:s4] =	dma.local [hbm:s3], $0xF7A  }
0x26: {  	[smem:$0x3F98] =	sst s1;
	(tag) =	ssettag s2;
	_ =	strace s9  }
0x27: {  	s1 =	sld [smem:$0x3FA8]  }
0x28: {  	s2 =	sld [smem:$0x3FA9]  }
0x29: {  	s4 =	sld [smem:$0x3FAB]  }
0x2a: {  	p0 =	seq.s32 s5, $0x0;
	s5 =	sld [smem:$0x3FAC]  }
0x2b: {  	s6 =	sld [smem:$0x3FAD]  }
0x2c: {  	s7 =	sld [smem:$0x3FAE]  }
0x2d: {  	s3 =	simm.s32 $0x108;
	s8 =	sld [smem:$0x3FAF]  }
0x2e: {  	s3 =	simm.s32 @!p0 $0x1082;
	s9 =	sld [smem:$0x3FB0]  }
0x2f: {  	lr =	sadd.s32 s0, s3;
	s0 =	sld [smem:$0x3FA7]  }
0x30: {  	s3 =	sld [smem:$0x3FAA]  }
0x31: {  	[smem:$0x3FB3] =	sst s10  }
0x32: {  	s10 =	sld [smem:$0x3FB1];
	_ =	sdelay $0x3  }
0x33: {  	p0 =	seq.s32 s10, $0x1;
	s10 =	sld [smem:$0x3FB3];
	_ =	sdelay $0x3  }
0x34: {  	[smem:$0x3FB3] =	sst s10  }
0x35: {  	s10 =	sld [smem:$0x3FB2];
	_ =	sdelay $0x3  }
0x36: {  	p1 =	seq.s32 s10, $0x1;
	s10 =	sld [smem:$0x3FB3];
	_ =	sdelay $0x3  }
0x37: {  	[smem:$0x3FB3] =	sst s10  }
0x38: {  	s10 =	sld [smem:$0x3FB4]  }
0x39: {  	_ = 	snop;
	(pc) =	sbr.ind lr, $3  }
0x3a: {  	_ = 	snop  }
0x3b: {  	_ = 	snop  }
0x3c: {  	p2 =	seq.s32 s10, $0x1;
	s10 =	sld [smem:$0x3FB3]  }
0x3d: {  	_ =	shalt  }
0x3e: {  	_ =	shalt  }
0x3f: {  	_ =	shalt  }
0x40: {  	_ =	shalt  }
0x41: {  	_ =	shalt  }
0x42: {  	_ =	shalt  }
0x43: {  	_ =	shalt  }
0x44: {  	_ =	shalt  }
0x45: {  	_ =	shalt  }
0x46: {  	_ =	shalt  }
0x47: {  	_ =	shalt  }
0x48: {  	_ =	shalt  }
0x49: {  	_ =	shalt  }
0x4a: {  	_ =	shalt  }
0x4b: {  	_ =	shalt  }
0x4c: {  	_ =	shalt  }
0x4d: {  	_ =	shalt  }
0x4e: {  	_ =	shalt  }
0x4f: {  	_ =	shalt  }
0x50: {  	_ =	shalt  }
0x51: {  	_ =	shalt  }
0x52: {  	_ =	shalt  }
0x53: {  	_ =	shalt  }
0x54: {  	_ =	shalt  }
0x55: {  	_ =	shalt  }
0x56: {  	_ =	shalt  }
0x57: {  	_ =	shalt  }
0x58: {  	_ =	shalt  }
0x59: {  	_ =	shalt  }
0x5a: {  	_ =	shalt  }
0x5b: {  	_ =	shalt  }
0x5c: {  	_ =	shalt  }
0x5d: {  	_ =	shalt  }
0x5e: {  	_ =	shalt  }
0x5f: {  	_ =	shalt  }
0x60: {  	_ =	shalt  }
0x61: {  	_ =	shalt  }
0x62: {  	_ =	shalt  }
0x63: {  	_ =	shalt  }
0x64: {  	_ =	shalt  }
0x65: {  	_ =	shalt  }
0x66: {  	_ =	shalt  }
0x67: {  	_ =	shalt  }
0x68: {  	_ =	shalt  }
0x69: {  	_ =	shalt  }
0x6a: {  	_ =	shalt  }
0x6b: {  	_ =	shalt  }
0x6c: {  	_ =	shalt  }
0x6d: {  	_ =	shalt  }
0x6e: {  	_ =	shalt  }
0x6f: {  	_ =	shalt  }
0x70: {  	_ =	shalt  }
0x71: {  	_ =	shalt  }
0x72: {  	_ =	shalt  }
0x73: {  	_ =	shalt  }
0x74: {  	_ =	shalt  }
0x75: {  	_ =	shalt  }
0x76: {  	_ =	shalt  }
0x77: {  	_ =	shalt  }
0x78: {  	_ =	shalt  }
0x79: {  	_ =	shalt  }
0x7a: {  	_ =	shalt  }
0x7b: {  	_ =	shalt  }
0x7c: {  	_ =	shalt  }
0x7d: {  	_ =	shalt  }
0x7e: {  	_ =	shalt  }
0x7f: {  	_ =	shalt  }
0x80: {  	_ =	shalt  }
0x81: {  	_ =	shalt  }
0x82: {  	_ =	shalt  }
0x83: {  	_ =	shalt  }
0x84: {  	_ =	shalt  }
0x85: {  	_ =	shalt  }
0x86: {  	_ =	shalt  }
0x87: {  	_ =	shalt  }
.Lfunc_end0:
.L_simem_size_0:
called_computation.1_lowered:
.L_overlay_start_0:
0x88: {  	s2 =	sld [smem:$0x3FD9]  }
0x89: {  	s3 =	sld [smem:$0x3FFE];
	_ =	sdelay $0x1  }
0x8a: {  	s1 =	srdreg.scid  }
0x8b: {  	s0 =	sand.u32 $0x1, s1  }
0x8c: {  	s17 =	sshll.u32 s0, $0xA;
	s2 =	sadd.s32 s3, s2  }
0x8d: {  	s2 =	sadd.s32 s2, s17  }
0x8e: {  	[smem:$0x3FBF] =	sst s2  }
0x8f: {  	_ = 	snop  }
0x90: {  	s2 =	sld [smem:$0x3FD0];
	(tm) =	ssettm $0x1  }
0x91: {  	s18 =	sld [smem:$0x3FFB];
	_ =	sdelay $0x3  }
0x92: {  	_ =	strace s18  }
0x93: {  	s3 =	sld [smem:$0x3FFC];
	_ =	sdelay $0x3  }
0x94: {  	_ =	strace s3  }
0x95: {  	s3 =	sld [smem:$0x3FFD];
	_ =	sdelay $0x3  }
0x96: {  	_ =	strace s3  }
0x97: {  	_ =	strace $0x8FFFFFFF  }
0x98: {  	s19 =	sld [smem:$0x3FDB];
	_ =	sdelay $0x1  }
0x99: {  	s4 =	simm.s32 $_scs_section_size  }
0x9a: {  	s5 =	simm.s32 $_size__tile_overlayer_lowered;
	s6 =	simm.s32 $_tile_overlayer_lowered  }
0x9b: {  	s22 =	simm.s32 $0x1BFF;
	s21 =	sshll.u32 s6, $0x1;
	s3 =	sadd.s32 s4, s19  }
0x9c: {  	s7 =	simm.s32 $0x0;
	s20 =	sshll.u32 s5, $0x1;
	s5 =	sadd.s32 s21, s3  }
0x9d: {  	[timem:s7], [sflag:s22] =	dma.local [hbm:s5], s20  }
0x9e: {  	_ =	swait.ge [sflag:s22], s20  }
0x9f: {  	s4 =	ssub.s32 $0x0, s20;
	[sflag:s22] =	ssyncset.done $0x0  }
0xa0: {  	[sflag:s22] =	ssyncadd.s32 s4;
	_ =	sdelay $0x1  }
0xa1: {  	s23 =	simm.s32 $0x1B8B  }
0xa2: {  	_ =	swait.ge [sflag:s23], $0x1  }
0xa3: {  	[sflag:s23] =	ssyncset.done $0x0  }
0xa4: {  	s25 =	simm.s32 $0x1B8E;
	s24 =	sld [smem:$0x3FFE];
	[sflag:s23] =	ssyncadd.s32 $0xFFFFFFFF  }
0xa5: {  	s26 =	simm.s32 $execute0_lowered;
	[smem:$0x3FD2] =	sst s25  }
0xa6: {  	s5 =	sshll.u32 s26, $0x1;
	_ =	strace $0x80000049;
	[dreg:$0x1] =	wrdreg $0xFFFFFFFF  }
0xa7: {  	s28 =	simm.s32 $_size_execute0_lowered;
	s3 =	sadd.s32 s3, s5;
	[dreg:$0x0] =	wrdreg $0x0  }
0xa8: {  	s5 =	sshll.u32 s28, $0x1;
	[dreg:$0x2] =	wrdreg s3  }
0xa9: {  	[dreg:$0x3] =	wrdreg s5  }
0xaa: {  	[dreg:$0x4] =	wrdreg $0xC0  }
0xab: {  	_ =	task [dreg:s7], $0x5FFFF  }
0xac: {  	[dreg:$0x1] =	wrdreg $0xFFFFFFFF  }
0xad: {  	[dreg:$0x0] =	wrdreg $0x60  }
0xae: {  	[dreg:$0x2] =	wrdreg s24  }
0xaf: {  	[dreg:$0x3] =	wrdreg s2  }
0xb0: {  	[dreg:$0x4] =	wrdreg $0xAB000  }
0xb1: {  	[dreg:$0x5] =	wrdreg $0x14B000  }
0xb2: {  	[dreg:$0x6] =	wrdreg $0x9  }
0xb3: {  	_ =	task.clear_ibuf [dreg:s7], $0x7FFFF;
	_ =	strace $0x90000049  }
0xb4: {  	s29 =	simm.s32 $0x9;
	_ =	strace $0x8000004B  }
0xb5: {  	_ =	swait.ge [sflag:s29], $0x1  }
0xb6: {  	[sflag:s29] =	ssyncadd.s32 $0xFFFFFFFF  }
0xb7: {  	_ =	strace $0x9000004B  }
0xb8: {  	_ =	sfence  }
0xb9: {  	s30 =	sld [smem:$0x0];
	_ =	sdelay $0x2  }
0xba: {  	s31 =	sshll.u32 s1, $0xD;
	s1 =	sshrl.u32 s1, $0x2  }
0xbb: {  	s3 =	sand.u32 $0x4000, s31;
	s1 =	sadd.s32 s1, s30  }
0xbc: {  	s0 =	sor.u32 s3, s0;
	s1 =	sshll.u32 s1, $0x11  }
0xbd: {  	s0 =	sor.u32 s1, s0  }
0xbe: {  	s0 =	sadd.s32 $0x8F2B, s0  }
0xbf: {  	[sflag:s0] =	ssyncadd.remote.s32 $0x1  }
0xc0: {  	_ =	sfence.sel $0xFFFF  }
0xc1: {  	[dreg:$0x0] =	wrdreg $0xFFFFFFFF;
	(pc) =	sbr.abs _section_cstart, $3  }
0xc2: {  	[dreg:$0x1] =	wrdreg $0xFFFFFFFF  }
0xc3: {  	_ =	task.clear_ibuf [dreg:s7], $0x2FFFF;
	_ =	strace $0x9FFFFFFF  }
0xc4: {  	(tm) =	ssettm $0x7FFFFFFF  }
0xc5: {  	_ =	shalt  }
tec
execute0_lowered:
.L_overlay_start_1:
0x0: {  	(tag) =	ssettag $0x1  }
0x1: {  	s1 =	rddreg [dreg:$0x0]  }
0x2: {  	s0 =	rddreg [dreg:$0x1]  }
0x3: {  	s2 =	rddreg [dreg:$0x2]  }
0x4: {  	s3 =	rddreg [dreg:$0x3]  }
0x5: {  	s4 =	srdreg.scid;
	s16 =	stileid.u32;
	s5 =	simm.s32 $0x0  }
0x6: {  	s28 =	simm.s32 $0x2700;
	s29 =	simm.s32 $0x2780;
	s30 =	simm.s32 $0x2  }
0x7: {  	s31 =	simm.s32 $0x0;
	s4 =	sand.u32 $0x1, s4;
	s6 =	smul.u32 $0x140, s16  }
0x8: {  	v0 =	vlaneseq.u32;
	[smem:$0x7FF] =	sst s5;
	s5 =	sadd.s32 $0x1600, s1;
	s9 =	sshll.u32 s16, $0x4  }
0x9: {  	s10 =	sadd.s32 $0x38600, s1;
	s20 =	smul.u32 $0x2800, s16;
	v1 =	vor.u32 s9, v0;
	s12 =	sadd.s32 $0x10, s9  }
0xa: {  	s11 =	sadd.s32 $0x33600, s1;
	s23 =	smul.u32 $0x28000, s16;
	s14 =	sadd.s32 $0x20, s9;
	v2 =	vmulhi.u32 $0x2222223, v1;
	v3 =	vor.u32 s12, v0  }
0xb: {  	s7 =	smul.u32 $0x1400, s4;
	s17 =	sadd.s32 $0x30, s9;
	s18 =	sadd.s32 $0x40, s9;
	v5 =	vor.u32 s14, v0;
	v4 =	vmulhi.u32 $0x2222223, v3  }
0xc: {  	_ =	strace $0x8000004A;
	s15 =	ssub.s32 $0x2, s4;
	s19 =	sadd.s32 $0x50, s9;
	v7 =	vor.u32 s17, v0;
	v9 =	vor.u32 s18, v0;
	v6 =	vmulhi.u32 $0x2222223, v5  }
0xd: {  	s4 =	smul.u32 $0x1388, s4;
	s24 =	sadd.s32 $0x60, s9;
	s12 =	sshrl.u32 s15, $0x1;
	v11 =	vor.u32 s19, v0;
	v8 =	vmulhi.u32 $0x2222223, v7;
	v2 =	vmul.u32 $0x78, v2  }
0xe: {  	s14 =	smul.u32 $0x500, s16;
	s17 =	sadd.s32 $0x70, s9;
	s25 =	sshrl.u32 s23, $0x2;
	v10 =	vmulhi.u32 $0x2222223, v9;
	v4 =	vmul.u32 $0x78, v4;
	v6 =	vmul.u32 $0x78, v6  }
0xf: {  	s18 =	simm.s32 $0x2800;
	s19 =	simm.s32 $0x3;
	s23 =	simm.s32 $0x6800;
	v1 =	vsub.s32 v1, v2;
	v2 =	vmulhi.u32 $0x2222223, v11  }
0x10: {  	s13 =	sadd.s32 s6, s7;
	s15 =	ssub.s32 s15, s12;
	s6 =	sadd.s32 s6, s3;
	v3 =	vsub.s32 v3, v4;
	v4 =	vsub.s32 v5, v6;
	v5 =	vmul.u32 $0x78, v8  }
0x11: {  	s12 =	sshrl.u32 s20, $0x3;
	s20 =	simm.s32 $0xA980;
	s8 =	sshll.u32 s13, $0x4;
	v6 =	vmul.u32 $0x78, v10;
	v8 =	vor.u32 s24, v0;
	v2 =	vmul.u32 $0x78, v2  }
0x12: {  	s21 =	sadd.s32 s10, s14;
	s22 =	sadd.s32 s11, s14;
	s12 =	sadd.s32 $0x280, s12;
	v10 =	vor.u32 s17, v0;
	v5 =	vsub.s32 v7, v5;
	v7 =	vmulhi.u32 $0x2222223, v8  }
0x13: {  	s26 =	sshrl.u32 s13, $0x3;
	s14 =	smax.u32 s15, $0x1;
	[dreg:$0x5] =	wrdreg s21;
	v6 =	vsub.s32 v9, v6;
	v9 =	vsub.s32 v11, v2;
	v11 =	vmulhi.u32 $0x2222223, v10  }
0x14: {  	s1 =	sadd.s32 s8, s1;
	[dreg:$0x6] =	wrdreg s22;
	s9 =	sadd.s32 s10, s12;
	v0 =	vmov s4;
	v1 =	vadd.s32 $0x1388, v1;
	v2 =	vadd.s32 $0x1388, v3  }
0x15: {  	s10 =	sadd.s32 s11, s12;
	s11 =	sadd.s32 s25, s2;
	s13 =	sadd.s32 s0, s26;
	v3 =	vadd.s32 $0x1388, v4;
	v7 =	vmul.u32 $0x78, v7;
	v11 =	vmul.u32 $0x78, v11  }
0x16: {  	s21 =	simm.s32 $0x1400;
	s22 =	simm.s32 $0x80;
	s25 =	simm.s32 $0xA800;
	v4 =	vadd.s32 $0x1388, v5;
	v5 =	vadd.s32 $0x1388, v6;
	v6 =	vadd.s32 $0x1388, v9  }
0x17: {  	s26 =	simm.s32 $0x1380;
	s12 =	sadd.s32 $0x3D600, s1;
	s15 =	sadd.s32 $0x2800, s11;
	v9 =	vimm.f32 $0.0e+00;
	v7 =	vsub.s32 v8, v7;
	v8 =	vsub.s32 v10, v11  }
0x18: {  	s16 =	sadd.s32 $0x5000, s11;
	s17 =	sadd.s32 $0x7800, s11;
	s24 =	simm.s32 $0x1;
	v7 =	vadd.s32 $0x1388, v7;
	v10 =	vimm.f32 $1.000000000e+00;
	v8 =	vadd.s32 $0x1388, v8  }
.LBB2_1:
0x19: {  	s0 =	simm.s32 $0x0;
	s4 =	simm.s32 $0x200  }
.LBB2_2:
0x1a: {  	p0 =	sne.s32 s4, $0xFE00;
	[tilespmem:s0+$0x2870] =	vst v9  }
0x1b: {  	[tilespmem:s0+$0x2800] =	vst v9  }
0x1c: {  	[tilespmem:s0+$0x2810] =	vst v9  }
.Ltmp0:
0x1d: {  	[tilespmem:s0+$0x2820] =	vst v9;
	(pc) =	sbr.rel @p0 .LBB2_2-.Ltmp0, $4  }
0x1e: {  	[tilespmem:s0+$0x2830] =	vst v9  }
0x1f: {  	[tilespmem:s0+$0x2840] =	vst v9  }
0x20: {  	[tilespmem:s0+$0x2850] =	vst v9  }
0x21: {  	[tilespmem:s0+$0x2860] =	vst v9;
	s0 =	sshra.s32 s4, $0x2;
	s4 =	sadd.s32 $0x200, s4  }
0x22: {  	[tilespmem:s0+$0x2870] =	vst v9  }
0x23: {  	[tilespmem:s0+$0x2800] =	vst v9  }
0x24: {  	[tilespmem:s0+$0x2810] =	vst v9  }
0x25: {  	[tilespmem:s0+$0x2820] =	vst v9  }
0x26: {  	[tilespmem:s0+$0x2830] =	vst v9  }
0x27: {  	[tilespmem:s0+$0x2840] =	vst v9  }
0x28: {  	[tilespmem:s0+$0x2850] =	vst v9  }
0x29: {  	[tilespmem:s0+$0x2860] =	vst v9  }
0x2a: {  	[tilespmem:$0xA980] =	vst v9  }
0x2b: {  	[tilespmem:$0xA800] =	vst v10  }
0x2c: {  	[tilespmem:$0xA990] =	vst v9  }
0x2d: {  	[tilespmem:$0xA810] =	vst v10  }
0x2e: {  	[tilespmem:$0xA9A0] =	vst v9  }
0x2f: {  	[tilespmem:$0xA820] =	vst v10  }
0x30: {  	[tilespmem:$0xA9B0] =	vst v9  }
0x31: {  	[tilespmem:$0xA830] =	vst v10  }
0x32: {  	[tilespmem:$0xA9C0] =	vst v9  }
0x33: {  	[tilespmem:$0xA840] =	vst v10  }
0x34: {  	[tilespmem:$0xA9D0] =	vst v9  }
0x35: {  	[tilespmem:$0xA850] =	vst v10  }
0x36: {  	[tilespmem:$0xA9E0] =	vst v9  }
0x37: {  	[tilespmem:$0xA860] =	vst v10  }
0x38: {  	[tilespmem:$0xA9F0] =	vst v9  }
0x39: {  	[tilespmem:$0xA870] =	vst v10  }
0x3a: {  	[tilespmem:$0xAA00] =	vst v9  }
0x3b: {  	[tilespmem:$0xA880] =	vst v10  }
0x3c: {  	[tilespmem:$0xAA10] =	vst v9  }
0x3d: {  	[tilespmem:$0xA890] =	vst v10  }
0x3e: {  	[tilespmem:$0xAA20] =	vst v9  }
0x3f: {  	[tilespmem:$0xA8A0] =	vst v10  }
0x40: {  	[tilespmem:$0xAA30] =	vst v9  }
0x41: {  	[tilespmem:$0xA8B0] =	vst v10  }
0x42: {  	[tilespmem:$0xAA40] =	vst v9  }
0x43: {  	[tilespmem:$0xA8C0] =	vst v10  }
0x44: {  	[tilespmem:$0xAA50] =	vst v9  }
0x45: {  	[tilespmem:$0xA8D0] =	vst v10  }
0x46: {  	[tilespmem:$0xAA60] =	vst v9  }
0x47: {  	[tilespmem:$0xA8E0] =	vst v10  }
0x48: {  	[tilespmem:$0xAA70] =	vst v9  }
0x49: {  	[tilespmem:$0xA8F0] =	vst v10  }
0x4a: {  	[tilespmem:$0xAA80] =	vst v9  }
0x4b: {  	[tilespmem:$0xA900] =	vst v10  }
0x4c: {  	[tilespmem:$0xAA90] =	vst v9  }
0x4d: {  	[tilespmem:$0xA910] =	vst v10  }
0x4e: {  	[tilespmem:$0xAAA0] =	vst v9  }
0x4f: {  	[tilespmem:$0xA920] =	vst v10  }
0x50: {  	[tilespmem:$0xAAB0] =	vst v9  }
0x51: {  	[tilespmem:$0xA930] =	vst v10  }
0x52: {  	[spmem:s11] =	stream.linear.scatter [tilespmem:s18], [sflag:$0x3], $0x2800, $0x38;
	[tilespmem:$0x14C40] =	vst v63  }
0x53: {  	_ =	swait.ge [sflag:s19], $0x2800  }
0x54: {  	[sflag:s19] =	ssyncset.done $0x0  }
0x55: {  	[sflag:s19] =	ssyncadd.s32 $0xFFFFD800  }
0x56: {  	[spmem:s15] =	stream.linear.scatter [tilespmem:s18], [sflag:$0x3], $0x2800, $0x38;
	[tilespmem:$0x14C40] =	vst v63  }
0x57: {  	_ =	swait.ge [sflag:s19], $0x2800  }
0x58: {  	[sflag:s19] =	ssyncset.done $0x0  }
0x59: {  	[sflag:s19] =	ssyncadd.s32 $0xFFFFD800  }
0x5a: {  	[spmem:s16] =	stream.linear.scatter [tilespmem:s18], [sflag:$0x3], $0x2800, $0x38;
	[tilespmem:$0x14C40] =	vst v63  }
0x5b: {  	_ =	swait.ge [sflag:s19], $0x2800  }
0x5c: {  	[sflag:s19] =	ssyncset.done $0x0  }
0x5d: {  	[sflag:s19] =	ssyncadd.s32 $0xFFFFD800  }
0x5e: {  	[spmem:s17] =	stream.linear.scatter [tilespmem:s18], [sflag:$0x3], $0x2800, $0x38;
	[tilespmem:$0x14C40] =	vst v63  }
0x5f: {  	_ =	swait.ge [sflag:s19], $0x2800  }
0x60: {  	[sflag:s19] =	ssyncset.done $0x0  }
0x61: {  	[sflag:s19] =	ssyncadd.s32 $0xFFFFD800  }
0x62: {  	[spmem:s6] =	stream.linear.scatter [tilespmem:s20], [sflag:$0x3], $0x140, $0x38;
	[tilespmem:$0x14C40] =	vst v63  }
0x63: {  	_ =	swait.ge [sflag:s19], $0x140  }
0x64: {  	[sflag:s19] =	ssyncset.done $0x0  }
0x65: {  	[sflag:s19] =	ssyncadd.s32 $0xFFFFFEC0  }
0x66: {  	[bflag:$0x0] =	sbarrier.arrive $0xFFFF  }
0x67: {  	s7 =	simm.s32 $0x0;
	s1 =	rddreg [dreg:$0x5]  }
0x68: {  	[tilespmem:s7], [sflag:$0x3] =	stream.linear.gather [hbm4b:s1+s7], $0x1400, $0x38;
	[tilespmem:$0x14C40] =	vst v63  }
0x69: {  	_ =	swait.ge [sflag:s19], $0x1400  }
0x6a: {  	[sflag:s19] =	ssyncset.done $0x0  }
0x6b: {  	s8 =	rddreg [dreg:$0x6];
	[sflag:s19] =	ssyncadd.s32 $0xFFFFEC00  }
0x6c: {  	[tilespmem:s21], [sflag:$0x3] =	stream.linear.gather [hbm4b:s8+s7], $0x1400, $0x38;
	[tilespmem:$0x14C40] =	vst v63  }
0x6d: {  	_ =	swait.ge [sflag:s19], $0x1400  }
0x6e: {  	[sflag:s19] =	ssyncset.done $0x0  }
0x6f: {  	s0 =	simm.s32 $0x0;
	[sflag:s19] =	ssyncadd.s32 $0xFFFFEC00  }
0x70: {  	v11 =	vld [tilespmem:s0+$0x1400]  }
0x71: {  	v16 =	vld [tilespmem:s0+$0x1410]  }
0x72: {  	v15 =	vld [tilespmem:s0+$0x1420]  }
0x73: {  	v14 =	vld [tilespmem:s0+$0x1430]  }
0x74: {  	v13 =	vld [tilespmem:s0+$0x1440]  }
0x75: {  	v12 =	vld [tilespmem:s0+$0x1450];
	v17 =	vsub.s32 v11, v0  }
0x76: {  	s4 =	simm.s32 $0x200;
	v16 =	vsub.s32 v16, v0;
	v11 =	vld [tilespmem:s0+$0x1460];
	vm0 =	vlt.u32 v17, $0x1388  }
.LBB2_4:
0x77: {  	p0 =	sne.s32 s4, $0x4E00;
	v17 =	vsel vm0, v17, v1;
	vm0 =	vlt.u32 v16, $0x1388;
	v15 =	vsub.s32 v15, v0;
	v18 =	vld [tilespmem:s0+$0x1470]  }
0x78: {  	s1 =	sshra.s32 s4, $0x2;
	[tilespmem:s0+$0x1400] =	vst v17;
	v16 =	vsel vm0, v16, v2;
	vm0 =	vlt.u32 v15, $0x1388;
	v14 =	vsub.s32 v14, v0  }
0x79: {  	v17 =	vld [tilespmem:s1+$0x1400];
	[tilespmem:s0+$0x1410] =	vst v16;
	v15 =	vsel vm0, v15, v3;
	vm0 =	vlt.u32 v14, $0x1388;
	v13 =	vsub.s32 v13, v0  }
0x7a: {  	v16 =	vld [tilespmem:s1+$0x1410];
	[tilespmem:s0+$0x1420] =	vst v15;
	v14 =	vsel vm0, v14, v4;
	vm0 =	vlt.u32 v13, $0x1388;
	v12 =	vsub.s32 v12, v0  }
.Ltmp1:
0x7b: {  	v15 =	vld [tilespmem:s1+$0x1420];
	[tilespmem:s0+$0x1430] =	vst v14;
	v13 =	vsel vm0, v13, v5;
	vm0 =	vlt.u32 v12, $0x1388;
	v11 =	vsub.s32 v11, v0;
	(pc) =	sbr.rel @p0 .LBB2_4-.Ltmp1, $4  }
0x7c: {  	v14 =	vld [tilespmem:s1+$0x1430];
	[tilespmem:s0+$0x1440] =	vst v13;
	v12 =	vsel vm0, v12, v6;
	vm0 =	vlt.u32 v11, $0x1388;
	v18 =	vsub.s32 v18, v0  }
0x7d: {  	v13 =	vld [tilespmem:s1+$0x1440];
	[tilespmem:s0+$0x1450] =	vst v12;
	v11 =	vsel vm0, v11, v7;
	vm0 =	vlt.u32 v18, $0x1388  }
0x7e: {  	v17 =	vsub.s32 v17, v0;
	v12 =	vld [tilespmem:s1+$0x1450];
	[tilespmem:s0+$0x1460] =	vst v11;
	v18 =	vsel vm0, v18, v8  }
0x7f: {  	s4 =	sadd.s32 $0x200, s4;
	vm0 =	vlt.u32 v17, $0x1388;
	v16 =	vsub.s32 v16, v0;
	v11 =	vld [tilespmem:s1+$0x1460];
	[tilespmem:s0+$0x1470] =	vst v18;
	s0 =	smov.u32 s1  }
0x80: {  	v17 =	vsel vm0, v17, v1;
	vm9 =	vlt.u32 v16, $0x1388;
	v15 =	vsub.s32 v15, v0;
	v18 =	vld [tilespmem:s0+$0x1470]  }
0x81: {  	[tilespmem:s0+$0x1400] =	vst v17;
	v16 =	vsel vm9, v16, v2;
	vm10 =	vlt.u32 v15, $0x1388;
	v14 =	vsub.s32 v14, v0  }
0x82: {  	[tilespmem:s0+$0x1410] =	vst v16;
	v15 =	vsel vm10, v15, v3;
	vm11 =	vlt.u32 v14, $0x1388;
	v13 =	vsub.s32 v13, v0  }
0x83: {  	[tilespmem:s0+$0x1420] =	vst v15;
	v14 =	vsel vm11, v14, v4;
	vm12 =	vlt.u32 v13, $0x1388;
	v12 =	vsub.s32 v12, v0  }
0x84: {  	[tilespmem:s0+$0x1430] =	vst v14;
	v13 =	vsel vm12, v13, v5;
	vm13 =	vlt.u32 v12, $0x1388;
	v11 =	vsub.s32 v11, v0  }
0x85: {  	[tilespmem:s0+$0x1440] =	vst v13;
	v12 =	vsel vm13, v12, v6;
	vm14 =	vlt.u32 v11, $0x1388;
	v63 =	vsub.s32 v18, v0  }
0x86: {  	[tilespmem:s0+$0x1450] =	vst v12;
	v11 =	vsel vm14, v11, v7;
	vm15 =	vlt.u32 v63, $0x1388  }
0x87: {  	[tilespmem:s0+$0x1460] =	vst v11;
	v11 =	vsel vm15, v63, v8  }
0x88: {  	s1 =	simm.s32 $0x0;
	[tilespmem:s0+$0x1470] =	vst v11  }
0x89: {  	[tilespmem:s18], [sflag:$0x1] =	stream.indirect.gather [hbm4b:s5+s22], $0x80, s1, s22, $0xb8;
	[tilespmem:$0x14C40] =	vst v63  }
0x8a: {  	s4 =	simm.s32 $0x80  }
0x8b: {  	[tilespmem:s23], [sflag:$0x1] =	stream.indirect.gather [hbm4b:s5+s22], $0x80, s4, s22, $0xb8;
	[tilespmem:$0x14C40] =	vst v63  }
0x8c: {  	_ =	swait.ge [sflag:s24], $0x4000  }
0x8d: {  	[sflag:s24] =	ssyncset.done $0x0  }
0x8e: {  	s7 =	simm.s32 $0x1400;
	[sflag:s24] =	ssyncadd.s32 $0xFFFFC000  }
0x8f: {  	[spmem:s2] =	stream.indirect.scatter.add.f32 [tilespmem:s18], [sflag:$0x3], $0x80, s7, s22, $0xb8;
	[tilespmem:$0x14C40] =	vst v63  }
0x90: {  	_ =	swait.ge [sflag:s19], $0x4000  }
0x91: {  	[sflag:s19] =	ssyncset.done $0x0  }
0x92: {  	[sflag:s19] =	ssyncadd.s32 $0xFFFFC000  }
0x93: {  	[spmem:s3] =	stream.indirect.scatter.add.f32 [tilespmem:s25], [sflag:$0x2], $0x1, s7, s22, $0xb8;
	[tilespmem:$0x14C40] =	vst v63  }
0x94: {  	s8 =	simm.s32 $0x100  }
0x95: {  	[tilespmem:s18], [sflag:$0x1] =	stream.indirect.gather [hbm4b:s5+s22], $0x80, s8, s22, $0xb8;
	[tilespmem:$0x14C40] =	vst v63  }
0x96: {  	_ =	swait.ge [sflag:s24], $0x4000  }
0x97: {  	[sflag:s24] =	ssyncset.done $0x0  }
0x98: {  	s4 =	simm.s32 $0x1480;
	[sflag:s24] =	ssyncadd.s32 $0xFFFFC000  }
0x99: {  	[spmem:s2] =	stream.indirect.scatter.add.f32 [tilespmem:s23], [sflag:$0x3], $0x80, s4, s22, $0xb8;
	[tilespmem:$0x14C40] =	vst v63  }
0x9a: {  	_ =	swait.ge [sflag:s19], $0x4000  }
0x9b: {  	[sflag:s19] =	ssyncset.done $0x0  }
0x9c: {  	s0 =	simm.s32 $0x100;
	s1 =	simm.s32 $0x800;
	[sflag:s19] =	ssyncadd.s32 $0xFFFFC000  }
.LBB2_6:
0x9d: {  	[spmem:s3] =	stream.indirect.scatter.add.f32 [tilespmem:s25], [sflag:$0x2], $0x1, s4, s22, $0xb8;
	[tilespmem:$0x14C40] =	vst v63  }
0x9e: {  	s4 =	smov.u32 s1  }
0x9f: {  	s8 =	sadd.s32 $0x400, s1;
	s7 =	sshra.s32 s4, $0x2;
	s4 =	sadd.s32 $0x80, s0  }
0xa0: {  	[tilespmem:s23], [sflag:$0x1] =	stream.indirect.gather [hbm4b:s5+s22], $0x80, s4, s22, $0xb8;
	[tilespmem:$0x14C40] =	vst v63  }
0xa1: {  	p0 =	sne.s32 s1, $0x4800;
	_ =	swait.ge [sflag:s24], $0x4000  }
0xa2: {  	[sflag:s24] =	ssyncset.done $0x0  }
0xa3: {  	s1 =	sadd.s32 $0x1400, s0;
	[sflag:s24] =	ssyncadd.s32 $0xFFFFC000  }
0xa4: {  	[spmem:s2] =	stream.indirect.scatter.add.f32 [tilespmem:s18], [sflag:$0x3], $0x80, s1, s22, $0xb8;
	[tilespmem:$0x14C40] =	vst v63  }
0xa5: {  	_ =	swait.ge [sflag:s19], $0x4000  }
0xa6: {  	[sflag:s19] =	ssyncset.done $0x0  }
0xa7: {  	[sflag:s19] =	ssyncadd.s32 $0xFFFFC000  }
0xa8: {  	[spmem:s3] =	stream.indirect.scatter.add.f32 [tilespmem:s25], [sflag:$0x2], $0x1, s1, s22, $0xb8;
	[tilespmem:$0x14C40] =	vst v63  }
0xa9: {  	s1 =	sadd.s32 $0x100, s0  }
0xaa: {  	[tilespmem:s18], [sflag:$0x1] =	stream.indirect.gather [hbm4b:s5+s22], $0x80, s1, s22, $0xb8;
	[tilespmem:$0x14C40] =	vst v63  }
0xab: {  	_ =	swait.ge [sflag:s24], $0x4000  }
0xac: {  	[sflag:s24] =	ssyncset.done $0x0  }
.Ltmp2:
0xad: {  	s4 =	sadd.s32 $0x1480, s0;
	[sflag:s24] =	ssyncadd.s32 $0xFFFFC000;
	(pc) =	sbr.rel @p0 .LBB2_6-.Ltmp2, $4  }
0xae: {  	[spmem:s2] =	stream.indirect.scatter.add.f32 [tilespmem:s23], [sflag:$0x3], $0x80, s4, s22, $0xb8;
	[tilespmem:$0x14C40] =	vst v63  }
0xaf: {  	s0 =	smov.u32 s7;
	_ =	swait.ge [sflag:s19], $0x4000  }
0xb0: {  	[sflag:s19] =	ssyncset.done $0x0  }
0xb1: {  	s1 =	smov.u32 s8;
	[sflag:s19] =	ssyncadd.s32 $0xFFFFC000  }
0xb2: {  	[spmem:s3] =	stream.indirect.scatter.add.f32 [tilespmem:s25], [sflag:$0x2], $0x1, s4, s22, $0xb8;
	[tilespmem:$0x14C40] =	vst v63  }
0xb3: {  	s1 =	sadd.s32 $0x80, s0  }
0xb4: {  	[tilespmem:s23], [sflag:$0x1] =	stream.indirect.gather [hbm4b:s5+s22], $0x80, s1, s22, $0xb8;
	[tilespmem:$0x14C40] =	vst v63  }
0xb5: {  	_ =	swait.ge [sflag:s24], $0x4000  }
0xb6: {  	[sflag:s24] =	ssyncset.done $0x0  }
0xb7: {  	s4 =	sadd.s32 $0x1400, s0;
	[sflag:s24] =	ssyncadd.s32 $0xFFFFC000  }
0xb8: {  	[spmem:s2] =	stream.indirect.scatter.add.f32 [tilespmem:s18], [sflag:$0x3], $0x80, s4, s22, $0xb8;
	[tilespmem:$0x14C40] =	vst v63  }
0xb9: {  	_ =	swait.ge [sflag:s19], $0x4000  }
0xba: {  	[sflag:s19] =	ssyncset.done $0x0  }
0xbb: {  	[sflag:s19] =	ssyncadd.s32 $0xFFFFC000  }
0xbc: {  	[spmem:s3] =	stream.indirect.scatter.add.f32 [tilespmem:s25], [sflag:$0x2], $0x1, s4, s22, $0xb8;
	[tilespmem:$0x14C40] =	vst v63  }
0xbd: {  	s7 =	sadd.s32 $0x100, s0  }
0xbe: {  	[tilespmem:s18], [sflag:$0x1] =	stream.indirect.gather [hbm4b:s5+s22], $0x80, s7, s22, $0xb8;
	[tilespmem:$0x14C40] =	vst v63  }
0xbf: {  	_ =	swait.ge [sflag:s24], $0x4000  }
0xc0: {  	[sflag:s24] =	ssyncset.done $0x0  }
0xc1: {  	s8 =	sadd.s32 $0x1480, s0;
	[sflag:s24] =	ssyncadd.s32 $0xFFFFC000  }
0xc2: {  	[spmem:s2] =	stream.indirect.scatter.add.f32 [tilespmem:s23], [sflag:$0x3], $0x80, s8, s22, $0xb8;
	[tilespmem:$0x14C40] =	vst v63  }
0xc3: {  	_ =	swait.ge [sflag:s19], $0x4000  }
0xc4: {  	[sflag:s19] =	ssyncset.done $0x0  }
0xc5: {  	[sflag:s19] =	ssyncadd.s32 $0xFFFFC000  }
0xc6: {  	[spmem:s3] =	stream.indirect.scatter.add.f32 [tilespmem:s25], [sflag:$0x2], $0x1, s8, s22, $0xb8;
	[tilespmem:$0x14C40] =	vst v63  }
0xc7: {  	_ = 	snop  }
0xc8: {  	[tilespmem:s23], [sflag:$0x1] =	stream.indirect.gather [hbm4b:s5+s22], $0x80, s26, s22, $0xb8;
	[tilespmem:$0x14C40] =	vst v63  }
0xc9: {  	_ =	swait.ge [sflag:s24], $0x4000  }
0xca: {  	[sflag:s24] =	ssyncset.done $0x0  }
0xcb: {  	[sflag:s24] =	ssyncadd.s32 $0xFFFFC000  }
0xcc: {  	[spmem:s2] =	stream.indirect.scatter.add.f32 [tilespmem:s18], [sflag:$0x3], $0x80, s28, s22, $0xb8;
	[tilespmem:$0x14C40] =	vst v63  }
0xcd: {  	_ =	swait.ge [sflag:s19], $0x4000  }
0xce: {  	[sflag:s19] =	ssyncset.done $0x0  }
0xcf: {  	[sflag:s19] =	ssyncadd.s32 $0xFFFFC000  }
0xd0: {  	[spmem:s3] =	stream.indirect.scatter.add.f32 [tilespmem:s25], [sflag:$0x2], $0x1, s28, s22, $0xb8;
	[tilespmem:$0x14C40] =	vst v63  }
0xd1: {  	_ = 	snop  }
0xd2: {  	[tilespmem:s18], [sflag:$0x1] =	stream.indirect.gather [hbm4b:s5+s22], $0x80, s26, s22, $0xb8;
	[tilespmem:$0x14C40] =	vst v63  }
0xd3: {  	_ =	swait.ge [sflag:s24], $0x4000  }
0xd4: {  	[sflag:s24] =	ssyncset.done $0x0  }
0xd5: {  	[sflag:s24] =	ssyncadd.s32 $0xFFFFC000  }
0xd6: {  	[spmem:s2] =	stream.indirect.scatter.add.f32 [tilespmem:s23], [sflag:$0x3], $0x80, s29, s22, $0xb8;
	[tilespmem:$0x14C40] =	vst v63  }
0xd7: {  	_ =	swait.ge [sflag:s19], $0x4000  }
0xd8: {  	[sflag:s19] =	ssyncset.done $0x0  }
0xd9: {  	[sflag:s19] =	ssyncadd.s32 $0xFFFFC000  }
0xda: {  	[spmem:s3] =	stream.indirect.scatter.add.f32 [tilespmem:s25], [sflag:$0x2], $0x1, s29, s22, $0xb8;
	[tilespmem:$0x14C40] =	vst v63  }
0xdb: {  	_ =	swait.ge [sflag:s24], $0x4000  }
0xdc: {  	[sflag:s24] =	ssyncset.done $0x0  }
0xdd: {  	[sflag:s24] =	ssyncadd.s32 $0xFFFFC000  }
0xde: {  	_ =	swait.ge [sflag:s30], $0x80  }
0xdf: {  	s0 =	simm.s32 $0x27;
	[sflag:s30] =	ssyncset.done $0x0  }
.LBB2_8:
0xe0: {  	p0 =	sne.s32 s0, $0x1;
	s0 =	sadd.s32 $0xFFFFFFFF, s0;
	[sflag:s30] =	ssyncadd.s32 $0xFFFFFF80  }
.Ltmp3:
0xe1: {  	(pc) =	sbr.rel @p0 .LBB2_8-.Ltmp3, $3  }
0xe2: {  	_ =	sdelay $0x1  }
0xe3: {  	_ =	swait.ge [sflag:s30], $0x80  }
0xe4: {  	[sflag:s30] =	ssyncset.done $0x0  }
0xe5: {  	[sflag:s30] =	ssyncadd.s32 $0xFFFFFF80;
	s0 =	simm.s32 $0x0  }
0xe6: {  	[tilespmem:s0], [sflag:$0x3] =	stream.linear.gather [hbm4b:s9+s0], $0x1400, $0x38;
	[tilespmem:$0x14C40] =	vst v63  }
0xe7: {  	_ =	swait.ge [sflag:s19], $0x1400  }
0xe8: {  	[sflag:s19] =	ssyncset.done $0x0  }
0xe9: {  	[sflag:s19] =	ssyncadd.s32 $0xFFFFEC00  }
0xea: {  	[tilespmem:s21], [sflag:$0x3] =	stream.linear.gather [hbm4b:s10+s0], $0x1400, $0x38;
	[tilespmem:$0x14C40] =	vst v63  }
0xeb: {  	_ =	swait.ge [sflag:s19], $0x1400  }
0xec: {  	[sflag:s19] =	ssyncset.done $0x0  }
0xed: {  	s0 =	simm.s32 $0x0;
	[sflag:s19] =	ssyncadd.s32 $0xFFFFEC00  }
0xee: {  	v11 =	vld [tilespmem:s0+$0x1400]  }
0xef: {  	v16 =	vld [tilespmem:s0+$0x1410]  }
0xf0: {  	v15 =	vld [tilespmem:s0+$0x1420]  }
0xf1: {  	v14 =	vld [tilespmem:s0+$0x1430]  }
0xf2: {  	v13 =	vld [tilespmem:s0+$0x1440]  }
0xf3: {  	v12 =	vld [tilespmem:s0+$0x1450];
	v17 =	vsub.s32 v11, v0  }
0xf4: {  	s4 =	simm.s32 $0x200;
	v16 =	vsub.s32 v16, v0;
	v11 =	vld [tilespmem:s0+$0x1460];
	vm0 =	vlt.u32 v17, $0x1388  }
.LBB2_10:
0xf5: {  	p0 =	sne.s32 s4, $0x4E00;
	v17 =	vsel vm0, v17, v1;
	vm0 =	vlt.u32 v16, $0x1388;
	v15 =	vsub.s32 v15, v0;
	v18 =	vld [tilespmem:s0+$0x1470]  }
0xf6: {  	s1 =	sshra.s32 s4, $0x2;
	[tilespmem:s0+$0x1400] =	vst v17;
	v16 =	vsel vm0, v16, v2;
	vm0 =	vlt.u32 v15, $0x1388;
	v14 =	vsub.s32 v14, v0  }
0xf7: {  	v17 =	vld [tilespmem:s1+$0x1400];
	[tilespmem:s0+$0x1410] =	vst v16;
	v15 =	vsel vm0, v15, v3;
	vm0 =	vlt.u32 v14, $0x1388;
	v13 =	vsub.s32 v13, v0  }
0xf8: {  	v16 =	vld [tilespmem:s1+$0x1410];
	[tilespmem:s0+$0x1420] =	vst v15;
	v14 =	vsel vm0, v14, v4;
	vm0 =	vlt.u32 v13, $0x1388;
	v12 =	vsub.s32 v12, v0  }
.Ltmp4:
0xf9: {  	v15 =	vld [tilespmem:s1+$0x1420];
	[tilespmem:s0+$0x1430] =	vst v14;
	v13 =	vsel vm0, v13, v5;
	vm0 =	vlt.u32 v12, $0x1388;
	v11 =	vsub.s32 v11, v0;
	(pc) =	sbr.rel @p0 .LBB2_10-.Ltmp4, $4  }
0xfa: {  	v14 =	vld [tilespmem:s1+$0x1430];
	[tilespmem:s0+$0x1440] =	vst v13;
	v12 =	vsel vm0, v12, v6;
	vm0 =	vlt.u32 v11, $0x1388;
	v18 =	vsub.s32 v18, v0  }
0xfb: {  	v13 =	vld [tilespmem:s1+$0x1440];
	[tilespmem:s0+$0x1450] =	vst v12;
	v11 =	vsel vm0, v11, v7;
	vm0 =	vlt.u32 v18, $0x1388  }
0xfc: {  	v17 =	vsub.s32 v17, v0;
	v12 =	vld [tilespmem:s1+$0x1450];
	[tilespmem:s0+$0x1460] =	vst v11;
	v18 =	vsel vm0, v18, v8  }
0xfd: {  	s4 =	sadd.s32 $0x200, s4;
	vm0 =	vlt.u32 v17, $0x1388;
	v16 =	vsub.s32 v16, v0;
	v11 =	vld [tilespmem:s1+$0x1460];
	[tilespmem:s0+$0x1470] =	vst v18;
	s0 =	smov.u32 s1  }
0xfe: {  	v17 =	vsel vm0, v17, v1;
	vm9 =	vlt.u32 v16, $0x1388;
	v15 =	vsub.s32 v15, v0;
	v18 =	vld [tilespmem:s0+$0x1470]  }
0xff: {  	[tilespmem:s0+$0x1400] =	vst v17;
	v16 =	vsel vm9, v16, v2;
	vm10 =	vlt.u32 v15, $0x1388;
	v14 =	vsub.s32 v14, v0  }
0x100: {  	[tilespmem:s0+$0x1410] =	vst v16;
	v15 =	vsel vm10, v15, v3;
	vm11 =	vlt.u32 v14, $0x1388;
	v13 =	vsub.s32 v13, v0  }
0x101: {  	[tilespmem:s0+$0x1420] =	vst v15;
	v14 =	vsel vm11, v14, v4;
	vm12 =	vlt.u32 v13, $0x1388;
	v12 =	vsub.s32 v12, v0  }
0x102: {  	[tilespmem:s0+$0x1430] =	vst v14;
	v13 =	vsel vm12, v13, v5;
	vm13 =	vlt.u32 v12, $0x1388;
	v11 =	vsub.s32 v11, v0  }
0x103: {  	[tilespmem:s0+$0x1440] =	vst v13;
	v12 =	vsel vm13, v12, v6;
	vm14 =	vlt.u32 v11, $0x1388;
	v63 =	vsub.s32 v18, v0  }
0x104: {  	[tilespmem:s0+$0x1450] =	vst v12;
	v11 =	vsel vm14, v11, v7;
	vm15 =	vlt.u32 v63, $0x1388  }
0x105: {  	[tilespmem:s0+$0x1460] =	vst v11;
	v11 =	vsel vm15, v63, v8  }
0x106: {  	s1 =	simm.s32 $0x0;
	[tilespmem:s0+$0x1470] =	vst v11  }
0x107: {  	[tilespmem:s18], [sflag:$0x1] =	stream.indirect.gather [hbm4b:s5+s22], $0x80, s1, s22, $0xb8;
	[tilespmem:$0x14C40] =	vst v63  }
0x108: {  	s4 =	simm.s32 $0x80  }
0x109: {  	[tilespmem:s23], [sflag:$0x1] =	stream.indirect.gather [hbm4b:s5+s22], $0x80, s4, s22, $0xb8;
	[tilespmem:$0x14C40] =	vst v63  }
0x10a: {  	_ =	swait.ge [sflag:s24], $0x4000  }
0x10b: {  	[sflag:s24] =	ssyncset.done $0x0  }
0x10c: {  	s7 =	simm.s32 $0x1400;
	[sflag:s24] =	ssyncadd.s32 $0xFFFFC000  }
0x10d: {  	[spmem:s2] =	stream.indirect.scatter.add.f32 [tilespmem:s18], [sflag:$0x3], $0x80, s7, s22, $0xb8;
	[tilespmem:$0x14C40] =	vst v63  }
0x10e: {  	_ =	swait.ge [sflag:s19], $0x4000  }
0x10f: {  	[sflag:s19] =	ssyncset.done $0x0  }
0x110: {  	[sflag:s19] =	ssyncadd.s32 $0xFFFFC000  }
0x111: {  	[spmem:s3] =	stream.indirect.scatter.add.f32 [tilespmem:s25], [sflag:$0x2], $0x1, s7, s22, $0xb8;
	[tilespmem:$0x14C40] =	vst v63  }
0x112: {  	s8 =	simm.s32 $0x100  }
0x113: {  	[tilespmem:s18], [sflag:$0x1] =	stream.indirect.gather [hbm4b:s5+s22], $0x80, s8, s22, $0xb8;
	[tilespmem:$0x14C40] =	vst v63  }
0x114: {  	_ =	swait.ge [sflag:s24], $0x4000  }
0x115: {  	[sflag:s24] =	ssyncset.done $0x0  }
0x116: {  	s4 =	simm.s32 $0x1480;
	[sflag:s24] =	ssyncadd.s32 $0xFFFFC000  }
0x117: {  	[spmem:s2] =	stream.indirect.scatter.add.f32 [tilespmem:s23], [sflag:$0x3], $0x80, s4, s22, $0xb8;
	[tilespmem:$0x14C40] =	vst v63  }
0x118: {  	_ =	swait.ge [sflag:s19], $0x4000  }
0x119: {  	[sflag:s19] =	ssyncset.done $0x0  }
0x11a: {  	s0 =	simm.s32 $0x100;
	s1 =	simm.s32 $0x800;
	[sflag:s19] =	ssyncadd.s32 $0xFFFFC000  }
.LBB2_12:
0x11b: {  	[spmem:s3] =	stream.indirect.scatter.add.f32 [tilespmem:s25], [sflag:$0x2], $0x1, s4, s22, $0xb8;
	[tilespmem:$0x14C40] =	vst v63  }
0x11c: {  	s4 =	smov.u32 s1  }
0x11d: {  	s8 =	sadd.s32 $0x400, s1;
	s7 =	sshra.s32 s4, $0x2;
	s4 =	sadd.s32 $0x80, s0  }
0x11e: {  	[tilespmem:s23], [sflag:$0x1] =	stream.indirect.gather [hbm4b:s5+s22], $0x80, s4, s22, $0xb8;
	[tilespmem:$0x14C40] =	vst v63  }
0x11f: {  	p0 =	sne.s32 s1, $0x4800;
	_ =	swait.ge [sflag:s24], $0x4000  }
0x120: {  	[sflag:s24] =	ssyncset.done $0x0  }
0x121: {  	s1 =	sadd.s32 $0x1400, s0;
	[sflag:s24] =	ssyncadd.s32 $0xFFFFC000  }
0x122: {  	[spmem:s2] =	stream.indirect.scatter.add.f32 [tilespmem:s18], [sflag:$0x3], $0x80, s1, s22, $0xb8;
	[tilespmem:$0x14C40] =	vst v63  }
0x123: {  	_ =	swait.ge [sflag:s19], $0x4000  }
0x124: {  	[sflag:s19] =	ssyncset.done $0x0  }
0x125: {  	[sflag:s19] =	ssyncadd.s32 $0xFFFFC000  }
0x126: {  	[spmem:s3] =	stream.indirect.scatter.add.f32 [tilespmem:s25], [sflag:$0x2], $0x1, s1, s22, $0xb8;
	[tilespmem:$0x14C40] =	vst v63  }
0x127: {  	s1 =	sadd.s32 $0x100, s0  }
0x128: {  	[tilespmem:s18], [sflag:$0x1] =	stream.indirect.gather [hbm4b:s5+s22], $0x80, s1, s22, $0xb8;
	[tilespmem:$0x14C40] =	vst v63  }
0x129: {  	_ =	swait.ge [sflag:s24], $0x4000  }
0x12a: {  	[sflag:s24] =	ssyncset.done $0x0  }
.Ltmp5:
0x12b: {  	s4 =	sadd.s32 $0x1480, s0;
	[sflag:s24] =	ssyncadd.s32 $0xFFFFC000;
	(pc) =	sbr.rel @p0 .LBB2_12-.Ltmp5, $4  }
0x12c: {  	[spmem:s2] =	stream.indirect.scatter.add.f32 [tilespmem:s23], [sflag:$0x3], $0x80, s4, s22, $0xb8;
	[tilespmem:$0x14C40] =	vst v63  }
0x12d: {  	s0 =	smov.u32 s7;
	_ =	swait.ge [sflag:s19], $0x4000  }
0x12e: {  	[sflag:s19] =	ssyncset.done $0x0  }
0x12f: {  	s1 =	smov.u32 s8;
	[sflag:s19] =	ssyncadd.s32 $0xFFFFC000  }
0x130: {  	[spmem:s3] =	stream.indirect.scatter.add.f32 [tilespmem:s25], [sflag:$0x2], $0x1, s4, s22, $0xb8;
	[tilespmem:$0x14C40] =	vst v63  }
0x131: {  	s1 =	sadd.s32 $0x80, s0  }
0x132: {  	[tilespmem:s23], [sflag:$0x1] =	stream.indirect.gather [hbm4b:s5+s22], $0x80, s1, s22, $0xb8;
	[tilespmem:$0x14C40] =	vst v63  }
0x133: {  	_ =	swait.ge [sflag:s24], $0x4000  }
0x134: {  	[sflag:s24] =	ssyncset.done $0x0  }
0x135: {  	s4 =	sadd.s32 $0x1400, s0;
	[sflag:s24] =	ssyncadd.s32 $0xFFFFC000  }
0x136: {  	[spmem:s2] =	stream.indirect.scatter.add.f32 [tilespmem:s18], [sflag:$0x3], $0x80, s4, s22, $0xb8;
	[tilespmem:$0x14C40] =	vst v63  }
0x137: {  	_ =	swait.ge [sflag:s19], $0x4000  }
0x138: {  	[sflag:s19] =	ssyncset.done $0x0  }
0x139: {  	[sflag:s19] =	ssyncadd.s32 $0xFFFFC000  }
0x13a: {  	[spmem:s3] =	stream.indirect.scatter.add.f32 [tilespmem:s25], [sflag:$0x2], $0x1, s4, s22, $0xb8;
	[tilespmem:$0x14C40] =	vst v63  }
0x13b: {  	s7 =	sadd.s32 $0x100, s0  }
0x13c: {  	[tilespmem:s18], [sflag:$0x1] =	stream.indirect.gather [hbm4b:s5+s22], $0x80, s7, s22, $0xb8;
	[tilespmem:$0x14C40] =	vst v63  }
0x13d: {  	_ =	swait.ge [sflag:s24], $0x4000  }
0x13e: {  	[sflag:s24] =	ssyncset.done $0x0  }
0x13f: {  	s8 =	sadd.s32 $0x1480, s0;
	[sflag:s24] =	ssyncadd.s32 $0xFFFFC000  }
0x140: {  	[spmem:s2] =	stream.indirect.scatter.add.f32 [tilespmem:s23], [sflag:$0x3], $0x80, s8, s22, $0xb8;
	[tilespmem:$0x14C40] =	vst v63  }
0x141: {  	_ =	swait.ge [sflag:s19], $0x4000  }
0x142: {  	[sflag:s19] =	ssyncset.done $0x0  }
0x143: {  	[sflag:s19] =	ssyncadd.s32 $0xFFFFC000  }
0x144: {  	[spmem:s3] =	stream.indirect.scatter.add.f32 [tilespmem:s25], [sflag:$0x2], $0x1, s8, s22, $0xb8;
	[tilespmem:$0x14C40] =	vst v63  }
0x145: {  	_ = 	snop  }
0x146: {  	[tilespmem:s23], [sflag:$0x1] =	stream.indirect.gather [hbm4b:s5+s22], $0x80, s26, s22, $0xb8;
	[tilespmem:$0x14C40] =	vst v63  }
0x147: {  	_ =	swait.ge [sflag:s24], $0x4000  }
0x148: {  	[sflag:s24] =	ssyncset.done $0x0  }
0x149: {  	[sflag:s24] =	ssyncadd.s32 $0xFFFFC000  }
0x14a: {  	[spmem:s2] =	stream.indirect.scatter.add.f32 [tilespmem:s18], [sflag:$0x3], $0x80, s28, s22, $0xb8;
	[tilespmem:$0x14C40] =	vst v63  }
0x14b: {  	_ =	swait.ge [sflag:s19], $0x4000  }
0x14c: {  	[sflag:s19] =	ssyncset.done $0x0  }
0x14d: {  	[sflag:s19] =	ssyncadd.s32 $0xFFFFC000  }
0x14e: {  	[spmem:s3] =	stream.indirect.scatter.add.f32 [tilespmem:s25], [sflag:$0x2], $0x1, s28, s22, $0xb8;
	[tilespmem:$0x14C40] =	vst v63  }
0x14f: {  	_ = 	snop  }
0x150: {  	[tilespmem:s18], [sflag:$0x1] =	stream.indirect.gather [hbm4b:s5+s22], $0x80, s26, s22, $0xb8;
	[tilespmem:$0x14C40] =	vst v63  }
0x151: {  	_ =	swait.ge [sflag:s24], $0x4000  }
0x152: {  	[sflag:s24] =	ssyncset.done $0x0  }
0x153: {  	[sflag:s24] =	ssyncadd.s32 $0xFFFFC000  }
0x154: {  	[spmem:s2] =	stream.indirect.scatter.add.f32 [tilespmem:s23], [sflag:$0x3], $0x80, s29, s22, $0xb8;
	[tilespmem:$0x14C40] =	vst v63  }
0x155: {  	_ =	swait.ge [sflag:s19], $0x4000  }
0x156: {  	[sflag:s19] =	ssyncset.done $0x0  }
0x157: {  	[sflag:s19] =	ssyncadd.s32 $0xFFFFC000  }
0x158: {  	[spmem:s3] =	stream.indirect.scatter.add.f32 [tilespmem:s25], [sflag:$0x2], $0x1, s29, s22, $0xb8;
	[tilespmem:$0x14C40] =	vst v63  }
0x159: {  	_ =	swait.ge [sflag:s24], $0x4000  }
0x15a: {  	[sflag:s24] =	ssyncset.done $0x0  }
0x15b: {  	[sflag:s24] =	ssyncadd.s32 $0xFFFFC000  }
0x15c: {  	_ =	swait.ge [sflag:s30], $0x80  }
0x15d: {  	s0 =	simm.s32 $0x27;
	[sflag:s30] =	ssyncset.done $0x0  }
.LBB2_14:
0x15e: {  	p0 =	sne.s32 s0, $0x1;
	s0 =	sadd.s32 $0xFFFFFFFF, s0;
	[sflag:s30] =	ssyncadd.s32 $0xFFFFFF80  }
.Ltmp6:
0x15f: {  	(pc) =	sbr.rel @p0 .LBB2_14-.Ltmp6, $3  }
0x160: {  	_ =	sdelay $0x1  }
0x161: {  	_ =	swait.ge [sflag:s30], $0x80  }
0x162: {  	[sflag:s30] =	ssyncset.done $0x0  }
0x163: {  	s0 =	stileid.u32  }
0x164: {  	[sflag:s30] =	ssyncadd.s32 $0xFFFFFF80;
	s0 =	sshll.u32 s0, $0x6  }
0x165: {  	s1 =	sshrl.u32 s11, $0x3;
	[bflag:$0x0] =	sbarrier.arrive $0xFFFF;
	s0 =	sor.u32 $0x1C03, s0  }
0x166: {  	[hbm:s12], [sflag:s0] =	dma.local [spmem:s1], $0x1400  }
0x167: {  	_ =	swait.ge [sflag:s19], $0x1400  }
0x168: {  	[sflag:s19] =	ssyncset.done $0x0  }
0x169: {  	[sflag:s19] =	ssyncadd.s32 $0xFFFFEC00  }
0x16a: {  	[tilespmem:s20], [sflag:$0x3] =	stream.linear.gather [spmem:s6], $0x140, $0x38;
	[tilespmem:$0x14C40] =	vst v63  }
0x16b: {  	s31 =	sadd.s32 $0x1, s31;
	_ =	swait.ge [sflag:s19], $0x140  }
0x16c: {  	p0 =	sne.s32 s31, s14;
	[sflag:s19] =	ssyncset.done $0x0  }
.Ltmp7:
0x16d: {  	s8 =	simm.s32 $0x0;
	[sflag:s19] =	ssyncadd.s32 $0xFFFFFEC0;
	(pc) =	sbr.rel @p0 .LBB2_1-.Ltmp7, $4  }
0x16e: {  	[hbm4b:s13+s8] =	stream.linear.scatter [tilespmem:s20], [sflag:$0x3], $0x140, $0x38;
	[tilespmem:$0x14C40] =	vst v63  }
0x16f: {  	_ =	swait.ge [sflag:s19], $0x140  }
0x170: {  	[sflag:s19] =	ssyncset.done $0x0  }
0x171: {  	[sflag:s19] =	ssyncadd.s32 $0xFFFFFEC0  }
0x172: {  	_ =	sfence.sel $0x180000  }
0x173: {  	[bflag:$0x0] =	sbarrier.arrive $0xFFFF  }
0x174: {  	_ =	strace $0x9000004A  }
0x175: {  	s0 =	stileid.u32;
	[bflag:$0x2] =	sbarrier.arrive $0xFFFF  }
0x176: {  	p0 =	sne.s32 s0, $0x0;
	s0 =	rddreg [dreg:$0x4]  }
0x177: {  	s0 =	sadd.s32 @!p0 $0x100000, s0  }
0x178: {  	[sflag:s0] =	ssyncadd.tile.s32 @!p0 $0x1;
	_ =	shalt  }
.Lfunc_end2:
_tile_overlayer_lowered:
.L_overlay_start_2:
0x179: {  	(tag) =	ssettag $0x2  }
0x17a: {  	s0 =	rddreg [dreg:$0x0];
	s2 =	stileid.u32  }
0x17b: {  	s1 =	rddreg [dreg:$0x1];
	p0 =	sne.s32 s2, $0x0  }
0x17c: {  	s3 =	rddreg [dreg:$0x2];
	[bflag:$0x3] =	sbarrier.arrive $0xFFFF;
	s2 =	simm.s32 @!p0 $0x1C03  }
0x17d: {  	[timem:s3], [sflag:s2] =	dma.local @!p0 [hbm:s0], s1  }
0x17e: {  	s0 =	simm.s32 @!p0 $0x3  }
0x17f: {  	_ =	swait.ge @!p0 [sflag:s0], s1  }
0x180: {  	s1 =	ssub.s32 @!p0 $0x0, s1;
	[sflag:s0] =	ssyncset.done @!p0 $0x0  }
0x181: {  	[sflag:s0] =	ssyncadd.s32 @!p0 s1  }
0x182: {  	[bflag:$0x3] =	sbarrier.arrive $0xFFFF  }
0x183: {  	_ =	shalt  }

</sc_bundles>
